<compile_context>
chip_gen: v7x
topology: tpu7x:2x2x1
jax: 0.10.2.dev20260603
libtpu: 0.0.44.dev20260713+nightly
codegen_flags: <defaults>
</compile_context>

<pallas_src>
import functools

import jax
import jax.numpy as jnp
from jax import lax
from jax.experimental import pallas as pl
from jax.experimental.pallas import tpu as pltpu
from jax.experimental.pallas import tpu_sc as plsc

NC = 2
NS = 16
K = 128


@functools.lru_cache(maxsize=None)
def _make_sc_scatter(npad: int, fc: int, n0: int, n1: int, gather: bool = True,
                     dtype=jnp.float32):
    rows_per_tile = npad // NS
    assert npad % NS == 0 and rows_per_tile % 8 == 0
    assert n0 % 8 == 0 and n1 % 8 == 0
    nmax = max(n0, n1)
    nseg = 2 if nmax > 64 else 1
    sv = (nmax + nseg - 1) // nseg
    sv = ((sv + 7) // 8) * 8
    mesh = plsc.VectorSubcoreMesh(core_axis_name="c", subcore_axis_name="s")

    @functools.partial(
        pl.kernel,
        mesh=mesh,
        out_type=jax.ShapeDtypeStruct((NC, npad, fc), dtype),
        scratch_types=[
            pltpu.VMEM((sv, K), jnp.int32),
            pltpu.VMEM((nmax, K), jnp.int32),
            pltpu.VMEM((K, fc), dtype),
            pltpu.VMEM((K, fc), dtype),
            pltpu.VMEM_SHARED((npad, fc), dtype),
            pltpu.SemaphoreType.DMA,
            pltpu.SemaphoreType.DMA,
        ],
    )
    def sc_scatter(table_hbm, src_hbm, dst_hbm, out_hbm,
                   src_v, dst_v, buf0, buf1, acc_sh, sem0, sem1):
        c = lax.axis_index("c")
        s = lax.axis_index("s")
        nc = lax.select(c == 0, n0, n1)

        def fill(buf, val):
            def fb(i, carry):
                r = i // (fc // 16)
                cc = (i % (fc // 16)) * 16
                buf[r, pl.ds(cc, 16)] = jnp.full((16,), val, dtype)
                return carry

            lax.fori_loop(0, K * (fc // 16), fb, 0)

        r0 = s * rows_per_tile
        fill(buf1, 0.0)
        nfull = rows_per_tile // K
        rem = rows_per_tile - nfull * K
        for bi in range(nfull):
            pltpu.sync_copy(buf1, acc_sh.at[pl.ds(r0 + bi * K, K)])
        if rem:
            pltpu.sync_copy(buf1.at[pl.ds(0, rem)],
                            acc_sh.at[pl.ds(r0 + nfull * K, rem)])
        row0 = lax.select(c == 0, s * n0, NS * n0 + s * n1)
        if not gather:
            fill(buf0, 1.0)
        pltpu.sync_copy(dst_hbm.at[pl.ds(row0, nmax)], dst_v)
        plsc.subcore_barrier()

        if gather:
            bufs = (buf0, buf1)
            sems = (sem0, sem1)

            for p in range(nseg):
                seg0 = p * sv
                trip = lax.max(0, lax.min(sv, nc - seg0))

                @pl.when(trip > 0)
                def _():
                    pltpu.sync_copy(src_hbm.at[pl.ds(row0 + seg0, sv)], src_v)
                    pltpu.async_copy(table_hbm.at[src_v.at[0]], buf0, sem0)

                    def body(r, carry):
                        for b in range(2):
                            jl = 2 * r + b

                            @pl.when(jl + 1 < trip)
                            def _():
                                pltpu.async_copy(table_hbm.at[src_v.at[jl + 1]],
                                                 bufs[1 - b], sems[1 - b])

                            pltpu.make_async_copy(
                                table_hbm.at[src_v.at[jl]], bufs[b], sems[b]).wait()
                            pltpu.sync_copy(bufs[b],
                                            acc_sh.at[dst_v.at[seg0 + jl]],
                                            add=True)
                        return carry

                    lax.fori_loop(0, trip // 2, body, 0)
        else:
            def body(j, carry):
                pltpu.sync_copy(buf0, acc_sh.at[dst_v.at[j]], add=True)
                return carry

            lax.fori_loop(0, nc, body, 0)
        plsc.subcore_barrier()

        pltpu.sync_copy(acc_sh.at[pl.ds(r0, rows_per_tile)],
                        out_hbm.at[c, pl.ds(r0, rows_per_tile)])

    return sc_scatter


_R = 632


def _row_spec(*block):
    return pl.BlockSpec(block, lambda i: (0,) * (len(block) - 2) + (i, 0))


def _full_spec(*block):
    return pl.BlockSpec(block, lambda i: (0,) * len(block))


def _tc_call(body, npad, in_specs, out_shapes, out_specs):
    return pl.pallas_call(
        body,
        grid=(npad // _R,),
        in_specs=in_specs,
        out_specs=out_specs,
        out_shape=out_shapes,
    )


def _dinv(da, db):
    return lax.rsqrt(da + db + 1.0)


def _t1_body(x_ref, w_ref, da_ref, db_ref, outa_ref, outb_ref):
    dinv = _dinv(da_ref[...], db_ref[...])
    g = dinv * jnp.dot(x_ref[...], w_ref[...], preferred_element_type=jnp.float32)
    outa_ref[...] = g[:, :128]
    outb_ref[...] = g[:, 128:]


def _t2_body(sa_ref, sb_ref, ga_ref, gb_ref, da_ref, db_ref, b_ref, w_ref, out_ref):
    dinv = _dinv(da_ref[...], db_ref[...])
    b = b_ref[...]
    ha = jnp.maximum(dinv * (sa_ref[0] + sa_ref[1] + ga_ref[...]) + b[:, :128], 0.0)
    hb = jnp.maximum(dinv * (sb_ref[0] + sb_ref[1] + gb_ref[...]) + b[:, 128:], 0.0)
    h = jnp.concatenate([ha, hb], axis=1)
    out_ref[...] = dinv * jnp.dot(h, w_ref[...], preferred_element_type=jnp.float32)


def _t3_body(s_ref, g_ref, da_ref, db_ref, b_ref, w_ref, out_ref):
    dinv = _dinv(da_ref[...], db_ref[...])
    h = jnp.maximum(dinv * (s_ref[0] + s_ref[1] + g_ref[...]) + b_ref[...], 0.0)
    out_ref[...] = dinv * jnp.dot(h, w_ref[...], preferred_element_type=jnp.float32)


def _t4_body(s_ref, g_ref, da_ref, db_ref, b_ref, out_ref):
    dinv = _dinv(da_ref[...], db_ref[...])
    t = (s_ref[0] + s_ref[1] + g_ref[...])[:, :64]
    out_ref[...] = dinv * t + b_ref[...]


def kernel(x, edge_index, W1, b1, W2, b2, W3, b3):
    N, F0 = x.shape
    E = edge_index.shape[1]
    npad = 10112
    assert npad >= N + 1 and npad % _R == 0 and npad % (NS * 8) == 0
    per_pair = -(-E // (NS * K))
    per_pair = ((per_pair + 15) // 16) * 16
    n0g = ((per_pair * 9 // 10) + 7) // 8 * 8
    n1g = per_pair - n0g
    neven = per_pair // 2
    nrows = NS * n0g + (NS - 1) * n1g + max(n0g, n1g)
    nrows = max(nrows, NS * per_pair)
    epad = nrows * K

    xp = jnp.zeros((npad, F0), jnp.float32).at[:N].set(x)
    src = jnp.full((epad,), N, jnp.int32).at[:E].set(edge_index[0].astype(jnp.int32))
    dst = jnp.full((epad,), N, jnp.int32).at[:E].set(edge_index[1].astype(jnp.int32))
    src2d = src.reshape(nrows, K)
    dst2d = dst.reshape(nrows, K)

    def sc_pass(table, fc, gather=True):
        if gather:
            n0, n1 = n0g, n1g
        else:
            n0, n1 = neven, neven
        return _make_sc_scatter(npad, fc, n0, n1, gather, table.dtype)(
            table, src2d, dst2d)

    deg = sc_pass(jnp.ones((K, 128), jnp.float32), 128, gather=False)
    da = deg[0, :, :1]
    db = deg[1, :, :1]

    dspec = _row_spec(_R, 1)

    g1a, g1b = _tc_call(
        _t1_body, npad,
        [_row_spec(_R, 256), _full_spec(256, 256), dspec, dspec],
        [jax.ShapeDtypeStruct((npad, 128), jnp.float32)] * 2,
        [_row_spec(_R, 128)] * 2,
    )(xp, W1, da, db)
    s1a = sc_pass(g1a, 128)
    s1b = sc_pass(g1b, 128)

    g2 = _tc_call(
        _t2_body, npad,
        [_row_spec(2, _R, 128)] * 2 + [_row_spec(_R, 128)] * 2 + [dspec, dspec,
         _full_spec(1, 256), _full_spec(256, 128)],
        jax.ShapeDtypeStruct((npad, 128), jnp.float32),
        _row_spec(_R, 128),
    )(s1a, s1b, g1a, g1b, da, db, b1.reshape(1, 256), W2)
    s2 = sc_pass(g2, 128)

    W3p = jnp.zeros((128, 128), jnp.float32).at[:, :64].set(W3)
    g3 = _tc_call(
        _t3_body, npad,
        [_row_spec(2, _R, 128), _row_spec(_R, 128), dspec, dspec,
         _full_spec(1, 128), _full_spec(128, 128)],
        jax.ShapeDtypeStruct((npad, 128), jnp.float32),
        _row_spec(_R, 128),
    )(s2, g2, da, db, b2.reshape(1, 128), W3p)
    s3 = sc_pass(g3, 128)

    out = _tc_call(
        _t4_body, npad,
        [_row_spec(2, _R, 128), _row_spec(_R, 128), dspec, dspec, _full_spec(1, 64)],
        jax.ShapeDtypeStruct((npad, 64), jnp.float32),
        _row_spec(_R, 64),
    )(s3, g3, da, db, b3.reshape(1, 64))
    return out[:N]

# --- scband reference (transcript-rebuilt; emitter-appended) ---
"""Pipeline reference for scband-encoder-17386027614431 (READ-ONLY COPY).

The authoritative reference and input builder live on the scoring server;
editing this copy changes nothing except your own understanding.
"""

import jax, jax.numpy as jnp
import numpy as np


def _gcn_conv(x, edge_index, W, b):
    # Faithful PyG GCNConv: add self-loops, symmetric normalization, linear transform, scatter-add, bias.
    N = x.shape[0]
    loop = jnp.arange(N, dtype=edge_index.dtype)
    src = jnp.concatenate([edge_index[0], loop])
    dst = jnp.concatenate([edge_index[1], loop])
    ones = jnp.ones(src.shape[0], dtype=x.dtype)
    deg = jax.ops.segment_sum(ones, dst, num_segments=N)
    dinv = jnp.where(deg > 0, jax.lax.rsqrt(deg), 0.0)
    norm = dinv[src] * dinv[dst]
    h = x @ W
    msg = jnp.take(h, src, axis=0) * norm[:, None]
    out = jax.ops.segment_sum(msg, dst, num_segments=N)
    return out + b


def setup_inputs(seed: int = 0) -> dict:
    key = jax.random.key(seed)
    ks = jax.random.split(key, 8)
    N, E = 10000, 160000
    x = jax.random.normal(ks[0], (N, 256), dtype=jnp.float32)
    edge_index = jax.random.randint(ks[1], (2, E), 0, N)
    W1 = jax.random.normal(ks[2], (256, 256), dtype=jnp.float32) * (1.0 / np.sqrt(256))
    b1 = jnp.zeros((256,), dtype=jnp.float32)
    W2 = jax.random.normal(ks[3], (256, 128), dtype=jnp.float32) * (1.0 / np.sqrt(256))
    b2 = jnp.zeros((128,), dtype=jnp.float32)
    W3 = jax.random.normal(ks[4], (128, 64), dtype=jnp.float32) * (1.0 / np.sqrt(128))
    b3 = jnp.zeros((64,), dtype=jnp.float32)
    return {"x": x, "edge_index": edge_index, "W1": W1, "b1": b1, "W2": W2, "b2": b2, "W3": W3, "b3": b3}


def reference(x, edge_index, W1, b1, W2, b2, W3, b3):
    h = jax.nn.relu(_gcn_conv(x, edge_index, W1, b1))
    h = jax.nn.relu(_gcn_conv(h, edge_index, W2, b2))
    return _gcn_conv(h, edge_index, W3, b3)

if __name__ == "__main__":
    import jax
    _d = setup_inputs()
    print(jax.jit(kernel)(*tuple(_d.values())))

</pallas_src>

<mosaic_0001>
#map = affine_map<(d0, d1) -> (0, 0)>
#map1 = affine_map<(d0, d1) -> (0, 0, 0)>
module attributes {stable_mosaic.version = 14 : i64} {
  func.func @sc_scatter(%arg0: i32, %arg1: i32, %arg2: memref<10112x128xf32, #tpu.memory_space<hbm>>, %arg3: memref<1344x128xi32, #tpu.memory_space<hbm>>, %arg4: memref<1344x128xi32, #tpu.memory_space<hbm>>, %arg5: memref<2x10112x128xf32, #tpu.memory_space<hbm>>, %arg6: memref<40x128xi32, #tpu.memory_space<vmem>>, %arg7: memref<72x128xi32, #tpu.memory_space<vmem>>, %arg8: memref<128x128xf32, #tpu.memory_space<vmem>>, %arg9: memref<128x128xf32, #tpu.memory_space<vmem>>, %arg10: memref<10112x128xf32, #tpu.memory_space<vmem_shared>>, %arg11: memref<!tpu.dma_semaphore, #tpu.memory_space<semaphore_mem>>, %arg12: memref<!tpu.dma_semaphore, #tpu.memory_space<semaphore_mem>>) attributes {dimension_semantics = [#tpu.dimension_semantics<core_parallel>, #tpu.dimension_semantics<subcore_parallel>], iteration_bounds = array<i64: 2, 16>, scalar_prefetch = 0 : i64, scratch_operands = 7 : i64, tpu.core_type = #tpu.core_type<sc_vector_subcore>, window_params = [{transform_indices = #map}, {transform_indices = #map}, {transform_indices = #map}, {transform_indices = #map1}]} {
    %eq3A = arith.constant 0 : i32
    %eq3A_0 = arith.cmpi eq, %arg0, %eq3A : i32
    %select_n3A = arith.constant 8 : i32
    %select_n3A_1 = arith.constant 72 : i32
    %select_n3A_2 = arith.select %eq3A_0, %select_n3A_1, %select_n3A : i32
    %mul3A = arith.constant 632 : i32
    %mul3A_3 = arith.muli %arg1, %mul3A : i32
    %scan3A = arith.constant 0 : i32
    %scan3A_4 = arith.constant 0 : i32
    %scan3A_5 = arith.constant 1024 : i32
    %scan3A_6 = arith.addi %scan3A_4, %scan3A_5 : i32
    %scan3A_7 = arith.constant 1 : i32
    scf.for %scan3A_44 = %scan3A_4 to %scan3A_6 step %scan3A_7  : i32 {
      %jit3A = arith.constant 8 : i32
      %div3A = arith.divsi %scan3A_44, %jit3A : i32
      %sign3A = arith.constant 0 : i32
      %sign3A_45 = arith.cmpi sgt, %scan3A_44, %sign3A : i32
      %sign3A_46 = arith.extui %sign3A_45 : i1 to i32
      %sign3A_47 = arith.constant 0 : i32
      %sign3A_48 = arith.cmpi slt, %scan3A_44, %sign3A_47 : i32
      %sign3A_49 = arith.extui %sign3A_48 : i1 to i32
      %sign3A_50 = arith.subi %sign3A_46, %sign3A_49 : i32
      %sign3A_51 = arith.constant 0 : i32
      %sign3A_52 = arith.cmpi sgt, %jit3A, %sign3A_51 : i32
      %sign3A_53 = arith.extui %sign3A_52 : i1 to i32
      %sign3A_54 = arith.constant 0 : i32
      %sign3A_55 = arith.cmpi slt, %jit3A, %sign3A_54 : i32
      %sign3A_56 = arith.extui %sign3A_55 : i1 to i32
      %sign3A_57 = arith.subi %sign3A_53, %sign3A_56 : i32
      %ne3A = arith.cmpi ne, %sign3A_50, %sign3A_57 : i32
      %rem3A = arith.remsi %scan3A_44, %jit3A : i32
      %ne3A_58 = arith.constant 0 : i32
      %ne3A_59 = arith.cmpi ne, %rem3A, %ne3A_58 : i32
      %and3A = arith.andi %ne3A, %ne3A_59 : i1
      %sub3A_60 = arith.constant 1 : i32
      %sub3A_61 = arith.subi %div3A, %sub3A_60 : i32
      %select_n3A_62 = arith.select %and3A, %sub3A_61, %div3A : i32
      %jit3A_63 = arith.constant 8 : i32
      %eq3A_64 = arith.constant 0 : i32
      %eq3A_65 = arith.cmpi eq, %jit3A_63, %eq3A_64 : i32
      %jit3A_66 = arith.constant 1 : i32
      %select_n3A_67 = arith.select %eq3A_65, %jit3A_66, %jit3A_63 : i32
      %rem3A_68 = arith.remsi %scan3A_44, %select_n3A_67 : i32
      %ne3A_69 = arith.constant 0 : i32
      %ne3A_70 = arith.cmpi ne, %rem3A_68, %ne3A_69 : i32
      %lt3A = arith.constant 0 : i32
      %lt3A_71 = arith.cmpi slt, %rem3A_68, %lt3A : i32
      %lt3A_72 = arith.constant 0 : i32
      %lt3A_73 = arith.cmpi slt, %select_n3A_67, %lt3A_72 : i32
      %ne3A_74 = arith.xori %lt3A_71, %lt3A_73 : i1
      %and3A_75 = arith.andi %ne3A_74, %ne3A_70 : i1
      %add3A_76 = arith.addi %rem3A_68, %select_n3A_67 : i32
      %select_n3A_77 = arith.select %and3A_75, %add3A_76, %rem3A_68 : i32
      %mul3A_78 = arith.constant 16 : i32
      %mul3A_79 = arith.muli %select_n3A_77, %mul3A_78 : i32
      %broadcast_in_dim3A = arith.constant 0.000000e+00 : f32
      %broadcast_in_dim3A_80 = vector.broadcast %broadcast_in_dim3A : f32 to vector<16xf32>
      %swap3A = arith.index_cast %select_n3A_62 : i32 to index
      %swap3A_81 = arith.index_cast %mul3A_79 : i32 to index
      %swap3A_82 = tpu.vector_load %arg9[%swap3A, %swap3A_81] {strides = array<i32>} : memref<128x128xf32, #tpu.memory_space<vmem>>, vector<1x16xf32>,
      %swap3A_83 = vector.shape_cast %swap3A_82 : vector<1x16xf32> to vector<16xf32>
      %swap3A_84 = vector.shape_cast %broadcast_in_dim3A_80 : vector<16xf32> to vector<1x16xf32>
      tpu.vector_store %arg9[%swap3A, %swap3A_81], %swap3A_84 {strides = array<i32>} : memref<128x128xf32, #tpu.memory_space<vmem>>, vector<1x16xf32>,
    }
    %scan3A_8 = arith.constant 1024 : i32
    %add3A = arith.constant 0 : i32
    %add3A_9 = arith.addi %mul3A_3, %add3A : i32
    "tpu.region"() ({
      %run_scoped3A = tpu.sem_alloc : memref<!tpu.dma_semaphore, #tpu.memory_space<semaphore_mem>>
      %dma_start3A = arith.constant 0 : i32
      %dma_start3A_44 = tpu.memref_slice %arg10[%add3A_9, %dma_start3A] : memref<10112x128xf32, #tpu.memory_space<vmem_shared>> -> memref<128x128xf32, #tpu.memory_space<vmem_shared>>
      %dma_start3A_45 = arith.constant 0 : i32
      %dma_start3A_46 = tpu.memref_slice %arg10[%add3A_9, %dma_start3A_45] : memref<10112x128xf32, #tpu.memory_space<vmem_shared>> -> memref<128x128xf32, #tpu.memory_space<vmem_shared>>
      tpu.enqueue_dma source(%arg9 : memref<128x128xf32, #tpu.memory_space<vmem>>) target(%dma_start3A_46 : memref<128x128xf32, #tpu.memory_space<vmem_shared>>) target_semaphore(%run_scoped3A : memref<!tpu.dma_semaphore, #tpu.memory_space<semaphore_mem>>)
      %dma_wait3A = arith.constant 0 : i32
      %dma_wait3A_47 = tpu.memref_slice %arg10[%add3A_9, %dma_wait3A] : memref<10112x128xf32, #tpu.memory_space<vmem_shared>> -> memref<128x128xf32, #tpu.memory_space<vmem_shared>>
      %dma_wait3A_48 = arith.constant 0 : i32
      %dma_wait3A_49 = tpu.memref_slice %arg10[%add3A_9, %dma_wait3A_48] : memref<10112x128xf32, #tpu.memory_space<vmem_shared>> -> memref<128x128xf32, #tpu.memory_space<vmem_shared>>
      tpu.wait_dma2 semaphore(%run_scoped3A : memref<!tpu.dma_semaphore, #tpu.memory_space<semaphore_mem>>) src(%arg9 : memref<128x128xf32, #tpu.memory_space<vmem>>) dst(%dma_wait3A_49 : memref<128x128xf32, #tpu.memory_space<vmem_shared>>)
      tpu.yield
    }) : () -> ()
    %add3A_10 = arith.constant 128 : i32
    %add3A_11 = arith.addi %mul3A_3, %add3A_10 : i32
    "tpu.region"() ({
      %run_scoped3A = tpu.sem_alloc : memref<!tpu.dma_semaphore, #tpu.memory_space<semaphore_mem>>
      %dma_start3A = arith.constant 0 : i32
      %dma_start3A_44 = tpu.memref_slice %arg10[%add3A_11, %dma_start3A] : memref<10112x128xf32, #tpu.memory_space<vmem_shared>> -> memref<128x128xf32, #tpu.memory_space<vmem_shared>>
      %dma_start3A_45 = arith.constant 0 : i32
      %dma_start3A_46 = tpu.memref_slice %arg10[%add3A_11, %dma_start3A_45] : memref<10112x128xf32, #tpu.memory_space<vmem_shared>> -> memref<128x128xf32, #tpu.memory_space<vmem_shared>>
      tpu.enqueue_dma source(%arg9 : memref<128x128xf32, #tpu.memory_space<vmem>>) target(%dma_start3A_46 : memref<128x128xf32, #tpu.memory_space<vmem_shared>>) target_semaphore(%run_scoped3A : memref<!tpu.dma_semaphore, #tpu.memory_space<semaphore_mem>>)
      %dma_wait3A = arith.constant 0 : i32
      %dma_wait3A_47 = tpu.memref_slice %arg10[%add3A_11, %dma_wait3A] : memref<10112x128xf32, #tpu.memory_space<vmem_shared>> -> memref<128x128xf32, #tpu.memory_space<vmem_shared>>
      %dma_wait3A_48 = arith.constant 0 : i32
      %dma_wait3A_49 = tpu.memref_slice %arg10[%add3A_11, %dma_wait3A_48] : memref<10112x128xf32, #tpu.memory_space<vmem_shared>> -> memref<128x128xf32, #tpu.memory_space<vmem_shared>>
      tpu.wait_dma2 semaphore(%run_scoped3A : memref<!tpu.dma_semaphore, #tpu.memory_space<semaphore_mem>>) src(%arg9 : memref<128x128xf32, #tpu.memory_space<vmem>>) dst(%dma_wait3A_49 : memref<128x128xf32, #tpu.memory_space<vmem_shared>>)
      tpu.yield
    }) : () -> ()
    %add3A_12 = arith.constant 256 : i32
    %add3A_13 = arith.addi %mul3A_3, %add3A_12 : i32
    "tpu.region"() ({
      %run_scoped3A = tpu.sem_alloc : memref<!tpu.dma_semaphore, #tpu.memory_space<semaphore_mem>>
      %dma_start3A = arith.constant 0 : i32
      %dma_start3A_44 = tpu.memref_slice %arg10[%add3A_13, %dma_start3A] : memref<10112x128xf32, #tpu.memory_space<vmem_shared>> -> memref<128x128xf32, #tpu.memory_space<vmem_shared>>
      %dma_start3A_45 = arith.constant 0 : i32
      %dma_start3A_46 = tpu.memref_slice %arg10[%add3A_13, %dma_start3A_45] : memref<10112x128xf32, #tpu.memory_space<vmem_shared>> -> memref<128x128xf32, #tpu.memory_space<vmem_shared>>
      tpu.enqueue_dma source(%arg9 : memref<128x128xf32, #tpu.memory_space<vmem>>) target(%dma_start3A_46 : memref<128x128xf32, #tpu.memory_space<vmem_shared>>) target_semaphore(%run_scoped3A : memref<!tpu.dma_semaphore, #tpu.memory_space<semaphore_mem>>)
      %dma_wait3A = arith.constant 0 : i32
      %dma_wait3A_47 = tpu.memref_slice %arg10[%add3A_13, %dma_wait3A] : memref<10112x128xf32, #tpu.memory_space<vmem_shared>> -> memref<128x128xf32, #tpu.memory_space<vmem_shared>>
      %dma_wait3A_48 = arith.constant 0 : i32
      %dma_wait3A_49 = tpu.memref_slice %arg10[%add3A_13, %dma_wait3A_48] : memref<10112x128xf32, #tpu.memory_space<vmem_shared>> -> memref<128x128xf32, #tpu.memory_space<vmem_shared>>
      tpu.wait_dma2 semaphore(%run_scoped3A : memref<!tpu.dma_semaphore, #tpu.memory_space<semaphore_mem>>) src(%arg9 : memref<128x128xf32, #tpu.memory_space<vmem>>) dst(%dma_wait3A_49 : memref<128x128xf32, #tpu.memory_space<vmem_shared>>)
      tpu.yield
    }) : () -> ()
    %add3A_14 = arith.constant 384 : i32
    %add3A_15 = arith.addi %mul3A_3, %add3A_14 : i32
    "tpu.region"() ({
      %run_scoped3A = tpu.sem_alloc : memref<!tpu.dma_semaphore, #tpu.memory_space<semaphore_mem>>
      %dma_start3A = arith.constant 0 : i32
      %dma_start3A_44 = tpu.memref_slice %arg10[%add3A_15, %dma_start3A] : memref<10112x128xf32, #tpu.memory_space<vmem_shared>> -> memref<128x128xf32, #tpu.memory_space<vmem_shared>>
      %dma_start3A_45 = arith.constant 0 : i32
      %dma_start3A_46 = tpu.memref_slice %arg10[%add3A_15, %dma_start3A_45] : memref<10112x128xf32, #tpu.memory_space<vmem_shared>> -> memref<128x128xf32, #tpu.memory_space<vmem_shared>>
      tpu.enqueue_dma source(%arg9 : memref<128x128xf32, #tpu.memory_space<vmem>>) target(%dma_start3A_46 : memref<128x128xf32, #tpu.memory_space<vmem_shared>>) target_semaphore(%run_scoped3A : memref<!tpu.dma_semaphore, #tpu.memory_space<semaphore_mem>>)
      %dma_wait3A = arith.constant 0 : i32
      %dma_wait3A_47 = tpu.memref_slice %arg10[%add3A_15, %dma_wait3A] : memref<10112x128xf32, #tpu.memory_space<vmem_shared>> -> memref<128x128xf32, #tpu.memory_space<vmem_shared>>
      %dma_wait3A_48 = arith.constant 0 : i32
      %dma_wait3A_49 = tpu.memref_slice %arg10[%add3A_15, %dma_wait3A_48] : memref<10112x128xf32, #tpu.memory_space<vmem_shared>> -> memref<128x128xf32, #tpu.memory_space<vmem_shared>>
      tpu.wait_dma2 semaphore(%run_scoped3A : memref<!tpu.dma_semaphore, #tpu.memory_space<semaphore_mem>>) src(%arg9 : memref<128x128xf32, #tpu.memory_space<vmem>>) dst(%dma_wait3A_49 : memref<128x128xf32, #tpu.memory_space<vmem_shared>>)
      tpu.yield
    }) : () -> ()
    %add3A_16 = arith.constant 512 : i32
    %add3A_17 = arith.addi %mul3A_3, %add3A_16 : i32
    "tpu.region"() ({
      %run_scoped3A = tpu.sem_alloc : memref<!tpu.dma_semaphore, #tpu.memory_space<semaphore_mem>>
      %dma_start3A = arith.constant 0 : i32
      %dma_start3A_44 = arith.constant 0 : i32
      %dma_start3A_45 = tpu.memref_slice %arg9[%dma_start3A, %dma_start3A_44] : memref<128x128xf32, #tpu.memory_space<vmem>> -> memref<120x128xf32, #tpu.memory_space<vmem>>
      %dma_start3A_46 = arith.constant 0 : i32
      %dma_start3A_47 = tpu.memref_slice %arg10[%add3A_17, %dma_start3A_46] : memref<10112x128xf32, #tpu.memory_space<vmem_shared>> -> memref<120x128xf32, #tpu.memory_space<vmem_shared>>
      %dma_start3A_48 = arith.constant 0 : i32
      %dma_start3A_49 = tpu.memref_slice %arg10[%add3A_17, %dma_start3A_48] : memref<10112x128xf32, #tpu.memory_space<vmem_shared>> -> memref<120x128xf32, #tpu.memory_space<vmem_shared>>
      %dma_start3A_50 = arith.constant 0 : i32
      %dma_start3A_51 = arith.constant 0 : i32
      %dma_start3A_52 = tpu.memref_slice %arg9[%dma_start3A_50, %dma_start3A_51] : memref<128x128xf32, #tpu.memory_space<vmem>> -> memref<120x128xf32, #tpu.memory_space<vmem>>
      tpu.enqueue_dma source(%dma_start3A_52 : memref<120x128xf32, #tpu.memory_space<vmem>>) target(%dma_start3A_49 : memref<120x128xf32, #tpu.memory_space<vmem_shared>>) target_semaphore(%run_scoped3A : memref<!tpu.dma_semaphore, #tpu.memory_space<semaphore_mem>>)
      %dma_wait3A = arith.constant 0 : i32
      %dma_wait3A_53 = arith.constant 0 : i32
      %dma_wait3A_54 = tpu.memref_slice %arg9[%dma_wait3A, %dma_wait3A_53] : memref<128x128xf32, #tpu.memory_space<vmem>> -> memref<120x128xf32, #tpu.memory_space<vmem>>
      %dma_wait3A_55 = arith.constant 0 : i32
      %dma_wait3A_56 = tpu.memref_slice %arg10[%add3A_17, %dma_wait3A_55] : memref<10112x128xf32, #tpu.memory_space<vmem_shared>> -> memref<120x128xf32, #tpu.memory_space<vmem_shared>>
      %dma_wait3A_57 = arith.constant 0 : i32
      %dma_wait3A_58 = tpu.memref_slice %arg10[%add3A_17, %dma_wait3A_57] : memref<10112x128xf32, #tpu.memory_space<vmem_shared>> -> memref<120x128xf32, #tpu.memory_space<vmem_shared>>
      %dma_wait3A_59 = arith.constant 0 : i32
      %dma_wait3A_60 = arith.constant 0 : i32
      %dma_wait3A_61 = tpu.memref_slice %arg9[%dma_wait3A_59, %dma_wait3A_60] : memref<128x128xf32, #tpu.memory_space<vmem>> -> memref<120x128xf32, #tpu.memory_space<vmem>>
      tpu.wait_dma2 semaphore(%run_scoped3A : memref<!tpu.dma_semaphore, #tpu.memory_space<semaphore_mem>>) src(%dma_wait3A_61 : memref<120x128xf32, #tpu.memory_space<vmem>>) dst(%dma_wait3A_58 : memref<120x128xf32, #tpu.memory_space<vmem_shared>>)
      tpu.yield
    }) : () -> ()
    %eq3A_18 = arith.constant 0 : i32
    %eq3A_19 = arith.cmpi eq, %arg0, %eq3A_18 : i32
    %mul3A_20 = arith.constant 72 : i32
    %mul3A_21 = arith.muli %arg1, %mul3A_20 : i32
    %mul3A_22 = arith.constant 8 : i32
    %mul3A_23 = arith.muli %arg1, %mul3A_22 : i32
    %add3A_24 = arith.constant 1152 : i32
    %add3A_25 = arith.addi %add3A_24, %mul3A_23 : i32
    %select_n3A_26 = arith.select %eq3A_19, %mul3A_21, %add3A_25 : i32
    "tpu.region"() ({
      %run_scoped3A = tpu.sem_alloc : memref<!tpu.dma_semaphore, #tpu.memory_space<semaphore_mem>>
      %dma_start3A = arith.constant 0 : i32
      %dma_start3A_44 = tpu.memref_slice %arg4[%select_n3A_26, %dma_start3A] : memref<1344x128xi32, #tpu.memory_space<hbm>> -> memref<72x128xi32, #tpu.memory_space<hbm>>
      %dma_start3A_45 = arith.constant 0 : i32
      %dma_start3A_46 = tpu.memref_slice %arg4[%select_n3A_26, %dma_start3A_45] : memref<1344x128xi32, #tpu.memory_space<hbm>> -> memref<72x128xi32, #tpu.memory_space<hbm>>
      tpu.enqueue_dma source(%dma_start3A_46 : memref<72x128xi32, #tpu.memory_space<hbm>>) target(%arg7 : memref<72x128xi32, #tpu.memory_space<vmem>>) target_semaphore(%run_scoped3A : memref<!tpu.dma_semaphore, #tpu.memory_space<semaphore_mem>>)
      %dma_wait3A = arith.constant 0 : i32
      %dma_wait3A_47 = tpu.memref_slice %arg4[%select_n3A_26, %dma_wait3A] : memref<1344x128xi32, #tpu.memory_space<hbm>> -> memref<72x128xi32, #tpu.memory_space<hbm>>
      %dma_wait3A_48 = arith.constant 0 : i32
      %dma_wait3A_49 = tpu.memref_slice %arg4[%select_n3A_26, %dma_wait3A_48] : memref<1344x128xi32, #tpu.memory_space<hbm>> -> memref<72x128xi32, #tpu.memory_space<hbm>>
      tpu.wait_dma2 semaphore(%run_scoped3A : memref<!tpu.dma_semaphore, #tpu.memory_space<semaphore_mem>>) src(%dma_wait3A_49 : memref<72x128xi32, #tpu.memory_space<hbm>>) dst(%arg7 : memref<72x128xi32, #tpu.memory_space<vmem>>)
      tpu.yield
    }) : () -> ()
    %barrier3A = arith.constant 0 : index
    tpu.barrier barrier_id(%barrier3A)
    %sub3A = arith.constant 0 : i32
    %sub3A_27 = arith.subi %select_n3A_2, %sub3A : i32
    %min3A = arith.constant 40 : i32
    %min3A_28 = arith.minsi %min3A, %sub3A_27 : i32
    %max3A = arith.constant 0 : i32
    %max3A_29 = arith.maxsi %max3A, %min3A_28 : i32
    %gt3A = arith.constant 0 : i32
    %gt3A_30 = arith.cmpi sgt, %max3A_29, %gt3A : i32
    %convert_element_type3A = arith.extui %gt3A_30 : i1 to i32
    %cond3A = arith.constant 0 : i32
    %cond3A_31 = arith.cmpi ne, %convert_element_type3A, %cond3A : i32
    scf.if %cond3A_31 {
      %add3A_44 = arith.constant 0 : i32
      %add3A_45 = arith.addi %select_n3A_26, %add3A_44 : i32
      "tpu.region"() ({
        %run_scoped3A = tpu.sem_alloc : memref<!tpu.dma_semaphore, #tpu.memory_space<semaphore_mem>>
        %dma_start3A_79 = arith.constant 0 : i32
        %dma_start3A_80 = tpu.memref_slice %arg3[%add3A_45, %dma_start3A_79] : memref<1344x128xi32, #tpu.memory_space<hbm>> -> memref<40x128xi32, #tpu.memory_space<hbm>>
        %dma_start3A_81 = arith.constant 0 : i32
        %dma_start3A_82 = tpu.memref_slice %arg3[%add3A_45, %dma_start3A_81] : memref<1344x128xi32, #tpu.memory_space<hbm>> -> memref<40x128xi32, #tpu.memory_space<hbm>>
        tpu.enqueue_dma source(%dma_start3A_82 : memref<40x128xi32, #tpu.memory_space<hbm>>) target(%arg6 : memref<40x128xi32, #tpu.memory_space<vmem>>) target_semaphore(%run_scoped3A : memref<!tpu.dma_semaphore, #tpu.memory_space<semaphore_mem>>)
        %dma_wait3A = arith.constant 0 : i32
        %dma_wait3A_83 = tpu.memref_slice %arg3[%add3A_45, %dma_wait3A] : memref<1344x128xi32, #tpu.memory_space<hbm>> -> memref<40x128xi32, #tpu.memory_space<hbm>>
        %dma_wait3A_84 = arith.constant 0 : i32
        %dma_wait3A_85 = tpu.memref_slice %arg3[%add3A_45, %dma_wait3A_84] : memref<1344x128xi32, #tpu.memory_space<hbm>> -> memref<40x128xi32, #tpu.memory_space<hbm>>
        tpu.wait_dma2 semaphore(%run_scoped3A : memref<!tpu.dma_semaphore, #tpu.memory_space<semaphore_mem>>) src(%dma_wait3A_85 : memref<40x128xi32, #tpu.memory_space<hbm>>) dst(%arg6 : memref<40x128xi32, #tpu.memory_space<vmem>>)
        tpu.yield
      }) : () -> ()
      %dma_start3A = arith.constant 0 : i32
      %dma_start3A_46 = arith.constant 0 : i32
      %dma_start3A_47 = tpu.memref_slice %arg6[%dma_start3A, %dma_start3A_46] : memref<40x128xi32, #tpu.memory_space<vmem>> -> memref<1x128xi32, #tpu.memory_space<vmem>>
      %dma_start3A_48 = tpu.memref_squeeze %dma_start3A_47 : memref<1x128xi32, #tpu.memory_space<vmem>> -> memref<128xi32, #tpu.memory_space<vmem>>
      %dma_start3A_49 = arith.constant 0 : i32
      %dma_start3A_50 = arith.constant 0 : i32
      %dma_start3A_51 = tpu.memref_slice %arg2[%dma_start3A_49, %dma_start3A_50] : memref<10112x128xf32, #tpu.memory_space<hbm>> -> memref<10112x128xf32, #tpu.memory_space<hbm>>
      tpu.enqueue_indirect_dma source(%dma_start3A_51 : memref<10112x128xf32, #tpu.memory_space<hbm>>) target(%arg8 : memref<128x128xf32, #tpu.memory_space<vmem>>) offsets(%dma_start3A_48 : memref<128xi32, #tpu.memory_space<vmem>>) semaphore(%arg11 : memref<!tpu.dma_semaphore, #tpu.memory_space<semaphore_mem>>)
      %jit3A = arith.constant 2 : i32
      %div3A = arith.divsi %max3A_29, %jit3A : i32
      %sign3A = arith.constant 0 : i32
      %sign3A_52 = arith.cmpi sgt, %max3A_29, %sign3A : i32
      %sign3A_53 = arith.extui %sign3A_52 : i1 to i32
      %sign3A_54 = arith.constant 0 : i32
      %sign3A_55 = arith.cmpi slt, %max3A_29, %sign3A_54 : i32
      %sign3A_56 = arith.extui %sign3A_55 : i1 to i32
      %sign3A_57 = arith.subi %sign3A_53, %sign3A_56 : i32
      %sign3A_58 = arith.constant 0 : i32
      %sign3A_59 = arith.cmpi sgt, %jit3A, %sign3A_58 : i32
      %sign3A_60 = arith.extui %sign3A_59 : i1 to i32
      %sign3A_61 = arith.constant 0 : i32
      %sign3A_62 = arith.cmpi slt, %jit3A, %sign3A_61 : i32
      %sign3A_63 = arith.extui %sign3A_62 : i1 to i32
      %sign3A_64 = arith.subi %sign3A_60, %sign3A_63 : i32
      %ne3A = arith.cmpi ne, %sign3A_57, %sign3A_64 : i32
      %rem3A = arith.remsi %max3A_29, %jit3A : i32
      %ne3A_65 = arith.constant 0 : i32
      %ne3A_66 = arith.cmpi ne, %rem3A, %ne3A_65 : i32
      %and3A = arith.andi %ne3A, %ne3A_66 : i1
      %sub3A_67 = arith.constant 1 : i32
      %sub3A_68 = arith.subi %div3A, %sub3A_67 : i32
      %select_n3A_69 = arith.select %and3A, %sub3A_68, %div3A : i32
      %while3A = arith.constant 0 : i32
      %while3A_70 = arith.constant 0 : i32
      %while3A_71 = arith.subi %select_n3A_69, %while3A_70 : i32
      %while3A_72 = arith.addi %while3A_70, %while3A_71 : i32
      %while3A_73 = arith.constant 1 : i32
      %while3A_74 = arith.divsi %while3A_71, %while3A_73 : i32
      %while3A_75 = arith.muli %while3A_74, %while3A_73 : i32
      %while3A_76 = arith.addi %while3A_70, %while3A_75 : i32
      %while3A_77 = arith.constant 1 : i32
      scf.for %while3A_79 = %while3A_70 to %while3A_76 step %while3A_77  : i32 {
        %mul3A_80 = arith.constant 2 : i32
        %mul3A_81 = arith.muli %mul3A_80, %while3A_79 : i32
        %add3A_82 = arith.constant 0 : i32
        %add3A_83 = arith.addi %mul3A_81, %add3A_82 : i32
        %add3A_84 = arith.constant 1 : i32
        %add3A_85 = arith.addi %add3A_83, %add3A_84 : i32
        %lt3A = arith.cmpi slt, %add3A_85, %max3A_29 : i32
        %convert_element_type3A_86 = arith.extui %lt3A : i1 to i32
        %cond3A_87 = arith.constant 0 : i32
        %cond3A_88 = arith.cmpi ne, %convert_element_type3A_86, %cond3A_87 : i32
        scf.if %cond3A_88 {
          %add3A_114 = arith.constant 1 : i32
          %add3A_115 = arith.addi %add3A_83, %add3A_114 : i32
          %dma_start3A_116 = arith.constant 0 : i32
          %dma_start3A_117 = tpu.memref_slice %arg6[%add3A_115, %dma_start3A_116] : memref<40x128xi32, #tpu.memory_space<vmem>> -> memref<1x128xi32, #tpu.memory_space<vmem>>
          %dma_start3A_118 = tpu.memref_squeeze %dma_start3A_117 : memref<1x128xi32, #tpu.memory_space<vmem>> -> memref<128xi32, #tpu.memory_space<vmem>>
          %dma_start3A_119 = arith.constant 0 : i32
          %dma_start3A_120 = arith.constant 0 : i32
          %dma_start3A_121 = tpu.memref_slice %arg2[%dma_start3A_119, %dma_start3A_120] : memref<10112x128xf32, #tpu.memory_space<hbm>> -> memref<10112x128xf32, #tpu.memory_space<hbm>>
          tpu.enqueue_indirect_dma source(%dma_start3A_121 : memref<10112x128xf32, #tpu.memory_space<hbm>>) target(%arg9 : memref<128x128xf32, #tpu.memory_space<vmem>>) offsets(%dma_start3A_118 : memref<128xi32, #tpu.memory_space<vmem>>) semaphore(%arg12 : memref<!tpu.dma_semaphore, #tpu.memory_space<semaphore_mem>>)
        } else {
        }
        %dma_wait3A = arith.constant 0 : i32
        %dma_wait3A_89 = tpu.memref_slice %arg6[%add3A_83, %dma_wait3A] : memref<40x128xi32, #tpu.memory_space<vmem>> -> memref<1x128xi32, #tpu.memory_space<vmem>>
        %dma_wait3A_90 = tpu.memref_squeeze %dma_wait3A_89 : memref<1x128xi32, #tpu.memory_space<vmem>> -> memref<128xi32, #tpu.memory_space<vmem>>
        %dma_wait3A_91 = arith.constant 0 : i32
        %dma_wait3A_92 = arith.constant 0 : i32
        %dma_wait3A_93 = tpu.memref_slice %arg2[%dma_wait3A_91, %dma_wait3A_92] : memref<10112x128xf32, #tpu.memory_space<hbm>> -> memref<10112x128xf32, #tpu.memory_space<hbm>>
        tpu.wait_indirect_dma semaphore(%arg11 : memref<!tpu.dma_semaphore, #tpu.memory_space<semaphore_mem>>) src(%dma_wait3A_93 : memref<10112x128xf32, #tpu.memory_space<hbm>>) dst(%arg8 : memref<128x128xf32, #tpu.memory_space<vmem>>)
        %add3A_94 = arith.constant 0 : i32
        %add3A_95 = arith.addi %add3A_94, %add3A_83 : i32
        "tpu.region"() ({
          %run_scoped3A = tpu.sem_alloc : memref<!tpu.dma_semaphore, #tpu.memory_space<semaphore_mem>>
          %dma_start3A_114 = arith.constant 0 : i32
          %dma_start3A_115 = tpu.memref_slice %arg7[%add3A_95, %dma_start3A_114] : memref<72x128xi32, #tpu.memory_space<vmem>> -> memref<1x128xi32, #tpu.memory_space<vmem>>
          %dma_start3A_116 = tpu.memref_squeeze %dma_start3A_115 : memref<1x128xi32, #tpu.memory_space<vmem>> -> memref<128xi32, #tpu.memory_space<vmem>>
          %dma_start3A_117 = arith.constant 0 : i32
          %dma_start3A_118 = arith.constant 0 : i32
          %dma_start3A_119 = tpu.memref_slice %arg10[%dma_start3A_117, %dma_start3A_118] : memref<10112x128xf32, #tpu.memory_space<vmem_shared>> -> memref<10112x128xf32, #tpu.memory_space<vmem_shared>>
          tpu.enqueue_indirect_dma source(%arg8 : memref<128x128xf32, #tpu.memory_space<vmem>>) target(%dma_start3A_119 : memref<10112x128xf32, #tpu.memory_space<vmem_shared>>) offsets(%dma_start3A_116 : memref<128xi32, #tpu.memory_space<vmem>>) semaphore(%run_scoped3A : memref<!tpu.dma_semaphore, #tpu.memory_space<semaphore_mem>>) {add = true}
          %dma_wait3A_120 = arith.constant 0 : i32
          %dma_wait3A_121 = tpu.memref_slice %arg7[%add3A_95, %dma_wait3A_120] : memref<72x128xi32, #tpu.memory_space<vmem>> -> memref<1x128xi32, #tpu.memory_space<vmem>>
          %dma_wait3A_122 = tpu.memref_squeeze %dma_wait3A_121 : memref<1x128xi32, #tpu.memory_space<vmem>> -> memref<128xi32, #tpu.memory_space<vmem>>
          %dma_wait3A_123 = arith.constant 0 : i32
          %dma_wait3A_124 = arith.constant 0 : i32
          %dma_wait3A_125 = tpu.memref_slice %arg10[%dma_wait3A_123, %dma_wait3A_124] : memref<10112x128xf32, #tpu.memory_space<vmem_shared>> -> memref<10112x128xf32, #tpu.memory_space<vmem_shared>>
          tpu.wait_indirect_dma semaphore(%run_scoped3A : memref<!tpu.dma_semaphore, #tpu.memory_space<semaphore_mem>>) src(%arg8 : memref<128x128xf32, #tpu.memory_space<vmem>>) dst(%dma_wait3A_125 : memref<10112x128xf32, #tpu.memory_space<vmem_shared>>)
          tpu.yield
        }) : () -> ()
        %mul3A_96 = arith.constant 2 : i32
        %mul3A_97 = arith.muli %mul3A_96, %while3A_79 : i32
        %add3A_98 = arith.constant 1 : i32
        %add3A_99 = arith.addi %mul3A_97, %add3A_98 : i32
        %add3A_100 = arith.constant 1 : i32
        %add3A_101 = arith.addi %add3A_99, %add3A_100 : i32
        %lt3A_102 = arith.cmpi slt, %add3A_101, %max3A_29 : i32
        %convert_element_type3A_103 = arith.extui %lt3A_102 : i1 to i32
        %cond3A_104 = arith.constant 0 : i32
        %cond3A_105 = arith.cmpi ne, %convert_element_type3A_103, %cond3A_104 : i32
        scf.if %cond3A_105 {
          %add3A_114 = arith.constant 1 : i32
          %add3A_115 = arith.addi %add3A_99, %add3A_114 : i32
          %dma_start3A_116 = arith.constant 0 : i32
          %dma_start3A_117 = tpu.memref_slice %arg6[%add3A_115, %dma_start3A_116] : memref<40x128xi32, #tpu.memory_space<vmem>> -> memref<1x128xi32, #tpu.memory_space<vmem>>
          %dma_start3A_118 = tpu.memref_squeeze %dma_start3A_117 : memref<1x128xi32, #tpu.memory_space<vmem>> -> memref<128xi32, #tpu.memory_space<vmem>>
          %dma_start3A_119 = arith.constant 0 : i32
          %dma_start3A_120 = arith.constant 0 : i32
          %dma_start3A_121 = tpu.memref_slice %arg2[%dma_start3A_119, %dma_start3A_120] : memref<10112x128xf32, #tpu.memory_space<hbm>> -> memref<10112x128xf32, #tpu.memory_space<hbm>>
          tpu.enqueue_indirect_dma source(%dma_start3A_121 : memref<10112x128xf32, #tpu.memory_space<hbm>>) target(%arg8 : memref<128x128xf32, #tpu.memory_space<vmem>>) offsets(%dma_start3A_118 : memref<128xi32, #tpu.memory_space<vmem>>) semaphore(%arg11 : memref<!tpu.dma_semaphore, #tpu.memory_space<semaphore_mem>>)
        } else {
        }
        %dma_wait3A_106 = arith.constant 0 : i32
        %dma_wait3A_107 = tpu.memref_slice %arg6[%add3A_99, %dma_wait3A_106] : memref<40x128xi32, #tpu.memory_space<vmem>> -> memref<1x128xi32, #tpu.memory_space<vmem>>
        %dma_wait3A_108 = tpu.memref_squeeze %dma_wait3A_107 : memref<1x128xi32, #tpu.memory_space<vmem>> -> memref<128xi32, #tpu.memory_space<vmem>>
        %dma_wait3A_109 = arith.constant 0 : i32
        %dma_wait3A_110 = arith.constant 0 : i32
        %dma_wait3A_111 = tpu.memref_slice %arg2[%dma_wait3A_109, %dma_wait3A_110] : memref<10112x128xf32, #tpu.memory_space<hbm>> -> memref<10112x128xf32, #tpu.memory_space<hbm>>
        tpu.wait_indirect_dma semaphore(%arg12 : memref<!tpu.dma_semaphore, #tpu.memory_space<semaphore_mem>>) src(%dma_wait3A_111 : memref<10112x128xf32, #tpu.memory_space<hbm>>) dst(%arg9 : memref<128x128xf32, #tpu.memory_space<vmem>>)
        %add3A_112 = arith.constant 0 : i32
        %add3A_113 = arith.addi %add3A_112, %add3A_99 : i32
        "tpu.region"() ({
          %run_scoped3A = tpu.sem_alloc : memref<!tpu.dma_semaphore, #tpu.memory_space<semaphore_mem>>
          %dma_start3A_114 = arith.constant 0 : i32
          %dma_start3A_115 = tpu.memref_slice %arg7[%add3A_113, %dma_start3A_114] : memref<72x128xi32, #tpu.memory_space<vmem>> -> memref<1x128xi32, #tpu.memory_space<vmem>>
          %dma_start3A_116 = tpu.memref_squeeze %dma_start3A_115 : memref<1x128xi32, #tpu.memory_space<vmem>> -> memref<128xi32, #tpu.memory_space<vmem>>
          %dma_start3A_117 = arith.constant 0 : i32
          %dma_start3A_118 = arith.constant 0 : i32
          %dma_start3A_119 = tpu.memref_slice %arg10[%dma_start3A_117, %dma_start3A_118] : memref<10112x128xf32, #tpu.memory_space<vmem_shared>> -> memref<10112x128xf32, #tpu.memory_space<vmem_shared>>
          tpu.enqueue_indirect_dma source(%arg9 : memref<128x128xf32, #tpu.memory_space<vmem>>) target(%dma_start3A_119 : memref<10112x128xf32, #tpu.memory_space<vmem_shared>>) offsets(%dma_start3A_116 : memref<128xi32, #tpu.memory_space<vmem>>) semaphore(%run_scoped3A : memref<!tpu.dma_semaphore, #tpu.memory_space<semaphore_mem>>) {add = true}
          %dma_wait3A_120 = arith.constant 0 : i32
          %dma_wait3A_121 = tpu.memref_slice %arg7[%add3A_113, %dma_wait3A_120] : memref<72x128xi32, #tpu.memory_space<vmem>> -> memref<1x128xi32, #tpu.memory_space<vmem>>
          %dma_wait3A_122 = tpu.memref_squeeze %dma_wait3A_121 : memref<1x128xi32, #tpu.memory_space<vmem>> -> memref<128xi32, #tpu.memory_space<vmem>>
          %dma_wait3A_123 = arith.constant 0 : i32
          %dma_wait3A_124 = arith.constant 0 : i32
          %dma_wait3A_125 = tpu.memref_slice %arg10[%dma_wait3A_123, %dma_wait3A_124] : memref<10112x128xf32, #tpu.memory_space<vmem_shared>> -> memref<10112x128xf32, #tpu.memory_space<vmem_shared>>
          tpu.wait_indirect_dma semaphore(%run_scoped3A : memref<!tpu.dma_semaphore, #tpu.memory_space<semaphore_mem>>) src(%arg9 : memref<128x128xf32, #tpu.memory_space<vmem>>) dst(%dma_wait3A_125 : memref<10112x128xf32, #tpu.memory_space<vmem_shared>>)
          tpu.yield
        }) : () -> ()
      }
      %while3A_78 = arith.constant 1 : i32
      scf.for %while3A_79 = %while3A_76 to %while3A_72 step %while3A_78  : i32 {
        %mul3A_80 = arith.constant 2 : i32
        %mul3A_81 = arith.muli %mul3A_80, %while3A_79 : i32
        %add3A_82 = arith.constant 0 : i32
        %add3A_83 = arith.addi %mul3A_81, %add3A_82 : i32
        %add3A_84 = arith.constant 1 : i32
        %add3A_85 = arith.addi %add3A_83, %add3A_84 : i32
        %lt3A = arith.cmpi slt, %add3A_85, %max3A_29 : i32
        %convert_element_type3A_86 = arith.extui %lt3A : i1 to i32
        %cond3A_87 = arith.constant 0 : i32
        %cond3A_88 = arith.cmpi ne, %convert_element_type3A_86, %cond3A_87 : i32
        scf.if %cond3A_88 {
          %add3A_114 = arith.constant 1 : i32
          %add3A_115 = arith.addi %add3A_83, %add3A_114 : i32
          %dma_start3A_116 = arith.constant 0 : i32
          %dma_start3A_117 = tpu.memref_slice %arg6[%add3A_115, %dma_start3A_116] : memref<40x128xi32, #tpu.memory_space<vmem>> -> memref<1x128xi32, #tpu.memory_space<vmem>>
          %dma_start3A_118 = tpu.memref_squeeze %dma_start3A_117 : memref<1x128xi32, #tpu.memory_space<vmem>> -> memref<128xi32, #tpu.memory_space<vmem>>
          %dma_start3A_119 = arith.constant 0 : i32
          %dma_start3A_120 = arith.constant 0 : i32
          %dma_start3A_121 = tpu.memref_slice %arg2[%dma_start3A_119, %dma_start3A_120] : memref<10112x128xf32, #tpu.memory_space<hbm>> -> memref<10112x128xf32, #tpu.memory_space<hbm>>
          tpu.enqueue_indirect_dma source(%dma_start3A_121 : memref<10112x128xf32, #tpu.memory_space<hbm>>) target(%arg9 : memref<128x128xf32, #tpu.memory_space<vmem>>) offsets(%dma_start3A_118 : memref<128xi32, #tpu.memory_space<vmem>>) semaphore(%arg12 : memref<!tpu.dma_semaphore, #tpu.memory_space<semaphore_mem>>)
        } else {
        }
        %dma_wait3A = arith.constant 0 : i32
        %dma_wait3A_89 = tpu.memref_slice %arg6[%add3A_83, %dma_wait3A] : memref<40x128xi32, #tpu.memory_space<vmem>> -> memref<1x128xi32, #tpu.memory_space<vmem>>
        %dma_wait3A_90 = tpu.memref_squeeze %dma_wait3A_89 : memref<1x128xi32, #tpu.memory_space<vmem>> -> memref<128xi32, #tpu.memory_space<vmem>>
        %dma_wait3A_91 = arith.constant 0 : i32
        %dma_wait3A_92 = arith.constant 0 : i32
        %dma_wait3A_93 = tpu.memref_slice %arg2[%dma_wait3A_91, %dma_wait3A_92] : memref<10112x128xf32, #tpu.memory_space<hbm>> -> memref<10112x128xf32, #tpu.memory_space<hbm>>
        tpu.wait_indirect_dma semaphore(%arg11 : memref<!tpu.dma_semaphore, #tpu.memory_space<semaphore_mem>>) src(%dma_wait3A_93 : memref<10112x128xf32, #tpu.memory_space<hbm>>) dst(%arg8 : memref<128x128xf32, #tpu.memory_space<vmem>>)
        %add3A_94 = arith.constant 0 : i32
        %add3A_95 = arith.addi %add3A_94, %add3A_83 : i32
        "tpu.region"() ({
          %run_scoped3A = tpu.sem_alloc : memref<!tpu.dma_semaphore, #tpu.memory_space<semaphore_mem>>
          %dma_start3A_114 = arith.constant 0 : i32
          %dma_start3A_115 = tpu.memref_slice %arg7[%add3A_95, %dma_start3A_114] : memref<72x128xi32, #tpu.memory_space<vmem>> -> memref<1x128xi32, #tpu.memory_space<vmem>>
          %dma_start3A_116 = tpu.memref_squeeze %dma_start3A_115 : memref<1x128xi32, #tpu.memory_space<vmem>> -> memref<128xi32, #tpu.memory_space<vmem>>
          %dma_start3A_117 = arith.constant 0 : i32
          %dma_start3A_118 = arith.constant 0 : i32
          %dma_start3A_119 = tpu.memref_slice %arg10[%dma_start3A_117, %dma_start3A_118] : memref<10112x128xf32, #tpu.memory_space<vmem_shared>> -> memref<10112x128xf32, #tpu.memory_space<vmem_shared>>
          tpu.enqueue_indirect_dma source(%arg8 : memref<128x128xf32, #tpu.memory_space<vmem>>) target(%dma_start3A_119 : memref<10112x128xf32, #tpu.memory_space<vmem_shared>>) offsets(%dma_start3A_116 : memref<128xi32, #tpu.memory_space<vmem>>) semaphore(%run_scoped3A : memref<!tpu.dma_semaphore, #tpu.memory_space<semaphore_mem>>) {add = true}
          %dma_wait3A_120 = arith.constant 0 : i32
          %dma_wait3A_121 = tpu.memref_slice %arg7[%add3A_95, %dma_wait3A_120] : memref<72x128xi32, #tpu.memory_space<vmem>> -> memref<1x128xi32, #tpu.memory_space<vmem>>
          %dma_wait3A_122 = tpu.memref_squeeze %dma_wait3A_121 : memref<1x128xi32, #tpu.memory_space<vmem>> -> memref<128xi32, #tpu.memory_space<vmem>>
          %dma_wait3A_123 = arith.constant 0 : i32
          %dma_wait3A_124 = arith.constant 0 : i32
          %dma_wait3A_125 = tpu.memref_slice %arg10[%dma_wait3A_123, %dma_wait3A_124] : memref<10112x128xf32, #tpu.memory_space<vmem_shared>> -> memref<10112x128xf32, #tpu.memory_space<vmem_shared>>
          tpu.wait_indirect_dma semaphore(%run_scoped3A : memref<!tpu.dma_semaphore, #tpu.memory_space<semaphore_mem>>) src(%arg8 : memref<128x128xf32, #tpu.memory_space<vmem>>) dst(%dma_wait3A_125 : memref<10112x128xf32, #tpu.memory_space<vmem_shared>>)
          tpu.yield
        }) : () -> ()
        %mul3A_96 = arith.constant 2 : i32
        %mul3A_97 = arith.muli %mul3A_96, %while3A_79 : i32
        %add3A_98 = arith.constant 1 : i32
        %add3A_99 = arith.addi %mul3A_97, %add3A_98 : i32
        %add3A_100 = arith.constant 1 : i32
        %add3A_101 = arith.addi %add3A_99, %add3A_100 : i32
        %lt3A_102 = arith.cmpi slt, %add3A_101, %max3A_29 : i32
        %convert_element_type3A_103 = arith.extui %lt3A_102 : i1 to i32
        %cond3A_104 = arith.constant 0 : i32
        %cond3A_105 = arith.cmpi ne, %convert_element_type3A_103, %cond3A_104 : i32
        scf.if %cond3A_105 {
          %add3A_114 = arith.constant 1 : i32
          %add3A_115 = arith.addi %add3A_99, %add3A_114 : i32
          %dma_start3A_116 = arith.constant 0 : i32
          %dma_start3A_117 = tpu.memref_slice %arg6[%add3A_115, %dma_start3A_116] : memref<40x128xi32, #tpu.memory_space<vmem>> -> memref<1x128xi32, #tpu.memory_space<vmem>>
          %dma_start3A_118 = tpu.memref_squeeze %dma_start3A_117 : memref<1x128xi32, #tpu.memory_space<vmem>> -> memref<128xi32, #tpu.memory_space<vmem>>
          %dma_start3A_119 = arith.constant 0 : i32
          %dma_start3A_120 = arith.constant 0 : i32
          %dma_start3A_121 = tpu.memref_slice %arg2[%dma_start3A_119, %dma_start3A_120] : memref<10112x128xf32, #tpu.memory_space<hbm>> -> memref<10112x128xf32, #tpu.memory_space<hbm>>
          tpu.enqueue_indirect_dma source(%dma_start3A_121 : memref<10112x128xf32, #tpu.memory_space<hbm>>) target(%arg8 : memref<128x128xf32, #tpu.memory_space<vmem>>) offsets(%dma_start3A_118 : memref<128xi32, #tpu.memory_space<vmem>>) semaphore(%arg11 : memref<!tpu.dma_semaphore, #tpu.memory_space<semaphore_mem>>)
        } else {
        }
        %dma_wait3A_106 = arith.constant 0 : i32
        %dma_wait3A_107 = tpu.memref_slice %arg6[%add3A_99, %dma_wait3A_106] : memref<40x128xi32, #tpu.memory_space<vmem>> -> memref<1x128xi32, #tpu.memory_space<vmem>>
        %dma_wait3A_108 = tpu.memref_squeeze %dma_wait3A_107 : memref<1x128xi32, #tpu.memory_space<vmem>> -> memref<128xi32, #tpu.memory_space<vmem>>
        %dma_wait3A_109 = arith.constant 0 : i32
        %dma_wait3A_110 = arith.constant 0 : i32
        %dma_wait3A_111 = tpu.memref_slice %arg2[%dma_wait3A_109, %dma_wait3A_110] : memref<10112x128xf32, #tpu.memory_space<hbm>> -> memref<10112x128xf32, #tpu.memory_space<hbm>>
        tpu.wait_indirect_dma semaphore(%arg12 : memref<!tpu.dma_semaphore, #tpu.memory_space<semaphore_mem>>) src(%dma_wait3A_111 : memref<10112x128xf32, #tpu.memory_space<hbm>>) dst(%arg9 : memref<128x128xf32, #tpu.memory_space<vmem>>)
        %add3A_112 = arith.constant 0 : i32
        %add3A_113 = arith.addi %add3A_112, %add3A_99 : i32
        "tpu.region"() ({
          %run_scoped3A = tpu.sem_alloc : memref<!tpu.dma_semaphore, #tpu.memory_space<semaphore_mem>>
          %dma_start3A_114 = arith.constant 0 : i32
          %dma_start3A_115 = tpu.memref_slice %arg7[%add3A_113, %dma_start3A_114] : memref<72x128xi32, #tpu.memory_space<vmem>> -> memref<1x128xi32, #tpu.memory_space<vmem>>
          %dma_start3A_116 = tpu.memref_squeeze %dma_start3A_115 : memref<1x128xi32, #tpu.memory_space<vmem>> -> memref<128xi32, #tpu.memory_space<vmem>>
          %dma_start3A_117 = arith.constant 0 : i32
          %dma_start3A_118 = arith.constant 0 : i32
          %dma_start3A_119 = tpu.memref_slice %arg10[%dma_start3A_117, %dma_start3A_118] : memref<10112x128xf32, #tpu.memory_space<vmem_shared>> -> memref<10112x128xf32, #tpu.memory_space<vmem_shared>>
          tpu.enqueue_indirect_dma source(%arg9 : memref<128x128xf32, #tpu.memory_space<vmem>>) target(%dma_start3A_119 : memref<10112x128xf32, #tpu.memory_space<vmem_shared>>) offsets(%dma_start3A_116 : memref<128xi32, #tpu.memory_space<vmem>>) semaphore(%run_scoped3A : memref<!tpu.dma_semaphore, #tpu.memory_space<semaphore_mem>>) {add = true}
          %dma_wait3A_120 = arith.constant 0 : i32
          %dma_wait3A_121 = tpu.memref_slice %arg7[%add3A_113, %dma_wait3A_120] : memref<72x128xi32, #tpu.memory_space<vmem>> -> memref<1x128xi32, #tpu.memory_space<vmem>>
          %dma_wait3A_122 = tpu.memref_squeeze %dma_wait3A_121 : memref<1x128xi32, #tpu.memory_space<vmem>> -> memref<128xi32, #tpu.memory_space<vmem>>
          %dma_wait3A_123 = arith.constant 0 : i32
          %dma_wait3A_124 = arith.constant 0 : i32
          %dma_wait3A_125 = tpu.memref_slice %arg10[%dma_wait3A_123, %dma_wait3A_124] : memref<10112x128xf32, #tpu.memory_space<vmem_shared>> -> memref<10112x128xf32, #tpu.memory_space<vmem_shared>>
          tpu.wait_indirect_dma semaphore(%run_scoped3A : memref<!tpu.dma_semaphore, #tpu.memory_space<semaphore_mem>>) src(%arg9 : memref<128x128xf32, #tpu.memory_space<vmem>>) dst(%dma_wait3A_125 : memref<10112x128xf32, #tpu.memory_space<vmem_shared>>)
          tpu.yield
        }) : () -> ()
      }
    } else {
    }
    %sub3A_32 = arith.constant 40 : i32
    %sub3A_33 = arith.subi %select_n3A_2, %sub3A_32 : i32
    %min3A_34 = arith.constant 40 : i32
    %min3A_35 = arith.minsi %min3A_34, %sub3A_33 : i32
    %max3A_36 = arith.constant 0 : i32
    %max3A_37 = arith.maxsi %max3A_36, %min3A_35 : i32
    %gt3A_38 = arith.constant 0 : i32
    %gt3A_39 = arith.cmpi sgt, %max3A_37, %gt3A_38 : i32
    %convert_element_type3A_40 = arith.extui %gt3A_39 : i1 to i32
    %cond3A_41 = arith.constant 0 : i32
    %cond3A_42 = arith.cmpi ne, %convert_element_type3A_40, %cond3A_41 : i32
    scf.if %cond3A_42 {
      %add3A_44 = arith.constant 40 : i32
      %add3A_45 = arith.addi %select_n3A_26, %add3A_44 : i32
      "tpu.region"() ({
        %run_scoped3A = tpu.sem_alloc : memref<!tpu.dma_semaphore, #tpu.memory_space<semaphore_mem>>
        %dma_start3A_79 = arith.constant 0 : i32
        %dma_start3A_80 = tpu.memref_slice %arg3[%add3A_45, %dma_start3A_79] : memref<1344x128xi32, #tpu.memory_space<hbm>> -> memref<40x128xi32, #tpu.memory_space<hbm>>
        %dma_start3A_81 = arith.constant 0 : i32
        %dma_start3A_82 = tpu.memref_slice %arg3[%add3A_45, %dma_start3A_81] : memref<1344x128xi32, #tpu.memory_space<hbm>> -> memref<40x128xi32, #tpu.memory_space<hbm>>
        tpu.enqueue_dma source(%dma_start3A_82 : memref<40x128xi32, #tpu.memory_space<hbm>>) target(%arg6 : memref<40x128xi32, #tpu.memory_space<vmem>>) target_semaphore(%run_scoped3A : memref<!tpu.dma_semaphore, #tpu.memory_space<semaphore_mem>>)
        %dma_wait3A = arith.constant 0 : i32
        %dma_wait3A_83 = tpu.memref_slice %arg3[%add3A_45, %dma_wait3A] : memref<1344x128xi32, #tpu.memory_space<hbm>> -> memref<40x128xi32, #tpu.memory_space<hbm>>
        %dma_wait3A_84 = arith.constant 0 : i32
        %dma_wait3A_85 = tpu.memref_slice %arg3[%add3A_45, %dma_wait3A_84] : memref<1344x128xi32, #tpu.memory_space<hbm>> -> memref<40x128xi32, #tpu.memory_space<hbm>>
        tpu.wait_dma2 semaphore(%run_scoped3A : memref<!tpu.dma_semaphore, #tpu.memory_space<semaphore_mem>>) src(%dma_wait3A_85 : memref<40x128xi32, #tpu.memory_space<hbm>>) dst(%arg6 : memref<40x128xi32, #tpu.memory_space<vmem>>)
        tpu.yield
      }) : () -> ()
      %dma_start3A = arith.constant 0 : i32
      %dma_start3A_46 = arith.constant 0 : i32
      %dma_start3A_47 = tpu.memref_slice %arg6[%dma_start3A, %dma_start3A_46] : memref<40x128xi32, #tpu.memory_space<vmem>> -> memref<1x128xi32, #tpu.memory_space<vmem>>
      %dma_start3A_48 = tpu.memref_squeeze %dma_start3A_47 : memref<1x128xi32, #tpu.memory_space<vmem>> -> memref<128xi32, #tpu.memory_space<vmem>>
      %dma_start3A_49 = arith.constant 0 : i32
      %dma_start3A_50 = arith.constant 0 : i32
      %dma_start3A_51 = tpu.memref_slice %arg2[%dma_start3A_49, %dma_start3A_50] : memref<10112x128xf32, #tpu.memory_space<hbm>> -> memref<10112x128xf32, #tpu.memory_space<hbm>>
      tpu.enqueue_indirect_dma source(%dma_start3A_51 : memref<10112x128xf32, #tpu.memory_space<hbm>>) target(%arg8 : memref<128x128xf32, #tpu.memory_space<vmem>>) offsets(%dma_start3A_48 : memref<128xi32, #tpu.memory_space<vmem>>) semaphore(%arg11 : memref<!tpu.dma_semaphore, #tpu.memory_space<semaphore_mem>>)
      %jit3A = arith.constant 2 : i32
      %div3A = arith.divsi %max3A_37, %jit3A : i32
      %sign3A = arith.constant 0 : i32
      %sign3A_52 = arith.cmpi sgt, %max3A_37, %sign3A : i32
      %sign3A_53 = arith.extui %sign3A_52 : i1 to i32
      %sign3A_54 = arith.constant 0 : i32
      %sign3A_55 = arith.cmpi slt, %max3A_37, %sign3A_54 : i32
      %sign3A_56 = arith.extui %sign3A_55 : i1 to i32
      %sign3A_57 = arith.subi %sign3A_53, %sign3A_56 : i32
      %sign3A_58 = arith.constant 0 : i32
      %sign3A_59 = arith.cmpi sgt, %jit3A, %sign3A_58 : i32
      %sign3A_60 = arith.extui %sign3A_59 : i1 to i32
      %sign3A_61 = arith.constant 0 : i32
      %sign3A_62 = arith.cmpi slt, %jit3A, %sign3A_61 : i32
      %sign3A_63 = arith.extui %sign3A_62 : i1 to i32
      %sign3A_64 = arith.subi %sign3A_60, %sign3A_63 : i32
      %ne3A = arith.cmpi ne, %sign3A_57, %sign3A_64 : i32
      %rem3A = arith.remsi %max3A_37, %jit3A : i32
      %ne3A_65 = arith.constant 0 : i32
      %ne3A_66 = arith.cmpi ne, %rem3A, %ne3A_65 : i32
      %and3A = arith.andi %ne3A, %ne3A_66 : i1
      %sub3A_67 = arith.constant 1 : i32
      %sub3A_68 = arith.subi %div3A, %sub3A_67 : i32
      %select_n3A_69 = arith.select %and3A, %sub3A_68, %div3A : i32
      %while3A = arith.constant 0 : i32
      %while3A_70 = arith.constant 0 : i32
      %while3A_71 = arith.subi %select_n3A_69, %while3A_70 : i32
      %while3A_72 = arith.addi %while3A_70, %while3A_71 : i32
      %while3A_73 = arith.constant 1 : i32
      %while3A_74 = arith.divsi %while3A_71, %while3A_73 : i32
      %while3A_75 = arith.muli %while3A_74, %while3A_73 : i32
      %while3A_76 = arith.addi %while3A_70, %while3A_75 : i32
      %while3A_77 = arith.constant 1 : i32
      scf.for %while3A_79 = %while3A_70 to %while3A_76 step %while3A_77  : i32 {
        %mul3A_80 = arith.constant 2 : i32
        %mul3A_81 = arith.muli %mul3A_80, %while3A_79 : i32
        %add3A_82 = arith.constant 0 : i32
        %add3A_83 = arith.addi %mul3A_81, %add3A_82 : i32
        %add3A_84 = arith.constant 1 : i32
        %add3A_85 = arith.addi %add3A_83, %add3A_84 : i32
        %lt3A = arith.cmpi slt, %add3A_85, %max3A_37 : i32
        %convert_element_type3A_86 = arith.extui %lt3A : i1 to i32
        %cond3A_87 = arith.constant 0 : i32
        %cond3A_88 = arith.cmpi ne, %convert_element_type3A_86, %cond3A_87 : i32
        scf.if %cond3A_88 {
          %add3A_114 = arith.constant 1 : i32
          %add3A_115 = arith.addi %add3A_83, %add3A_114 : i32
          %dma_start3A_116 = arith.constant 0 : i32
          %dma_start3A_117 = tpu.memref_slice %arg6[%add3A_115, %dma_start3A_116] : memref<40x128xi32, #tpu.memory_space<vmem>> -> memref<1x128xi32, #tpu.memory_space<vmem>>
          %dma_start3A_118 = tpu.memref_squeeze %dma_start3A_117 : memref<1x128xi32, #tpu.memory_space<vmem>> -> memref<128xi32, #tpu.memory_space<vmem>>
          %dma_start3A_119 = arith.constant 0 : i32
          %dma_start3A_120 = arith.constant 0 : i32
          %dma_start3A_121 = tpu.memref_slice %arg2[%dma_start3A_119, %dma_start3A_120] : memref<10112x128xf32, #tpu.memory_space<hbm>> -> memref<10112x128xf32, #tpu.memory_space<hbm>>
          tpu.enqueue_indirect_dma source(%dma_start3A_121 : memref<10112x128xf32, #tpu.memory_space<hbm>>) target(%arg9 : memref<128x128xf32, #tpu.memory_space<vmem>>) offsets(%dma_start3A_118 : memref<128xi32, #tpu.memory_space<vmem>>) semaphore(%arg12 : memref<!tpu.dma_semaphore, #tpu.memory_space<semaphore_mem>>)
        } else {
        }
        %dma_wait3A = arith.constant 0 : i32
        %dma_wait3A_89 = tpu.memref_slice %arg6[%add3A_83, %dma_wait3A] : memref<40x128xi32, #tpu.memory_space<vmem>> -> memref<1x128xi32, #tpu.memory_space<vmem>>
        %dma_wait3A_90 = tpu.memref_squeeze %dma_wait3A_89 : memref<1x128xi32, #tpu.memory_space<vmem>> -> memref<128xi32, #tpu.memory_space<vmem>>
        %dma_wait3A_91 = arith.constant 0 : i32
        %dma_wait3A_92 = arith.constant 0 : i32
        %dma_wait3A_93 = tpu.memref_slice %arg2[%dma_wait3A_91, %dma_wait3A_92] : memref<10112x128xf32, #tpu.memory_space<hbm>> -> memref<10112x128xf32, #tpu.memory_space<hbm>>
        tpu.wait_indirect_dma semaphore(%arg11 : memref<!tpu.dma_semaphore, #tpu.memory_space<semaphore_mem>>) src(%dma_wait3A_93 : memref<10112x128xf32, #tpu.memory_space<hbm>>) dst(%arg8 : memref<128x128xf32, #tpu.memory_space<vmem>>)
        %add3A_94 = arith.constant 40 : i32
        %add3A_95 = arith.addi %add3A_94, %add3A_83 : i32
        "tpu.region"() ({
          %run_scoped3A = tpu.sem_alloc : memref<!tpu.dma_semaphore, #tpu.memory_space<semaphore_mem>>
          %dma_start3A_114 = arith.constant 0 : i32
          %dma_start3A_115 = tpu.memref_slice %arg7[%add3A_95, %dma_start3A_114] : memref<72x128xi32, #tpu.memory_space<vmem>> -> memref<1x128xi32, #tpu.memory_space<vmem>>
          %dma_start3A_116 = tpu.memref_squeeze %dma_start3A_115 : memref<1x128xi32, #tpu.memory_space<vmem>> -> memref<128xi32, #tpu.memory_space<vmem>>
          %dma_start3A_117 = arith.constant 0 : i32
          %dma_start3A_118 = arith.constant 0 : i32
          %dma_start3A_119 = tpu.memref_slice %arg10[%dma_start3A_117, %dma_start3A_118] : memref<10112x128xf32, #tpu.memory_space<vmem_shared>> -> memref<10112x128xf32, #tpu.memory_space<vmem_shared>>
          tpu.enqueue_indirect_dma source(%arg8 : memref<128x128xf32, #tpu.memory_space<vmem>>) target(%dma_start3A_119 : memref<10112x128xf32, #tpu.memory_space<vmem_shared>>) offsets(%dma_start3A_116 : memref<128xi32, #tpu.memory_space<vmem>>) semaphore(%run_scoped3A : memref<!tpu.dma_semaphore, #tpu.memory_space<semaphore_mem>>) {add = true}
          %dma_wait3A_120 = arith.constant 0 : i32
          %dma_wait3A_121 = tpu.memref_slice %arg7[%add3A_95, %dma_wait3A_120] : memref<72x128xi32, #tpu.memory_space<vmem>> -> memref<1x128xi32, #tpu.memory_space<vmem>>
          %dma_wait3A_122 = tpu.memref_squeeze %dma_wait3A_121 : memref<1x128xi32, #tpu.memory_space<vmem>> -> memref<128xi32, #tpu.memory_space<vmem>>
          %dma_wait3A_123 = arith.constant 0 : i32
          %dma_wait3A_124 = arith.constant 0 : i32
          %dma_wait3A_125 = tpu.memref_slice %arg10[%dma_wait3A_123, %dma_wait3A_124] : memref<10112x128xf32, #tpu.memory_space<vmem_shared>> -> memref<10112x128xf32, #tpu.memory_space<vmem_shared>>
          tpu.wait_indirect_dma semaphore(%run_scoped3A : memref<!tpu.dma_semaphore, #tpu.memory_space<semaphore_mem>>) src(%arg8 : memref<128x128xf32, #tpu.memory_space<vmem>>) dst(%dma_wait3A_125 : memref<10112x128xf32, #tpu.memory_space<vmem_shared>>)
          tpu.yield
        }) : () -> ()
        %mul3A_96 = arith.constant 2 : i32
        %mul3A_97 = arith.muli %mul3A_96, %while3A_79 : i32
        %add3A_98 = arith.constant 1 : i32
        %add3A_99 = arith.addi %mul3A_97, %add3A_98 : i32
        %add3A_100 = arith.constant 1 : i32
        %add3A_101 = arith.addi %add3A_99, %add3A_100 : i32
        %lt3A_102 = arith.cmpi slt, %add3A_101, %max3A_37 : i32
        %convert_element_type3A_103 = arith.extui %lt3A_102 : i1 to i32
        %cond3A_104 = arith.constant 0 : i32
        %cond3A_105 = arith.cmpi ne, %convert_element_type3A_103, %cond3A_104 : i32
        scf.if %cond3A_105 {
          %add3A_114 = arith.constant 1 : i32
          %add3A_115 = arith.addi %add3A_99, %add3A_114 : i32
          %dma_start3A_116 = arith.constant 0 : i32
          %dma_start3A_117 = tpu.memref_slice %arg6[%add3A_115, %dma_start3A_116] : memref<40x128xi32, #tpu.memory_space<vmem>> -> memref<1x128xi32, #tpu.memory_space<vmem>>
          %dma_start3A_118 = tpu.memref_squeeze %dma_start3A_117 : memref<1x128xi32, #tpu.memory_space<vmem>> -> memref<128xi32, #tpu.memory_space<vmem>>
          %dma_start3A_119 = arith.constant 0 : i32
          %dma_start3A_120 = arith.constant 0 : i32
          %dma_start3A_121 = tpu.memref_slice %arg2[%dma_start3A_119, %dma_start3A_120] : memref<10112x128xf32, #tpu.memory_space<hbm>> -> memref<10112x128xf32, #tpu.memory_space<hbm>>
          tpu.enqueue_indirect_dma source(%dma_start3A_121 : memref<10112x128xf32, #tpu.memory_space<hbm>>) target(%arg8 : memref<128x128xf32, #tpu.memory_space<vmem>>) offsets(%dma_start3A_118 : memref<128xi32, #tpu.memory_space<vmem>>) semaphore(%arg11 : memref<!tpu.dma_semaphore, #tpu.memory_space<semaphore_mem>>)
        } else {
        }
        %dma_wait3A_106 = arith.constant 0 : i32
        %dma_wait3A_107 = tpu.memref_slice %arg6[%add3A_99, %dma_wait3A_106] : memref<40x128xi32, #tpu.memory_space<vmem>> -> memref<1x128xi32, #tpu.memory_space<vmem>>
        %dma_wait3A_108 = tpu.memref_squeeze %dma_wait3A_107 : memref<1x128xi32, #tpu.memory_space<vmem>> -> memref<128xi32, #tpu.memory_space<vmem>>
        %dma_wait3A_109 = arith.constant 0 : i32
        %dma_wait3A_110 = arith.constant 0 : i32
        %dma_wait3A_111 = tpu.memref_slice %arg2[%dma_wait3A_109, %dma_wait3A_110] : memref<10112x128xf32, #tpu.memory_space<hbm>> -> memref<10112x128xf32, #tpu.memory_space<hbm>>
        tpu.wait_indirect_dma semaphore(%arg12 : memref<!tpu.dma_semaphore, #tpu.memory_space<semaphore_mem>>) src(%dma_wait3A_111 : memref<10112x128xf32, #tpu.memory_space<hbm>>) dst(%arg9 : memref<128x128xf32, #tpu.memory_space<vmem>>)
        %add3A_112 = arith.constant 40 : i32
        %add3A_113 = arith.addi %add3A_112, %add3A_99 : i32
        "tpu.region"() ({
          %run_scoped3A = tpu.sem_alloc : memref<!tpu.dma_semaphore, #tpu.memory_space<semaphore_mem>>
          %dma_start3A_114 = arith.constant 0 : i32
          %dma_start3A_115 = tpu.memref_slice %arg7[%add3A_113, %dma_start3A_114] : memref<72x128xi32, #tpu.memory_space<vmem>> -> memref<1x128xi32, #tpu.memory_space<vmem>>
          %dma_start3A_116 = tpu.memref_squeeze %dma_start3A_115 : memref<1x128xi32, #tpu.memory_space<vmem>> -> memref<128xi32, #tpu.memory_space<vmem>>
          %dma_start3A_117 = arith.constant 0 : i32
          %dma_start3A_118 = arith.constant 0 : i32
          %dma_start3A_119 = tpu.memref_slice %arg10[%dma_start3A_117, %dma_start3A_118] : memref<10112x128xf32, #tpu.memory_space<vmem_shared>> -> memref<10112x128xf32, #tpu.memory_space<vmem_shared>>
          tpu.enqueue_indirect_dma source(%arg9 : memref<128x128xf32, #tpu.memory_space<vmem>>) target(%dma_start3A_119 : memref<10112x128xf32, #tpu.memory_space<vmem_shared>>) offsets(%dma_start3A_116 : memref<128xi32, #tpu.memory_space<vmem>>) semaphore(%run_scoped3A : memref<!tpu.dma_semaphore, #tpu.memory_space<semaphore_mem>>) {add = true}
          %dma_wait3A_120 = arith.constant 0 : i32
          %dma_wait3A_121 = tpu.memref_slice %arg7[%add3A_113, %dma_wait3A_120] : memref<72x128xi32, #tpu.memory_space<vmem>> -> memref<1x128xi32, #tpu.memory_space<vmem>>
          %dma_wait3A_122 = tpu.memref_squeeze %dma_wait3A_121 : memref<1x128xi32, #tpu.memory_space<vmem>> -> memref<128xi32, #tpu.memory_space<vmem>>
          %dma_wait3A_123 = arith.constant 0 : i32
          %dma_wait3A_124 = arith.constant 0 : i32
          %dma_wait3A_125 = tpu.memref_slice %arg10[%dma_wait3A_123, %dma_wait3A_124] : memref<10112x128xf32, #tpu.memory_space<vmem_shared>> -> memref<10112x128xf32, #tpu.memory_space<vmem_shared>>
          tpu.wait_indirect_dma semaphore(%run_scoped3A : memref<!tpu.dma_semaphore, #tpu.memory_space<semaphore_mem>>) src(%arg9 : memref<128x128xf32, #tpu.memory_space<vmem>>) dst(%dma_wait3A_125 : memref<10112x128xf32, #tpu.memory_space<vmem_shared>>)
          tpu.yield
        }) : () -> ()
      }
      %while3A_78 = arith.constant 1 : i32
      scf.for %while3A_79 = %while3A_76 to %while3A_72 step %while3A_78  : i32 {
        %mul3A_80 = arith.constant 2 : i32
        %mul3A_81 = arith.muli %mul3A_80, %while3A_79 : i32
        %add3A_82 = arith.constant 0 : i32
        %add3A_83 = arith.addi %mul3A_81, %add3A_82 : i32
        %add3A_84 = arith.constant 1 : i32
        %add3A_85 = arith.addi %add3A_83, %add3A_84 : i32
        %lt3A = arith.cmpi slt, %add3A_85, %max3A_37 : i32
        %convert_element_type3A_86 = arith.extui %lt3A : i1 to i32
        %cond3A_87 = arith.constant 0 : i32
        %cond3A_88 = arith.cmpi ne, %convert_element_type3A_86, %cond3A_87 : i32
        scf.if %cond3A_88 {
          %add3A_114 = arith.constant 1 : i32
          %add3A_115 = arith.addi %add3A_83, %add3A_114 : i32
          %dma_start3A_116 = arith.constant 0 : i32
          %dma_start3A_117 = tpu.memref_slice %arg6[%add3A_115, %dma_start3A_116] : memref<40x128xi32, #tpu.memory_space<vmem>> -> memref<1x128xi32, #tpu.memory_space<vmem>>
          %dma_start3A_118 = tpu.memref_squeeze %dma_start3A_117 : memref<1x128xi32, #tpu.memory_space<vmem>> -> memref<128xi32, #tpu.memory_space<vmem>>
          %dma_start3A_119 = arith.constant 0 : i32
          %dma_start3A_120 = arith.constant 0 : i32
          %dma_start3A_121 = tpu.memref_slice %arg2[%dma_start3A_119, %dma_start3A_120] : memref<10112x128xf32, #tpu.memory_space<hbm>> -> memref<10112x128xf32, #tpu.memory_space<hbm>>
          tpu.enqueue_indirect_dma source(%dma_start3A_121 : memref<10112x128xf32, #tpu.memory_space<hbm>>) target(%arg9 : memref<128x128xf32, #tpu.memory_space<vmem>>) offsets(%dma_start3A_118 : memref<128xi32, #tpu.memory_space<vmem>>) semaphore(%arg12 : memref<!tpu.dma_semaphore, #tpu.memory_space<semaphore_mem>>)
        } else {
        }
        %dma_wait3A = arith.constant 0 : i32
        %dma_wait3A_89 = tpu.memref_slice %arg6[%add3A_83, %dma_wait3A] : memref<40x128xi32, #tpu.memory_space<vmem>> -> memref<1x128xi32, #tpu.memory_space<vmem>>
        %dma_wait3A_90 = tpu.memref_squeeze %dma_wait3A_89 : memref<1x128xi32, #tpu.memory_space<vmem>> -> memref<128xi32, #tpu.memory_space<vmem>>
        %dma_wait3A_91 = arith.constant 0 : i32
        %dma_wait3A_92 = arith.constant 0 : i32
        %dma_wait3A_93 = tpu.memref_slice %arg2[%dma_wait3A_91, %dma_wait3A_92] : memref<10112x128xf32, #tpu.memory_space<hbm>> -> memref<10112x128xf32, #tpu.memory_space<hbm>>
        tpu.wait_indirect_dma semaphore(%arg11 : memref<!tpu.dma_semaphore, #tpu.memory_space<semaphore_mem>>) src(%dma_wait3A_93 : memref<10112x128xf32, #tpu.memory_space<hbm>>) dst(%arg8 : memref<128x128xf32, #tpu.memory_space<vmem>>)
        %add3A_94 = arith.constant 40 : i32
        %add3A_95 = arith.addi %add3A_94, %add3A_83 : i32
        "tpu.region"() ({
          %run_scoped3A = tpu.sem_alloc : memref<!tpu.dma_semaphore, #tpu.memory_space<semaphore_mem>>
          %dma_start3A_114 = arith.constant 0 : i32
          %dma_start3A_115 = tpu.memref_slice %arg7[%add3A_95, %dma_start3A_114] : memref<72x128xi32, #tpu.memory_space<vmem>> -> memref<1x128xi32, #tpu.memory_space<vmem>>
          %dma_start3A_116 = tpu.memref_squeeze %dma_start3A_115 : memref<1x128xi32, #tpu.memory_space<vmem>> -> memref<128xi32, #tpu.memory_space<vmem>>
          %dma_start3A_117 = arith.constant 0 : i32
          %dma_start3A_118 = arith.constant 0 : i32
          %dma_start3A_119 = tpu.memref_slice %arg10[%dma_start3A_117, %dma_start3A_118] : memref<10112x128xf32, #tpu.memory_space<vmem_shared>> -> memref<10112x128xf32, #tpu.memory_space<vmem_shared>>
          tpu.enqueue_indirect_dma source(%arg8 : memref<128x128xf32, #tpu.memory_space<vmem>>) target(%dma_start3A_119 : memref<10112x128xf32, #tpu.memory_space<vmem_shared>>) offsets(%dma_start3A_116 : memref<128xi32, #tpu.memory_space<vmem>>) semaphore(%run_scoped3A : memref<!tpu.dma_semaphore, #tpu.memory_space<semaphore_mem>>) {add = true}
          %dma_wait3A_120 = arith.constant 0 : i32
          %dma_wait3A_121 = tpu.memref_slice %arg7[%add3A_95, %dma_wait3A_120] : memref<72x128xi32, #tpu.memory_space<vmem>> -> memref<1x128xi32, #tpu.memory_space<vmem>>
          %dma_wait3A_122 = tpu.memref_squeeze %dma_wait3A_121 : memref<1x128xi32, #tpu.memory_space<vmem>> -> memref<128xi32, #tpu.memory_space<vmem>>
          %dma_wait3A_123 = arith.constant 0 : i32
          %dma_wait3A_124 = arith.constant 0 : i32
          %dma_wait3A_125 = tpu.memref_slice %arg10[%dma_wait3A_123, %dma_wait3A_124] : memref<10112x128xf32, #tpu.memory_space<vmem_shared>> -> memref<10112x128xf32, #tpu.memory_space<vmem_shared>>
          tpu.wait_indirect_dma semaphore(%run_scoped3A : memref<!tpu.dma_semaphore, #tpu.memory_space<semaphore_mem>>) src(%arg8 : memref<128x128xf32, #tpu.memory_space<vmem>>) dst(%dma_wait3A_125 : memref<10112x128xf32, #tpu.memory_space<vmem_shared>>)
          tpu.yield
        }) : () -> ()
        %mul3A_96 = arith.constant 2 : i32
        %mul3A_97 = arith.muli %mul3A_96, %while3A_79 : i32
        %add3A_98 = arith.constant 1 : i32
        %add3A_99 = arith.addi %mul3A_97, %add3A_98 : i32
        %add3A_100 = arith.constant 1 : i32
        %add3A_101 = arith.addi %add3A_99, %add3A_100 : i32
        %lt3A_102 = arith.cmpi slt, %add3A_101, %max3A_37 : i32
        %convert_element_type3A_103 = arith.extui %lt3A_102 : i1 to i32
        %cond3A_104 = arith.constant 0 : i32
        %cond3A_105 = arith.cmpi ne, %convert_element_type3A_103, %cond3A_104 : i32
        scf.if %cond3A_105 {
          %add3A_114 = arith.constant 1 : i32
          %add3A_115 = arith.addi %add3A_99, %add3A_114 : i32
          %dma_start3A_116 = arith.constant 0 : i32
          %dma_start3A_117 = tpu.memref_slice %arg6[%add3A_115, %dma_start3A_116] : memref<40x128xi32, #tpu.memory_space<vmem>> -> memref<1x128xi32, #tpu.memory_space<vmem>>
          %dma_start3A_118 = tpu.memref_squeeze %dma_start3A_117 : memref<1x128xi32, #tpu.memory_space<vmem>> -> memref<128xi32, #tpu.memory_space<vmem>>
          %dma_start3A_119 = arith.constant 0 : i32
          %dma_start3A_120 = arith.constant 0 : i32
          %dma_start3A_121 = tpu.memref_slice %arg2[%dma_start3A_119, %dma_start3A_120] : memref<10112x128xf32, #tpu.memory_space<hbm>> -> memref<10112x128xf32, #tpu.memory_space<hbm>>
          tpu.enqueue_indirect_dma source(%dma_start3A_121 : memref<10112x128xf32, #tpu.memory_space<hbm>>) target(%arg8 : memref<128x128xf32, #tpu.memory_space<vmem>>) offsets(%dma_start3A_118 : memref<128xi32, #tpu.memory_space<vmem>>) semaphore(%arg11 : memref<!tpu.dma_semaphore, #tpu.memory_space<semaphore_mem>>)
        } else {
        }
        %dma_wait3A_106 = arith.constant 0 : i32
        %dma_wait3A_107 = tpu.memref_slice %arg6[%add3A_99, %dma_wait3A_106] : memref<40x128xi32, #tpu.memory_space<vmem>> -> memref<1x128xi32, #tpu.memory_space<vmem>>
        %dma_wait3A_108 = tpu.memref_squeeze %dma_wait3A_107 : memref<1x128xi32, #tpu.memory_space<vmem>> -> memref<128xi32, #tpu.memory_space<vmem>>
        %dma_wait3A_109 = arith.constant 0 : i32
        %dma_wait3A_110 = arith.constant 0 : i32
        %dma_wait3A_111 = tpu.memref_slice %arg2[%dma_wait3A_109, %dma_wait3A_110] : memref<10112x128xf32, #tpu.memory_space<hbm>> -> memref<10112x128xf32, #tpu.memory_space<hbm>>
        tpu.wait_indirect_dma semaphore(%arg12 : memref<!tpu.dma_semaphore, #tpu.memory_space<semaphore_mem>>) src(%dma_wait3A_111 : memref<10112x128xf32, #tpu.memory_space<hbm>>) dst(%arg9 : memref<128x128xf32, #tpu.memory_space<vmem>>)
        %add3A_112 = arith.constant 40 : i32
        %add3A_113 = arith.addi %add3A_112, %add3A_99 : i32
        "tpu.region"() ({
          %run_scoped3A = tpu.sem_alloc : memref<!tpu.dma_semaphore, #tpu.memory_space<semaphore_mem>>
          %dma_start3A_114 = arith.constant 0 : i32
          %dma_start3A_115 = tpu.memref_slice %arg7[%add3A_113, %dma_start3A_114] : memref<72x128xi32, #tpu.memory_space<vmem>> -> memref<1x128xi32, #tpu.memory_space<vmem>>
          %dma_start3A_116 = tpu.memref_squeeze %dma_start3A_115 : memref<1x128xi32, #tpu.memory_space<vmem>> -> memref<128xi32, #tpu.memory_space<vmem>>
          %dma_start3A_117 = arith.constant 0 : i32
          %dma_start3A_118 = arith.constant 0 : i32
          %dma_start3A_119 = tpu.memref_slice %arg10[%dma_start3A_117, %dma_start3A_118] : memref<10112x128xf32, #tpu.memory_space<vmem_shared>> -> memref<10112x128xf32, #tpu.memory_space<vmem_shared>>
          tpu.enqueue_indirect_dma source(%arg9 : memref<128x128xf32, #tpu.memory_space<vmem>>) target(%dma_start3A_119 : memref<10112x128xf32, #tpu.memory_space<vmem_shared>>) offsets(%dma_start3A_116 : memref<128xi32, #tpu.memory_space<vmem>>) semaphore(%run_scoped3A : memref<!tpu.dma_semaphore, #tpu.memory_space<semaphore_mem>>) {add = true}
          %dma_wait3A_120 = arith.constant 0 : i32
          %dma_wait3A_121 = tpu.memref_slice %arg7[%add3A_113, %dma_wait3A_120] : memref<72x128xi32, #tpu.memory_space<vmem>> -> memref<1x128xi32, #tpu.memory_space<vmem>>
          %dma_wait3A_122 = tpu.memref_squeeze %dma_wait3A_121 : memref<1x128xi32, #tpu.memory_space<vmem>> -> memref<128xi32, #tpu.memory_space<vmem>>
          %dma_wait3A_123 = arith.constant 0 : i32
          %dma_wait3A_124 = arith.constant 0 : i32
          %dma_wait3A_125 = tpu.memref_slice %arg10[%dma_wait3A_123, %dma_wait3A_124] : memref<10112x128xf32, #tpu.memory_space<vmem_shared>> -> memref<10112x128xf32, #tpu.memory_space<vmem_shared>>
          tpu.wait_indirect_dma semaphore(%run_scoped3A : memref<!tpu.dma_semaphore, #tpu.memory_space<semaphore_mem>>) src(%arg9 : memref<128x128xf32, #tpu.memory_space<vmem>>) dst(%dma_wait3A_125 : memref<10112x128xf32, #tpu.memory_space<vmem_shared>>)
          tpu.yield
        }) : () -> ()
      }
    } else {
    }
    %barrier3A_43 = arith.constant 0 : index
    tpu.barrier barrier_id(%barrier3A_43)
    "tpu.region"() ({
      %run_scoped3A = tpu.sem_alloc : memref<!tpu.dma_semaphore, #tpu.memory_space<semaphore_mem>>
      %dma_start3A = arith.constant 0 : i32
      %dma_start3A_44 = tpu.memref_slice %arg5[%arg0, %mul3A_3, %dma_start3A] : memref<2x10112x128xf32, #tpu.memory_space<hbm>> -> memref<1x632x128xf32, #tpu.memory_space<hbm>>
      %dma_start3A_45 = tpu.memref_squeeze %dma_start3A_44 : memref<1x632x128xf32, #tpu.memory_space<hbm>> -> memref<632x128xf32, #tpu.memory_space<hbm>>
      %dma_start3A_46 = arith.constant 0 : i32
      %dma_start3A_47 = tpu.memref_slice %arg10[%mul3A_3, %dma_start3A_46] : memref<10112x128xf32, #tpu.memory_space<vmem_shared>> -> memref<632x128xf32, #tpu.memory_space<vmem_shared>>
      tpu.enqueue_dma source(%dma_start3A_47 : memref<632x128xf32, #tpu.memory_space<vmem_shared>>) target(%dma_start3A_45 : memref<632x128xf32, #tpu.memory_space<hbm>>) target_semaphore(%run_scoped3A : memref<!tpu.dma_semaphore, #tpu.memory_space<semaphore_mem>>)
      %dma_wait3A = arith.constant 0 : i32
      %dma_wait3A_48 = tpu.memref_slice %arg5[%arg0, %mul3A_3, %dma_wait3A] : memref<2x10112x128xf32, #tpu.memory_space<hbm>> -> memref<1x632x128xf32, #tpu.memory_space<hbm>>
      %dma_wait3A_49 = tpu.memref_squeeze %dma_wait3A_48 : memref<1x632x128xf32, #tpu.memory_space<hbm>> -> memref<632x128xf32, #tpu.memory_space<hbm>>
      %dma_wait3A_50 = arith.constant 0 : i32
      %dma_wait3A_51 = tpu.memref_slice %arg10[%mul3A_3, %dma_wait3A_50] : memref<10112x128xf32, #tpu.memory_space<vmem_shared>> -> memref<632x128xf32, #tpu.memory_space<vmem_shared>>
      tpu.wait_dma2 semaphore(%run_scoped3A : memref<!tpu.dma_semaphore, #tpu.memory_space<semaphore_mem>>) src(%dma_wait3A_51 : memref<632x128xf32, #tpu.memory_space<vmem_shared>>) dst(%dma_wait3A_49 : memref<632x128xf32, #tpu.memory_space<hbm>>)
      tpu.yield
    }) : () -> ()
    return
  }
}

#map = affine_map<(d0, d1) -> (0, 0)>
#map1 = affine_map<(d0, d1) -> (0, 0, 0)>
module attributes {stable_mosaic.version = 14 : i64} {
  func.func @sc_scatter(%arg0: i32, %arg1: i32, %arg2: memref<10112x128xf32, #tpu.memory_space<hbm>>, %arg3: memref<1344x128xi32, #tpu.memory_space<hbm>>, %arg4: memref<1344x128xi32, #tpu.memory_space<hbm>>, %arg5: memref<2x10112x128xf32, #tpu.memory_space<hbm>>, %arg6: memref<40x128xi32, #tpu.memory_space<vmem>>, %arg7: memref<72x128xi32, #tpu.memory_space<vmem>>, %arg8: memref<128x128xf32, #tpu.memory_space<vmem>>, %arg9: memref<128x128xf32, #tpu.memory_space<vmem>>, %arg10: memref<10112x128xf32, #tpu.memory_space<vmem_shared>>, %arg11: memref<!tpu.dma_semaphore, #tpu.memory_space<semaphore_mem>>, %arg12: memref<!tpu.dma_semaphore, #tpu.memory_space<semaphore_mem>>) attributes {dimension_semantics = [#tpu.dimension_semantics<core_parallel>, #tpu.dimension_semantics<subcore_parallel>], iteration_bounds = array<i64: 2, 16>, scalar_prefetch = 0 : i64, scratch_operands = 7 : i64, tpu.core_type = #tpu.core_type<sc_vector_subcore>, window_params = [{transform_indices = #map}, {transform_indices = #map}, {transform_indices = #map}, {transform_indices = #map1}]} {
    %eq3A = arith.constant 0 : i32
    %eq3A_0 = arith.cmpi eq, %arg0, %eq3A : i32
    %select_n3A = arith.constant 8 : i32
    %select_n3A_1 = arith.constant 72 : i32
    %select_n3A_2 = arith.select %eq3A_0, %select_n3A_1, %select_n3A : i32
    %mul3A = arith.constant 632 : i32
    %mul3A_3 = arith.muli %arg1, %mul3A : i32
    %scan3A = arith.constant 0 : i32
    %scan3A_4 = arith.constant 0 : i32
    %scan3A_5 = arith.constant 1024 : i32
    %scan3A_6 = arith.addi %scan3A_4, %scan3A_5 : i32
    %scan3A_7 = arith.constant 1 : i32
    scf.for %scan3A_44 = %scan3A_4 to %scan3A_6 step %scan3A_7  : i32 {
      %jit3A = arith.constant 8 : i32
      %div3A = arith.divsi %scan3A_44, %jit3A : i32
      %sign3A = arith.constant 0 : i32
      %sign3A_45 = arith.cmpi sgt, %scan3A_44, %sign3A : i32
      %sign3A_46 = arith.extui %sign3A_45 : i1 to i32
      %sign3A_47 = arith.constant 0 : i32
      %sign3A_48 = arith.cmpi slt, %scan3A_44, %sign3A_47 : i32
      %sign3A_49 = arith.extui %sign3A_48 : i1 to i32
      %sign3A_50 = arith.subi %sign3A_46, %sign3A_49 : i32
      %sign3A_51 = arith.constant 0 : i32
      %sign3A_52 = arith.cmpi sgt, %jit3A, %sign3A_51 : i32
      %sign3A_53 = arith.extui %sign3A_52 : i1 to i32
      %sign3A_54 = arith.constant 0 : i32
      %sign3A_55 = arith.cmpi slt, %jit3A, %sign3A_54 : i32
      %sign3A_56 = arith.extui %sign3A_55 : i1 to i32
      %sign3A_57 = arith.subi %sign3A_53, %sign3A_56 : i32
      %ne3A = arith.cmpi ne, %sign3A_50, %sign3A_57 : i32
      %rem3A = arith.remsi %scan3A_44, %jit3A : i32
      %ne3A_58 = arith.constant 0 : i32
      %ne3A_59 = arith.cmpi ne, %rem3A, %ne3A_58 : i32
      %and3A = arith.andi %ne3A, %ne3A_59 : i1
      %sub3A_60 = arith.constant 1 : i32
      %sub3A_61 = arith.subi %div3A, %sub3A_60 : i32
      %select_n3A_62 = arith.select %and3A, %sub3A_61, %div3A : i32
      %jit3A_63 = arith.constant 8 : i32
      %eq3A_64 = arith.constant 0 : i32
      %eq3A_65 = arith.cmpi eq, %jit3A_63, %eq3A_64 : i32
      %jit3A_66 = arith.constant 1 : i32
      %select_n3A_67 = arith.select %eq3A_65, %jit3A_66, %jit3A_63 : i32
      %rem3A_68 = arith.remsi %scan3A_44, %select_n3A_67 : i32
      %ne3A_69 = arith.constant 0 : i32
      %ne3A_70 = arith.cmpi ne, %rem3A_68, %ne3A_69 : i32
      %lt3A = arith.constant 0 : i32
      %lt3A_71 = arith.cmpi slt, %rem3A_68, %lt3A : i32
      %lt3A_72 = arith.constant 0 : i32
      %lt3A_73 = arith.cmpi slt, %select_n3A_67, %lt3A_72 : i32
      %ne3A_74 = arith.xori %lt3A_71, %lt3A_73 : i1
      %and3A_75 = arith.andi %ne3A_74, %ne3A_70 : i1
      %add3A_76 = arith.addi %rem3A_68, %select_n3A_67 : i32
      %select_n3A_77 = arith.select %and3A_75, %add3A_76, %rem3A_68 : i32
      %mul3A_78 = arith.constant 16 : i32
      %mul3A_79 = arith.muli %select_n3A_77, %mul3A_78 : i32
      %broadcast_in_dim3A = arith.constant 0.000000e+00 : f32
      %broadcast_in_dim3A_80 = vector.broadcast %broadcast_in_dim3A : f32 to vector<16xf32>
      %swap3A = arith.index_cast %select_n3A_62 : i32 to index
      %swap3A_81 = arith.index_cast %mul3A_79 : i32 to index
      %swap3A_82 = tpu.vector_load %arg9[%swap3A, %swap3A_81] {strides = array<i32>} : memref<128x128xf32, #tpu.memory_space<vmem>>, vector<1x16xf32>,
      %swap3A_83 = vector.shape_cast %swap3A_82 : vector<1x16xf32> to vector<16xf32>
      %swap3A_84 = vector.shape_cast %broadcast_in_dim3A_80 : vector<16xf32> to vector<1x16xf32>
      tpu.vector_store %arg9[%swap3A, %swap3A_81], %swap3A_84 {strides = array<i32>} : memref<128x128xf32, #tpu.memory_space<vmem>>, vector<1x16xf32>,
    }
    %scan3A_8 = arith.constant 1024 : i32
    %add3A = arith.constant 0 : i32
    %add3A_9 = arith.addi %mul3A_3, %add3A : i32
    "tpu.region"() ({
      %run_scoped3A = tpu.sem_alloc : memref<!tpu.dma_semaphore, #tpu.memory_space<semaphore_mem>>
      %dma_start3A = arith.constant 0 : i32
      %dma_start3A_44 = tpu.memref_slice %arg10[%add3A_9, %dma_start3A] : memref<10112x128xf32, #tpu.memory_space<vmem_shared>> -> memref<128x128xf32, #tpu.memory_space<vmem_shared>>
      %dma_start3A_45 = arith.constant 0 : i32
      %dma_start3A_46 = tpu.memref_slice %arg10[%add3A_9, %dma_start3A_45] : memref<10112x128xf32, #tpu.memory_space<vmem_shared>> -> memref<128x128xf32, #tpu.memory_space<vmem_shared>>
      tpu.enqueue_dma source(%arg9 : memref<128x128xf32, #tpu.memory_space<vmem>>) target(%dma_start3A_46 : memref<128x128xf32, #tpu.memory_space<vmem_shared>>) target_semaphore(%run_scoped3A : memref<!tpu.dma_semaphore, #tpu.memory_space<semaphore_mem>>)
      %dma_wait3A = arith.constant 0 : i32
      %dma_wait3A_47 = tpu.memref_slice %arg10[%add3A_9, %dma_wait3A] : memref<10112x128xf32, #tpu.memory_space<vmem_shared>> -> memref<128x128xf32, #tpu.memory_space<vmem_shared>>
      %dma_wait3A_48 = arith.constant 0 : i32
      %dma_wait3A_49 = tpu.memref_slice %arg10[%add3A_9, %dma_wait3A_48] : memref<10112x128xf32, #tpu.memory_space<vmem_shared>> -> memref<128x128xf32, #tpu.memory_space<vmem_shared>>
      tpu.wait_dma2 semaphore(%run_scoped3A : memref<!tpu.dma_semaphore, #tpu.memory_space<semaphore_mem>>) src(%arg9 : memref<128x128xf32, #tpu.memory_space<vmem>>) dst(%dma_wait3A_49 : memref<128x128xf32, #tpu.memory_space<vmem_shared>>)
      tpu.yield
    }) : () -> ()
    %add3A_10 = arith.constant 128 : i32
    %add3A_11 = arith.addi %mul3A_3, %add3A_10 : i32
    "tpu.region"() ({
      %run_scoped3A = tpu.sem_alloc : memref<!tpu.dma_semaphore, #tpu.memory_space<semaphore_mem>>
      %dma_start3A = arith.constant 0 : i32
      %dma_start3A_44 = tpu.memref_slice %arg10[%add3A_11, %dma_start3A] : memref<10112x128xf32, #tpu.memory_space<vmem_shared>> -> memref<128x128xf32, #tpu.memory_space<vmem_shared>>
      %dma_start3A_45 = arith.constant 0 : i32
      %dma_start3A_46 = tpu.memref_slice %arg10[%add3A_11, %dma_start3A_45] : memref<10112x128xf32, #tpu.memory_space<vmem_shared>> -> memref<128x128xf32, #tpu.memory_space<vmem_shared>>
      tpu.enqueue_dma source(%arg9 : memref<128x128xf32, #tpu.memory_space<vmem>>) target(%dma_start3A_46 : memref<128x128xf32, #tpu.memory_space<vmem_shared>>) target_semaphore(%run_scoped3A : memref<!tpu.dma_semaphore, #tpu.memory_space<semaphore_mem>>)
      %dma_wait3A = arith.constant 0 : i32
      %dma_wait3A_47 = tpu.memref_slice %arg10[%add3A_11, %dma_wait3A] : memref<10112x128xf32, #tpu.memory_space<vmem_shared>> -> memref<128x128xf32, #tpu.memory_space<vmem_shared>>
      %dma_wait3A_48 = arith.constant 0 : i32
      %dma_wait3A_49 = tpu.memref_slice %arg10[%add3A_11, %dma_wait3A_48] : memref<10112x128xf32, #tpu.memory_space<vmem_shared>> -> memref<128x128xf32, #tpu.memory_space<vmem_shared>>
      tpu.wait_dma2 semaphore(%run_scoped3A : memref<!tpu.dma_semaphore, #tpu.memory_space<semaphore_mem>>) src(%arg9 : memref<128x128xf32, #tpu.memory_space<vmem>>) dst(%dma_wait3A_49 : memref<128x128xf32, #tpu.memory_space<vmem_shared>>)
      tpu.yield
    }) : () -> ()
    %add3A_12 = arith.constant 256 : i32
    %add3A_13 = arith.addi %mul3A_3, %add3A_12 : i32
    "tpu.region"() ({
      %run_scoped3A = tpu.sem_alloc : memref<!tpu.dma_semaphore, #tpu.memory_space<semaphore_mem>>
      %dma_start3A = arith.constant 0 : i32
      %dma_start3A_44 = tpu.memref_slice %arg10[%add3A_13, %dma_start3A] : memref<10112x128xf32, #tpu.memory_space<vmem_shared>> -> memref<128x128xf32, #tpu.memory_space<vmem_shared>>
      %dma_start3A_45 = arith.constant 0 : i32
      %dma_start3A_46 = tpu.memref_slice %arg10[%add3A_13, %dma_start3A_45] : memref<10112x128xf32, #tpu.memory_space<vmem_shared>> -> memref<128x128xf32, #tpu.memory_space<vmem_shared>>
      tpu.enqueue_dma source(%arg9 : memref<128x128xf32, #tpu.memory_space<vmem>>) target(%dma_start3A_46 : memref<128x128xf32, #tpu.memory_space<vmem_shared>>) target_semaphore(%run_scoped3A : memref<!tpu.dma_semaphore, #tpu.memory_space<semaphore_mem>>)
      %dma_wait3A = arith.constant 0 : i32
      %dma_wait3A_47 = tpu.memref_slice %arg10[%add3A_13, %dma_wait3A] : memref<10112x128xf32, #tpu.memory_space<vmem_shared>> -> memref<128x128xf32, #tpu.memory_space<vmem_shared>>
      %dma_wait3A_48 = arith.constant 0 : i32
      %dma_wait3A_49 = tpu.memref_slice %arg10[%add3A_13, %dma_wait3A_48] : memref<10112x128xf32, #tpu.memory_space<vmem_shared>> -> memref<128x128xf32, #tpu.memory_space<vmem_shared>>
      tpu.wait_dma2 semaphore(%run_scoped3A : memref<!tpu.dma_semaphore, #tpu.memory_space<semaphore_mem>>) src(%arg9 : memref<128x128xf32, #tpu.memory_space<vmem>>) dst(%dma_wait3A_49 : memref<128x128xf32, #tpu.memory_space<vmem_shared>>)
      tpu.yield
    }) : () -> ()
    %add3A_14 = arith.constant 384 : i32
    %add3A_15 = arith.addi %mul3A_3, %add3A_14 : i32
    "tpu.region"() ({
      %run_scoped3A = tpu.sem_alloc : memref<!tpu.dma_semaphore, #tpu.memory_space<semaphore_mem>>
      %dma_start3A = arith.constant 0 : i32
      %dma_start3A_44 = tpu.memref_slice %arg10[%add3A_15, %dma_start3A] : memref<10112x128xf32, #tpu.memory_space<vmem_shared>> -> memref<128x128xf32, #tpu.memory_space<vmem_shared>>
      %dma_start3A_45 = arith.constant 0 : i32
      %dma_start3A_46 = tpu.memref_slice %arg10[%add3A_15, %dma_start3A_45] : memref<10112x128xf32, #tpu.memory_space<vmem_shared>> -> memref<128x128xf32, #tpu.memory_space<vmem_shared>>
      tpu.enqueue_dma source(%arg9 : memref<128x128xf32, #tpu.memory_space<vmem>>) target(%dma_start3A_46 : memref<128x128xf32, #tpu.memory_space<vmem_shared>>) target_semaphore(%run_scoped3A : memref<!tpu.dma_semaphore, #tpu.memory_space<semaphore_mem>>)
      %dma_wait3A = arith.constant 0 : i32
      %dma_wait3A_47 = tpu.memref_slice %arg10[%add3A_15, %dma_wait3A] : memref<10112x128xf32, #tpu.memory_space<vmem_shared>> -> memref<128x128xf32, #tpu.memory_space<vmem_shared>>
      %dma_wait3A_48 = arith.constant 0 : i32
      %dma_wait3A_49 = tpu.memref_slice %arg10[%add3A_15, %dma_wait3A_48] : memref<10112x128xf32, #tpu.memory_space<vmem_shared>> -> memref<128x128xf32, #tpu.memory_space<vmem_shared>>
      tpu.wait_dma2 semaphore(%run_scoped3A : memref<!tpu.dma_semaphore, #tpu.memory_space<semaphore_mem>>) src(%arg9 : memref<128x128xf32, #tpu.memory_space<vmem>>) dst(%dma_wait3A_49 : memref<128x128xf32, #tpu.memory_space<vmem_shared>>)
      tpu.yield
    }) : () -> ()
    %add3A_16 = arith.constant 512 : i32
    %add3A_17 = arith.addi %mul3A_3, %add3A_16 : i32
    "tpu.region"() ({
      %run_scoped3A = tpu.sem_alloc : memref<!tpu.dma_semaphore, #tpu.memory_space<semaphore_mem>>
      %dma_start3A = arith.constant 0 : i32
      %dma_start3A_44 = arith.constant 0 : i32
      %dma_start3A_45 = tpu.memref_slice %arg9[%dma_start3A, %dma_start3A_44] : memref<128x128xf32, #tpu.memory_space<vmem>> -> memref<120x128xf32, #tpu.memory_space<vmem>>
      %dma_start3A_46 = arith.constant 0 : i32
      %dma_start3A_47 = tpu.memref_slice %arg10[%add3A_17, %dma_start3A_46] : memref<10112x128xf32, #tpu.memory_space<vmem_shared>> -> memref<120x128xf32, #tpu.memory_space<vmem_shared>>
      %dma_start3A_48 = arith.constant 0 : i32
      %dma_start3A_49 = tpu.memref_slice %arg10[%add3A_17, %dma_start3A_48] : memref<10112x128xf32, #tpu.memory_space<vmem_shared>> -> memref<120x128xf32, #tpu.memory_space<vmem_shared>>
      %dma_start3A_50 = arith.constant 0 : i32
      %dma_start3A_51 = arith.constant 0 : i32
      %dma_start3A_52 = tpu.memref_slice %arg9[%dma_start3A_50, %dma_start3A_51] : memref<128x128xf32, #tpu.memory_space<vmem>> -> memref<120x128xf32, #tpu.memory_space<vmem>>
      tpu.enqueue_dma source(%dma_start3A_52 : memref<120x128xf32, #tpu.memory_space<vmem>>) target(%dma_start3A_49 : memref<120x128xf32, #tpu.memory_space<vmem_shared>>) target_semaphore(%run_scoped3A : memref<!tpu.dma_semaphore, #tpu.memory_space<semaphore_mem>>)
      %dma_wait3A = arith.constant 0 : i32
      %dma_wait3A_53 = arith.constant 0 : i32
      %dma_wait3A_54 = tpu.memref_slice %arg9[%dma_wait3A, %dma_wait3A_53] : memref<128x128xf32, #tpu.memory_space<vmem>> -> memref<120x128xf32, #tpu.memory_space<vmem>>
      %dma_wait3A_55 = arith.constant 0 : i32
      %dma_wait3A_56 = tpu.memref_slice %arg10[%add3A_17, %dma_wait3A_55] : memref<10112x128xf32, #tpu.memory_space<vmem_shared>> -> memref<120x128xf32, #tpu.memory_space<vmem_shared>>
      %dma_wait3A_57 = arith.constant 0 : i32
      %dma_wait3A_58 = tpu.memref_slice %arg10[%add3A_17, %dma_wait3A_57] : memref<10112x128xf32, #tpu.memory_space<vmem_shared>> -> memref<120x128xf32, #tpu.memory_space<vmem_shared>>
      %dma_wait3A_59 = arith.constant 0 : i32
      %dma_wait3A_60 = arith.constant 0 : i32
      %dma_wait3A_61 = tpu.memref_slice %arg9[%dma_wait3A_59, %dma_wait3A_60] : memref<128x128xf32, #tpu.memory_space<vmem>> -> memref<120x128xf32, #tpu.memory_space<vmem>>
      tpu.wait_dma2 semaphore(%run_scoped3A : memref<!tpu.dma_semaphore, #tpu.memory_space<semaphore_mem>>) src(%dma_wait3A_61 : memref<120x128xf32, #tpu.memory_space<vmem>>) dst(%dma_wait3A_58 : memref<120x128xf32, #tpu.memory_space<vmem_shared>>)
      tpu.yield
    }) : () -> ()
    %eq3A_18 = arith.constant 0 : i32
    %eq3A_19 = arith.cmpi eq, %arg0, %eq3A_18 : i32
    %mul3A_20 = arith.constant 72 : i32
    %mul3A_21 = arith.muli %arg1, %mul3A_20 : i32
    %mul3A_22 = arith.constant 8 : i32
    %mul3A_23 = arith.muli %arg1, %mul3A_22 : i32
    %add3A_24 = arith.constant 1152 : i32
    %add3A_25 = arith.addi %add3A_24, %mul3A_23 : i32
    %select_n3A_26 = arith.select %eq3A_19, %mul3A_21, %add3A_25 : i32
    "tpu.region"() ({
      %run_scoped3A = tpu.sem_alloc : memref<!tpu.dma_semaphore, #tpu.memory_space<semaphore_mem>>
      %dma_start3A = arith.constant 0 : i32
      %dma_start3A_44 = tpu.memref_slice %arg4[%select_n3A_26, %dma_start3A] : memref<1344x128xi32, #tpu.memory_space<hbm>> -> memref<72x128xi32, #tpu.memory_space<hbm>>
      %dma_start3A_45 = arith.constant 0 : i32
      %dma_start3A_46 = tpu.memref_slice %arg4[%select_n3A_26, %dma_start3A_45] : memref<1344x128xi32, #tpu.memory_space<hbm>> -> memref<72x128xi32, #tpu.memory_space<hbm>>
      tpu.enqueue_dma source(%dma_start3A_46 : memref<72x128xi32, #tpu.memory_space<hbm>>) target(%arg7 : memref<72x128xi32, #tpu.memory_space<vmem>>) target_semaphore(%run_scoped3A : memref<!tpu.dma_semaphore, #tpu.memory_space<semaphore_mem>>)
      %dma_wait3A = arith.constant 0 : i32
      %dma_wait3A_47 = tpu.memref_slice %arg4[%select_n3A_26, %dma_wait3A] : memref<1344x128xi32, #tpu.memory_space<hbm>> -> memref<72x128xi32, #tpu.memory_space<hbm>>
      %dma_wait3A_48 = arith.constant 0 : i32
      %dma_wait3A_49 = tpu.memref_slice %arg4[%select_n3A_26, %dma_wait3A_48] : memref<1344x128xi32, #tpu.memory_space<hbm>> -> memref<72x128xi32, #tpu.memory_space<hbm>>
      tpu.wait_dma2 semaphore(%run_scoped3A : memref<!tpu.dma_semaphore, #tpu.memory_space<semaphore_mem>>) src(%dma_wait3A_49 : memref<72x128xi32, #tpu.memory_space<hbm>>) dst(%arg7 : memref<72x128xi32, #tpu.memory_space<vmem>>)
      tpu.yield
    }) : () -> ()
    %barrier3A = arith.constant 0 : index
    tpu.barrier barrier_id(%barrier3A)
    %sub3A = arith.constant 0 : i32
    %sub3A_27 = arith.subi %select_n3A_2, %sub3A : i32
    %min3A = arith.constant 40 : i32
    %min3A_28 = arith.minsi %min3A, %sub3A_27 : i32
    %max3A = arith.constant 0 : i32
    %max3A_29 = arith.maxsi %max3A, %min3A_28 : i32
    %gt3A = arith.constant 0 : i32
    %gt3A_30 = arith.cmpi sgt, %max3A_29, %gt3A : i32
    %convert_element_type3A = arith.extui %gt3A_30 : i1 to i32
    %cond3A = arith.constant 0 : i32
    %cond3A_31 = arith.cmpi ne, %convert_element_type3A, %cond3A : i32
    scf.if %cond3A_31 {
      %add3A_44 = arith.constant 0 : i32
      %add3A_45 = arith.addi %select_n3A_26, %add3A_44 : i32
      "tpu.region"() ({
        %run_scoped3A = tpu.sem_alloc : memref<!tpu.dma_semaphore, #tpu.memory_space<semaphore_mem>>
        %dma_start3A_79 = arith.constant 0 : i32
        %dma_start3A_80 = tpu.memref_slice %arg3[%add3A_45, %dma_start3A_79] : memref<1344x128xi32, #tpu.memory_space<hbm>> -> memref<40x128xi32, #tpu.memory_space<hbm>>
        %dma_start3A_81 = arith.constant 0 : i32
        %dma_start3A_82 = tpu.memref_slice %arg3[%add3A_45, %dma_start3A_81] : memref<1344x128xi32, #tpu.memory_space<hbm>> -> memref<40x128xi32, #tpu.memory_space<hbm>>
        tpu.enqueue_dma source(%dma_start3A_82 : memref<40x128xi32, #tpu.memory_space<hbm>>) target(%arg6 : memref<40x128xi32, #tpu.memory_space<vmem>>) target_semaphore(%run_scoped3A : memref<!tpu.dma_semaphore, #tpu.memory_space<semaphore_mem>>)
        %dma_wait3A = arith.constant 0 : i32
        %dma_wait3A_83 = tpu.memref_slice %arg3[%add3A_45, %dma_wait3A] : memref<1344x128xi32, #tpu.memory_space<hbm>> -> memref<40x128xi32, #tpu.memory_space<hbm>>
        %dma_wait3A_84 = arith.constant 0 : i32
        %dma_wait3A_85 = tpu.memref_slice %arg3[%add3A_45, %dma_wait3A_84] : memref<1344x128xi32, #tpu.memory_space<hbm>> -> memref<40x128xi32, #tpu.memory_space<hbm>>
        tpu.wait_dma2 semaphore(%run_scoped3A : memref<!tpu.dma_semaphore, #tpu.memory_space<semaphore_mem>>) src(%dma_wait3A_85 : memref<40x128xi32, #tpu.memory_space<hbm>>) dst(%arg6 : memref<40x128xi32, #tpu.memory_space<vmem>>)
        tpu.yield
      }) : () -> ()
      %dma_start3A = arith.constant 0 : i32
      %dma_start3A_46 = arith.constant 0 : i32
      %dma_start3A_47 = tpu.memref_slice %arg6[%dma_start3A, %dma_start3A_46] : memref<40x128xi32, #tpu.memory_space<vmem>> -> memref<1x128xi32, #tpu.memory_space<vmem>>
      %dma_start3A_48 = tpu.memref_squeeze %dma_start3A_47 : memref<1x128xi32, #tpu.memory_space<vmem>> -> memref<128xi32, #tpu.memory_space<vmem>>
      %dma_start3A_49 = arith.constant 0 : i32
      %dma_start3A_50 = arith.constant 0 : i32
      %dma_start3A_51 = tpu.memref_slice %arg2[%dma_start3A_49, %dma_start3A_50] : memref<10112x128xf32, #tpu.memory_space<hbm>> -> memref<10112x128xf32, #tpu.memory_space<hbm>>
      tpu.enqueue_indirect_dma source(%dma_start3A_51 : memref<10112x128xf32, #tpu.memory_space<hbm>>) target(%arg8 : memref<128x128xf32, #tpu.memory_space<vmem>>) offsets(%dma_start3A_48 : memref<128xi32, #tpu.memory_space<vmem>>) semaphore(%arg11 : memref<!tpu.dma_semaphore, #tpu.memory_space<semaphore_mem>>)
      %jit3A = arith.constant 2 : i32
      %div3A = arith.divsi %max3A_29, %jit3A : i32
      %sign3A = arith.constant 0 : i32
      %sign3A_52 = arith.cmpi sgt, %max3A_29, %sign3A : i32
      %sign3A_53 = arith.extui %sign3A_52 : i1 to i32
      %sign3A_54 = arith.constant 0 : i32
      %sign3A_55 = arith.cmpi slt, %max3A_29, %sign3A_54 : i32
      %sign3A_56 = arith.extui %sign3A_55 : i1 to i32
      %sign3A_57 = arith.subi %sign3A_53, %sign3A_56 : i32
      %sign3A_58 = arith.constant 0 : i32
      %sign3A_59 = arith.cmpi sgt, %jit3A, %sign3A_58 : i32
      %sign3A_60 = arith.extui %sign3A_59 : i1 to i32
      %sign3A_61 = arith.constant 0 : i32
      %sign3A_62 = arith.cmpi slt, %jit3A, %sign3A_61 : i32
      %sign3A_63 = arith.extui %sign3A_62 : i1 to i32
      %sign3A_64 = arith.subi %sign3A_60, %sign3A_63 : i32
      %ne3A = arith.cmpi ne, %sign3A_57, %sign3A_64 : i32
      %rem3A = arith.remsi %max3A_29, %jit3A : i32
      %ne3A_65 = arith.constant 0 : i32
      %ne3A_66 = arith.cmpi ne, %rem3A, %ne3A_65 : i32
      %and3A = arith.andi %ne3A, %ne3A_66 : i1
      %sub3A_67 = arith.constant 1 : i32
      %sub3A_68 = arith.subi %div3A, %sub3A_67 : i32
      %select_n3A_69 = arith.select %and3A, %sub3A_68, %div3A : i32
      %while3A = arith.constant 0 : i32
      %while3A_70 = arith.constant 0 : i32
      %while3A_71 = arith.subi %select_n3A_69, %while3A_70 : i32
      %while3A_72 = arith.addi %while3A_70, %while3A_71 : i32
      %while3A_73 = arith.constant 1 : i32
      %while3A_74 = arith.divsi %while3A_71, %while3A_73 : i32
      %while3A_75 = arith.muli %while3A_74, %while3A_73 : i32
      %while3A_76 = arith.addi %while3A_70, %while3A_75 : i32
      %while3A_77 = arith.constant 1 : i32
      scf.for %while3A_79 = %while3A_70 to %while3A_76 step %while3A_77  : i32 {
        %mul3A_80 = arith.constant 2 : i32
        %mul3A_81 = arith.muli %mul3A_80, %while3A_79 : i32
        %add3A_82 = arith.constant 0 : i32
        %add3A_83 = arith.addi %mul3A_81, %add3A_82 : i32
        %add3A_84 = arith.constant 1 : i32
        %add3A_85 = arith.addi %add3A_83, %add3A_84 : i32
        %lt3A = arith.cmpi slt, %add3A_85, %max3A_29 : i32
        %convert_element_type3A_86 = arith.extui %lt3A : i1 to i32
        %cond3A_87 = arith.constant 0 : i32
        %cond3A_88 = arith.cmpi ne, %convert_element_type3A_86, %cond3A_87 : i32
        scf.if %cond3A_88 {
          %add3A_114 = arith.constant 1 : i32
          %add3A_115 = arith.addi %add3A_83, %add3A_114 : i32
          %dma_start3A_116 = arith.constant 0 : i32
          %dma_start3A_117 = tpu.memref_slice %arg6[%add3A_115, %dma_start3A_116] : memref<40x128xi32, #tpu.memory_space<vmem>> -> memref<1x128xi32, #tpu.memory_space<vmem>>
          %dma_start3A_118 = tpu.memref_squeeze %dma_start3A_117 : memref<1x128xi32, #tpu.memory_space<vmem>> -> memref<128xi32, #tpu.memory_space<vmem>>
          %dma_start3A_119 = arith.constant 0 : i32
          %dma_start3A_120 = arith.constant 0 : i32
          %dma_start3A_121 = tpu.memref_slice %arg2[%dma_start3A_119, %dma_start3A_120] : memref<10112x128xf32, #tpu.memory_space<hbm>> -> memref<10112x128xf32, #tpu.memory_space<hbm>>
          tpu.enqueue_indirect_dma source(%dma_start3A_121 : memref<10112x128xf32, #tpu.memory_space<hbm>>) target(%arg9 : memref<128x128xf32, #tpu.memory_space<vmem>>) offsets(%dma_start3A_118 : memref<128xi32, #tpu.memory_space<vmem>>) semaphore(%arg12 : memref<!tpu.dma_semaphore, #tpu.memory_space<semaphore_mem>>)
        } else {
        }
        %dma_wait3A = arith.constant 0 : i32
        %dma_wait3A_89 = tpu.memref_slice %arg6[%add3A_83, %dma_wait3A] : memref<40x128xi32, #tpu.memory_space<vmem>> -> memref<1x128xi32, #tpu.memory_space<vmem>>
        %dma_wait3A_90 = tpu.memref_squeeze %dma_wait3A_89 : memref<1x128xi32, #tpu.memory_space<vmem>> -> memref<128xi32, #tpu.memory_space<vmem>>
        %dma_wait3A_91 = arith.constant 0 : i32
        %dma_wait3A_92 = arith.constant 0 : i32
        %dma_wait3A_93 = tpu.memref_slice %arg2[%dma_wait3A_91, %dma_wait3A_92] : memref<10112x128xf32, #tpu.memory_space<hbm>> -> memref<10112x128xf32, #tpu.memory_space<hbm>>
        tpu.wait_indirect_dma semaphore(%arg11 : memref<!tpu.dma_semaphore, #tpu.memory_space<semaphore_mem>>) src(%dma_wait3A_93 : memref<10112x128xf32, #tpu.memory_space<hbm>>) dst(%arg8 : memref<128x128xf32, #tpu.memory_space<vmem>>)
        %add3A_94 = arith.constant 0 : i32
        %add3A_95 = arith.addi %add3A_94, %add3A_83 : i32
        "tpu.region"() ({
          %run_scoped3A = tpu.sem_alloc : memref<!tpu.dma_semaphore, #tpu.memory_space<semaphore_mem>>
          %dma_start3A_114 = arith.constant 0 : i32
          %dma_start3A_115 = tpu.memref_slice %arg7[%add3A_95, %dma_start3A_114] : memref<72x128xi32, #tpu.memory_space<vmem>> -> memref<1x128xi32, #tpu.memory_space<vmem>>
          %dma_start3A_116 = tpu.memref_squeeze %dma_start3A_115 : memref<1x128xi32, #tpu.memory_space<vmem>> -> memref<128xi32, #tpu.memory_space<vmem>>
          %dma_start3A_117 = arith.constant 0 : i32
          %dma_start3A_118 = arith.constant 0 : i32
          %dma_start3A_119 = tpu.memref_slice %arg10[%dma_start3A_117, %dma_start3A_118] : memref<10112x128xf32, #tpu.memory_space<vmem_shared>> -> memref<10112x128xf32, #tpu.memory_space<vmem_shared>>
          tpu.enqueue_indirect_dma source(%arg8 : memref<128x128xf32, #tpu.memory_space<vmem>>) target(%dma_start3A_119 : memref<10112x128xf32, #tpu.memory_space<vmem_shared>>) offsets(%dma_start3A_116 : memref<128xi32, #tpu.memory_space<vmem>>) semaphore(%run_scoped3A : memref<!tpu.dma_semaphore, #tpu.memory_space<semaphore_mem>>) {add = true}
          %dma_wait3A_120 = arith.constant 0 : i32
          %dma_wait3A_121 = tpu.memref_slice %arg7[%add3A_95, %dma_wait3A_120] : memref<72x128xi32, #tpu.memory_space<vmem>> -> memref<1x128xi32, #tpu.memory_space<vmem>>
          %dma_wait3A_122 = tpu.memref_squeeze %dma_wait3A_121 : memref<1x128xi32, #tpu.memory_space<vmem>> -> memref<128xi32, #tpu.memory_space<vmem>>
          %dma_wait3A_123 = arith.constant 0 : i32
          %dma_wait3A_124 = arith.constant 0 : i32
          %dma_wait3A_125 = tpu.memref_slice %arg10[%dma_wait3A_123, %dma_wait3A_124] : memref<10112x128xf32, #tpu.memory_space<vmem_shared>> -> memref<10112x128xf32, #tpu.memory_space<vmem_shared>>
          tpu.wait_indirect_dma semaphore(%run_scoped3A : memref<!tpu.dma_semaphore, #tpu.memory_space<semaphore_mem>>) src(%arg8 : memref<128x128xf32, #tpu.memory_space<vmem>>) dst(%dma_wait3A_125 : memref<10112x128xf32, #tpu.memory_space<vmem_shared>>)
          tpu.yield
        }) : () -> ()
        %mul3A_96 = arith.constant 2 : i32
        %mul3A_97 = arith.muli %mul3A_96, %while3A_79 : i32
        %add3A_98 = arith.constant 1 : i32
        %add3A_99 = arith.addi %mul3A_97, %add3A_98 : i32
        %add3A_100 = arith.constant 1 : i32
        %add3A_101 = arith.addi %add3A_99, %add3A_100 : i32
        %lt3A_102 = arith.cmpi slt, %add3A_101, %max3A_29 : i32
        %convert_element_type3A_103 = arith.extui %lt3A_102 : i1 to i32
        %cond3A_104 = arith.constant 0 : i32
        %cond3A_105 = arith.cmpi ne, %convert_element_type3A_103, %cond3A_104 : i32
        scf.if %cond3A_105 {
          %add3A_114 = arith.constant 1 : i32
          %add3A_115 = arith.addi %add3A_99, %add3A_114 : i32
          %dma_start3A_116 = arith.constant 0 : i32
          %dma_start3A_117 = tpu.memref_slice %arg6[%add3A_115, %dma_start3A_116] : memref<40x128xi32, #tpu.memory_space<vmem>> -> memref<1x128xi32, #tpu.memory_space<vmem>>
          %dma_start3A_118 = tpu.memref_squeeze %dma_start3A_117 : memref<1x128xi32, #tpu.memory_space<vmem>> -> memref<128xi32, #tpu.memory_space<vmem>>
          %dma_start3A_119 = arith.constant 0 : i32
          %dma_start3A_120 = arith.constant 0 : i32
          %dma_start3A_121 = tpu.memref_slice %arg2[%dma_start3A_119, %dma_start3A_120] : memref<10112x128xf32, #tpu.memory_space<hbm>> -> memref<10112x128xf32, #tpu.memory_space<hbm>>
          tpu.enqueue_indirect_dma source(%dma_start3A_121 : memref<10112x128xf32, #tpu.memory_space<hbm>>) target(%arg8 : memref<128x128xf32, #tpu.memory_space<vmem>>) offsets(%dma_start3A_118 : memref<128xi32, #tpu.memory_space<vmem>>) semaphore(%arg11 : memref<!tpu.dma_semaphore, #tpu.memory_space<semaphore_mem>>)
        } else {
        }
        %dma_wait3A_106 = arith.constant 0 : i32
        %dma_wait3A_107 = tpu.memref_slice %arg6[%add3A_99, %dma_wait3A_106] : memref<40x128xi32, #tpu.memory_space<vmem>> -> memref<1x128xi32, #tpu.memory_space<vmem>>
        %dma_wait3A_108 = tpu.memref_squeeze %dma_wait3A_107 : memref<1x128xi32, #tpu.memory_space<vmem>> -> memref<128xi32, #tpu.memory_space<vmem>>
        %dma_wait3A_109 = arith.constant 0 : i32
        %dma_wait3A_110 = arith.constant 0 : i32
        %dma_wait3A_111 = tpu.memref_slice %arg2[%dma_wait3A_109, %dma_wait3A_110] : memref<10112x128xf32, #tpu.memory_space<hbm>> -> memref<10112x128xf32, #tpu.memory_space<hbm>>
        tpu.wait_indirect_dma semaphore(%arg12 : memref<!tpu.dma_semaphore, #tpu.memory_space<semaphore_mem>>) src(%dma_wait3A_111 : memref<10112x128xf32, #tpu.memory_space<hbm>>) dst(%arg9 : memref<128x128xf32, #tpu.memory_space<vmem>>)
        %add3A_112 = arith.constant 0 : i32
        %add3A_113 = arith.addi %add3A_112, %add3A_99 : i32
        "tpu.region"() ({
          %run_scoped3A = tpu.sem_alloc : memref<!tpu.dma_semaphore, #tpu.memory_space<semaphore_mem>>
          %dma_start3A_114 = arith.constant 0 : i32
          %dma_start3A_115 = tpu.memref_slice %arg7[%add3A_113, %dma_start3A_114] : memref<72x128xi32, #tpu.memory_space<vmem>> -> memref<1x128xi32, #tpu.memory_space<vmem>>
          %dma_start3A_116 = tpu.memref_squeeze %dma_start3A_115 : memref<1x128xi32, #tpu.memory_space<vmem>> -> memref<128xi32, #tpu.memory_space<vmem>>
          %dma_start3A_117 = arith.constant 0 : i32
          %dma_start3A_118 = arith.constant 0 : i32
          %dma_start3A_119 = tpu.memref_slice %arg10[%dma_start3A_117, %dma_start3A_118] : memref<10112x128xf32, #tpu.memory_space<vmem_shared>> -> memref<10112x128xf32, #tpu.memory_space<vmem_shared>>
          tpu.enqueue_indirect_dma source(%arg9 : memref<128x128xf32, #tpu.memory_space<vmem>>) target(%dma_start3A_119 : memref<10112x128xf32, #tpu.memory_space<vmem_shared>>) offsets(%dma_start3A_116 : memref<128xi32, #tpu.memory_space<vmem>>) semaphore(%run_scoped3A : memref<!tpu.dma_semaphore, #tpu.memory_space<semaphore_mem>>) {add = true}
          %dma_wait3A_120 = arith.constant 0 : i32
          %dma_wait3A_121 = tpu.memref_slice %arg7[%add3A_113, %dma_wait3A_120] : memref<72x128xi32, #tpu.memory_space<vmem>> -> memref<1x128xi32, #tpu.memory_space<vmem>>
          %dma_wait3A_122 = tpu.memref_squeeze %dma_wait3A_121 : memref<1x128xi32, #tpu.memory_space<vmem>> -> memref<128xi32, #tpu.memory_space<vmem>>
          %dma_wait3A_123 = arith.constant 0 : i32
          %dma_wait3A_124 = arith.constant 0 : i32
          %dma_wait3A_125 = tpu.memref_slice %arg10[%dma_wait3A_123, %dma_wait3A_124] : memref<10112x128xf32, #tpu.memory_space<vmem_shared>> -> memref<10112x128xf32, #tpu.memory_space<vmem_shared>>
          tpu.wait_indirect_dma semaphore(%run_scoped3A : memref<!tpu.dma_semaphore, #tpu.memory_space<semaphore_mem>>) src(%arg9 : memref<128x128xf32, #tpu.memory_space<vmem>>) dst(%dma_wait3A_125 : memref<10112x128xf32, #tpu.memory_space<vmem_shared>>)
          tpu.yield
        }) : () -> ()
      }
      %while3A_78 = arith.constant 1 : i32
      scf.for %while3A_79 = %while3A_76 to %while3A_72 step %while3A_78  : i32 {
        %mul3A_80 = arith.constant 2 : i32
        %mul3A_81 = arith.muli %mul3A_80, %while3A_79 : i32
        %add3A_82 = arith.constant 0 : i32
        %add3A_83 = arith.addi %mul3A_81, %add3A_82 : i32
        %add3A_84 = arith.constant 1 : i32
        %add3A_85 = arith.addi %add3A_83, %add3A_84 : i32
        %lt3A = arith.cmpi slt, %add3A_85, %max3A_29 : i32
        %convert_element_type3A_86 = arith.extui %lt3A : i1 to i32
        %cond3A_87 = arith.constant 0 : i32
        %cond3A_88 = arith.cmpi ne, %convert_element_type3A_86, %cond3A_87 : i32
        scf.if %cond3A_88 {
          %add3A_114 = arith.constant 1 : i32
          %add3A_115 = arith.addi %add3A_83, %add3A_114 : i32
          %dma_start3A_116 = arith.constant 0 : i32
          %dma_start3A_117 = tpu.memref_slice %arg6[%add3A_115, %dma_start3A_116] : memref<40x128xi32, #tpu.memory_space<vmem>> -> memref<1x128xi32, #tpu.memory_space<vmem>>
          %dma_start3A_118 = tpu.memref_squeeze %dma_start3A_117 : memref<1x128xi32, #tpu.memory_space<vmem>> -> memref<128xi32, #tpu.memory_space<vmem>>
          %dma_start3A_119 = arith.constant 0 : i32
          %dma_start3A_120 = arith.constant 0 : i32
          %dma_start3A_121 = tpu.memref_slice %arg2[%dma_start3A_119, %dma_start3A_120] : memref<10112x128xf32, #tpu.memory_space<hbm>> -> memref<10112x128xf32, #tpu.memory_space<hbm>>
          tpu.enqueue_indirect_dma source(%dma_start3A_121 : memref<10112x128xf32, #tpu.memory_space<hbm>>) target(%arg9 : memref<128x128xf32, #tpu.memory_space<vmem>>) offsets(%dma_start3A_118 : memref<128xi32, #tpu.memory_space<vmem>>) semaphore(%arg12 : memref<!tpu.dma_semaphore, #tpu.memory_space<semaphore_mem>>)
        } else {
        }
        %dma_wait3A = arith.constant 0 : i32
        %dma_wait3A_89 = tpu.memref_slice %arg6[%add3A_83, %dma_wait3A] : memref<40x128xi32, #tpu.memory_space<vmem>> -> memref<1x128xi32, #tpu.memory_space<vmem>>
        %dma_wait3A_90 = tpu.memref_squeeze %dma_wait3A_89 : memref<1x128xi32, #tpu.memory_space<vmem>> -> memref<128xi32, #tpu.memory_space<vmem>>
        %dma_wait3A_91 = arith.constant 0 : i32
        %dma_wait3A_92 = arith.constant 0 : i32
        %dma_wait3A_93 = tpu.memref_slice %arg2[%dma_wait3A_91, %dma_wait3A_92] : memref<10112x128xf32, #tpu.memory_space<hbm>> -> memref<10112x128xf32, #tpu.memory_space<hbm>>
        tpu.wait_indirect_dma semaphore(%arg11 : memref<!tpu.dma_semaphore, #tpu.memory_space<semaphore_mem>>) src(%dma_wait3A_93 : memref<10112x128xf32, #tpu.memory_space<hbm>>) dst(%arg8 : memref<128x128xf32, #tpu.memory_space<vmem>>)
        %add3A_94 = arith.constant 0 : i32
        %add3A_95 = arith.addi %add3A_94, %add3A_83 : i32
        "tpu.region"() ({
          %run_scoped3A = tpu.sem_alloc : memref<!tpu.dma_semaphore, #tpu.memory_space<semaphore_mem>>
          %dma_start3A_114 = arith.constant 0 : i32
          %dma_start3A_115 = tpu.memref_slice %arg7[%add3A_95, %dma_start3A_114] : memref<72x128xi32, #tpu.memory_space<vmem>> -> memref<1x128xi32, #tpu.memory_space<vmem>>
          %dma_start3A_116 = tpu.memref_squeeze %dma_start3A_115 : memref<1x128xi32, #tpu.memory_space<vmem>> -> memref<128xi32, #tpu.memory_space<vmem>>
          %dma_start3A_117 = arith.constant 0 : i32
          %dma_start3A_118 = arith.constant 0 : i32
          %dma_start3A_119 = tpu.memref_slice %arg10[%dma_start3A_117, %dma_start3A_118] : memref<10112x128xf32, #tpu.memory_space<vmem_shared>> -> memref<10112x128xf32, #tpu.memory_space<vmem_shared>>
          tpu.enqueue_indirect_dma source(%arg8 : memref<128x128xf32, #tpu.memory_space<vmem>>) target(%dma_start3A_119 : memref<10112x128xf32, #tpu.memory_space<vmem_shared>>) offsets(%dma_start3A_116 : memref<128xi32, #tpu.memory_space<vmem>>) semaphore(%run_scoped3A : memref<!tpu.dma_semaphore, #tpu.memory_space<semaphore_mem>>) {add = true}
          %dma_wait3A_120 = arith.constant 0 : i32
          %dma_wait3A_121 = tpu.memref_slice %arg7[%add3A_95, %dma_wait3A_120] : memref<72x128xi32, #tpu.memory_space<vmem>> -> memref<1x128xi32, #tpu.memory_space<vmem>>
          %dma_wait3A_122 = tpu.memref_squeeze %dma_wait3A_121 : memref<1x128xi32, #tpu.memory_space<vmem>> -> memref<128xi32, #tpu.memory_space<vmem>>
          %dma_wait3A_123 = arith.constant 0 : i32
          %dma_wait3A_124 = arith.constant 0 : i32
          %dma_wait3A_125 = tpu.memref_slice %arg10[%dma_wait3A_123, %dma_wait3A_124] : memref<10112x128xf32, #tpu.memory_space<vmem_shared>> -> memref<10112x128xf32, #tpu.memory_space<vmem_shared>>
          tpu.wait_indirect_dma semaphore(%run_scoped3A : memref<!tpu.dma_semaphore, #tpu.memory_space<semaphore_mem>>) src(%arg8 : memref<128x128xf32, #tpu.memory_space<vmem>>) dst(%dma_wait3A_125 : memref<10112x128xf32, #tpu.memory_space<vmem_shared>>)
          tpu.yield
        }) : () -> ()
        %mul3A_96 = arith.constant 2 : i32
        %mul3A_97 = arith.muli %mul3A_96, %while3A_79 : i32
        %add3A_98 = arith.constant 1 : i32
        %add3A_99 = arith.addi %mul3A_97, %add3A_98 : i32
        %add3A_100 = arith.constant 1 : i32
        %add3A_101 = arith.addi %add3A_99, %add3A_100 : i32
        %lt3A_102 = arith.cmpi slt, %add3A_101, %max3A_29 : i32
        %convert_element_type3A_103 = arith.extui %lt3A_102 : i1 to i32
        %cond3A_104 = arith.constant 0 : i32
        %cond3A_105 = arith.cmpi ne, %convert_element_type3A_103, %cond3A_104 : i32
        scf.if %cond3A_105 {
          %add3A_114 = arith.constant 1 : i32
          %add3A_115 = arith.addi %add3A_99, %add3A_114 : i32
          %dma_start3A_116 = arith.constant 0 : i32
          %dma_start3A_117 = tpu.memref_slice %arg6[%add3A_115, %dma_start3A_116] : memref<40x128xi32, #tpu.memory_space<vmem>> -> memref<1x128xi32, #tpu.memory_space<vmem>>
          %dma_start3A_118 = tpu.memref_squeeze %dma_start3A_117 : memref<1x128xi32, #tpu.memory_space<vmem>> -> memref<128xi32, #tpu.memory_space<vmem>>
          %dma_start3A_119 = arith.constant 0 : i32
          %dma_start3A_120 = arith.constant 0 : i32
          %dma_start3A_121 = tpu.memref_slice %arg2[%dma_start3A_119, %dma_start3A_120] : memref<10112x128xf32, #tpu.memory_space<hbm>> -> memref<10112x128xf32, #tpu.memory_space<hbm>>
          tpu.enqueue_indirect_dma source(%dma_start3A_121 : memref<10112x128xf32, #tpu.memory_space<hbm>>) target(%arg8 : memref<128x128xf32, #tpu.memory_space<vmem>>) offsets(%dma_start3A_118 : memref<128xi32, #tpu.memory_space<vmem>>) semaphore(%arg11 : memref<!tpu.dma_semaphore, #tpu.memory_space<semaphore_mem>>)
        } else {
        }
        %dma_wait3A_106 = arith.constant 0 : i32
        %dma_wait3A_107 = tpu.memref_slice %arg6[%add3A_99, %dma_wait3A_106] : memref<40x128xi32, #tpu.memory_space<vmem>> -> memref<1x128xi32, #tpu.memory_space<vmem>>
        %dma_wait3A_108 = tpu.memref_squeeze %dma_wait3A_107 : memref<1x128xi32, #tpu.memory_space<vmem>> -> memref<128xi32, #tpu.memory_space<vmem>>
        %dma_wait3A_109 = arith.constant 0 : i32
        %dma_wait3A_110 = arith.constant 0 : i32
        %dma_wait3A_111 = tpu.memref_slice %arg2[%dma_wait3A_109, %dma_wait3A_110] : memref<10112x128xf32, #tpu.memory_space<hbm>> -> memref<10112x128xf32, #tpu.memory_space<hbm>>
        tpu.wait_indirect_dma semaphore(%arg12 : memref<!tpu.dma_semaphore, #tpu.memory_space<semaphore_mem>>) src(%dma_wait3A_111 : memref<10112x128xf32, #tpu.memory_space<hbm>>) dst(%arg9 : memref<128x128xf32, #tpu.memory_space<vmem>>)
        %add3A_112 = arith.constant 0 : i32
        %add3A_113 = arith.addi %add3A_112, %add3A_99 : i32
        "tpu.region"() ({
          %run_scoped3A = tpu.sem_alloc : memref<!tpu.dma_semaphore, #tpu.memory_space<semaphore_mem>>
          %dma_start3A_114 = arith.constant 0 : i32
          %dma_start3A_115 = tpu.memref_slice %arg7[%add3A_113, %dma_start3A_114] : memref<72x128xi32, #tpu.memory_space<vmem>> -> memref<1x128xi32, #tpu.memory_space<vmem>>
          %dma_start3A_116 = tpu.memref_squeeze %dma_start3A_115 : memref<1x128xi32, #tpu.memory_space<vmem>> -> memref<128xi32, #tpu.memory_space<vmem>>
          %dma_start3A_117 = arith.constant 0 : i32
          %dma_start3A_118 = arith.constant 0 : i32
          %dma_start3A_119 = tpu.memref_slice %arg10[%dma_start3A_117, %dma_start3A_118] : memref<10112x128xf32, #tpu.memory_space<vmem_shared>> -> memref<10112x128xf32, #tpu.memory_space<vmem_shared>>
          tpu.enqueue_indirect_dma source(%arg9 : memref<128x128xf32, #tpu.memory_space<vmem>>) target(%dma_start3A_119 : memref<10112x128xf32, #tpu.memory_space<vmem_shared>>) offsets(%dma_start3A_116 : memref<128xi32, #tpu.memory_space<vmem>>) semaphore(%run_scoped3A : memref<!tpu.dma_semaphore, #tpu.memory_space<semaphore_mem>>) {add = true}
          %dma_wait3A_120 = arith.constant 0 : i32
          %dma_wait3A_121 = tpu.memref_slice %arg7[%add3A_113, %dma_wait3A_120] : memref<72x128xi32, #tpu.memory_space<vmem>> -> memref<1x128xi32, #tpu.memory_space<vmem>>
          %dma_wait3A_122 = tpu.memref_squeeze %dma_wait3A_121 : memref<1x128xi32, #tpu.memory_space<vmem>> -> memref<128xi32, #tpu.memory_space<vmem>>
          %dma_wait3A_123 = arith.constant 0 : i32
          %dma_wait3A_124 = arith.constant 0 : i32
          %dma_wait3A_125 = tpu.memref_slice %arg10[%dma_wait3A_123, %dma_wait3A_124] : memref<10112x128xf32, #tpu.memory_space<vmem_shared>> -> memref<10112x128xf32, #tpu.memory_space<vmem_shared>>
          tpu.wait_indirect_dma semaphore(%run_scoped3A : memref<!tpu.dma_semaphore, #tpu.memory_space<semaphore_mem>>) src(%arg9 : memref<128x128xf32, #tpu.memory_space<vmem>>) dst(%dma_wait3A_125 : memref<10112x128xf32, #tpu.memory_space<vmem_shared>>)
          tpu.yield
        }) : () -> ()
      }
    } else {
    }
    %sub3A_32 = arith.constant 40 : i32
    %sub3A_33 = arith.subi %select_n3A_2, %sub3A_32 : i32
    %min3A_34 = arith.constant 40 : i32
    %min3A_35 = arith.minsi %min3A_34, %sub3A_33 : i32
    %max3A_36 = arith.constant 0 : i32
    %max3A_37 = arith.maxsi %max3A_36, %min3A_35 : i32
    %gt3A_38 = arith.constant 0 : i32
    %gt3A_39 = arith.cmpi sgt, %max3A_37, %gt3A_38 : i32
    %convert_element_type3A_40 = arith.extui %gt3A_39 : i1 to i32
    %cond3A_41 = arith.constant 0 : i32
    %cond3A_42 = arith.cmpi ne, %convert_element_type3A_40, %cond3A_41 : i32
    scf.if %cond3A_42 {
      %add3A_44 = arith.constant 40 : i32
      %add3A_45 = arith.addi %select_n3A_26, %add3A_44 : i32
      "tpu.region"() ({
        %run_scoped3A = tpu.sem_alloc : memref<!tpu.dma_semaphore, #tpu.memory_space<semaphore_mem>>
        %dma_start3A_79 = arith.constant 0 : i32
        %dma_start3A_80 = tpu.memref_slice %arg3[%add3A_45, %dma_start3A_79] : memref<1344x128xi32, #tpu.memory_space<hbm>> -> memref<40x128xi32, #tpu.memory_space<hbm>>
        %dma_start3A_81 = arith.constant 0 : i32
        %dma_start3A_82 = tpu.memref_slice %arg3[%add3A_45, %dma_start3A_81] : memref<1344x128xi32, #tpu.memory_space<hbm>> -> memref<40x128xi32, #tpu.memory_space<hbm>>
        tpu.enqueue_dma source(%dma_start3A_82 : memref<40x128xi32, #tpu.memory_space<hbm>>) target(%arg6 : memref<40x128xi32, #tpu.memory_space<vmem>>) target_semaphore(%run_scoped3A : memref<!tpu.dma_semaphore, #tpu.memory_space<semaphore_mem>>)
        %dma_wait3A = arith.constant 0 : i32
        %dma_wait3A_83 = tpu.memref_slice %arg3[%add3A_45, %dma_wait3A] : memref<1344x128xi32, #tpu.memory_space<hbm>> -> memref<40x128xi32, #tpu.memory_space<hbm>>
        %dma_wait3A_84 = arith.constant 0 : i32
        %dma_wait3A_85 = tpu.memref_slice %arg3[%add3A_45, %dma_wait3A_84] : memref<1344x128xi32, #tpu.memory_space<hbm>> -> memref<40x128xi32, #tpu.memory_space<hbm>>
        tpu.wait_dma2 semaphore(%run_scoped3A : memref<!tpu.dma_semaphore, #tpu.memory_space<semaphore_mem>>) src(%dma_wait3A_85 : memref<40x128xi32, #tpu.memory_space<hbm>>) dst(%arg6 : memref<40x128xi32, #tpu.memory_space<vmem>>)
        tpu.yield
      }) : () -> ()
      %dma_start3A = arith.constant 0 : i32
      %dma_start3A_46 = arith.constant 0 : i32
      %dma_start3A_47 = tpu.memref_slice %arg6[%dma_start3A, %dma_start3A_46] : memref<40x128xi32, #tpu.memory_space<vmem>> -> memref<1x128xi32, #tpu.memory_space<vmem>>
      %dma_start3A_48 = tpu.memref_squeeze %dma_start3A_47 : memref<1x128xi32, #tpu.memory_space<vmem>> -> memref<128xi32, #tpu.memory_space<vmem>>
      %dma_start3A_49 = arith.constant 0 : i32
      %dma_start3A_50 = arith.constant 0 : i32
      %dma_start3A_51 = tpu.memref_slice %arg2[%dma_start3A_49, %dma_start3A_50] : memref<10112x128xf32, #tpu.memory_space<hbm>> -> memref<10112x128xf32, #tpu.memory_space<hbm>>
      tpu.enqueue_indirect_dma source(%dma_start3A_51 : memref<10112x128xf32, #tpu.memory_space<hbm>>) target(%arg8 : memref<128x128xf32, #tpu.memory_space<vmem>>) offsets(%dma_start3A_48 : memref<128xi32, #tpu.memory_space<vmem>>) semaphore(%arg11 : memref<!tpu.dma_semaphore, #tpu.memory_space<semaphore_mem>>)
      %jit3A = arith.constant 2 : i32
      %div3A = arith.divsi %max3A_37, %jit3A : i32
      %sign3A = arith.constant 0 : i32
      %sign3A_52 = arith.cmpi sgt, %max3A_37, %sign3A : i32
      %sign3A_53 = arith.extui %sign3A_52 : i1 to i32
      %sign3A_54 = arith.constant 0 : i32
      %sign3A_55 = arith.cmpi slt, %max3A_37, %sign3A_54 : i32
      %sign3A_56 = arith.extui %sign3A_55 : i1 to i32
      %sign3A_57 = arith.subi %sign3A_53, %sign3A_56 : i32
      %sign3A_58 = arith.constant 0 : i32
      %sign3A_59 = arith.cmpi sgt, %jit3A, %sign3A_58 : i32
      %sign3A_60 = arith.extui %sign3A_59 : i1 to i32
      %sign3A_61 = arith.constant 0 : i32
      %sign3A_62 = arith.cmpi slt, %jit3A, %sign3A_61 : i32
      %sign3A_63 = arith.extui %sign3A_62 : i1 to i32
      %sign3A_64 = arith.subi %sign3A_60, %sign3A_63 : i32
      %ne3A = arith.cmpi ne, %sign3A_57, %sign3A_64 : i32
      %rem3A = arith.remsi %max3A_37, %jit3A : i32
      %ne3A_65 = arith.constant 0 : i32
      %ne3A_66 = arith.cmpi ne, %rem3A, %ne3A_65 : i32
      %and3A = arith.andi %ne3A, %ne3A_66 : i1
      %sub3A_67 = arith.constant 1 : i32
      %sub3A_68 = arith.subi %div3A, %sub3A_67 : i32
      %select_n3A_69 = arith.select %and3A, %sub3A_68, %div3A : i32
      %while3A = arith.constant 0 : i32
      %while3A_70 = arith.constant 0 : i32
      %while3A_71 = arith.subi %select_n3A_69, %while3A_70 : i32
      %while3A_72 = arith.addi %while3A_70, %while3A_71 : i32
      %while3A_73 = arith.constant 1 : i32
      %while3A_74 = arith.divsi %while3A_71, %while3A_73 : i32
      %while3A_75 = arith.muli %while3A_74, %while3A_73 : i32
      %while3A_76 = arith.addi %while3A_70, %while3A_75 : i32
      %while3A_77 = arith.constant 1 : i32
      scf.for %while3A_79 = %while3A_70 to %while3A_76 step %while3A_77  : i32 {
        %mul3A_80 = arith.constant 2 : i32
        %mul3A_81 = arith.muli %mul3A_80, %while3A_79 : i32
        %add3A_82 = arith.constant 0 : i32
        %add3A_83 = arith.addi %mul3A_81, %add3A_82 : i32
        %add3A_84 = arith.constant 1 : i32
        %add3A_85 = arith.addi %add3A_83, %add3A_84 : i32
        %lt3A = arith.cmpi slt, %add3A_85, %max3A_37 : i32
        %convert_element_type3A_86 = arith.extui %lt3A : i1 to i32
        %cond3A_87 = arith.constant 0 : i32
        %cond3A_88 = arith.cmpi ne, %convert_element_type3A_86, %cond3A_87 : i32
        scf.if %cond3A_88 {
          %add3A_114 = arith.constant 1 : i32
          %add3A_115 = arith.addi %add3A_83, %add3A_114 : i32
          %dma_start3A_116 = arith.constant 0 : i32
          %dma_start3A_117 = tpu.memref_slice %arg6[%add3A_115, %dma_start3A_116] : memref<40x128xi32, #tpu.memory_space<vmem>> -> memref<1x128xi32, #tpu.memory_space<vmem>>
          %dma_start3A_118 = tpu.memref_squeeze %dma_start3A_117 : memref<1x128xi32, #tpu.memory_space<vmem>> -> memref<128xi32, #tpu.memory_space<vmem>>
          %dma_start3A_119 = arith.constant 0 : i32
          %dma_start3A_120 = arith.constant 0 : i32
          %dma_start3A_121 = tpu.memref_slice %arg2[%dma_start3A_119, %dma_start3A_120] : memref<10112x128xf32, #tpu.memory_space<hbm>> -> memref<10112x128xf32, #tpu.memory_space<hbm>>
          tpu.enqueue_indirect_dma source(%dma_start3A_121 : memref<10112x128xf32, #tpu.memory_space<hbm>>) target(%arg9 : memref<128x128xf32, #tpu.memory_space<vmem>>) offsets(%dma_start3A_118 : memref<128xi32, #tpu.memory_space<vmem>>) semaphore(%arg12 : memref<!tpu.dma_semaphore, #tpu.memory_space<semaphore_mem>>)
        } else {
        }
        %dma_wait3A = arith.constant 0 : i32
        %dma_wait3A_89 = tpu.memref_slice %arg6[%add3A_83, %dma_wait3A] : memref<40x128xi32, #tpu.memory_space<vmem>> -> memref<1x128xi32, #tpu.memory_space<vmem>>
        %dma_wait3A_90 = tpu.memref_squeeze %dma_wait3A_89 : memref<1x128xi32, #tpu.memory_space<vmem>> -> memref<128xi32, #tpu.memory_space<vmem>>
        %dma_wait3A_91 = arith.constant 0 : i32
        %dma_wait3A_92 = arith.constant 0 : i32
        %dma_wait3A_93 = tpu.memref_slice %arg2[%dma_wait3A_91, %dma_wait3A_92] : memref<10112x128xf32, #tpu.memory_space<hbm>> -> memref<10112x128xf32, #tpu.memory_space<hbm>>
        tpu.wait_indirect_dma semaphore(%arg11 : memref<!tpu.dma_semaphore, #tpu.memory_space<semaphore_mem>>) src(%dma_wait3A_93 : memref<10112x128xf32, #tpu.memory_space<hbm>>) dst(%arg8 : memref<128x128xf32, #tpu.memory_space<vmem>>)
        %add3A_94 = arith.constant 40 : i32
        %add3A_95 = arith.addi %add3A_94, %add3A_83 : i32
        "tpu.region"() ({
          %run_scoped3A = tpu.sem_alloc : memref<!tpu.dma_semaphore, #tpu.memory_space<semaphore_mem>>
          %dma_start3A_114 = arith.constant 0 : i32
          %dma_start3A_115 = tpu.memref_slice %arg7[%add3A_95, %dma_start3A_114] : memref<72x128xi32, #tpu.memory_space<vmem>> -> memref<1x128xi32, #tpu.memory_space<vmem>>
          %dma_start3A_116 = tpu.memref_squeeze %dma_start3A_115 : memref<1x128xi32, #tpu.memory_space<vmem>> -> memref<128xi32, #tpu.memory_space<vmem>>
          %dma_start3A_117 = arith.constant 0 : i32
          %dma_start3A_118 = arith.constant 0 : i32
          %dma_start3A_119 = tpu.memref_slice %arg10[%dma_start3A_117, %dma_start3A_118] : memref<10112x128xf32, #tpu.memory_space<vmem_shared>> -> memref<10112x128xf32, #tpu.memory_space<vmem_shared>>
          tpu.enqueue_indirect_dma source(%arg8 : memref<128x128xf32, #tpu.memory_space<vmem>>) target(%dma_start3A_119 : memref<10112x128xf32, #tpu.memory_space<vmem_shared>>) offsets(%dma_start3A_116 : memref<128xi32, #tpu.memory_space<vmem>>) semaphore(%run_scoped3A : memref<!tpu.dma_semaphore, #tpu.memory_space<semaphore_mem>>) {add = true}
          %dma_wait3A_120 = arith.constant 0 : i32
          %dma_wait3A_121 = tpu.memref_slice %arg7[%add3A_95, %dma_wait3A_120] : memref<72x128xi32, #tpu.memory_space<vmem>> -> memref<1x128xi32, #tpu.memory_space<vmem>>
          %dma_wait3A_122 = tpu.memref_squeeze %dma_wait3A_121 : memref<1x128xi32, #tpu.memory_space<vmem>> -> memref<128xi32, #tpu.memory_space<vmem>>
          %dma_wait3A_123 = arith.constant 0 : i32
          %dma_wait3A_124 = arith.constant 0 : i32
          %dma_wait3A_125 = tpu.memref_slice %arg10[%dma_wait3A_123, %dma_wait3A_124] : memref<10112x128xf32, #tpu.memory_space<vmem_shared>> -> memref<10112x128xf32, #tpu.memory_space<vmem_shared>>
          tpu.wait_indirect_dma semaphore(%run_scoped3A : memref<!tpu.dma_semaphore, #tpu.memory_space<semaphore_mem>>) src(%arg8 : memref<128x128xf32, #tpu.memory_space<vmem>>) dst(%dma_wait3A_125 : memref<10112x128xf32, #tpu.memory_space<vmem_shared>>)
          tpu.yield
        }) : () -> ()
        %mul3A_96 = arith.constant 2 : i32
        %mul3A_97 = arith.muli %mul3A_96, %while3A_79 : i32
        %add3A_98 = arith.constant 1 : i32
        %add3A_99 = arith.addi %mul3A_97, %add3A_98 : i32
        %add3A_100 = arith.constant 1 : i32
        %add3A_101 = arith.addi %add3A_99, %add3A_100 : i32
        %lt3A_102 = arith.cmpi slt, %add3A_101, %max3A_37 : i32
        %convert_element_type3A_103 = arith.extui %lt3A_102 : i1 to i32
        %cond3A_104 = arith.constant 0 : i32
        %cond3A_105 = arith.cmpi ne, %convert_element_type3A_103, %cond3A_104 : i32
        scf.if %cond3A_105 {
          %add3A_114 = arith.constant 1 : i32
          %add3A_115 = arith.addi %add3A_99, %add3A_114 : i32
          %dma_start3A_116 = arith.constant 0 : i32
          %dma_start3A_117 = tpu.memref_slice %arg6[%add3A_115, %dma_start3A_116] : memref<40x128xi32, #tpu.memory_space<vmem>> -> memref<1x128xi32, #tpu.memory_space<vmem>>
          %dma_start3A_118 = tpu.memref_squeeze %dma_start3A_117 : memref<1x128xi32, #tpu.memory_space<vmem>> -> memref<128xi32, #tpu.memory_space<vmem>>
          %dma_start3A_119 = arith.constant 0 : i32
          %dma_start3A_120 = arith.constant 0 : i32
          %dma_start3A_121 = tpu.memref_slice %arg2[%dma_start3A_119, %dma_start3A_120] : memref<10112x128xf32, #tpu.memory_space<hbm>> -> memref<10112x128xf32, #tpu.memory_space<hbm>>
          tpu.enqueue_indirect_dma source(%dma_start3A_121 : memref<10112x128xf32, #tpu.memory_space<hbm>>) target(%arg8 : memref<128x128xf32, #tpu.memory_space<vmem>>) offsets(%dma_start3A_118 : memref<128xi32, #tpu.memory_space<vmem>>) semaphore(%arg11 : memref<!tpu.dma_semaphore, #tpu.memory_space<semaphore_mem>>)
        } else {
        }
        %dma_wait3A_106 = arith.constant 0 : i32
        %dma_wait3A_107 = tpu.memref_slice %arg6[%add3A_99, %dma_wait3A_106] : memref<40x128xi32, #tpu.memory_space<vmem>> -> memref<1x128xi32, #tpu.memory_space<vmem>>
        %dma_wait3A_108 = tpu.memref_squeeze %dma_wait3A_107 : memref<1x128xi32, #tpu.memory_space<vmem>> -> memref<128xi32, #tpu.memory_space<vmem>>
        %dma_wait3A_109 = arith.constant 0 : i32
        %dma_wait3A_110 = arith.constant 0 : i32
        %dma_wait3A_111 = tpu.memref_slice %arg2[%dma_wait3A_109, %dma_wait3A_110] : memref<10112x128xf32, #tpu.memory_space<hbm>> -> memref<10112x128xf32, #tpu.memory_space<hbm>>
        tpu.wait_indirect_dma semaphore(%arg12 : memref<!tpu.dma_semaphore, #tpu.memory_space<semaphore_mem>>) src(%dma_wait3A_111 : memref<10112x128xf32, #tpu.memory_space<hbm>>) dst(%arg9 : memref<128x128xf32, #tpu.memory_space<vmem>>)
        %add3A_112 = arith.constant 40 : i32
        %add3A_113 = arith.addi %add3A_112, %add3A_99 : i32
        "tpu.region"() ({
          %run_scoped3A = tpu.sem_alloc : memref<!tpu.dma_semaphore, #tpu.memory_space<semaphore_mem>>
          %dma_start3A_114 = arith.constant 0 : i32
          %dma_start3A_115 = tpu.memref_slice %arg7[%add3A_113, %dma_start3A_114] : memref<72x128xi32, #tpu.memory_space<vmem>> -> memref<1x128xi32, #tpu.memory_space<vmem>>
          %dma_start3A_116 = tpu.memref_squeeze %dma_start3A_115 : memref<1x128xi32, #tpu.memory_space<vmem>> -> memref<128xi32, #tpu.memory_space<vmem>>
          %dma_start3A_117 = arith.constant 0 : i32
          %dma_start3A_118 = arith.constant 0 : i32
          %dma_start3A_119 = tpu.memref_slice %arg10[%dma_start3A_117, %dma_start3A_118] : memref<10112x128xf32, #tpu.memory_space<vmem_shared>> -> memref<10112x128xf32, #tpu.memory_space<vmem_shared>>
          tpu.enqueue_indirect_dma source(%arg9 : memref<128x128xf32, #tpu.memory_space<vmem>>) target(%dma_start3A_119 : memref<10112x128xf32, #tpu.memory_space<vmem_shared>>) offsets(%dma_start3A_116 : memref<128xi32, #tpu.memory_space<vmem>>) semaphore(%run_scoped3A : memref<!tpu.dma_semaphore, #tpu.memory_space<semaphore_mem>>) {add = true}
          %dma_wait3A_120 = arith.constant 0 : i32
          %dma_wait3A_121 = tpu.memref_slice %arg7[%add3A_113, %dma_wait3A_120] : memref<72x128xi32, #tpu.memory_space<vmem>> -> memref<1x128xi32, #tpu.memory_space<vmem>>
          %dma_wait3A_122 = tpu.memref_squeeze %dma_wait3A_121 : memref<1x128xi32, #tpu.memory_space<vmem>> -> memref<128xi32, #tpu.memory_space<vmem>>
          %dma_wait3A_123 = arith.constant 0 : i32
          %dma_wait3A_124 = arith.constant 0 : i32
          %dma_wait3A_125 = tpu.memref_slice %arg10[%dma_wait3A_123, %dma_wait3A_124] : memref<10112x128xf32, #tpu.memory_space<vmem_shared>> -> memref<10112x128xf32, #tpu.memory_space<vmem_shared>>
          tpu.wait_indirect_dma semaphore(%run_scoped3A : memref<!tpu.dma_semaphore, #tpu.memory_space<semaphore_mem>>) src(%arg9 : memref<128x128xf32, #tpu.memory_space<vmem>>) dst(%dma_wait3A_125 : memref<10112x128xf32, #tpu.memory_space<vmem_shared>>)
          tpu.yield
        }) : () -> ()
      }
      %while3A_78 = arith.constant 1 : i32
      scf.for %while3A_79 = %while3A_76 to %while3A_72 step %while3A_78  : i32 {
        %mul3A_80 = arith.constant 2 : i32
        %mul3A_81 = arith.muli %mul3A_80, %while3A_79 : i32
        %add3A_82 = arith.constant 0 : i32
        %add3A_83 = arith.addi %mul3A_81, %add3A_82 : i32
        %add3A_84 = arith.constant 1 : i32
        %add3A_85 = arith.addi %add3A_83, %add3A_84 : i32
        %lt3A = arith.cmpi slt, %add3A_85, %max3A_37 : i32
        %convert_element_type3A_86 = arith.extui %lt3A : i1 to i32
        %cond3A_87 = arith.constant 0 : i32
        %cond3A_88 = arith.cmpi ne, %convert_element_type3A_86, %cond3A_87 : i32
        scf.if %cond3A_88 {
          %add3A_114 = arith.constant 1 : i32
          %add3A_115 = arith.addi %add3A_83, %add3A_114 : i32
          %dma_start3A_116 = arith.constant 0 : i32
          %dma_start3A_117 = tpu.memref_slice %arg6[%add3A_115, %dma_start3A_116] : memref<40x128xi32, #tpu.memory_space<vmem>> -> memref<1x128xi32, #tpu.memory_space<vmem>>
          %dma_start3A_118 = tpu.memref_squeeze %dma_start3A_117 : memref<1x128xi32, #tpu.memory_space<vmem>> -> memref<128xi32, #tpu.memory_space<vmem>>
          %dma_start3A_119 = arith.constant 0 : i32
          %dma_start3A_120 = arith.constant 0 : i32
          %dma_start3A_121 = tpu.memref_slice %arg2[%dma_start3A_119, %dma_start3A_120] : memref<10112x128xf32, #tpu.memory_space<hbm>> -> memref<10112x128xf32, #tpu.memory_space<hbm>>
          tpu.enqueue_indirect_dma source(%dma_start3A_121 : memref<10112x128xf32, #tpu.memory_space<hbm>>) target(%arg9 : memref<128x128xf32, #tpu.memory_space<vmem>>) offsets(%dma_start3A_118 : memref<128xi32, #tpu.memory_space<vmem>>) semaphore(%arg12 : memref<!tpu.dma_semaphore, #tpu.memory_space<semaphore_mem>>)
        } else {
        }
        %dma_wait3A = arith.constant 0 : i32
        %dma_wait3A_89 = tpu.memref_slice %arg6[%add3A_83, %dma_wait3A] : memref<40x128xi32, #tpu.memory_space<vmem>> -> memref<1x128xi32, #tpu.memory_space<vmem>>
        %dma_wait3A_90 = tpu.memref_squeeze %dma_wait3A_89 : memref<1x128xi32, #tpu.memory_space<vmem>> -> memref<128xi32, #tpu.memory_space<vmem>>
        %dma_wait3A_91 = arith.constant 0 : i32
        %dma_wait3A_92 = arith.constant 0 : i32
        %dma_wait3A_93 = tpu.memref_slice %arg2[%dma_wait3A_91, %dma_wait3A_92] : memref<10112x128xf32, #tpu.memory_space<hbm>> -> memref<10112x128xf32, #tpu.memory_space<hbm>>
        tpu.wait_indirect_dma semaphore(%arg11 : memref<!tpu.dma_semaphore, #tpu.memory_space<semaphore_mem>>) src(%dma_wait3A_93 : memref<10112x128xf32, #tpu.memory_space<hbm>>) dst(%arg8 : memref<128x128xf32, #tpu.memory_space<vmem>>)
        %add3A_94 = arith.constant 40 : i32
        %add3A_95 = arith.addi %add3A_94, %add3A_83 : i32
        "tpu.region"() ({
          %run_scoped3A = tpu.sem_alloc : memref<!tpu.dma_semaphore, #tpu.memory_space<semaphore_mem>>
          %dma_start3A_114 = arith.constant 0 : i32
          %dma_start3A_115 = tpu.memref_slice %arg7[%add3A_95, %dma_start3A_114] : memref<72x128xi32, #tpu.memory_space<vmem>> -> memref<1x128xi32, #tpu.memory_space<vmem>>
          %dma_start3A_116 = tpu.memref_squeeze %dma_start3A_115 : memref<1x128xi32, #tpu.memory_space<vmem>> -> memref<128xi32, #tpu.memory_space<vmem>>
          %dma_start3A_117 = arith.constant 0 : i32
          %dma_start3A_118 = arith.constant 0 : i32
          %dma_start3A_119 = tpu.memref_slice %arg10[%dma_start3A_117, %dma_start3A_118] : memref<10112x128xf32, #tpu.memory_space<vmem_shared>> -> memref<10112x128xf32, #tpu.memory_space<vmem_shared>>
          tpu.enqueue_indirect_dma source(%arg8 : memref<128x128xf32, #tpu.memory_space<vmem>>) target(%dma_start3A_119 : memref<10112x128xf32, #tpu.memory_space<vmem_shared>>) offsets(%dma_start3A_116 : memref<128xi32, #tpu.memory_space<vmem>>) semaphore(%run_scoped3A : memref<!tpu.dma_semaphore, #tpu.memory_space<semaphore_mem>>) {add = true}
          %dma_wait3A_120 = arith.constant 0 : i32
          %dma_wait3A_121 = tpu.memref_slice %arg7[%add3A_95, %dma_wait3A_120] : memref<72x128xi32, #tpu.memory_space<vmem>> -> memref<1x128xi32, #tpu.memory_space<vmem>>
          %dma_wait3A_122 = tpu.memref_squeeze %dma_wait3A_121 : memref<1x128xi32, #tpu.memory_space<vmem>> -> memref<128xi32, #tpu.memory_space<vmem>>
          %dma_wait3A_123 = arith.constant 0 : i32
          %dma_wait3A_124 = arith.constant 0 : i32
          %dma_wait3A_125 = tpu.memref_slice %arg10[%dma_wait3A_123, %dma_wait3A_124] : memref<10112x128xf32, #tpu.memory_space<vmem_shared>> -> memref<10112x128xf32, #tpu.memory_space<vmem_shared>>
          tpu.wait_indirect_dma semaphore(%run_scoped3A : memref<!tpu.dma_semaphore, #tpu.memory_space<semaphore_mem>>) src(%arg8 : memref<128x128xf32, #tpu.memory_space<vmem>>) dst(%dma_wait3A_125 : memref<10112x128xf32, #tpu.memory_space<vmem_shared>>)
          tpu.yield
        }) : () -> ()
        %mul3A_96 = arith.constant 2 : i32
        %mul3A_97 = arith.muli %mul3A_96, %while3A_79 : i32
        %add3A_98 = arith.constant 1 : i32
        %add3A_99 = arith.addi %mul3A_97, %add3A_98 : i32
        %add3A_100 = arith.constant 1 : i32
        %add3A_101 = arith.addi %add3A_99, %add3A_100 : i32
        %lt3A_102 = arith.cmpi slt, %add3A_101, %max3A_37 : i32
        %convert_element_type3A_103 = arith.extui %lt3A_102 : i1 to i32
        %cond3A_104 = arith.constant 0 : i32
        %cond3A_105 = arith.cmpi ne, %convert_element_type3A_103, %cond3A_104 : i32
        scf.if %cond3A_105 {
          %add3A_114 = arith.constant 1 : i32
          %add3A_115 = arith.addi %add3A_99, %add3A_114 : i32
          %dma_start3A_116 = arith.constant 0 : i32
          %dma_start3A_117 = tpu.memref_slice %arg6[%add3A_115, %dma_start3A_116] : memref<40x128xi32, #tpu.memory_space<vmem>> -> memref<1x128xi32, #tpu.memory_space<vmem>>
          %dma_start3A_118 = tpu.memref_squeeze %dma_start3A_117 : memref<1x128xi32, #tpu.memory_space<vmem>> -> memref<128xi32, #tpu.memory_space<vmem>>
          %dma_start3A_119 = arith.constant 0 : i32
          %dma_start3A_120 = arith.constant 0 : i32
          %dma_start3A_121 = tpu.memref_slice %arg2[%dma_start3A_119, %dma_start3A_120] : memref<10112x128xf32, #tpu.memory_space<hbm>> -> memref<10112x128xf32, #tpu.memory_space<hbm>>
          tpu.enqueue_indirect_dma source(%dma_start3A_121 : memref<10112x128xf32, #tpu.memory_space<hbm>>) target(%arg8 : memref<128x128xf32, #tpu.memory_space<vmem>>) offsets(%dma_start3A_118 : memref<128xi32, #tpu.memory_space<vmem>>) semaphore(%arg11 : memref<!tpu.dma_semaphore, #tpu.memory_space<semaphore_mem>>)
        } else {
        }
        %dma_wait3A_106 = arith.constant 0 : i32
        %dma_wait3A_107 = tpu.memref_slice %arg6[%add3A_99, %dma_wait3A_106] : memref<40x128xi32, #tpu.memory_space<vmem>> -> memref<1x128xi32, #tpu.memory_space<vmem>>
        %dma_wait3A_108 = tpu.memref_squeeze %dma_wait3A_107 : memref<1x128xi32, #tpu.memory_space<vmem>> -> memref<128xi32, #tpu.memory_space<vmem>>
        %dma_wait3A_109 = arith.constant 0 : i32
        %dma_wait3A_110 = arith.constant 0 : i32
        %dma_wait3A_111 = tpu.memref_slice %arg2[%dma_wait3A_109, %dma_wait3A_110] : memref<10112x128xf32, #tpu.memory_space<hbm>> -> memref<10112x128xf32, #tpu.memory_space<hbm>>
        tpu.wait_indirect_dma semaphore(%arg12 : memref<!tpu.dma_semaphore, #tpu.memory_space<semaphore_mem>>) src(%dma_wait3A_111 : memref<10112x128xf32, #tpu.memory_space<hbm>>) dst(%arg9 : memref<128x128xf32, #tpu.memory_space<vmem>>)
        %add3A_112 = arith.constant 40 : i32
        %add3A_113 = arith.addi %add3A_112, %add3A_99 : i32
        "tpu.region"() ({
          %run_scoped3A = tpu.sem_alloc : memref<!tpu.dma_semaphore, #tpu.memory_space<semaphore_mem>>
          %dma_start3A_114 = arith.constant 0 : i32
          %dma_start3A_115 = tpu.memref_slice %arg7[%add3A_113, %dma_start3A_114] : memref<72x128xi32, #tpu.memory_space<vmem>> -> memref<1x128xi32, #tpu.memory_space<vmem>>
          %dma_start3A_116 = tpu.memref_squeeze %dma_start3A_115 : memref<1x128xi32, #tpu.memory_space<vmem>> -> memref<128xi32, #tpu.memory_space<vmem>>
          %dma_start3A_117 = arith.constant 0 : i32
          %dma_start3A_118 = arith.constant 0 : i32
          %dma_start3A_119 = tpu.memref_slice %arg10[%dma_start3A_117, %dma_start3A_118] : memref<10112x128xf32, #tpu.memory_space<vmem_shared>> -> memref<10112x128xf32, #tpu.memory_space<vmem_shared>>
          tpu.enqueue_indirect_dma source(%arg9 : memref<128x128xf32, #tpu.memory_space<vmem>>) target(%dma_start3A_119 : memref<10112x128xf32, #tpu.memory_space<vmem_shared>>) offsets(%dma_start3A_116 : memref<128xi32, #tpu.memory_space<vmem>>) semaphore(%run_scoped3A : memref<!tpu.dma_semaphore, #tpu.memory_space<semaphore_mem>>) {add = true}
          %dma_wait3A_120 = arith.constant 0 : i32
          %dma_wait3A_121 = tpu.memref_slice %arg7[%add3A_113, %dma_wait3A_120] : memref<72x128xi32, #tpu.memory_space<vmem>> -> memref<1x128xi32, #tpu.memory_space<vmem>>
          %dma_wait3A_122 = tpu.memref_squeeze %dma_wait3A_121 : memref<1x128xi32, #tpu.memory_space<vmem>> -> memref<128xi32, #tpu.memory_space<vmem>>
          %dma_wait3A_123 = arith.constant 0 : i32
          %dma_wait3A_124 = arith.constant 0 : i32
          %dma_wait3A_125 = tpu.memref_slice %arg10[%dma_wait3A_123, %dma_wait3A_124] : memref<10112x128xf32, #tpu.memory_space<vmem_shared>> -> memref<10112x128xf32, #tpu.memory_space<vmem_shared>>
          tpu.wait_indirect_dma semaphore(%run_scoped3A : memref<!tpu.dma_semaphore, #tpu.memory_space<semaphore_mem>>) src(%arg9 : memref<128x128xf32, #tpu.memory_space<vmem>>) dst(%dma_wait3A_125 : memref<10112x128xf32, #tpu.memory_space<vmem_shared>>)
          tpu.yield
        }) : () -> ()
      }
    } else {
    }
    %barrier3A_43 = arith.constant 0 : index
    tpu.barrier barrier_id(%barrier3A_43)
    "tpu.region"() ({
      %run_scoped3A = tpu.sem_alloc : memref<!tpu.dma_semaphore, #tpu.memory_space<semaphore_mem>>
      %dma_start3A = arith.constant 0 : i32
      %dma_start3A_44 = tpu.memref_slice %arg5[%arg0, %mul3A_3, %dma_start3A] : memref<2x10112x128xf32, #tpu.memory_space<hbm>> -> memref<1x632x128xf32, #tpu.memory_space<hbm>>
      %dma_start3A_45 = tpu.memref_squeeze %dma_start3A_44 : memref<1x632x128xf32, #tpu.memory_space<hbm>> -> memref<632x128xf32, #tpu.memory_space<hbm>>
      %dma_start3A_46 = arith.constant 0 : i32
      %dma_start3A_47 = tpu.memref_slice %arg10[%mul3A_3, %dma_start3A_46] : memref<10112x128xf32, #tpu.memory_space<vmem_shared>> -> memref<632x128xf32, #tpu.memory_space<vmem_shared>>
      tpu.enqueue_dma source(%dma_start3A_47 : memref<632x128xf32, #tpu.memory_space<vmem_shared>>) target(%dma_start3A_45 : memref<632x128xf32, #tpu.memory_space<hbm>>) target_semaphore(%run_scoped3A : memref<!tpu.dma_semaphore, #tpu.memory_space<semaphore_mem>>)
      %dma_wait3A = arith.constant 0 : i32
      %dma_wait3A_48 = tpu.memref_slice %arg5[%arg0, %mul3A_3, %dma_wait3A] : memref<2x10112x128xf32, #tpu.memory_space<hbm>> -> memref<1x632x128xf32, #tpu.memory_space<hbm>>
      %dma_wait3A_49 = tpu.memref_squeeze %dma_wait3A_48 : memref<1x632x128xf32, #tpu.memory_space<hbm>> -> memref<632x128xf32, #tpu.memory_space<hbm>>
      %dma_wait3A_50 = arith.constant 0 : i32
      %dma_wait3A_51 = tpu.memref_slice %arg10[%mul3A_3, %dma_wait3A_50] : memref<10112x128xf32, #tpu.memory_space<vmem_shared>> -> memref<632x128xf32, #tpu.memory_space<vmem_shared>>
      tpu.wait_dma2 semaphore(%run_scoped3A : memref<!tpu.dma_semaphore, #tpu.memory_space<semaphore_mem>>) src(%dma_wait3A_51 : memref<632x128xf32, #tpu.memory_space<vmem_shared>>) dst(%dma_wait3A_49 : memref<632x128xf32, #tpu.memory_space<hbm>>)
      tpu.yield
    }) : () -> ()
    return
  }
}

#map = affine_map<(d0, d1) -> (0, 0)>
#map1 = affine_map<(d0, d1) -> (0, 0, 0)>
module attributes {stable_mosaic.version = 14 : i64} {
  func.func @sc_scatter(%arg0: i32, %arg1: i32, %arg2: memref<128x128xf32, #tpu.memory_space<hbm>>, %arg3: memref<1344x128xi32, #tpu.memory_space<hbm>>, %arg4: memref<1344x128xi32, #tpu.memory_space<hbm>>, %arg5: memref<2x10112x128xf32, #tpu.memory_space<hbm>>, %arg6: memref<40x128xi32, #tpu.memory_space<vmem>>, %arg7: memref<40x128xi32, #tpu.memory_space<vmem>>, %arg8: memref<128x128xf32, #tpu.memory_space<vmem>>, %arg9: memref<128x128xf32, #tpu.memory_space<vmem>>, %arg10: memref<10112x128xf32, #tpu.memory_space<vmem_shared>>, %arg11: memref<!tpu.dma_semaphore, #tpu.memory_space<semaphore_mem>>, %arg12: memref<!tpu.dma_semaphore, #tpu.memory_space<semaphore_mem>>) attributes {dimension_semantics = [#tpu.dimension_semantics<core_parallel>, #tpu.dimension_semantics<subcore_parallel>], iteration_bounds = array<i64: 2, 16>, scalar_prefetch = 0 : i64, scratch_operands = 7 : i64, tpu.core_type = #tpu.core_type<sc_vector_subcore>, window_params = [{transform_indices = #map}, {transform_indices = #map}, {transform_indices = #map}, {transform_indices = #map1}]} {
    %eq3A = arith.constant 0 : i32
    %eq3A_0 = arith.cmpi eq, %arg0, %eq3A : i32
    %select_n3A = arith.constant 40 : i32
    %select_n3A_1 = arith.constant 40 : i32
    %select_n3A_2 = arith.select %eq3A_0, %select_n3A_1, %select_n3A : i32
    %mul3A = arith.constant 632 : i32
    %mul3A_3 = arith.muli %arg1, %mul3A : i32
    %scan3A = arith.constant 0 : i32
    %scan3A_4 = arith.constant 0 : i32
    %scan3A_5 = arith.constant 1024 : i32
    %scan3A_6 = arith.addi %scan3A_4, %scan3A_5 : i32
    %scan3A_7 = arith.constant 1 : i32
    scf.for %scan3A_43 = %scan3A_4 to %scan3A_6 step %scan3A_7  : i32 {
      %jit3A = arith.constant 8 : i32
      %div3A = arith.divsi %scan3A_43, %jit3A : i32
      %sign3A = arith.constant 0 : i32
      %sign3A_44 = arith.cmpi sgt, %scan3A_43, %sign3A : i32
      %sign3A_45 = arith.extui %sign3A_44 : i1 to i32
      %sign3A_46 = arith.constant 0 : i32
      %sign3A_47 = arith.cmpi slt, %scan3A_43, %sign3A_46 : i32
      %sign3A_48 = arith.extui %sign3A_47 : i1 to i32
      %sign3A_49 = arith.subi %sign3A_45, %sign3A_48 : i32
      %sign3A_50 = arith.constant 0 : i32
      %sign3A_51 = arith.cmpi sgt, %jit3A, %sign3A_50 : i32
      %sign3A_52 = arith.extui %sign3A_51 : i1 to i32
      %sign3A_53 = arith.constant 0 : i32
      %sign3A_54 = arith.cmpi slt, %jit3A, %sign3A_53 : i32
      %sign3A_55 = arith.extui %sign3A_54 : i1 to i32
      %sign3A_56 = arith.subi %sign3A_52, %sign3A_55 : i32
      %ne3A = arith.cmpi ne, %sign3A_49, %sign3A_56 : i32
      %rem3A = arith.remsi %scan3A_43, %jit3A : i32
      %ne3A_57 = arith.constant 0 : i32
      %ne3A_58 = arith.cmpi ne, %rem3A, %ne3A_57 : i32
      %and3A = arith.andi %ne3A, %ne3A_58 : i1
      %sub3A = arith.constant 1 : i32
      %sub3A_59 = arith.subi %div3A, %sub3A : i32
      %select_n3A_60 = arith.select %and3A, %sub3A_59, %div3A : i32
      %jit3A_61 = arith.constant 8 : i32
      %eq3A_62 = arith.constant 0 : i32
      %eq3A_63 = arith.cmpi eq, %jit3A_61, %eq3A_62 : i32
      %jit3A_64 = arith.constant 1 : i32
      %select_n3A_65 = arith.select %eq3A_63, %jit3A_64, %jit3A_61 : i32
      %rem3A_66 = arith.remsi %scan3A_43, %select_n3A_65 : i32
      %ne3A_67 = arith.constant 0 : i32
      %ne3A_68 = arith.cmpi ne, %rem3A_66, %ne3A_67 : i32
      %lt3A = arith.constant 0 : i32
      %lt3A_69 = arith.cmpi slt, %rem3A_66, %lt3A : i32
      %lt3A_70 = arith.constant 0 : i32
      %lt3A_71 = arith.cmpi slt, %select_n3A_65, %lt3A_70 : i32
      %ne3A_72 = arith.xori %lt3A_69, %lt3A_71 : i1
      %and3A_73 = arith.andi %ne3A_72, %ne3A_68 : i1
      %add3A_74 = arith.addi %rem3A_66, %select_n3A_65 : i32
      %select_n3A_75 = arith.select %and3A_73, %add3A_74, %rem3A_66 : i32
      %mul3A_76 = arith.constant 16 : i32
      %mul3A_77 = arith.muli %select_n3A_75, %mul3A_76 : i32
      %broadcast_in_dim3A = arith.constant 0.000000e+00 : f32
      %broadcast_in_dim3A_78 = vector.broadcast %broadcast_in_dim3A : f32 to vector<16xf32>
      %swap3A = arith.index_cast %select_n3A_60 : i32 to index
      %swap3A_79 = arith.index_cast %mul3A_77 : i32 to index
      %swap3A_80 = tpu.vector_load %arg9[%swap3A, %swap3A_79] {strides = array<i32>} : memref<128x128xf32, #tpu.memory_space<vmem>>, vector<1x16xf32>,
      %swap3A_81 = vector.shape_cast %swap3A_80 : vector<1x16xf32> to vector<16xf32>
      %swap3A_82 = vector.shape_cast %broadcast_in_dim3A_78 : vector<16xf32> to vector<1x16xf32>
      tpu.vector_store %arg9[%swap3A, %swap3A_79], %swap3A_82 {strides = array<i32>} : memref<128x128xf32, #tpu.memory_space<vmem>>, vector<1x16xf32>,
    }
    %scan3A_8 = arith.constant 1024 : i32
    %add3A = arith.constant 0 : i32
    %add3A_9 = arith.addi %mul3A_3, %add3A : i32
    "tpu.region"() ({
      %run_scoped3A = tpu.sem_alloc : memref<!tpu.dma_semaphore, #tpu.memory_space<semaphore_mem>>
      %dma_start3A = arith.constant 0 : i32
      %dma_start3A_43 = tpu.memref_slice %arg10[%add3A_9, %dma_start3A] : memref<10112x128xf32, #tpu.memory_space<vmem_shared>> -> memref<128x128xf32, #tpu.memory_space<vmem_shared>>
      %dma_start3A_44 = arith.constant 0 : i32
      %dma_start3A_45 = tpu.memref_slice %arg10[%add3A_9, %dma_start3A_44] : memref<10112x128xf32, #tpu.memory_space<vmem_shared>> -> memref<128x128xf32, #tpu.memory_space<vmem_shared>>
      tpu.enqueue_dma source(%arg9 : memref<128x128xf32, #tpu.memory_space<vmem>>) target(%dma_start3A_45 : memref<128x128xf32, #tpu.memory_space<vmem_shared>>) target_semaphore(%run_scoped3A : memref<!tpu.dma_semaphore, #tpu.memory_space<semaphore_mem>>)
      %dma_wait3A = arith.constant 0 : i32
      %dma_wait3A_46 = tpu.memref_slice %arg10[%add3A_9, %dma_wait3A] : memref<10112x128xf32, #tpu.memory_space<vmem_shared>> -> memref<128x128xf32, #tpu.memory_space<vmem_shared>>
      %dma_wait3A_47 = arith.constant 0 : i32
      %dma_wait3A_48 = tpu.memref_slice %arg10[%add3A_9, %dma_wait3A_47] : memref<10112x128xf32, #tpu.memory_space<vmem_shared>> -> memref<128x128xf32, #tpu.memory_space<vmem_shared>>
      tpu.wait_dma2 semaphore(%run_scoped3A : memref<!tpu.dma_semaphore, #tpu.memory_space<semaphore_mem>>) src(%arg9 : memref<128x128xf32, #tpu.memory_space<vmem>>) dst(%dma_wait3A_48 : memref<128x128xf32, #tpu.memory_space<vmem_shared>>)
      tpu.yield
    }) : () -> ()
    %add3A_10 = arith.constant 128 : i32
    %add3A_11 = arith.addi %mul3A_3, %add3A_10 : i32
    "tpu.region"() ({
      %run_scoped3A = tpu.sem_alloc : memref<!tpu.dma_semaphore, #tpu.memory_space<semaphore_mem>>
      %dma_start3A = arith.constant 0 : i32
      %dma_start3A_43 = tpu.memref_slice %arg10[%add3A_11, %dma_start3A] : memref<10112x128xf32, #tpu.memory_space<vmem_shared>> -> memref<128x128xf32, #tpu.memory_space<vmem_shared>>
      %dma_start3A_44 = arith.constant 0 : i32
      %dma_start3A_45 = tpu.memref_slice %arg10[%add3A_11, %dma_start3A_44] : memref<10112x128xf32, #tpu.memory_space<vmem_shared>> -> memref<128x128xf32, #tpu.memory_space<vmem_shared>>
      tpu.enqueue_dma source(%arg9 : memref<128x128xf32, #tpu.memory_space<vmem>>) target(%dma_start3A_45 : memref<128x128xf32, #tpu.memory_space<vmem_shared>>) target_semaphore(%run_scoped3A : memref<!tpu.dma_semaphore, #tpu.memory_space<semaphore_mem>>)
      %dma_wait3A = arith.constant 0 : i32
      %dma_wait3A_46 = tpu.memref_slice %arg10[%add3A_11, %dma_wait3A] : memref<10112x128xf32, #tpu.memory_space<vmem_shared>> -> memref<128x128xf32, #tpu.memory_space<vmem_shared>>
      %dma_wait3A_47 = arith.constant 0 : i32
      %dma_wait3A_48 = tpu.memref_slice %arg10[%add3A_11, %dma_wait3A_47] : memref<10112x128xf32, #tpu.memory_space<vmem_shared>> -> memref<128x128xf32, #tpu.memory_space<vmem_shared>>
      tpu.wait_dma2 semaphore(%run_scoped3A : memref<!tpu.dma_semaphore, #tpu.memory_space<semaphore_mem>>) src(%arg9 : memref<128x128xf32, #tpu.memory_space<vmem>>) dst(%dma_wait3A_48 : memref<128x128xf32, #tpu.memory_space<vmem_shared>>)
      tpu.yield
    }) : () -> ()
    %add3A_12 = arith.constant 256 : i32
    %add3A_13 = arith.addi %mul3A_3, %add3A_12 : i32
    "tpu.region"() ({
      %run_scoped3A = tpu.sem_alloc : memref<!tpu.dma_semaphore, #tpu.memory_space<semaphore_mem>>
      %dma_start3A = arith.constant 0 : i32
      %dma_start3A_43 = tpu.memref_slice %arg10[%add3A_13, %dma_start3A] : memref<10112x128xf32, #tpu.memory_space<vmem_shared>> -> memref<128x128xf32, #tpu.memory_space<vmem_shared>>
      %dma_start3A_44 = arith.constant 0 : i32
      %dma_start3A_45 = tpu.memref_slice %arg10[%add3A_13, %dma_start3A_44] : memref<10112x128xf32, #tpu.memory_space<vmem_shared>> -> memref<128x128xf32, #tpu.memory_space<vmem_shared>>
      tpu.enqueue_dma source(%arg9 : memref<128x128xf32, #tpu.memory_space<vmem>>) target(%dma_start3A_45 : memref<128x128xf32, #tpu.memory_space<vmem_shared>>) target_semaphore(%run_scoped3A : memref<!tpu.dma_semaphore, #tpu.memory_space<semaphore_mem>>)
      %dma_wait3A = arith.constant 0 : i32
      %dma_wait3A_46 = tpu.memref_slice %arg10[%add3A_13, %dma_wait3A] : memref<10112x128xf32, #tpu.memory_space<vmem_shared>> -> memref<128x128xf32, #tpu.memory_space<vmem_shared>>
      %dma_wait3A_47 = arith.constant 0 : i32
      %dma_wait3A_48 = tpu.memref_slice %arg10[%add3A_13, %dma_wait3A_47] : memref<10112x128xf32, #tpu.memory_space<vmem_shared>> -> memref<128x128xf32, #tpu.memory_space<vmem_shared>>
      tpu.wait_dma2 semaphore(%run_scoped3A : memref<!tpu.dma_semaphore, #tpu.memory_space<semaphore_mem>>) src(%arg9 : memref<128x128xf32, #tpu.memory_space<vmem>>) dst(%dma_wait3A_48 : memref<128x128xf32, #tpu.memory_space<vmem_shared>>)
      tpu.yield
    }) : () -> ()
    %add3A_14 = arith.constant 384 : i32
    %add3A_15 = arith.addi %mul3A_3, %add3A_14 : i32
    "tpu.region"() ({
      %run_scoped3A = tpu.sem_alloc : memref<!tpu.dma_semaphore, #tpu.memory_space<semaphore_mem>>
      %dma_start3A = arith.constant 0 : i32
      %dma_start3A_43 = tpu.memref_slice %arg10[%add3A_15, %dma_start3A] : memref<10112x128xf32, #tpu.memory_space<vmem_shared>> -> memref<128x128xf32, #tpu.memory_space<vmem_shared>>
      %dma_start3A_44 = arith.constant 0 : i32
      %dma_start3A_45 = tpu.memref_slice %arg10[%add3A_15, %dma_start3A_44] : memref<10112x128xf32, #tpu.memory_space<vmem_shared>> -> memref<128x128xf32, #tpu.memory_space<vmem_shared>>
      tpu.enqueue_dma source(%arg9 : memref<128x128xf32, #tpu.memory_space<vmem>>) target(%dma_start3A_45 : memref<128x128xf32, #tpu.memory_space<vmem_shared>>) target_semaphore(%run_scoped3A : memref<!tpu.dma_semaphore, #tpu.memory_space<semaphore_mem>>)
      %dma_wait3A = arith.constant 0 : i32
      %dma_wait3A_46 = tpu.memref_slice %arg10[%add3A_15, %dma_wait3A] : memref<10112x128xf32, #tpu.memory_space<vmem_shared>> -> memref<128x128xf32, #tpu.memory_space<vmem_shared>>
      %dma_wait3A_47 = arith.constant 0 : i32
      %dma_wait3A_48 = tpu.memref_slice %arg10[%add3A_15, %dma_wait3A_47] : memref<10112x128xf32, #tpu.memory_space<vmem_shared>> -> memref<128x128xf32, #tpu.memory_space<vmem_shared>>
      tpu.wait_dma2 semaphore(%run_scoped3A : memref<!tpu.dma_semaphore, #tpu.memory_space<semaphore_mem>>) src(%arg9 : memref<128x128xf32, #tpu.memory_space<vmem>>) dst(%dma_wait3A_48 : memref<128x128xf32, #tpu.memory_space<vmem_shared>>)
      tpu.yield
    }) : () -> ()
    %add3A_16 = arith.constant 512 : i32
    %add3A_17 = arith.addi %mul3A_3, %add3A_16 : i32
    "tpu.region"() ({
      %run_scoped3A = tpu.sem_alloc : memref<!tpu.dma_semaphore, #tpu.memory_space<semaphore_mem>>
      %dma_start3A = arith.constant 0 : i32
      %dma_start3A_43 = arith.constant 0 : i32
      %dma_start3A_44 = tpu.memref_slice %arg9[%dma_start3A, %dma_start3A_43] : memref<128x128xf32, #tpu.memory_space<vmem>> -> memref<120x128xf32, #tpu.memory_space<vmem>>
      %dma_start3A_45 = arith.constant 0 : i32
      %dma_start3A_46 = tpu.memref_slice %arg10[%add3A_17, %dma_start3A_45] : memref<10112x128xf32, #tpu.memory_space<vmem_shared>> -> memref<120x128xf32, #tpu.memory_space<vmem_shared>>
      %dma_start3A_47 = arith.constant 0 : i32
      %dma_start3A_48 = tpu.memref_slice %arg10[%add3A_17, %dma_start3A_47] : memref<10112x128xf32, #tpu.memory_space<vmem_shared>> -> memref<120x128xf32, #tpu.memory_space<vmem_shared>>
      %dma_start3A_49 = arith.constant 0 : i32
      %dma_start3A_50 = arith.constant 0 : i32
      %dma_start3A_51 = tpu.memref_slice %arg9[%dma_start3A_49, %dma_start3A_50] : memref<128x128xf32, #tpu.memory_space<vmem>> -> memref<120x128xf32, #tpu.memory_space<vmem>>
      tpu.enqueue_dma source(%dma_start3A_51 : memref<120x128xf32, #tpu.memory_space<vmem>>) target(%dma_start3A_48 : memref<120x128xf32, #tpu.memory_space<vmem_shared>>) target_semaphore(%run_scoped3A : memref<!tpu.dma_semaphore, #tpu.memory_space<semaphore_mem>>)
      %dma_wait3A = arith.constant 0 : i32
      %dma_wait3A_52 = arith.constant 0 : i32
      %dma_wait3A_53 = tpu.memref_slice %arg9[%dma_wait3A, %dma_wait3A_52] : memref<128x128xf32, #tpu.memory_space<vmem>> -> memref<120x128xf32, #tpu.memory_space<vmem>>
      %dma_wait3A_54 = arith.constant 0 : i32
      %dma_wait3A_55 = tpu.memref_slice %arg10[%add3A_17, %dma_wait3A_54] : memref<10112x128xf32, #tpu.memory_space<vmem_shared>> -> memref<120x128xf32, #tpu.memory_space<vmem_shared>>
      %dma_wait3A_56 = arith.constant 0 : i32
      %dma_wait3A_57 = tpu.memref_slice %arg10[%add3A_17, %dma_wait3A_56] : memref<10112x128xf32, #tpu.memory_space<vmem_shared>> -> memref<120x128xf32, #tpu.memory_space<vmem_shared>>
      %dma_wait3A_58 = arith.constant 0 : i32
      %dma_wait3A_59 = arith.constant 0 : i32
      %dma_wait3A_60 = tpu.memref_slice %arg9[%dma_wait3A_58, %dma_wait3A_59] : memref<128x128xf32, #tpu.memory_space<vmem>> -> memref<120x128xf32, #tpu.memory_space<vmem>>
      tpu.wait_dma2 semaphore(%run_scoped3A : memref<!tpu.dma_semaphore, #tpu.memory_space<semaphore_mem>>) src(%dma_wait3A_60 : memref<120x128xf32, #tpu.memory_space<vmem>>) dst(%dma_wait3A_57 : memref<120x128xf32, #tpu.memory_space<vmem_shared>>)
      tpu.yield
    }) : () -> ()
    %eq3A_18 = arith.constant 0 : i32
    %eq3A_19 = arith.cmpi eq, %arg0, %eq3A_18 : i32
    %mul3A_20 = arith.constant 40 : i32
    %mul3A_21 = arith.muli %arg1, %mul3A_20 : i32
    %mul3A_22 = arith.constant 40 : i32
    %mul3A_23 = arith.muli %arg1, %mul3A_22 : i32
    %add3A_24 = arith.constant 640 : i32
    %add3A_25 = arith.addi %add3A_24, %mul3A_23 : i32
    %select_n3A_26 = arith.select %eq3A_19, %mul3A_21, %add3A_25 : i32
    %scan3A_27 = arith.constant 0 : i32
    %scan3A_28 = arith.constant 0 : i32
    %scan3A_29 = arith.constant 1024 : i32
    %scan3A_30 = arith.addi %scan3A_28, %scan3A_29 : i32
    %scan3A_31 = arith.constant 1 : i32
    scf.for %scan3A_43 = %scan3A_28 to %scan3A_30 step %scan3A_31  : i32 {
      %jit3A = arith.constant 8 : i32
      %div3A = arith.divsi %scan3A_43, %jit3A : i32
      %sign3A = arith.constant 0 : i32
      %sign3A_44 = arith.cmpi sgt, %scan3A_43, %sign3A : i32
      %sign3A_45 = arith.extui %sign3A_44 : i1 to i32
      %sign3A_46 = arith.constant 0 : i32
      %sign3A_47 = arith.cmpi slt, %scan3A_43, %sign3A_46 : i32
      %sign3A_48 = arith.extui %sign3A_47 : i1 to i32
      %sign3A_49 = arith.subi %sign3A_45, %sign3A_48 : i32
      %sign3A_50 = arith.constant 0 : i32
      %sign3A_51 = arith.cmpi sgt, %jit3A, %sign3A_50 : i32
      %sign3A_52 = arith.extui %sign3A_51 : i1 to i32
      %sign3A_53 = arith.constant 0 : i32
      %sign3A_54 = arith.cmpi slt, %jit3A, %sign3A_53 : i32
      %sign3A_55 = arith.extui %sign3A_54 : i1 to i32
      %sign3A_56 = arith.subi %sign3A_52, %sign3A_55 : i32
      %ne3A = arith.cmpi ne, %sign3A_49, %sign3A_56 : i32
      %rem3A = arith.remsi %scan3A_43, %jit3A : i32
      %ne3A_57 = arith.constant 0 : i32
      %ne3A_58 = arith.cmpi ne, %rem3A, %ne3A_57 : i32
      %and3A = arith.andi %ne3A, %ne3A_58 : i1
      %sub3A = arith.constant 1 : i32
      %sub3A_59 = arith.subi %div3A, %sub3A : i32
      %select_n3A_60 = arith.select %and3A, %sub3A_59, %div3A : i32
      %jit3A_61 = arith.constant 8 : i32
      %eq3A_62 = arith.constant 0 : i32
      %eq3A_63 = arith.cmpi eq, %jit3A_61, %eq3A_62 : i32
      %jit3A_64 = arith.constant 1 : i32
      %select_n3A_65 = arith.select %eq3A_63, %jit3A_64, %jit3A_61 : i32
      %rem3A_66 = arith.remsi %scan3A_43, %select_n3A_65 : i32
      %ne3A_67 = arith.constant 0 : i32
      %ne3A_68 = arith.cmpi ne, %rem3A_66, %ne3A_67 : i32
      %lt3A = arith.constant 0 : i32
      %lt3A_69 = arith.cmpi slt, %rem3A_66, %lt3A : i32
      %lt3A_70 = arith.constant 0 : i32
      %lt3A_71 = arith.cmpi slt, %select_n3A_65, %lt3A_70 : i32
      %ne3A_72 = arith.xori %lt3A_69, %lt3A_71 : i1
      %and3A_73 = arith.andi %ne3A_72, %ne3A_68 : i1
      %add3A_74 = arith.addi %rem3A_66, %select_n3A_65 : i32
      %select_n3A_75 = arith.select %and3A_73, %add3A_74, %rem3A_66 : i32
      %mul3A_76 = arith.constant 16 : i32
      %mul3A_77 = arith.muli %select_n3A_75, %mul3A_76 : i32
      %broadcast_in_dim3A = arith.constant 1.000000e+00 : f32
      %broadcast_in_dim3A_78 = vector.broadcast %broadcast_in_dim3A : f32 to vector<16xf32>
      %swap3A = arith.index_cast %select_n3A_60 : i32 to index
      %swap3A_79 = arith.index_cast %mul3A_77 : i32 to index
      %swap3A_80 = tpu.vector_load %arg8[%swap3A, %swap3A_79] {strides = array<i32>} : memref<128x128xf32, #tpu.memory_space<vmem>>, vector<1x16xf32>,
      %swap3A_81 = vector.shape_cast %swap3A_80 : vector<1x16xf32> to vector<16xf32>
      %swap3A_82 = vector.shape_cast %broadcast_in_dim3A_78 : vector<16xf32> to vector<1x16xf32>
      tpu.vector_store %arg8[%swap3A, %swap3A_79], %swap3A_82 {strides = array<i32>} : memref<128x128xf32, #tpu.memory_space<vmem>>, vector<1x16xf32>,
    }
    %scan3A_32 = arith.constant 1024 : i32
    "tpu.region"() ({
      %run_scoped3A = tpu.sem_alloc : memref<!tpu.dma_semaphore, #tpu.memory_space<semaphore_mem>>
      %dma_start3A = arith.constant 0 : i32
      %dma_start3A_43 = tpu.memref_slice %arg4[%select_n3A_26, %dma_start3A] : memref<1344x128xi32, #tpu.memory_space<hbm>> -> memref<40x128xi32, #tpu.memory_space<hbm>>
      %dma_start3A_44 = arith.constant 0 : i32
      %dma_start3A_45 = tpu.memref_slice %arg4[%select_n3A_26, %dma_start3A_44] : memref<1344x128xi32, #tpu.memory_space<hbm>> -> memref<40x128xi32, #tpu.memory_space<hbm>>
      tpu.enqueue_dma source(%dma_start3A_45 : memref<40x128xi32, #tpu.memory_space<hbm>>) target(%arg7 : memref<40x128xi32, #tpu.memory_space<vmem>>) target_semaphore(%run_scoped3A : memref<!tpu.dma_semaphore, #tpu.memory_space<semaphore_mem>>)
      %dma_wait3A = arith.constant 0 : i32
      %dma_wait3A_46 = tpu.memref_slice %arg4[%select_n3A_26, %dma_wait3A] : memref<1344x128xi32, #tpu.memory_space<hbm>> -> memref<40x128xi32, #tpu.memory_space<hbm>>
      %dma_wait3A_47 = arith.constant 0 : i32
      %dma_wait3A_48 = tpu.memref_slice %arg4[%select_n3A_26, %dma_wait3A_47] : memref<1344x128xi32, #tpu.memory_space<hbm>> -> memref<40x128xi32, #tpu.memory_space<hbm>>
      tpu.wait_dma2 semaphore(%run_scoped3A : memref<!tpu.dma_semaphore, #tpu.memory_space<semaphore_mem>>) src(%dma_wait3A_48 : memref<40x128xi32, #tpu.memory_space<hbm>>) dst(%arg7 : memref<40x128xi32, #tpu.memory_space<vmem>>)
      tpu.yield
    }) : () -> ()
    %barrier3A = arith.constant 0 : index
    tpu.barrier barrier_id(%barrier3A)
    %while3A = arith.constant 0 : i32
    %while3A_33 = arith.constant 0 : i32
    %while3A_34 = arith.subi %select_n3A_2, %while3A_33 : i32
    %while3A_35 = arith.addi %while3A_33, %while3A_34 : i32
    %while3A_36 = arith.constant 1 : i32
    %while3A_37 = arith.divsi %while3A_34, %while3A_36 : i32
    %while3A_38 = arith.muli %while3A_37, %while3A_36 : i32
    %while3A_39 = arith.addi %while3A_33, %while3A_38 : i32
    %while3A_40 = arith.constant 1 : i32
    scf.for %while3A_43 = %while3A_33 to %while3A_39 step %while3A_40  : i32 {
      "tpu.region"() ({
        %run_scoped3A = tpu.sem_alloc : memref<!tpu.dma_semaphore, #tpu.memory_space<semaphore_mem>>
        %dma_start3A = arith.constant 0 : i32
        %dma_start3A_44 = tpu.memref_slice %arg7[%while3A_43, %dma_start3A] : memref<40x128xi32, #tpu.memory_space<vmem>> -> memref<1x128xi32, #tpu.memory_space<vmem>>
        %dma_start3A_45 = tpu.memref_squeeze %dma_start3A_44 : memref<1x128xi32, #tpu.memory_space<vmem>> -> memref<128xi32, #tpu.memory_space<vmem>>
        %dma_start3A_46 = arith.constant 0 : i32
        %dma_start3A_47 = arith.constant 0 : i32
        %dma_start3A_48 = tpu.memref_slice %arg10[%dma_start3A_46, %dma_start3A_47] : memref<10112x128xf32, #tpu.memory_space<vmem_shared>> -> memref<10112x128xf32, #tpu.memory_space<vmem_shared>>
        tpu.enqueue_indirect_dma source(%arg8 : memref<128x128xf32, #tpu.memory_space<vmem>>) target(%dma_start3A_48 : memref<10112x128xf32, #tpu.memory_space<vmem_shared>>) offsets(%dma_start3A_45 : memref<128xi32, #tpu.memory_space<vmem>>) semaphore(%run_scoped3A : memref<!tpu.dma_semaphore, #tpu.memory_space<semaphore_mem>>) {add = true}
        %dma_wait3A = arith.constant 0 : i32
        %dma_wait3A_49 = tpu.memref_slice %arg7[%while3A_43, %dma_wait3A] : memref<40x128xi32, #tpu.memory_space<vmem>> -> memref<1x128xi32, #tpu.memory_space<vmem>>
        %dma_wait3A_50 = tpu.memref_squeeze %dma_wait3A_49 : memref<1x128xi32, #tpu.memory_space<vmem>> -> memref<128xi32, #tpu.memory_space<vmem>>
        %dma_wait3A_51 = arith.constant 0 : i32
        %dma_wait3A_52 = arith.constant 0 : i32
        %dma_wait3A_53 = tpu.memref_slice %arg10[%dma_wait3A_51, %dma_wait3A_52] : memref<10112x128xf32, #tpu.memory_space<vmem_shared>> -> memref<10112x128xf32, #tpu.memory_space<vmem_shared>>
        tpu.wait_indirect_dma semaphore(%run_scoped3A : memref<!tpu.dma_semaphore, #tpu.memory_space<semaphore_mem>>) src(%arg8 : memref<128x128xf32, #tpu.memory_space<vmem>>) dst(%dma_wait3A_53 : memref<10112x128xf32, #tpu.memory_space<vmem_shared>>)
        tpu.yield
      }) : () -> ()
    }
    %while3A_41 = arith.constant 1 : i32
    scf.for %while3A_43 = %while3A_39 to %while3A_35 step %while3A_41  : i32 {
      "tpu.region"() ({
        %run_scoped3A = tpu.sem_alloc : memref<!tpu.dma_semaphore, #tpu.memory_space<semaphore_mem>>
        %dma_start3A = arith.constant 0 : i32
        %dma_start3A_44 = tpu.memref_slice %arg7[%while3A_43, %dma_start3A] : memref<40x128xi32, #tpu.memory_space<vmem>> -> memref<1x128xi32, #tpu.memory_space<vmem>>
        %dma_start3A_45 = tpu.memref_squeeze %dma_start3A_44 : memref<1x128xi32, #tpu.memory_space<vmem>> -> memref<128xi32, #tpu.memory_space<vmem>>
        %dma_start3A_46 = arith.constant 0 : i32
        %dma_start3A_47 = arith.constant 0 : i32
        %dma_start3A_48 = tpu.memref_slice %arg10[%dma_start3A_46, %dma_start3A_47] : memref<10112x128xf32, #tpu.memory_space<vmem_shared>> -> memref<10112x128xf32, #tpu.memory_space<vmem_shared>>
        tpu.enqueue_indirect_dma source(%arg8 : memref<128x128xf32, #tpu.memory_space<vmem>>) target(%dma_start3A_48 : memref<10112x128xf32, #tpu.memory_space<vmem_shared>>) offsets(%dma_start3A_45 : memref<128xi32, #tpu.memory_space<vmem>>) semaphore(%run_scoped3A : memref<!tpu.dma_semaphore, #tpu.memory_space<semaphore_mem>>) {add = true}
        %dma_wait3A = arith.constant 0 : i32
        %dma_wait3A_49 = tpu.memref_slice %arg7[%while3A_43, %dma_wait3A] : memref<40x128xi32, #tpu.memory_space<vmem>> -> memref<1x128xi32, #tpu.memory_space<vmem>>
        %dma_wait3A_50 = tpu.memref_squeeze %dma_wait3A_49 : memref<1x128xi32, #tpu.memory_space<vmem>> -> memref<128xi32, #tpu.memory_space<vmem>>
        %dma_wait3A_51 = arith.constant 0 : i32
        %dma_wait3A_52 = arith.constant 0 : i32
        %dma_wait3A_53 = tpu.memref_slice %arg10[%dma_wait3A_51, %dma_wait3A_52] : memref<10112x128xf32, #tpu.memory_space<vmem_shared>> -> memref<10112x128xf32, #tpu.memory_space<vmem_shared>>
        tpu.wait_indirect_dma semaphore(%run_scoped3A : memref<!tpu.dma_semaphore, #tpu.memory_space<semaphore_mem>>) src(%arg8 : memref<128x128xf32, #tpu.memory_space<vmem>>) dst(%dma_wait3A_53 : memref<10112x128xf32, #tpu.memory_space<vmem_shared>>)
        tpu.yield
      }) : () -> ()
    }
    %barrier3A_42 = arith.constant 0 : index
    tpu.barrier barrier_id(%barrier3A_42)
    "tpu.region"() ({
      %run_scoped3A = tpu.sem_alloc : memref<!tpu.dma_semaphore, #tpu.memory_space<semaphore_mem>>
      %dma_start3A = arith.constant 0 : i32
      %dma_start3A_43 = tpu.memref_slice %arg5[%arg0, %mul3A_3, %dma_start3A] : memref<2x10112x128xf32, #tpu.memory_space<hbm>> -> memref<1x632x128xf32, #tpu.memory_space<hbm>>
      %dma_start3A_44 = tpu.memref_squeeze %dma_start3A_43 : memref<1x632x128xf32, #tpu.memory_space<hbm>> -> memref<632x128xf32, #tpu.memory_space<hbm>>
      %dma_start3A_45 = arith.constant 0 : i32
      %dma_start3A_46 = tpu.memref_slice %arg10[%mul3A_3, %dma_start3A_45] : memref<10112x128xf32, #tpu.memory_space<vmem_shared>> -> memref<632x128xf32, #tpu.memory_space<vmem_shared>>
      tpu.enqueue_dma source(%dma_start3A_46 : memref<632x128xf32, #tpu.memory_space<vmem_shared>>) target(%dma_start3A_44 : memref<632x128xf32, #tpu.memory_space<hbm>>) target_semaphore(%run_scoped3A : memref<!tpu.dma_semaphore, #tpu.memory_space<semaphore_mem>>)
      %dma_wait3A = arith.constant 0 : i32
      %dma_wait3A_47 = tpu.memref_slice %arg5[%arg0, %mul3A_3, %dma_wait3A] : memref<2x10112x128xf32, #tpu.memory_space<hbm>> -> memref<1x632x128xf32, #tpu.memory_space<hbm>>
      %dma_wait3A_48 = tpu.memref_squeeze %dma_wait3A_47 : memref<1x632x128xf32, #tpu.memory_space<hbm>> -> memref<632x128xf32, #tpu.memory_space<hbm>>
      %dma_wait3A_49 = arith.constant 0 : i32
      %dma_wait3A_50 = tpu.memref_slice %arg10[%mul3A_3, %dma_wait3A_49] : memref<10112x128xf32, #tpu.memory_space<vmem_shared>> -> memref<632x128xf32, #tpu.memory_space<vmem_shared>>
      tpu.wait_dma2 semaphore(%run_scoped3A : memref<!tpu.dma_semaphore, #tpu.memory_space<semaphore_mem>>) src(%dma_wait3A_50 : memref<632x128xf32, #tpu.memory_space<vmem_shared>>) dst(%dma_wait3A_48 : memref<632x128xf32, #tpu.memory_space<hbm>>)
      tpu.yield
    }) : () -> ()
    return
  }
}

#map = affine_map<(d0, d1) -> (0, 0)>
#map1 = affine_map<(d0, d1) -> (0, 0, 0)>
module attributes {stable_mosaic.version = 14 : i64} {
  func.func @sc_scatter(%arg0: i32, %arg1: i32, %arg2: memref<10112x128xf32, #tpu.memory_space<hbm>>, %arg3: memref<1344x128xi32, #tpu.memory_space<hbm>>, %arg4: memref<1344x128xi32, #tpu.memory_space<hbm>>, %arg5: memref<2x10112x128xf32, #tpu.memory_space<hbm>>, %arg6: memref<40x128xi32, #tpu.memory_space<vmem>>, %arg7: memref<72x128xi32, #tpu.memory_space<vmem>>, %arg8: memref<128x128xf32, #tpu.memory_space<vmem>>, %arg9: memref<128x128xf32, #tpu.memory_space<vmem>>, %arg10: memref<10112x128xf32, #tpu.memory_space<vmem_shared>>, %arg11: memref<!tpu.dma_semaphore, #tpu.memory_space<semaphore_mem>>, %arg12: memref<!tpu.dma_semaphore, #tpu.memory_space<semaphore_mem>>) attributes {dimension_semantics = [#tpu.dimension_semantics<core_parallel>, #tpu.dimension_semantics<subcore_parallel>], iteration_bounds = array<i64: 2, 16>, scalar_prefetch = 0 : i64, scratch_operands = 7 : i64, tpu.core_type = #tpu.core_type<sc_vector_subcore>, window_params = [{transform_indices = #map}, {transform_indices = #map}, {transform_indices = #map}, {transform_indices = #map1}]} {
    %eq3A = arith.constant 0 : i32
    %eq3A_0 = arith.cmpi eq, %arg0, %eq3A : i32
    %select_n3A = arith.constant 8 : i32
    %select_n3A_1 = arith.constant 72 : i32
    %select_n3A_2 = arith.select %eq3A_0, %select_n3A_1, %select_n3A : i32
    %mul3A = arith.constant 632 : i32
    %mul3A_3 = arith.muli %arg1, %mul3A : i32
    %scan3A = arith.constant 0 : i32
    %scan3A_4 = arith.constant 0 : i32
    %scan3A_5 = arith.constant 1024 : i32
    %scan3A_6 = arith.addi %scan3A_4, %scan3A_5 : i32
    %scan3A_7 = arith.constant 1 : i32
    scf.for %scan3A_44 = %scan3A_4 to %scan3A_6 step %scan3A_7  : i32 {
      %jit3A = arith.constant 8 : i32
      %div3A = arith.divsi %scan3A_44, %jit3A : i32
      %sign3A = arith.constant 0 : i32
      %sign3A_45 = arith.cmpi sgt, %scan3A_44, %sign3A : i32
      %sign3A_46 = arith.extui %sign3A_45 : i1 to i32
      %sign3A_47 = arith.constant 0 : i32
      %sign3A_48 = arith.cmpi slt, %scan3A_44, %sign3A_47 : i32
      %sign3A_49 = arith.extui %sign3A_48 : i1 to i32
      %sign3A_50 = arith.subi %sign3A_46, %sign3A_49 : i32
      %sign3A_51 = arith.constant 0 : i32
      %sign3A_52 = arith.cmpi sgt, %jit3A, %sign3A_51 : i32
      %sign3A_53 = arith.extui %sign3A_52 : i1 to i32
      %sign3A_54 = arith.constant 0 : i32
      %sign3A_55 = arith.cmpi slt, %jit3A, %sign3A_54 : i32
      %sign3A_56 = arith.extui %sign3A_55 : i1 to i32
      %sign3A_57 = arith.subi %sign3A_53, %sign3A_56 : i32
      %ne3A = arith.cmpi ne, %sign3A_50, %sign3A_57 : i32
      %rem3A = arith.remsi %scan3A_44, %jit3A : i32
      %ne3A_58 = arith.constant 0 : i32
      %ne3A_59 = arith.cmpi ne, %rem3A, %ne3A_58 : i32
      %and3A = arith.andi %ne3A, %ne3A_59 : i1
      %sub3A_60 = arith.constant 1 : i32
      %sub3A_61 = arith.subi %div3A, %sub3A_60 : i32
      %select_n3A_62 = arith.select %and3A, %sub3A_61, %div3A : i32
      %jit3A_63 = arith.constant 8 : i32
      %eq3A_64 = arith.constant 0 : i32
      %eq3A_65 = arith.cmpi eq, %jit3A_63, %eq3A_64 : i32
      %jit3A_66 = arith.constant 1 : i32
      %select_n3A_67 = arith.select %eq3A_65, %jit3A_66, %jit3A_63 : i32
      %rem3A_68 = arith.remsi %scan3A_44, %select_n3A_67 : i32
      %ne3A_69 = arith.constant 0 : i32
      %ne3A_70 = arith.cmpi ne, %rem3A_68, %ne3A_69 : i32
      %lt3A = arith.constant 0 : i32
      %lt3A_71 = arith.cmpi slt, %rem3A_68, %lt3A : i32
      %lt3A_72 = arith.constant 0 : i32
      %lt3A_73 = arith.cmpi slt, %select_n3A_67, %lt3A_72 : i32
      %ne3A_74 = arith.xori %lt3A_71, %lt3A_73 : i1
      %and3A_75 = arith.andi %ne3A_74, %ne3A_70 : i1
      %add3A_76 = arith.addi %rem3A_68, %select_n3A_67 : i32
      %select_n3A_77 = arith.select %and3A_75, %add3A_76, %rem3A_68 : i32
      %mul3A_78 = arith.constant 16 : i32
      %mul3A_79 = arith.muli %select_n3A_77, %mul3A_78 : i32
      %broadcast_in_dim3A = arith.constant 0.000000e+00 : f32
      %broadcast_in_dim3A_80 = vector.broadcast %broadcast_in_dim3A : f32 to vector<16xf32>
      %swap3A = arith.index_cast %select_n3A_62 : i32 to index
      %swap3A_81 = arith.index_cast %mul3A_79 : i32 to index
      %swap3A_82 = tpu.vector_load %arg9[%swap3A, %swap3A_81] {strides = array<i32>} : memref<128x128xf32, #tpu.memory_space<vmem>>, vector<1x16xf32>,
      %swap3A_83 = vector.shape_cast %swap3A_82 : vector<1x16xf32> to vector<16xf32>
      %swap3A_84 = vector.shape_cast %broadcast_in_dim3A_80 : vector<16xf32> to vector<1x16xf32>
      tpu.vector_store %arg9[%swap3A, %swap3A_81], %swap3A_84 {strides = array<i32>} : memref<128x128xf32, #tpu.memory_space<vmem>>, vector<1x16xf32>,
    }
    %scan3A_8 = arith.constant 1024 : i32
    %add3A = arith.constant 0 : i32
    %add3A_9 = arith.addi %mul3A_3, %add3A : i32
    "tpu.region"() ({
      %run_scoped3A = tpu.sem_alloc : memref<!tpu.dma_semaphore, #tpu.memory_space<semaphore_mem>>
      %dma_start3A = arith.constant 0 : i32
      %dma_start3A_44 = tpu.memref_slice %arg10[%add3A_9, %dma_start3A] : memref<10112x128xf32, #tpu.memory_space<vmem_shared>> -> memref<128x128xf32, #tpu.memory_space<vmem_shared>>
      %dma_start3A_45 = arith.constant 0 : i32
      %dma_start3A_46 = tpu.memref_slice %arg10[%add3A_9, %dma_start3A_45] : memref<10112x128xf32, #tpu.memory_space<vmem_shared>> -> memref<128x128xf32, #tpu.memory_space<vmem_shared>>
      tpu.enqueue_dma source(%arg9 : memref<128x128xf32, #tpu.memory_space<vmem>>) target(%dma_start3A_46 : memref<128x128xf32, #tpu.memory_space<vmem_shared>>) target_semaphore(%run_scoped3A : memref<!tpu.dma_semaphore, #tpu.memory_space<semaphore_mem>>)
      %dma_wait3A = arith.constant 0 : i32
      %dma_wait3A_47 = tpu.memref_slice %arg10[%add3A_9, %dma_wait3A] : memref<10112x128xf32, #tpu.memory_space<vmem_shared>> -> memref<128x128xf32, #tpu.memory_space<vmem_shared>>
      %dma_wait3A_48 = arith.constant 0 : i32
      %dma_wait3A_49 = tpu.memref_slice %arg10[%add3A_9, %dma_wait3A_48] : memref<10112x128xf32, #tpu.memory_space<vmem_shared>> -> memref<128x128xf32, #tpu.memory_space<vmem_shared>>
      tpu.wait_dma2 semaphore(%run_scoped3A : memref<!tpu.dma_semaphore, #tpu.memory_space<semaphore_mem>>) src(%arg9 : memref<128x128xf32, #tpu.memory_space<vmem>>) dst(%dma_wait3A_49 : memref<128x128xf32, #tpu.memory_space<vmem_shared>>)
      tpu.yield
    }) : () -> ()
    %add3A_10 = arith.constant 128 : i32
    %add3A_11 = arith.addi %mul3A_3, %add3A_10 : i32
    "tpu.region"() ({
      %run_scoped3A = tpu.sem_alloc : memref<!tpu.dma_semaphore, #tpu.memory_space<semaphore_mem>>
      %dma_start3A = arith.constant 0 : i32
      %dma_start3A_44 = tpu.memref_slice %arg10[%add3A_11, %dma_start3A] : memref<10112x128xf32, #tpu.memory_space<vmem_shared>> -> memref<128x128xf32, #tpu.memory_space<vmem_shared>>
      %dma_start3A_45 = arith.constant 0 : i32
      %dma_start3A_46 = tpu.memref_slice %arg10[%add3A_11, %dma_start3A_45] : memref<10112x128xf32, #tpu.memory_space<vmem_shared>> -> memref<128x128xf32, #tpu.memory_space<vmem_shared>>
      tpu.enqueue_dma source(%arg9 : memref<128x128xf32, #tpu.memory_space<vmem>>) target(%dma_start3A_46 : memref<128x128xf32, #tpu.memory_space<vmem_shared>>) target_semaphore(%run_scoped3A : memref<!tpu.dma_semaphore, #tpu.memory_space<semaphore_mem>>)
      %dma_wait3A = arith.constant 0 : i32
      %dma_wait3A_47 = tpu.memref_slice %arg10[%add3A_11, %dma_wait3A] : memref<10112x128xf32, #tpu.memory_space<vmem_shared>> -> memref<128x128xf32, #tpu.memory_space<vmem_shared>>
      %dma_wait3A_48 = arith.constant 0 : i32
      %dma_wait3A_49 = tpu.memref_slice %arg10[%add3A_11, %dma_wait3A_48] : memref<10112x128xf32, #tpu.memory_space<vmem_shared>> -> memref<128x128xf32, #tpu.memory_space<vmem_shared>>
      tpu.wait_dma2 semaphore(%run_scoped3A : memref<!tpu.dma_semaphore, #tpu.memory_space<semaphore_mem>>) src(%arg9 : memref<128x128xf32, #tpu.memory_space<vmem>>) dst(%dma_wait3A_49 : memref<128x128xf32, #tpu.memory_space<vmem_shared>>)
      tpu.yield
    }) : () -> ()
    %add3A_12 = arith.constant 256 : i32
    %add3A_13 = arith.addi %mul3A_3, %add3A_12 : i32
    "tpu.region"() ({
      %run_scoped3A = tpu.sem_alloc : memref<!tpu.dma_semaphore, #tpu.memory_space<semaphore_mem>>
      %dma_start3A = arith.constant 0 : i32
      %dma_start3A_44 = tpu.memref_slice %arg10[%add3A_13, %dma_start3A] : memref<10112x128xf32, #tpu.memory_space<vmem_shared>> -> memref<128x128xf32, #tpu.memory_space<vmem_shared>>
      %dma_start3A_45 = arith.constant 0 : i32
      %dma_start3A_46 = tpu.memref_slice %arg10[%add3A_13, %dma_start3A_45] : memref<10112x128xf32, #tpu.memory_space<vmem_shared>> -> memref<128x128xf32, #tpu.memory_space<vmem_shared>>
      tpu.enqueue_dma source(%arg9 : memref<128x128xf32, #tpu.memory_space<vmem>>) target(%dma_start3A_46 : memref<128x128xf32, #tpu.memory_space<vmem_shared>>) target_semaphore(%run_scoped3A : memref<!tpu.dma_semaphore, #tpu.memory_space<semaphore_mem>>)
      %dma_wait3A = arith.constant 0 : i32
      %dma_wait3A_47 = tpu.memref_slice %arg10[%add3A_13, %dma_wait3A] : memref<10112x128xf32, #tpu.memory_space<vmem_shared>> -> memref<128x128xf32, #tpu.memory_space<vmem_shared>>
      %dma_wait3A_48 = arith.constant 0 : i32
      %dma_wait3A_49 = tpu.memref_slice %arg10[%add3A_13, %dma_wait3A_48] : memref<10112x128xf32, #tpu.memory_space<vmem_shared>> -> memref<128x128xf32, #tpu.memory_space<vmem_shared>>
      tpu.wait_dma2 semaphore(%run_scoped3A : memref<!tpu.dma_semaphore, #tpu.memory_space<semaphore_mem>>) src(%arg9 : memref<128x128xf32, #tpu.memory_space<vmem>>) dst(%dma_wait3A_49 : memref<128x128xf32, #tpu.memory_space<vmem_shared>>)
      tpu.yield
    }) : () -> ()
    %add3A_14 = arith.constant 384 : i32
    %add3A_15 = arith.addi %mul3A_3, %add3A_14 : i32
    "tpu.region"() ({
      %run_scoped3A = tpu.sem_alloc : memref<!tpu.dma_semaphore, #tpu.memory_space<semaphore_mem>>
      %dma_start3A = arith.constant 0 : i32
      %dma_start3A_44 = tpu.memref_slice %arg10[%add3A_15, %dma_start3A] : memref<10112x128xf32, #tpu.memory_space<vmem_shared>> -> memref<128x128xf32, #tpu.memory_space<vmem_shared>>
      %dma_start3A_45 = arith.constant 0 : i32
      %dma_start3A_46 = tpu.memref_slice %arg10[%add3A_15, %dma_start3A_45] : memref<10112x128xf32, #tpu.memory_space<vmem_shared>> -> memref<128x128xf32, #tpu.memory_space<vmem_shared>>
      tpu.enqueue_dma source(%arg9 : memref<128x128xf32, #tpu.memory_space<vmem>>) target(%dma_start3A_46 : memref<128x128xf32, #tpu.memory_space<vmem_shared>>) target_semaphore(%run_scoped3A : memref<!tpu.dma_semaphore, #tpu.memory_space<semaphore_mem>>)
      %dma_wait3A = arith.constant 0 : i32
      %dma_wait3A_47 = tpu.memref_slice %arg10[%add3A_15, %dma_wait3A] : memref<10112x128xf32, #tpu.memory_space<vmem_shared>> -> memref<128x128xf32, #tpu.memory_space<vmem_shared>>
      %dma_wait3A_48 = arith.constant 0 : i32
      %dma_wait3A_49 = tpu.memref_slice %arg10[%add3A_15, %dma_wait3A_48] : memref<10112x128xf32, #tpu.memory_space<vmem_shared>> -> memref<128x128xf32, #tpu.memory_space<vmem_shared>>
      tpu.wait_dma2 semaphore(%run_scoped3A : memref<!tpu.dma_semaphore, #tpu.memory_space<semaphore_mem>>) src(%arg9 : memref<128x128xf32, #tpu.memory_space<vmem>>) dst(%dma_wait3A_49 : memref<128x128xf32, #tpu.memory_space<vmem_shared>>)
      tpu.yield
    }) : () -> ()
    %add3A_16 = arith.constant 512 : i32
    %add3A_17 = arith.addi %mul3A_3, %add3A_16 : i32
    "tpu.region"() ({
      %run_scoped3A = tpu.sem_alloc : memref<!tpu.dma_semaphore, #tpu.memory_space<semaphore_mem>>
      %dma_start3A = arith.constant 0 : i32
      %dma_start3A_44 = arith.constant 0 : i32
      %dma_start3A_45 = tpu.memref_slice %arg9[%dma_start3A, %dma_start3A_44] : memref<128x128xf32, #tpu.memory_space<vmem>> -> memref<120x128xf32, #tpu.memory_space<vmem>>
      %dma_start3A_46 = arith.constant 0 : i32
      %dma_start3A_47 = tpu.memref_slice %arg10[%add3A_17, %dma_start3A_46] : memref<10112x128xf32, #tpu.memory_space<vmem_shared>> -> memref<120x128xf32, #tpu.memory_space<vmem_shared>>
      %dma_start3A_48 = arith.constant 0 : i32
      %dma_start3A_49 = tpu.memref_slice %arg10[%add3A_17, %dma_start3A_48] : memref<10112x128xf32, #tpu.memory_space<vmem_shared>> -> memref<120x128xf32, #tpu.memory_space<vmem_shared>>
      %dma_start3A_50 = arith.constant 0 : i32
      %dma_start3A_51 = arith.constant 0 : i32
      %dma_start3A_52 = tpu.memref_slice %arg9[%dma_start3A_50, %dma_start3A_51] : memref<128x128xf32, #tpu.memory_space<vmem>> -> memref<120x128xf32, #tpu.memory_space<vmem>>
      tpu.enqueue_dma source(%dma_start3A_52 : memref<120x128xf32, #tpu.memory_space<vmem>>) target(%dma_start3A_49 : memref<120x128xf32, #tpu.memory_space<vmem_shared>>) target_semaphore(%run_scoped3A : memref<!tpu.dma_semaphore, #tpu.memory_space<semaphore_mem>>)
      %dma_wait3A = arith.constant 0 : i32
      %dma_wait3A_53 = arith.constant 0 : i32
      %dma_wait3A_54 = tpu.memref_slice %arg9[%dma_wait3A, %dma_wait3A_53] : memref<128x128xf32, #tpu.memory_space<vmem>> -> memref<120x128xf32, #tpu.memory_space<vmem>>
      %dma_wait3A_55 = arith.constant 0 : i32
      %dma_wait3A_56 = tpu.memref_slice %arg10[%add3A_17, %dma_wait3A_55] : memref<10112x128xf32, #tpu.memory_space<vmem_shared>> -> memref<120x128xf32, #tpu.memory_space<vmem_shared>>
      %dma_wait3A_57 = arith.constant 0 : i32
      %dma_wait3A_58 = tpu.memref_slice %arg10[%add3A_17, %dma_wait3A_57] : memref<10112x128xf32, #tpu.memory_space<vmem_shared>> -> memref<120x128xf32, #tpu.memory_space<vmem_shared>>
      %dma_wait3A_59 = arith.constant 0 : i32
      %dma_wait3A_60 = arith.constant 0 : i32
      %dma_wait3A_61 = tpu.memref_slice %arg9[%dma_wait3A_59, %dma_wait3A_60] : memref<128x128xf32, #tpu.memory_space<vmem>> -> memref<120x128xf32, #tpu.memory_space<vmem>>
      tpu.wait_dma2 semaphore(%run_scoped3A : memref<!tpu.dma_semaphore, #tpu.memory_space<semaphore_mem>>) src(%dma_wait3A_61 : memref<120x128xf32, #tpu.memory_space<vmem>>) dst(%dma_wait3A_58 : memref<120x128xf32, #tpu.memory_space<vmem_shared>>)
      tpu.yield
    }) : () -> ()
    %eq3A_18 = arith.constant 0 : i32
    %eq3A_19 = arith.cmpi eq, %arg0, %eq3A_18 : i32
    %mul3A_20 = arith.constant 72 : i32
    %mul3A_21 = arith.muli %arg1, %mul3A_20 : i32
    %mul3A_22 = arith.constant 8 : i32
    %mul3A_23 = arith.muli %arg1, %mul3A_22 : i32
    %add3A_24 = arith.constant 1152 : i32
    %add3A_25 = arith.addi %add3A_24, %mul3A_23 : i32
    %select_n3A_26 = arith.select %eq3A_19, %mul3A_21, %add3A_25 : i32
    "tpu.region"() ({
      %run_scoped3A = tpu.sem_alloc : memref<!tpu.dma_semaphore, #tpu.memory_space<semaphore_mem>>
      %dma_start3A = arith.constant 0 : i32
      %dma_start3A_44 = tpu.memref_slice %arg4[%select_n3A_26, %dma_start3A] : memref<1344x128xi32, #tpu.memory_space<hbm>> -> memref<72x128xi32, #tpu.memory_space<hbm>>
      %dma_start3A_45 = arith.constant 0 : i32
      %dma_start3A_46 = tpu.memref_slice %arg4[%select_n3A_26, %dma_start3A_45] : memref<1344x128xi32, #tpu.memory_space<hbm>> -> memref<72x128xi32, #tpu.memory_space<hbm>>
      tpu.enqueue_dma source(%dma_start3A_46 : memref<72x128xi32, #tpu.memory_space<hbm>>) target(%arg7 : memref<72x128xi32, #tpu.memory_space<vmem>>) target_semaphore(%run_scoped3A : memref<!tpu.dma_semaphore, #tpu.memory_space<semaphore_mem>>)
      %dma_wait3A = arith.constant 0 : i32
      %dma_wait3A_47 = tpu.memref_slice %arg4[%select_n3A_26, %dma_wait3A] : memref<1344x128xi32, #tpu.memory_space<hbm>> -> memref<72x128xi32, #tpu.memory_space<hbm>>
      %dma_wait3A_48 = arith.constant 0 : i32
      %dma_wait3A_49 = tpu.memref_slice %arg4[%select_n3A_26, %dma_wait3A_48] : memref<1344x128xi32, #tpu.memory_space<hbm>> -> memref<72x128xi32, #tpu.memory_space<hbm>>
      tpu.wait_dma2 semaphore(%run_scoped3A : memref<!tpu.dma_semaphore, #tpu.memory_space<semaphore_mem>>) src(%dma_wait3A_49 : memref<72x128xi32, #tpu.memory_space<hbm>>) dst(%arg7 : memref<72x128xi32, #tpu.memory_space<vmem>>)
      tpu.yield
    }) : () -> ()
    %barrier3A = arith.constant 0 : index
    tpu.barrier barrier_id(%barrier3A)
    %sub3A = arith.constant 0 : i32
    %sub3A_27 = arith.subi %select_n3A_2, %sub3A : i32
    %min3A = arith.constant 40 : i32
    %min3A_28 = arith.minsi %min3A, %sub3A_27 : i32
    %max3A = arith.constant 0 : i32
    %max3A_29 = arith.maxsi %max3A, %min3A_28 : i32
    %gt3A = arith.constant 0 : i32
    %gt3A_30 = arith.cmpi sgt, %max3A_29, %gt3A : i32
    %convert_element_type3A = arith.extui %gt3A_30 : i1 to i32
    %cond3A = arith.constant 0 : i32
    %cond3A_31 = arith.cmpi ne, %convert_element_type3A, %cond3A : i32
    scf.if %cond3A_31 {
      %add3A_44 = arith.constant 0 : i32
      %add3A_45 = arith.addi %select_n3A_26, %add3A_44 : i32
      "tpu.region"() ({
        %run_scoped3A = tpu.sem_alloc : memref<!tpu.dma_semaphore, #tpu.memory_space<semaphore_mem>>
        %dma_start3A_79 = arith.constant 0 : i32
        %dma_start3A_80 = tpu.memref_slice %arg3[%add3A_45, %dma_start3A_79] : memref<1344x128xi32, #tpu.memory_space<hbm>> -> memref<40x128xi32, #tpu.memory_space<hbm>>
        %dma_start3A_81 = arith.constant 0 : i32
        %dma_start3A_82 = tpu.memref_slice %arg3[%add3A_45, %dma_start3A_81] : memref<1344x128xi32, #tpu.memory_space<hbm>> -> memref<40x128xi32, #tpu.memory_space<hbm>>
        tpu.enqueue_dma source(%dma_start3A_82 : memref<40x128xi32, #tpu.memory_space<hbm>>) target(%arg6 : memref<40x128xi32, #tpu.memory_space<vmem>>) target_semaphore(%run_scoped3A : memref<!tpu.dma_semaphore, #tpu.memory_space<semaphore_mem>>)
        %dma_wait3A = arith.constant 0 : i32
        %dma_wait3A_83 = tpu.memref_slice %arg3[%add3A_45, %dma_wait3A] : memref<1344x128xi32, #tpu.memory_space<hbm>> -> memref<40x128xi32, #tpu.memory_space<hbm>>
        %dma_wait3A_84 = arith.constant 0 : i32
        %dma_wait3A_85 = tpu.memref_slice %arg3[%add3A_45, %dma_wait3A_84] : memref<1344x128xi32, #tpu.memory_space<hbm>> -> memref<40x128xi32, #tpu.memory_space<hbm>>
        tpu.wait_dma2 semaphore(%run_scoped3A : memref<!tpu.dma_semaphore, #tpu.memory_space<semaphore_mem>>) src(%dma_wait3A_85 : memref<40x128xi32, #tpu.memory_space<hbm>>) dst(%arg6 : memref<40x128xi32, #tpu.memory_space<vmem>>)
        tpu.yield
      }) : () -> ()
      %dma_start3A = arith.constant 0 : i32
      %dma_start3A_46 = arith.constant 0 : i32
      %dma_start3A_47 = tpu.memref_slice %arg6[%dma_start3A, %dma_start3A_46] : memref<40x128xi32, #tpu.memory_space<vmem>> -> memref<1x128xi32, #tpu.memory_space<vmem>>
      %dma_start3A_48 = tpu.memref_squeeze %dma_start3A_47 : memref<1x128xi32, #tpu.memory_space<vmem>> -> memref<128xi32, #tpu.memory_space<vmem>>
      %dma_start3A_49 = arith.constant 0 : i32
      %dma_start3A_50 = arith.constant 0 : i32
      %dma_start3A_51 = tpu.memref_slice %arg2[%dma_start3A_49, %dma_start3A_50] : memref<10112x128xf32, #tpu.memory_space<hbm>> -> memref<10112x128xf32, #tpu.memory_space<hbm>>
      tpu.enqueue_indirect_dma source(%dma_start3A_51 : memref<10112x128xf32, #tpu.memory_space<hbm>>) target(%arg8 : memref<128x128xf32, #tpu.memory_space<vmem>>) offsets(%dma_start3A_48 : memref<128xi32, #tpu.memory_space<vmem>>) semaphore(%arg11 : memref<!tpu.dma_semaphore, #tpu.memory_space<semaphore_mem>>)
      %jit3A = arith.constant 2 : i32
      %div3A = arith.divsi %max3A_29, %jit3A : i32
      %sign3A = arith.constant 0 : i32
      %sign3A_52 = arith.cmpi sgt, %max3A_29, %sign3A : i32
      %sign3A_53 = arith.extui %sign3A_52 : i1 to i32
      %sign3A_54 = arith.constant 0 : i32
      %sign3A_55 = arith.cmpi slt, %max3A_29, %sign3A_54 : i32
      %sign3A_56 = arith.extui %sign3A_55 : i1 to i32
      %sign3A_57 = arith.subi %sign3A_53, %sign3A_56 : i32
      %sign3A_58 = arith.constant 0 : i32
      %sign3A_59 = arith.cmpi sgt, %jit3A, %sign3A_58 : i32
      %sign3A_60 = arith.extui %sign3A_59 : i1 to i32
      %sign3A_61 = arith.constant 0 : i32
      %sign3A_62 = arith.cmpi slt, %jit3A, %sign3A_61 : i32
      %sign3A_63 = arith.extui %sign3A_62 : i1 to i32
      %sign3A_64 = arith.subi %sign3A_60, %sign3A_63 : i32
      %ne3A = arith.cmpi ne, %sign3A_57, %sign3A_64 : i32
      %rem3A = arith.remsi %max3A_29, %jit3A : i32
      %ne3A_65 = arith.constant 0 : i32
      %ne3A_66 = arith.cmpi ne, %rem3A, %ne3A_65 : i32
      %and3A = arith.andi %ne3A, %ne3A_66 : i1
      %sub3A_67 = arith.constant 1 : i32
      %sub3A_68 = arith.subi %div3A, %sub3A_67 : i32
      %select_n3A_69 = arith.select %and3A, %sub3A_68, %div3A : i32
      %while3A = arith.constant 0 : i32
      %while3A_70 = arith.constant 0 : i32
      %while3A_71 = arith.subi %select_n3A_69, %while3A_70 : i32
      %while3A_72 = arith.addi %while3A_70, %while3A_71 : i32
      %while3A_73 = arith.constant 1 : i32
      %while3A_74 = arith.divsi %while3A_71, %while3A_73 : i32
      %while3A_75 = arith.muli %while3A_74, %while3A_73 : i32
      %while3A_76 = arith.addi %while3A_70, %while3A_75 : i32
      %while3A_77 = arith.constant 1 : i32
      scf.for %while3A_79 = %while3A_70 to %while3A_76 step %while3A_77  : i32 {
        %mul3A_80 = arith.constant 2 : i32
        %mul3A_81 = arith.muli %mul3A_80, %while3A_79 : i32
        %add3A_82 = arith.constant 0 : i32
        %add3A_83 = arith.addi %mul3A_81, %add3A_82 : i32
        %add3A_84 = arith.constant 1 : i32
        %add3A_85 = arith.addi %add3A_83, %add3A_84 : i32
        %lt3A = arith.cmpi slt, %add3A_85, %max3A_29 : i32
        %convert_element_type3A_86 = arith.extui %lt3A : i1 to i32
        %cond3A_87 = arith.constant 0 : i32
        %cond3A_88 = arith.cmpi ne, %convert_element_type3A_86, %cond3A_87 : i32
        scf.if %cond3A_88 {
          %add3A_114 = arith.constant 1 : i32
          %add3A_115 = arith.addi %add3A_83, %add3A_114 : i32
          %dma_start3A_116 = arith.constant 0 : i32
          %dma_start3A_117 = tpu.memref_slice %arg6[%add3A_115, %dma_start3A_116] : memref<40x128xi32, #tpu.memory_space<vmem>> -> memref<1x128xi32, #tpu.memory_space<vmem>>
          %dma_start3A_118 = tpu.memref_squeeze %dma_start3A_117 : memref<1x128xi32, #tpu.memory_space<vmem>> -> memref<128xi32, #tpu.memory_space<vmem>>
          %dma_start3A_119 = arith.constant 0 : i32
          %dma_start3A_120 = arith.constant 0 : i32
          %dma_start3A_121 = tpu.memref_slice %arg2[%dma_start3A_119, %dma_start3A_120] : memref<10112x128xf32, #tpu.memory_space<hbm>> -> memref<10112x128xf32, #tpu.memory_space<hbm>>
          tpu.enqueue_indirect_dma source(%dma_start3A_121 : memref<10112x128xf32, #tpu.memory_space<hbm>>) target(%arg9 : memref<128x128xf32, #tpu.memory_space<vmem>>) offsets(%dma_start3A_118 : memref<128xi32, #tpu.memory_space<vmem>>) semaphore(%arg12 : memref<!tpu.dma_semaphore, #tpu.memory_space<semaphore_mem>>)
        } else {
        }
        %dma_wait3A = arith.constant 0 : i32
        %dma_wait3A_89 = tpu.memref_slice %arg6[%add3A_83, %dma_wait3A] : memref<40x128xi32, #tpu.memory_space<vmem>> -> memref<1x128xi32, #tpu.memory_space<vmem>>
        %dma_wait3A_90 = tpu.memref_squeeze %dma_wait3A_89 : memref<1x128xi32, #tpu.memory_space<vmem>> -> memref<128xi32, #tpu.memory_space<vmem>>
        %dma_wait3A_91 = arith.constant 0 : i32
        %dma_wait3A_92 = arith.constant 0 : i32
        %dma_wait3A_93 = tpu.memref_slice %arg2[%dma_wait3A_91, %dma_wait3A_92] : memref<10112x128xf32, #tpu.memory_space<hbm>> -> memref<10112x128xf32, #tpu.memory_space<hbm>>
        tpu.wait_indirect_dma semaphore(%arg11 : memref<!tpu.dma_semaphore, #tpu.memory_space<semaphore_mem>>) src(%dma_wait3A_93 : memref<10112x128xf32, #tpu.memory_space<hbm>>) dst(%arg8 : memref<128x128xf32, #tpu.memory_space<vmem>>)
        %add3A_94 = arith.constant 0 : i32
        %add3A_95 = arith.addi %add3A_94, %add3A_83 : i32
        "tpu.region"() ({
          %run_scoped3A = tpu.sem_alloc : memref<!tpu.dma_semaphore, #tpu.memory_space<semaphore_mem>>
          %dma_start3A_114 = arith.constant 0 : i32
          %dma_start3A_115 = tpu.memref_slice %arg7[%add3A_95, %dma_start3A_114] : memref<72x128xi32, #tpu.memory_space<vmem>> -> memref<1x128xi32, #tpu.memory_space<vmem>>
          %dma_start3A_116 = tpu.memref_squeeze %dma_start3A_115 : memref<1x128xi32, #tpu.memory_space<vmem>> -> memref<128xi32, #tpu.memory_space<vmem>>
          %dma_start3A_117 = arith.constant 0 : i32
          %dma_start3A_118 = arith.constant 0 : i32
          %dma_start3A_119 = tpu.memref_slice %arg10[%dma_start3A_117, %dma_start3A_118] : memref<10112x128xf32, #tpu.memory_space<vmem_shared>> -> memref<10112x128xf32, #tpu.memory_space<vmem_shared>>
          tpu.enqueue_indirect_dma source(%arg8 : memref<128x128xf32, #tpu.memory_space<vmem>>) target(%dma_start3A_119 : memref<10112x128xf32, #tpu.memory_space<vmem_shared>>) offsets(%dma_start3A_116 : memref<128xi32, #tpu.memory_space<vmem>>) semaphore(%run_scoped3A : memref<!tpu.dma_semaphore, #tpu.memory_space<semaphore_mem>>) {add = true}
          %dma_wait3A_120 = arith.constant 0 : i32
          %dma_wait3A_121 = tpu.memref_slice %arg7[%add3A_95, %dma_wait3A_120] : memref<72x128xi32, #tpu.memory_space<vmem>> -> memref<1x128xi32, #tpu.memory_space<vmem>>
          %dma_wait3A_122 = tpu.memref_squeeze %dma_wait3A_121 : memref<1x128xi32, #tpu.memory_space<vmem>> -> memref<128xi32, #tpu.memory_space<vmem>>
          %dma_wait3A_123 = arith.constant 0 : i32
          %dma_wait3A_124 = arith.constant 0 : i32
          %dma_wait3A_125 = tpu.memref_slice %arg10[%dma_wait3A_123, %dma_wait3A_124] : memref<10112x128xf32, #tpu.memory_space<vmem_shared>> -> memref<10112x128xf32, #tpu.memory_space<vmem_shared>>
          tpu.wait_indirect_dma semaphore(%run_scoped3A : memref<!tpu.dma_semaphore, #tpu.memory_space<semaphore_mem>>) src(%arg8 : memref<128x128xf32, #tpu.memory_space<vmem>>) dst(%dma_wait3A_125 : memref<10112x128xf32, #tpu.memory_space<vmem_shared>>)
          tpu.yield
        }) : () -> ()
        %mul3A_96 = arith.constant 2 : i32
        %mul3A_97 = arith.muli %mul3A_96, %while3A_79 : i32
        %add3A_98 = arith.constant 1 : i32
        %add3A_99 = arith.addi %mul3A_97, %add3A_98 : i32
        %add3A_100 = arith.constant 1 : i32
        %add3A_101 = arith.addi %add3A_99, %add3A_100 : i32
        %lt3A_102 = arith.cmpi slt, %add3A_101, %max3A_29 : i32
        %convert_element_type3A_103 = arith.extui %lt3A_102 : i1 to i32
        %cond3A_104 = arith.constant 0 : i32
        %cond3A_105 = arith.cmpi ne, %convert_element_type3A_103, %cond3A_104 : i32
        scf.if %cond3A_105 {
          %add3A_114 = arith.constant 1 : i32
          %add3A_115 = arith.addi %add3A_99, %add3A_114 : i32
          %dma_start3A_116 = arith.constant 0 : i32
          %dma_start3A_117 = tpu.memref_slice %arg6[%add3A_115, %dma_start3A_116] : memref<40x128xi32, #tpu.memory_space<vmem>> -> memref<1x128xi32, #tpu.memory_space<vmem>>
          %dma_start3A_118 = tpu.memref_squeeze %dma_start3A_117 : memref<1x128xi32, #tpu.memory_space<vmem>> -> memref<128xi32, #tpu.memory_space<vmem>>
          %dma_start3A_119 = arith.constant 0 : i32
          %dma_start3A_120 = arith.constant 0 : i32
          %dma_start3A_121 = tpu.memref_slice %arg2[%dma_start3A_119, %dma_start3A_120] : memref<10112x128xf32, #tpu.memory_space<hbm>> -> memref<10112x128xf32, #tpu.memory_space<hbm>>
          tpu.enqueue_indirect_dma source(%dma_start3A_121 : memref<10112x128xf32, #tpu.memory_space<hbm>>) target(%arg8 : memref<128x128xf32, #tpu.memory_space<vmem>>) offsets(%dma_start3A_118 : memref<128xi32, #tpu.memory_space<vmem>>) semaphore(%arg11 : memref<!tpu.dma_semaphore, #tpu.memory_space<semaphore_mem>>)
        } else {
        }
        %dma_wait3A_106 = arith.constant 0 : i32
        %dma_wait3A_107 = tpu.memref_slice %arg6[%add3A_99, %dma_wait3A_106] : memref<40x128xi32, #tpu.memory_space<vmem>> -> memref<1x128xi32, #tpu.memory_space<vmem>>
        %dma_wait3A_108 = tpu.memref_squeeze %dma_wait3A_107 : memref<1x128xi32, #tpu.memory_space<vmem>> -> memref<128xi32, #tpu.memory_space<vmem>>
        %dma_wait3A_109 = arith.constant 0 : i32
        %dma_wait3A_110 = arith.constant 0 : i32
        %dma_wait3A_111 = tpu.memref_slice %arg2[%dma_wait3A_109, %dma_wait3A_110] : memref<10112x128xf32, #tpu.memory_space<hbm>> -> memref<10112x128xf32, #tpu.memory_space<hbm>>
        tpu.wait_indirect_dma semaphore(%arg12 : memref<!tpu.dma_semaphore, #tpu.memory_space<semaphore_mem>>) src(%dma_wait3A_111 : memref<10112x128xf32, #tpu.memory_space<hbm>>) dst(%arg9 : memref<128x128xf32, #tpu.memory_space<vmem>>)
        %add3A_112 = arith.constant 0 : i32
        %add3A_113 = arith.addi %add3A_112, %add3A_99 : i32
        "tpu.region"() ({
          %run_scoped3A = tpu.sem_alloc : memref<!tpu.dma_semaphore, #tpu.memory_space<semaphore_mem>>
          %dma_start3A_114 = arith.constant 0 : i32
          %dma_start3A_115 = tpu.memref_slice %arg7[%add3A_113, %dma_start3A_114] : memref<72x128xi32, #tpu.memory_space<vmem>> -> memref<1x128xi32, #tpu.memory_space<vmem>>
          %dma_start3A_116 = tpu.memref_squeeze %dma_start3A_115 : memref<1x128xi32, #tpu.memory_space<vmem>> -> memref<128xi32, #tpu.memory_space<vmem>>
          %dma_start3A_117 = arith.constant 0 : i32
          %dma_start3A_118 = arith.constant 0 : i32
          %dma_start3A_119 = tpu.memref_slice %arg10[%dma_start3A_117, %dma_start3A_118] : memref<10112x128xf32, #tpu.memory_space<vmem_shared>> -> memref<10112x128xf32, #tpu.memory_space<vmem_shared>>
          tpu.enqueue_indirect_dma source(%arg9 : memref<128x128xf32, #tpu.memory_space<vmem>>) target(%dma_start3A_119 : memref<10112x128xf32, #tpu.memory_space<vmem_shared>>) offsets(%dma_start3A_116 : memref<128xi32, #tpu.memory_space<vmem>>) semaphore(%run_scoped3A : memref<!tpu.dma_semaphore, #tpu.memory_space<semaphore_mem>>) {add = true}
          %dma_wait3A_120 = arith.constant 0 : i32
          %dma_wait3A_121 = tpu.memref_slice %arg7[%add3A_113, %dma_wait3A_120] : memref<72x128xi32, #tpu.memory_space<vmem>> -> memref<1x128xi32, #tpu.memory_space<vmem>>
          %dma_wait3A_122 = tpu.memref_squeeze %dma_wait3A_121 : memref<1x128xi32, #tpu.memory_space<vmem>> -> memref<128xi32, #tpu.memory_space<vmem>>
          %dma_wait3A_123 = arith.constant 0 : i32
          %dma_wait3A_124 = arith.constant 0 : i32
          %dma_wait3A_125 = tpu.memref_slice %arg10[%dma_wait3A_123, %dma_wait3A_124] : memref<10112x128xf32, #tpu.memory_space<vmem_shared>> -> memref<10112x128xf32, #tpu.memory_space<vmem_shared>>
          tpu.wait_indirect_dma semaphore(%run_scoped3A : memref<!tpu.dma_semaphore, #tpu.memory_space<semaphore_mem>>) src(%arg9 : memref<128x128xf32, #tpu.memory_space<vmem>>) dst(%dma_wait3A_125 : memref<10112x128xf32, #tpu.memory_space<vmem_shared>>)
          tpu.yield
        }) : () -> ()
      }
      %while3A_78 = arith.constant 1 : i32
      scf.for %while3A_79 = %while3A_76 to %while3A_72 step %while3A_78  : i32 {
        %mul3A_80 = arith.constant 2 : i32
        %mul3A_81 = arith.muli %mul3A_80, %while3A_79 : i32
        %add3A_82 = arith.constant 0 : i32
        %add3A_83 = arith.addi %mul3A_81, %add3A_82 : i32
        %add3A_84 = arith.constant 1 : i32
        %add3A_85 = arith.addi %add3A_83, %add3A_84 : i32
        %lt3A = arith.cmpi slt, %add3A_85, %max3A_29 : i32
        %convert_element_type3A_86 = arith.extui %lt3A : i1 to i32
        %cond3A_87 = arith.constant 0 : i32
        %cond3A_88 = arith.cmpi ne, %convert_element_type3A_86, %cond3A_87 : i32
        scf.if %cond3A_88 {
          %add3A_114 = arith.constant 1 : i32
          %add3A_115 = arith.addi %add3A_83, %add3A_114 : i32
          %dma_start3A_116 = arith.constant 0 : i32
          %dma_start3A_117 = tpu.memref_slice %arg6[%add3A_115, %dma_start3A_116] : memref<40x128xi32, #tpu.memory_space<vmem>> -> memref<1x128xi32, #tpu.memory_space<vmem>>
          %dma_start3A_118 = tpu.memref_squeeze %dma_start3A_117 : memref<1x128xi32, #tpu.memory_space<vmem>> -> memref<128xi32, #tpu.memory_space<vmem>>
          %dma_start3A_119 = arith.constant 0 : i32
          %dma_start3A_120 = arith.constant 0 : i32
          %dma_start3A_121 = tpu.memref_slice %arg2[%dma_start3A_119, %dma_start3A_120] : memref<10112x128xf32, #tpu.memory_space<hbm>> -> memref<10112x128xf32, #tpu.memory_space<hbm>>
          tpu.enqueue_indirect_dma source(%dma_start3A_121 : memref<10112x128xf32, #tpu.memory_space<hbm>>) target(%arg9 : memref<128x128xf32, #tpu.memory_space<vmem>>) offsets(%dma_start3A_118 : memref<128xi32, #tpu.memory_space<vmem>>) semaphore(%arg12 : memref<!tpu.dma_semaphore, #tpu.memory_space<semaphore_mem>>)
        } else {
        }
        %dma_wait3A = arith.constant 0 : i32
        %dma_wait3A_89 = tpu.memref_slice %arg6[%add3A_83, %dma_wait3A] : memref<40x128xi32, #tpu.memory_space<vmem>> -> memref<1x128xi32, #tpu.memory_space<vmem>>
        %dma_wait3A_90 = tpu.memref_squeeze %dma_wait3A_89 : memref<1x128xi32, #tpu.memory_space<vmem>> -> memref<128xi32, #tpu.memory_space<vmem>>
        %dma_wait3A_91 = arith.constant 0 : i32
        %dma_wait3A_92 = arith.constant 0 : i32
        %dma_wait3A_93 = tpu.memref_slice %arg2[%dma_wait3A_91, %dma_wait3A_92] : memref<10112x128xf32, #tpu.memory_space<hbm>> -> memref<10112x128xf32, #tpu.memory_space<hbm>>
        tpu.wait_indirect_dma semaphore(%arg11 : memref<!tpu.dma_semaphore, #tpu.memory_space<semaphore_mem>>) src(%dma_wait3A_93 : memref<10112x128xf32, #tpu.memory_space<hbm>>) dst(%arg8 : memref<128x128xf32, #tpu.memory_space<vmem>>)
        %add3A_94 = arith.constant 0 : i32
        %add3A_95 = arith.addi %add3A_94, %add3A_83 : i32
        "tpu.region"() ({
          %run_scoped3A = tpu.sem_alloc : memref<!tpu.dma_semaphore, #tpu.memory_space<semaphore_mem>>
          %dma_start3A_114 = arith.constant 0 : i32
          %dma_start3A_115 = tpu.memref_slice %arg7[%add3A_95, %dma_start3A_114] : memref<72x128xi32, #tpu.memory_space<vmem>> -> memref<1x128xi32, #tpu.memory_space<vmem>>
          %dma_start3A_116 = tpu.memref_squeeze %dma_start3A_115 : memref<1x128xi32, #tpu.memory_space<vmem>> -> memref<128xi32, #tpu.memory_space<vmem>>
          %dma_start3A_117 = arith.constant 0 : i32
          %dma_start3A_118 = arith.constant 0 : i32
          %dma_start3A_119 = tpu.memref_slice %arg10[%dma_start3A_117, %dma_start3A_118] : memref<10112x128xf32, #tpu.memory_space<vmem_shared>> -> memref<10112x128xf32, #tpu.memory_space<vmem_shared>>
          tpu.enqueue_indirect_dma source(%arg8 : memref<128x128xf32, #tpu.memory_space<vmem>>) target(%dma_start3A_119 : memref<10112x128xf32, #tpu.memory_space<vmem_shared>>) offsets(%dma_start3A_116 : memref<128xi32, #tpu.memory_space<vmem>>) semaphore(%run_scoped3A : memref<!tpu.dma_semaphore, #tpu.memory_space<semaphore_mem>>) {add = true}
          %dma_wait3A_120 = arith.constant 0 : i32
          %dma_wait3A_121 = tpu.memref_slice %arg7[%add3A_95, %dma_wait3A_120] : memref<72x128xi32, #tpu.memory_space<vmem>> -> memref<1x128xi32, #tpu.memory_space<vmem>>
          %dma_wait3A_122 = tpu.memref_squeeze %dma_wait3A_121 : memref<1x128xi32, #tpu.memory_space<vmem>> -> memref<128xi32, #tpu.memory_space<vmem>>
          %dma_wait3A_123 = arith.constant 0 : i32
          %dma_wait3A_124 = arith.constant 0 : i32
          %dma_wait3A_125 = tpu.memref_slice %arg10[%dma_wait3A_123, %dma_wait3A_124] : memref<10112x128xf32, #tpu.memory_space<vmem_shared>> -> memref<10112x128xf32, #tpu.memory_space<vmem_shared>>
          tpu.wait_indirect_dma semaphore(%run_scoped3A : memref<!tpu.dma_semaphore, #tpu.memory_space<semaphore_mem>>) src(%arg8 : memref<128x128xf32, #tpu.memory_space<vmem>>) dst(%dma_wait3A_125 : memref<10112x128xf32, #tpu.memory_space<vmem_shared>>)
          tpu.yield
        }) : () -> ()
        %mul3A_96 = arith.constant 2 : i32
        %mul3A_97 = arith.muli %mul3A_96, %while3A_79 : i32
        %add3A_98 = arith.constant 1 : i32
        %add3A_99 = arith.addi %mul3A_97, %add3A_98 : i32
        %add3A_100 = arith.constant 1 : i32
        %add3A_101 = arith.addi %add3A_99, %add3A_100 : i32
        %lt3A_102 = arith.cmpi slt, %add3A_101, %max3A_29 : i32
        %convert_element_type3A_103 = arith.extui %lt3A_102 : i1 to i32
        %cond3A_104 = arith.constant 0 : i32
        %cond3A_105 = arith.cmpi ne, %convert_element_type3A_103, %cond3A_104 : i32
        scf.if %cond3A_105 {
          %add3A_114 = arith.constant 1 : i32
          %add3A_115 = arith.addi %add3A_99, %add3A_114 : i32
          %dma_start3A_116 = arith.constant 0 : i32
          %dma_start3A_117 = tpu.memref_slice %arg6[%add3A_115, %dma_start3A_116] : memref<40x128xi32, #tpu.memory_space<vmem>> -> memref<1x128xi32, #tpu.memory_space<vmem>>
          %dma_start3A_118 = tpu.memref_squeeze %dma_start3A_117 : memref<1x128xi32, #tpu.memory_space<vmem>> -> memref<128xi32, #tpu.memory_space<vmem>>
          %dma_start3A_119 = arith.constant 0 : i32
          %dma_start3A_120 = arith.constant 0 : i32
          %dma_start3A_121 = tpu.memref_slice %arg2[%dma_start3A_119, %dma_start3A_120] : memref<10112x128xf32, #tpu.memory_space<hbm>> -> memref<10112x128xf32, #tpu.memory_space<hbm>>
          tpu.enqueue_indirect_dma source(%dma_start3A_121 : memref<10112x128xf32, #tpu.memory_space<hbm>>) target(%arg8 : memref<128x128xf32, #tpu.memory_space<vmem>>) offsets(%dma_start3A_118 : memref<128xi32, #tpu.memory_space<vmem>>) semaphore(%arg11 : memref<!tpu.dma_semaphore, #tpu.memory_space<semaphore_mem>>)
        } else {
        }
        %dma_wait3A_106 = arith.constant 0 : i32
        %dma_wait3A_107 = tpu.memref_slice %arg6[%add3A_99, %dma_wait3A_106] : memref<40x128xi32, #tpu.memory_space<vmem>> -> memref<1x128xi32, #tpu.memory_space<vmem>>
        %dma_wait3A_108 = tpu.memref_squeeze %dma_wait3A_107 : memref<1x128xi32, #tpu.memory_space<vmem>> -> memref<128xi32, #tpu.memory_space<vmem>>
        %dma_wait3A_109 = arith.constant 0 : i32
        %dma_wait3A_110 = arith.constant 0 : i32
        %dma_wait3A_111 = tpu.memref_slice %arg2[%dma_wait3A_109, %dma_wait3A_110] : memref<10112x128xf32, #tpu.memory_space<hbm>> -> memref<10112x128xf32, #tpu.memory_space<hbm>>
        tpu.wait_indirect_dma semaphore(%arg12 : memref<!tpu.dma_semaphore, #tpu.memory_space<semaphore_mem>>) src(%dma_wait3A_111 : memref<10112x128xf32, #tpu.memory_space<hbm>>) dst(%arg9 : memref<128x128xf32, #tpu.memory_space<vmem>>)
        %add3A_112 = arith.constant 0 : i32
        %add3A_113 = arith.addi %add3A_112, %add3A_99 : i32
        "tpu.region"() ({
          %run_scoped3A = tpu.sem_alloc : memref<!tpu.dma_semaphore, #tpu.memory_space<semaphore_mem>>
          %dma_start3A_114 = arith.constant 0 : i32
          %dma_start3A_115 = tpu.memref_slice %arg7[%add3A_113, %dma_start3A_114] : memref<72x128xi32, #tpu.memory_space<vmem>> -> memref<1x128xi32, #tpu.memory_space<vmem>>
          %dma_start3A_116 = tpu.memref_squeeze %dma_start3A_115 : memref<1x128xi32, #tpu.memory_space<vmem>> -> memref<128xi32, #tpu.memory_space<vmem>>
          %dma_start3A_117 = arith.constant 0 : i32
          %dma_start3A_118 = arith.constant 0 : i32
          %dma_start3A_119 = tpu.memref_slice %arg10[%dma_start3A_117, %dma_start3A_118] : memref<10112x128xf32, #tpu.memory_space<vmem_shared>> -> memref<10112x128xf32, #tpu.memory_space<vmem_shared>>
          tpu.enqueue_indirect_dma source(%arg9 : memref<128x128xf32, #tpu.memory_space<vmem>>) target(%dma_start3A_119 : memref<10112x128xf32, #tpu.memory_space<vmem_shared>>) offsets(%dma_start3A_116 : memref<128xi32, #tpu.memory_space<vmem>>) semaphore(%run_scoped3A : memref<!tpu.dma_semaphore, #tpu.memory_space<semaphore_mem>>) {add = true}
          %dma_wait3A_120 = arith.constant 0 : i32
          %dma_wait3A_121 = tpu.memref_slice %arg7[%add3A_113, %dma_wait3A_120] : memref<72x128xi32, #tpu.memory_space<vmem>> -> memref<1x128xi32, #tpu.memory_space<vmem>>
          %dma_wait3A_122 = tpu.memref_squeeze %dma_wait3A_121 : memref<1x128xi32, #tpu.memory_space<vmem>> -> memref<128xi32, #tpu.memory_space<vmem>>
          %dma_wait3A_123 = arith.constant 0 : i32
          %dma_wait3A_124 = arith.constant 0 : i32
          %dma_wait3A_125 = tpu.memref_slice %arg10[%dma_wait3A_123, %dma_wait3A_124] : memref<10112x128xf32, #tpu.memory_space<vmem_shared>> -> memref<10112x128xf32, #tpu.memory_space<vmem_shared>>
          tpu.wait_indirect_dma semaphore(%run_scoped3A : memref<!tpu.dma_semaphore, #tpu.memory_space<semaphore_mem>>) src(%arg9 : memref<128x128xf32, #tpu.memory_space<vmem>>) dst(%dma_wait3A_125 : memref<10112x128xf32, #tpu.memory_space<vmem_shared>>)
          tpu.yield
        }) : () -> ()
      }
    } else {
    }
    %sub3A_32 = arith.constant 40 : i32
    %sub3A_33 = arith.subi %select_n3A_2, %sub3A_32 : i32
    %min3A_34 = arith.constant 40 : i32
    %min3A_35 = arith.minsi %min3A_34, %sub3A_33 : i32
    %max3A_36 = arith.constant 0 : i32
    %max3A_37 = arith.maxsi %max3A_36, %min3A_35 : i32
    %gt3A_38 = arith.constant 0 : i32
    %gt3A_39 = arith.cmpi sgt, %max3A_37, %gt3A_38 : i32
    %convert_element_type3A_40 = arith.extui %gt3A_39 : i1 to i32
    %cond3A_41 = arith.constant 0 : i32
    %cond3A_42 = arith.cmpi ne, %convert_element_type3A_40, %cond3A_41 : i32
    scf.if %cond3A_42 {
      %add3A_44 = arith.constant 40 : i32
      %add3A_45 = arith.addi %select_n3A_26, %add3A_44 : i32
      "tpu.region"() ({
        %run_scoped3A = tpu.sem_alloc : memref<!tpu.dma_semaphore, #tpu.memory_space<semaphore_mem>>
        %dma_start3A_79 = arith.constant 0 : i32
        %dma_start3A_80 = tpu.memref_slice %arg3[%add3A_45, %dma_start3A_79] : memref<1344x128xi32, #tpu.memory_space<hbm>> -> memref<40x128xi32, #tpu.memory_space<hbm>>
        %dma_start3A_81 = arith.constant 0 : i32
        %dma_start3A_82 = tpu.memref_slice %arg3[%add3A_45, %dma_start3A_81] : memref<1344x128xi32, #tpu.memory_space<hbm>> -> memref<40x128xi32, #tpu.memory_space<hbm>>
        tpu.enqueue_dma source(%dma_start3A_82 : memref<40x128xi32, #tpu.memory_space<hbm>>) target(%arg6 : memref<40x128xi32, #tpu.memory_space<vmem>>) target_semaphore(%run_scoped3A : memref<!tpu.dma_semaphore, #tpu.memory_space<semaphore_mem>>)
        %dma_wait3A = arith.constant 0 : i32
        %dma_wait3A_83 = tpu.memref_slice %arg3[%add3A_45, %dma_wait3A] : memref<1344x128xi32, #tpu.memory_space<hbm>> -> memref<40x128xi32, #tpu.memory_space<hbm>>
        %dma_wait3A_84 = arith.constant 0 : i32
        %dma_wait3A_85 = tpu.memref_slice %arg3[%add3A_45, %dma_wait3A_84] : memref<1344x128xi32, #tpu.memory_space<hbm>> -> memref<40x128xi32, #tpu.memory_space<hbm>>
        tpu.wait_dma2 semaphore(%run_scoped3A : memref<!tpu.dma_semaphore, #tpu.memory_space<semaphore_mem>>) src(%dma_wait3A_85 : memref<40x128xi32, #tpu.memory_space<hbm>>) dst(%arg6 : memref<40x128xi32, #tpu.memory_space<vmem>>)
        tpu.yield
      }) : () -> ()
      %dma_start3A = arith.constant 0 : i32
      %dma_start3A_46 = arith.constant 0 : i32
      %dma_start3A_47 = tpu.memref_slice %arg6[%dma_start3A, %dma_start3A_46] : memref<40x128xi32, #tpu.memory_space<vmem>> -> memref<1x128xi32, #tpu.memory_space<vmem>>
      %dma_start3A_48 = tpu.memref_squeeze %dma_start3A_47 : memref<1x128xi32, #tpu.memory_space<vmem>> -> memref<128xi32, #tpu.memory_space<vmem>>
      %dma_start3A_49 = arith.constant 0 : i32
      %dma_start3A_50 = arith.constant 0 : i32
      %dma_start3A_51 = tpu.memref_slice %arg2[%dma_start3A_49, %dma_start3A_50] : memref<10112x128xf32, #tpu.memory_space<hbm>> -> memref<10112x128xf32, #tpu.memory_space<hbm>>
      tpu.enqueue_indirect_dma source(%dma_start3A_51 : memref<10112x128xf32, #tpu.memory_space<hbm>>) target(%arg8 : memref<128x128xf32, #tpu.memory_space<vmem>>) offsets(%dma_start3A_48 : memref<128xi32, #tpu.memory_space<vmem>>) semaphore(%arg11 : memref<!tpu.dma_semaphore, #tpu.memory_space<semaphore_mem>>)
      %jit3A = arith.constant 2 : i32
      %div3A = arith.divsi %max3A_37, %jit3A : i32
      %sign3A = arith.constant 0 : i32
      %sign3A_52 = arith.cmpi sgt, %max3A_37, %sign3A : i32
      %sign3A_53 = arith.extui %sign3A_52 : i1 to i32
      %sign3A_54 = arith.constant 0 : i32
      %sign3A_55 = arith.cmpi slt, %max3A_37, %sign3A_54 : i32
      %sign3A_56 = arith.extui %sign3A_55 : i1 to i32
      %sign3A_57 = arith.subi %sign3A_53, %sign3A_56 : i32
      %sign3A_58 = arith.constant 0 : i32
      %sign3A_59 = arith.cmpi sgt, %jit3A, %sign3A_58 : i32
      %sign3A_60 = arith.extui %sign3A_59 : i1 to i32
      %sign3A_61 = arith.constant 0 : i32
      %sign3A_62 = arith.cmpi slt, %jit3A, %sign3A_61 : i32
      %sign3A_63 = arith.extui %sign3A_62 : i1 to i32
      %sign3A_64 = arith.subi %sign3A_60, %sign3A_63 : i32
      %ne3A = arith.cmpi ne, %sign3A_57, %sign3A_64 : i32
      %rem3A = arith.remsi %max3A_37, %jit3A : i32
      %ne3A_65 = arith.constant 0 : i32
      %ne3A_66 = arith.cmpi ne, %rem3A, %ne3A_65 : i32
      %and3A = arith.andi %ne3A, %ne3A_66 : i1
      %sub3A_67 = arith.constant 1 : i32
      %sub3A_68 = arith.subi %div3A, %sub3A_67 : i32
      %select_n3A_69 = arith.select %and3A, %sub3A_68, %div3A : i32
      %while3A = arith.constant 0 : i32
      %while3A_70 = arith.constant 0 : i32
      %while3A_71 = arith.subi %select_n3A_69, %while3A_70 : i32
      %while3A_72 = arith.addi %while3A_70, %while3A_71 : i32
      %while3A_73 = arith.constant 1 : i32
      %while3A_74 = arith.divsi %while3A_71, %while3A_73 : i32
      %while3A_75 = arith.muli %while3A_74, %while3A_73 : i32
      %while3A_76 = arith.addi %while3A_70, %while3A_75 : i32
      %while3A_77 = arith.constant 1 : i32
      scf.for %while3A_79 = %while3A_70 to %while3A_76 step %while3A_77  : i32 {
        %mul3A_80 = arith.constant 2 : i32
        %mul3A_81 = arith.muli %mul3A_80, %while3A_79 : i32
        %add3A_82 = arith.constant 0 : i32
        %add3A_83 = arith.addi %mul3A_81, %add3A_82 : i32
        %add3A_84 = arith.constant 1 : i32
        %add3A_85 = arith.addi %add3A_83, %add3A_84 : i32
        %lt3A = arith.cmpi slt, %add3A_85, %max3A_37 : i32
        %convert_element_type3A_86 = arith.extui %lt3A : i1 to i32
        %cond3A_87 = arith.constant 0 : i32
        %cond3A_88 = arith.cmpi ne, %convert_element_type3A_86, %cond3A_87 : i32
        scf.if %cond3A_88 {
          %add3A_114 = arith.constant 1 : i32
          %add3A_115 = arith.addi %add3A_83, %add3A_114 : i32
          %dma_start3A_116 = arith.constant 0 : i32
          %dma_start3A_117 = tpu.memref_slice %arg6[%add3A_115, %dma_start3A_116] : memref<40x128xi32, #tpu.memory_space<vmem>> -> memref<1x128xi32, #tpu.memory_space<vmem>>
          %dma_start3A_118 = tpu.memref_squeeze %dma_start3A_117 : memref<1x128xi32, #tpu.memory_space<vmem>> -> memref<128xi32, #tpu.memory_space<vmem>>
          %dma_start3A_119 = arith.constant 0 : i32
          %dma_start3A_120 = arith.constant 0 : i32
          %dma_start3A_121 = tpu.memref_slice %arg2[%dma_start3A_119, %dma_start3A_120] : memref<10112x128xf32, #tpu.memory_space<hbm>> -> memref<10112x128xf32, #tpu.memory_space<hbm>>
          tpu.enqueue_indirect_dma source(%dma_start3A_121 : memref<10112x128xf32, #tpu.memory_space<hbm>>) target(%arg9 : memref<128x128xf32, #tpu.memory_space<vmem>>) offsets(%dma_start3A_118 : memref<128xi32, #tpu.memory_space<vmem>>) semaphore(%arg12 : memref<!tpu.dma_semaphore, #tpu.memory_space<semaphore_mem>>)
        } else {
        }
        %dma_wait3A = arith.constant 0 : i32
        %dma_wait3A_89 = tpu.memref_slice %arg6[%add3A_83, %dma_wait3A] : memref<40x128xi32, #tpu.memory_space<vmem>> -> memref<1x128xi32, #tpu.memory_space<vmem>>
        %dma_wait3A_90 = tpu.memref_squeeze %dma_wait3A_89 : memref<1x128xi32, #tpu.memory_space<vmem>> -> memref<128xi32, #tpu.memory_space<vmem>>
        %dma_wait3A_91 = arith.constant 0 : i32
        %dma_wait3A_92 = arith.constant 0 : i32
        %dma_wait3A_93 = tpu.memref_slice %arg2[%dma_wait3A_91, %dma_wait3A_92] : memref<10112x128xf32, #tpu.memory_space<hbm>> -> memref<10112x128xf32, #tpu.memory_space<hbm>>
        tpu.wait_indirect_dma semaphore(%arg11 : memref<!tpu.dma_semaphore, #tpu.memory_space<semaphore_mem>>) src(%dma_wait3A_93 : memref<10112x128xf32, #tpu.memory_space<hbm>>) dst(%arg8 : memref<128x128xf32, #tpu.memory_space<vmem>>)
        %add3A_94 = arith.constant 40 : i32
        %add3A_95 = arith.addi %add3A_94, %add3A_83 : i32
        "tpu.region"() ({
          %run_scoped3A = tpu.sem_alloc : memref<!tpu.dma_semaphore, #tpu.memory_space<semaphore_mem>>
          %dma_start3A_114 = arith.constant 0 : i32
          %dma_start3A_115 = tpu.memref_slice %arg7[%add3A_95, %dma_start3A_114] : memref<72x128xi32, #tpu.memory_space<vmem>> -> memref<1x128xi32, #tpu.memory_space<vmem>>
          %dma_start3A_116 = tpu.memref_squeeze %dma_start3A_115 : memref<1x128xi32, #tpu.memory_space<vmem>> -> memref<128xi32, #tpu.memory_space<vmem>>
          %dma_start3A_117 = arith.constant 0 : i32
          %dma_start3A_118 = arith.constant 0 : i32
          %dma_start3A_119 = tpu.memref_slice %arg10[%dma_start3A_117, %dma_start3A_118] : memref<10112x128xf32, #tpu.memory_space<vmem_shared>> -> memref<10112x128xf32, #tpu.memory_space<vmem_shared>>
          tpu.enqueue_indirect_dma source(%arg8 : memref<128x128xf32, #tpu.memory_space<vmem>>) target(%dma_start3A_119 : memref<10112x128xf32, #tpu.memory_space<vmem_shared>>) offsets(%dma_start3A_116 : memref<128xi32, #tpu.memory_space<vmem>>) semaphore(%run_scoped3A : memref<!tpu.dma_semaphore, #tpu.memory_space<semaphore_mem>>) {add = true}
          %dma_wait3A_120 = arith.constant 0 : i32
          %dma_wait3A_121 = tpu.memref_slice %arg7[%add3A_95, %dma_wait3A_120] : memref<72x128xi32, #tpu.memory_space<vmem>> -> memref<1x128xi32, #tpu.memory_space<vmem>>
          %dma_wait3A_122 = tpu.memref_squeeze %dma_wait3A_121 : memref<1x128xi32, #tpu.memory_space<vmem>> -> memref<128xi32, #tpu.memory_space<vmem>>
          %dma_wait3A_123 = arith.constant 0 : i32
          %dma_wait3A_124 = arith.constant 0 : i32
          %dma_wait3A_125 = tpu.memref_slice %arg10[%dma_wait3A_123, %dma_wait3A_124] : memref<10112x128xf32, #tpu.memory_space<vmem_shared>> -> memref<10112x128xf32, #tpu.memory_space<vmem_shared>>
          tpu.wait_indirect_dma semaphore(%run_scoped3A : memref<!tpu.dma_semaphore, #tpu.memory_space<semaphore_mem>>) src(%arg8 : memref<128x128xf32, #tpu.memory_space<vmem>>) dst(%dma_wait3A_125 : memref<10112x128xf32, #tpu.memory_space<vmem_shared>>)
          tpu.yield
        }) : () -> ()
        %mul3A_96 = arith.constant 2 : i32
        %mul3A_97 = arith.muli %mul3A_96, %while3A_79 : i32
        %add3A_98 = arith.constant 1 : i32
        %add3A_99 = arith.addi %mul3A_97, %add3A_98 : i32
        %add3A_100 = arith.constant 1 : i32
        %add3A_101 = arith.addi %add3A_99, %add3A_100 : i32
        %lt3A_102 = arith.cmpi slt, %add3A_101, %max3A_37 : i32
        %convert_element_type3A_103 = arith.extui %lt3A_102 : i1 to i32
        %cond3A_104 = arith.constant 0 : i32
        %cond3A_105 = arith.cmpi ne, %convert_element_type3A_103, %cond3A_104 : i32
        scf.if %cond3A_105 {
          %add3A_114 = arith.constant 1 : i32
          %add3A_115 = arith.addi %add3A_99, %add3A_114 : i32
          %dma_start3A_116 = arith.constant 0 : i32
          %dma_start3A_117 = tpu.memref_slice %arg6[%add3A_115, %dma_start3A_116] : memref<40x128xi32, #tpu.memory_space<vmem>> -> memref<1x128xi32, #tpu.memory_space<vmem>>
          %dma_start3A_118 = tpu.memref_squeeze %dma_start3A_117 : memref<1x128xi32, #tpu.memory_space<vmem>> -> memref<128xi32, #tpu.memory_space<vmem>>
          %dma_start3A_119 = arith.constant 0 : i32
          %dma_start3A_120 = arith.constant 0 : i32
          %dma_start3A_121 = tpu.memref_slice %arg2[%dma_start3A_119, %dma_start3A_120] : memref<10112x128xf32, #tpu.memory_space<hbm>> -> memref<10112x128xf32, #tpu.memory_space<hbm>>
          tpu.enqueue_indirect_dma source(%dma_start3A_121 : memref<10112x128xf32, #tpu.memory_space<hbm>>) target(%arg8 : memref<128x128xf32, #tpu.memory_space<vmem>>) offsets(%dma_start3A_118 : memref<128xi32, #tpu.memory_space<vmem>>) semaphore(%arg11 : memref<!tpu.dma_semaphore, #tpu.memory_space<semaphore_mem>>)
        } else {
        }
        %dma_wait3A_106 = arith.constant 0 : i32
        %dma_wait3A_107 = tpu.memref_slice %arg6[%add3A_99, %dma_wait3A_106] : memref<40x128xi32, #tpu.memory_space<vmem>> -> memref<1x128xi32, #tpu.memory_space<vmem>>
        %dma_wait3A_108 = tpu.memref_squeeze %dma_wait3A_107 : memref<1x128xi32, #tpu.memory_space<vmem>> -> memref<128xi32, #tpu.memory_space<vmem>>
        %dma_wait3A_109 = arith.constant 0 : i32
        %dma_wait3A_110 = arith.constant 0 : i32
        %dma_wait3A_111 = tpu.memref_slice %arg2[%dma_wait3A_109, %dma_wait3A_110] : memref<10112x128xf32, #tpu.memory_space<hbm>> -> memref<10112x128xf32, #tpu.memory_space<hbm>>
        tpu.wait_indirect_dma semaphore(%arg12 : memref<!tpu.dma_semaphore, #tpu.memory_space<semaphore_mem>>) src(%dma_wait3A_111 : memref<10112x128xf32, #tpu.memory_space<hbm>>) dst(%arg9 : memref<128x128xf32, #tpu.memory_space<vmem>>)
        %add3A_112 = arith.constant 40 : i32
        %add3A_113 = arith.addi %add3A_112, %add3A_99 : i32
        "tpu.region"() ({
          %run_scoped3A = tpu.sem_alloc : memref<!tpu.dma_semaphore, #tpu.memory_space<semaphore_mem>>
          %dma_start3A_114 = arith.constant 0 : i32
          %dma_start3A_115 = tpu.memref_slice %arg7[%add3A_113, %dma_start3A_114] : memref<72x128xi32, #tpu.memory_space<vmem>> -> memref<1x128xi32, #tpu.memory_space<vmem>>
          %dma_start3A_116 = tpu.memref_squeeze %dma_start3A_115 : memref<1x128xi32, #tpu.memory_space<vmem>> -> memref<128xi32, #tpu.memory_space<vmem>>
          %dma_start3A_117 = arith.constant 0 : i32
          %dma_start3A_118 = arith.constant 0 : i32
          %dma_start3A_119 = tpu.memref_slice %arg10[%dma_start3A_117, %dma_start3A_118] : memref<10112x128xf32, #tpu.memory_space<vmem_shared>> -> memref<10112x128xf32, #tpu.memory_space<vmem_shared>>
          tpu.enqueue_indirect_dma source(%arg9 : memref<128x128xf32, #tpu.memory_space<vmem>>) target(%dma_start3A_119 : memref<10112x128xf32, #tpu.memory_space<vmem_shared>>) offsets(%dma_start3A_116 : memref<128xi32, #tpu.memory_space<vmem>>) semaphore(%run_scoped3A : memref<!tpu.dma_semaphore, #tpu.memory_space<semaphore_mem>>) {add = true}
          %dma_wait3A_120 = arith.constant 0 : i32
          %dma_wait3A_121 = tpu.memref_slice %arg7[%add3A_113, %dma_wait3A_120] : memref<72x128xi32, #tpu.memory_space<vmem>> -> memref<1x128xi32, #tpu.memory_space<vmem>>
          %dma_wait3A_122 = tpu.memref_squeeze %dma_wait3A_121 : memref<1x128xi32, #tpu.memory_space<vmem>> -> memref<128xi32, #tpu.memory_space<vmem>>
          %dma_wait3A_123 = arith.constant 0 : i32
          %dma_wait3A_124 = arith.constant 0 : i32
          %dma_wait3A_125 = tpu.memref_slice %arg10[%dma_wait3A_123, %dma_wait3A_124] : memref<10112x128xf32, #tpu.memory_space<vmem_shared>> -> memref<10112x128xf32, #tpu.memory_space<vmem_shared>>
          tpu.wait_indirect_dma semaphore(%run_scoped3A : memref<!tpu.dma_semaphore, #tpu.memory_space<semaphore_mem>>) src(%arg9 : memref<128x128xf32, #tpu.memory_space<vmem>>) dst(%dma_wait3A_125 : memref<10112x128xf32, #tpu.memory_space<vmem_shared>>)
          tpu.yield
        }) : () -> ()
      }
      %while3A_78 = arith.constant 1 : i32
      scf.for %while3A_79 = %while3A_76 to %while3A_72 step %while3A_78  : i32 {
        %mul3A_80 = arith.constant 2 : i32
        %mul3A_81 = arith.muli %mul3A_80, %while3A_79 : i32
        %add3A_82 = arith.constant 0 : i32
        %add3A_83 = arith.addi %mul3A_81, %add3A_82 : i32
        %add3A_84 = arith.constant 1 : i32
        %add3A_85 = arith.addi %add3A_83, %add3A_84 : i32
        %lt3A = arith.cmpi slt, %add3A_85, %max3A_37 : i32
        %convert_element_type3A_86 = arith.extui %lt3A : i1 to i32
        %cond3A_87 = arith.constant 0 : i32
        %cond3A_88 = arith.cmpi ne, %convert_element_type3A_86, %cond3A_87 : i32
        scf.if %cond3A_88 {
          %add3A_114 = arith.constant 1 : i32
          %add3A_115 = arith.addi %add3A_83, %add3A_114 : i32
          %dma_start3A_116 = arith.constant 0 : i32
          %dma_start3A_117 = tpu.memref_slice %arg6[%add3A_115, %dma_start3A_116] : memref<40x128xi32, #tpu.memory_space<vmem>> -> memref<1x128xi32, #tpu.memory_space<vmem>>
          %dma_start3A_118 = tpu.memref_squeeze %dma_start3A_117 : memref<1x128xi32, #tpu.memory_space<vmem>> -> memref<128xi32, #tpu.memory_space<vmem>>
          %dma_start3A_119 = arith.constant 0 : i32
          %dma_start3A_120 = arith.constant 0 : i32
          %dma_start3A_121 = tpu.memref_slice %arg2[%dma_start3A_119, %dma_start3A_120] : memref<10112x128xf32, #tpu.memory_space<hbm>> -> memref<10112x128xf32, #tpu.memory_space<hbm>>
          tpu.enqueue_indirect_dma source(%dma_start3A_121 : memref<10112x128xf32, #tpu.memory_space<hbm>>) target(%arg9 : memref<128x128xf32, #tpu.memory_space<vmem>>) offsets(%dma_start3A_118 : memref<128xi32, #tpu.memory_space<vmem>>) semaphore(%arg12 : memref<!tpu.dma_semaphore, #tpu.memory_space<semaphore_mem>>)
        } else {
        }
        %dma_wait3A = arith.constant 0 : i32
        %dma_wait3A_89 = tpu.memref_slice %arg6[%add3A_83, %dma_wait3A] : memref<40x128xi32, #tpu.memory_space<vmem>> -> memref<1x128xi32, #tpu.memory_space<vmem>>
        %dma_wait3A_90 = tpu.memref_squeeze %dma_wait3A_89 : memref<1x128xi32, #tpu.memory_space<vmem>> -> memref<128xi32, #tpu.memory_space<vmem>>
        %dma_wait3A_91 = arith.constant 0 : i32
        %dma_wait3A_92 = arith.constant 0 : i32
        %dma_wait3A_93 = tpu.memref_slice %arg2[%dma_wait3A_91, %dma_wait3A_92] : memref<10112x128xf32, #tpu.memory_space<hbm>> -> memref<10112x128xf32, #tpu.memory_space<hbm>>
        tpu.wait_indirect_dma semaphore(%arg11 : memref<!tpu.dma_semaphore, #tpu.memory_space<semaphore_mem>>) src(%dma_wait3A_93 : memref<10112x128xf32, #tpu.memory_space<hbm>>) dst(%arg8 : memref<128x128xf32, #tpu.memory_space<vmem>>)
        %add3A_94 = arith.constant 40 : i32
        %add3A_95 = arith.addi %add3A_94, %add3A_83 : i32
        "tpu.region"() ({
          %run_scoped3A = tpu.sem_alloc : memref<!tpu.dma_semaphore, #tpu.memory_space<semaphore_mem>>
          %dma_start3A_114 = arith.constant 0 : i32
          %dma_start3A_115 = tpu.memref_slice %arg7[%add3A_95, %dma_start3A_114] : memref<72x128xi32, #tpu.memory_space<vmem>> -> memref<1x128xi32, #tpu.memory_space<vmem>>
          %dma_start3A_116 = tpu.memref_squeeze %dma_start3A_115 : memref<1x128xi32, #tpu.memory_space<vmem>> -> memref<128xi32, #tpu.memory_space<vmem>>
          %dma_start3A_117 = arith.constant 0 : i32
          %dma_start3A_118 = arith.constant 0 : i32
          %dma_start3A_119 = tpu.memref_slice %arg10[%dma_start3A_117, %dma_start3A_118] : memref<10112x128xf32, #tpu.memory_space<vmem_shared>> -> memref<10112x128xf32, #tpu.memory_space<vmem_shared>>
          tpu.enqueue_indirect_dma source(%arg8 : memref<128x128xf32, #tpu.memory_space<vmem>>) target(%dma_start3A_119 : memref<10112x128xf32, #tpu.memory_space<vmem_shared>>) offsets(%dma_start3A_116 : memref<128xi32, #tpu.memory_space<vmem>>) semaphore(%run_scoped3A : memref<!tpu.dma_semaphore, #tpu.memory_space<semaphore_mem>>) {add = true}
          %dma_wait3A_120 = arith.constant 0 : i32
          %dma_wait3A_121 = tpu.memref_slice %arg7[%add3A_95, %dma_wait3A_120] : memref<72x128xi32, #tpu.memory_space<vmem>> -> memref<1x128xi32, #tpu.memory_space<vmem>>
          %dma_wait3A_122 = tpu.memref_squeeze %dma_wait3A_121 : memref<1x128xi32, #tpu.memory_space<vmem>> -> memref<128xi32, #tpu.memory_space<vmem>>
          %dma_wait3A_123 = arith.constant 0 : i32
          %dma_wait3A_124 = arith.constant 0 : i32
          %dma_wait3A_125 = tpu.memref_slice %arg10[%dma_wait3A_123, %dma_wait3A_124] : memref<10112x128xf32, #tpu.memory_space<vmem_shared>> -> memref<10112x128xf32, #tpu.memory_space<vmem_shared>>
          tpu.wait_indirect_dma semaphore(%run_scoped3A : memref<!tpu.dma_semaphore, #tpu.memory_space<semaphore_mem>>) src(%arg8 : memref<128x128xf32, #tpu.memory_space<vmem>>) dst(%dma_wait3A_125 : memref<10112x128xf32, #tpu.memory_space<vmem_shared>>)
          tpu.yield
        }) : () -> ()
        %mul3A_96 = arith.constant 2 : i32
        %mul3A_97 = arith.muli %mul3A_96, %while3A_79 : i32
        %add3A_98 = arith.constant 1 : i32
        %add3A_99 = arith.addi %mul3A_97, %add3A_98 : i32
        %add3A_100 = arith.constant 1 : i32
        %add3A_101 = arith.addi %add3A_99, %add3A_100 : i32
        %lt3A_102 = arith.cmpi slt, %add3A_101, %max3A_37 : i32
        %convert_element_type3A_103 = arith.extui %lt3A_102 : i1 to i32
        %cond3A_104 = arith.constant 0 : i32
        %cond3A_105 = arith.cmpi ne, %convert_element_type3A_103, %cond3A_104 : i32
        scf.if %cond3A_105 {
          %add3A_114 = arith.constant 1 : i32
          %add3A_115 = arith.addi %add3A_99, %add3A_114 : i32
          %dma_start3A_116 = arith.constant 0 : i32
          %dma_start3A_117 = tpu.memref_slice %arg6[%add3A_115, %dma_start3A_116] : memref<40x128xi32, #tpu.memory_space<vmem>> -> memref<1x128xi32, #tpu.memory_space<vmem>>
          %dma_start3A_118 = tpu.memref_squeeze %dma_start3A_117 : memref<1x128xi32, #tpu.memory_space<vmem>> -> memref<128xi32, #tpu.memory_space<vmem>>
          %dma_start3A_119 = arith.constant 0 : i32
          %dma_start3A_120 = arith.constant 0 : i32
          %dma_start3A_121 = tpu.memref_slice %arg2[%dma_start3A_119, %dma_start3A_120] : memref<10112x128xf32, #tpu.memory_space<hbm>> -> memref<10112x128xf32, #tpu.memory_space<hbm>>
          tpu.enqueue_indirect_dma source(%dma_start3A_121 : memref<10112x128xf32, #tpu.memory_space<hbm>>) target(%arg8 : memref<128x128xf32, #tpu.memory_space<vmem>>) offsets(%dma_start3A_118 : memref<128xi32, #tpu.memory_space<vmem>>) semaphore(%arg11 : memref<!tpu.dma_semaphore, #tpu.memory_space<semaphore_mem>>)
        } else {
        }
        %dma_wait3A_106 = arith.constant 0 : i32
        %dma_wait3A_107 = tpu.memref_slice %arg6[%add3A_99, %dma_wait3A_106] : memref<40x128xi32, #tpu.memory_space<vmem>> -> memref<1x128xi32, #tpu.memory_space<vmem>>
        %dma_wait3A_108 = tpu.memref_squeeze %dma_wait3A_107 : memref<1x128xi32, #tpu.memory_space<vmem>> -> memref<128xi32, #tpu.memory_space<vmem>>
        %dma_wait3A_109 = arith.constant 0 : i32
        %dma_wait3A_110 = arith.constant 0 : i32
        %dma_wait3A_111 = tpu.memref_slice %arg2[%dma_wait3A_109, %dma_wait3A_110] : memref<10112x128xf32, #tpu.memory_space<hbm>> -> memref<10112x128xf32, #tpu.memory_space<hbm>>
        tpu.wait_indirect_dma semaphore(%arg12 : memref<!tpu.dma_semaphore, #tpu.memory_space<semaphore_mem>>) src(%dma_wait3A_111 : memref<10112x128xf32, #tpu.memory_space<hbm>>) dst(%arg9 : memref<128x128xf32, #tpu.memory_space<vmem>>)
        %add3A_112 = arith.constant 40 : i32
        %add3A_113 = arith.addi %add3A_112, %add3A_99 : i32
        "tpu.region"() ({
          %run_scoped3A = tpu.sem_alloc : memref<!tpu.dma_semaphore, #tpu.memory_space<semaphore_mem>>
          %dma_start3A_114 = arith.constant 0 : i32
          %dma_start3A_115 = tpu.memref_slice %arg7[%add3A_113, %dma_start3A_114] : memref<72x128xi32, #tpu.memory_space<vmem>> -> memref<1x128xi32, #tpu.memory_space<vmem>>
          %dma_start3A_116 = tpu.memref_squeeze %dma_start3A_115 : memref<1x128xi32, #tpu.memory_space<vmem>> -> memref<128xi32, #tpu.memory_space<vmem>>
          %dma_start3A_117 = arith.constant 0 : i32
          %dma_start3A_118 = arith.constant 0 : i32
          %dma_start3A_119 = tpu.memref_slice %arg10[%dma_start3A_117, %dma_start3A_118] : memref<10112x128xf32, #tpu.memory_space<vmem_shared>> -> memref<10112x128xf32, #tpu.memory_space<vmem_shared>>
          tpu.enqueue_indirect_dma source(%arg9 : memref<128x128xf32, #tpu.memory_space<vmem>>) target(%dma_start3A_119 : memref<10112x128xf32, #tpu.memory_space<vmem_shared>>) offsets(%dma_start3A_116 : memref<128xi32, #tpu.memory_space<vmem>>) semaphore(%run_scoped3A : memref<!tpu.dma_semaphore, #tpu.memory_space<semaphore_mem>>) {add = true}
          %dma_wait3A_120 = arith.constant 0 : i32
          %dma_wait3A_121 = tpu.memref_slice %arg7[%add3A_113, %dma_wait3A_120] : memref<72x128xi32, #tpu.memory_space<vmem>> -> memref<1x128xi32, #tpu.memory_space<vmem>>
          %dma_wait3A_122 = tpu.memref_squeeze %dma_wait3A_121 : memref<1x128xi32, #tpu.memory_space<vmem>> -> memref<128xi32, #tpu.memory_space<vmem>>
          %dma_wait3A_123 = arith.constant 0 : i32
          %dma_wait3A_124 = arith.constant 0 : i32
          %dma_wait3A_125 = tpu.memref_slice %arg10[%dma_wait3A_123, %dma_wait3A_124] : memref<10112x128xf32, #tpu.memory_space<vmem_shared>> -> memref<10112x128xf32, #tpu.memory_space<vmem_shared>>
          tpu.wait_indirect_dma semaphore(%run_scoped3A : memref<!tpu.dma_semaphore, #tpu.memory_space<semaphore_mem>>) src(%arg9 : memref<128x128xf32, #tpu.memory_space<vmem>>) dst(%dma_wait3A_125 : memref<10112x128xf32, #tpu.memory_space<vmem_shared>>)
          tpu.yield
        }) : () -> ()
      }
    } else {
    }
    %barrier3A_43 = arith.constant 0 : index
    tpu.barrier barrier_id(%barrier3A_43)
    "tpu.region"() ({
      %run_scoped3A = tpu.sem_alloc : memref<!tpu.dma_semaphore, #tpu.memory_space<semaphore_mem>>
      %dma_start3A = arith.constant 0 : i32
      %dma_start3A_44 = tpu.memref_slice %arg5[%arg0, %mul3A_3, %dma_start3A] : memref<2x10112x128xf32, #tpu.memory_space<hbm>> -> memref<1x632x128xf32, #tpu.memory_space<hbm>>
      %dma_start3A_45 = tpu.memref_squeeze %dma_start3A_44 : memref<1x632x128xf32, #tpu.memory_space<hbm>> -> memref<632x128xf32, #tpu.memory_space<hbm>>
      %dma_start3A_46 = arith.constant 0 : i32
      %dma_start3A_47 = tpu.memref_slice %arg10[%mul3A_3, %dma_start3A_46] : memref<10112x128xf32, #tpu.memory_space<vmem_shared>> -> memref<632x128xf32, #tpu.memory_space<vmem_shared>>
      tpu.enqueue_dma source(%dma_start3A_47 : memref<632x128xf32, #tpu.memory_space<vmem_shared>>) target(%dma_start3A_45 : memref<632x128xf32, #tpu.memory_space<hbm>>) target_semaphore(%run_scoped3A : memref<!tpu.dma_semaphore, #tpu.memory_space<semaphore_mem>>)
      %dma_wait3A = arith.constant 0 : i32
      %dma_wait3A_48 = tpu.memref_slice %arg5[%arg0, %mul3A_3, %dma_wait3A] : memref<2x10112x128xf32, #tpu.memory_space<hbm>> -> memref<1x632x128xf32, #tpu.memory_space<hbm>>
      %dma_wait3A_49 = tpu.memref_squeeze %dma_wait3A_48 : memref<1x632x128xf32, #tpu.memory_space<hbm>> -> memref<632x128xf32, #tpu.memory_space<hbm>>
      %dma_wait3A_50 = arith.constant 0 : i32
      %dma_wait3A_51 = tpu.memref_slice %arg10[%mul3A_3, %dma_wait3A_50] : memref<10112x128xf32, #tpu.memory_space<vmem_shared>> -> memref<632x128xf32, #tpu.memory_space<vmem_shared>>
      tpu.wait_dma2 semaphore(%run_scoped3A : memref<!tpu.dma_semaphore, #tpu.memory_space<semaphore_mem>>) src(%dma_wait3A_51 : memref<632x128xf32, #tpu.memory_space<vmem_shared>>) dst(%dma_wait3A_49 : memref<632x128xf32, #tpu.memory_space<hbm>>)
      tpu.yield
    }) : () -> ()
    return
  }
}

#map = affine_map<(d0, d1) -> (0, 0)>
#map1 = affine_map<(d0, d1) -> (0, 0, 0)>
module attributes {stable_mosaic.version = 14 : i64} {
  func.func @sc_scatter(%arg0: i32, %arg1: i32, %arg2: memref<10112x128xf32, #tpu.memory_space<hbm>>, %arg3: memref<1344x128xi32, #tpu.memory_space<hbm>>, %arg4: memref<1344x128xi32, #tpu.memory_space<hbm>>, %arg5: memref<2x10112x128xf32, #tpu.memory_space<hbm>>, %arg6: memref<40x128xi32, #tpu.memory_space<vmem>>, %arg7: memref<72x128xi32, #tpu.memory_space<vmem>>, %arg8: memref<128x128xf32, #tpu.memory_space<vmem>>, %arg9: memref<128x128xf32, #tpu.memory_space<vmem>>, %arg10: memref<10112x128xf32, #tpu.memory_space<vmem_shared>>, %arg11: memref<!tpu.dma_semaphore, #tpu.memory_space<semaphore_mem>>, %arg12: memref<!tpu.dma_semaphore, #tpu.memory_space<semaphore_mem>>) attributes {dimension_semantics = [#tpu.dimension_semantics<core_parallel>, #tpu.dimension_semantics<subcore_parallel>], iteration_bounds = array<i64: 2, 16>, scalar_prefetch = 0 : i64, scratch_operands = 7 : i64, tpu.core_type = #tpu.core_type<sc_vector_subcore>, window_params = [{transform_indices = #map}, {transform_indices = #map}, {transform_indices = #map}, {transform_indices = #map1}]} {
    %eq3A = arith.constant 0 : i32
    %eq3A_0 = arith.cmpi eq, %arg0, %eq3A : i32
    %select_n3A = arith.constant 8 : i32
    %select_n3A_1 = arith.constant 72 : i32
    %select_n3A_2 = arith.select %eq3A_0, %select_n3A_1, %select_n3A : i32
    %mul3A = arith.constant 632 : i32
    %mul3A_3 = arith.muli %arg1, %mul3A : i32
    %scan3A = arith.constant 0 : i32
    %scan3A_4 = arith.constant 0 : i32
    %scan3A_5 = arith.constant 1024 : i32
    %scan3A_6 = arith.addi %scan3A_4, %scan3A_5 : i32
    %scan3A_7 = arith.constant 1 : i32
    scf.for %scan3A_44 = %scan3A_4 to %scan3A_6 step %scan3A_7  : i32 {
      %jit3A = arith.constant 8 : i32
      %div3A = arith.divsi %scan3A_44, %jit3A : i32
      %sign3A = arith.constant 0 : i32
      %sign3A_45 = arith.cmpi sgt, %scan3A_44, %sign3A : i32
      %sign3A_46 = arith.extui %sign3A_45 : i1 to i32
      %sign3A_47 = arith.constant 0 : i32
      %sign3A_48 = arith.cmpi slt, %scan3A_44, %sign3A_47 : i32
      %sign3A_49 = arith.extui %sign3A_48 : i1 to i32
      %sign3A_50 = arith.subi %sign3A_46, %sign3A_49 : i32
      %sign3A_51 = arith.constant 0 : i32
      %sign3A_52 = arith.cmpi sgt, %jit3A, %sign3A_51 : i32
      %sign3A_53 = arith.extui %sign3A_52 : i1 to i32
      %sign3A_54 = arith.constant 0 : i32
      %sign3A_55 = arith.cmpi slt, %jit3A, %sign3A_54 : i32
      %sign3A_56 = arith.extui %sign3A_55 : i1 to i32
      %sign3A_57 = arith.subi %sign3A_53, %sign3A_56 : i32
      %ne3A = arith.cmpi ne, %sign3A_50, %sign3A_57 : i32
      %rem3A = arith.remsi %scan3A_44, %jit3A : i32
      %ne3A_58 = arith.constant 0 : i32
      %ne3A_59 = arith.cmpi ne, %rem3A, %ne3A_58 : i32
      %and3A = arith.andi %ne3A, %ne3A_59 : i1
      %sub3A_60 = arith.constant 1 : i32
      %sub3A_61 = arith.subi %div3A, %sub3A_60 : i32
      %select_n3A_62 = arith.select %and3A, %sub3A_61, %div3A : i32
      %jit3A_63 = arith.constant 8 : i32
      %eq3A_64 = arith.constant 0 : i32
      %eq3A_65 = arith.cmpi eq, %jit3A_63, %eq3A_64 : i32
      %jit3A_66 = arith.constant 1 : i32
      %select_n3A_67 = arith.select %eq3A_65, %jit3A_66, %jit3A_63 : i32
      %rem3A_68 = arith.remsi %scan3A_44, %select_n3A_67 : i32
      %ne3A_69 = arith.constant 0 : i32
      %ne3A_70 = arith.cmpi ne, %rem3A_68, %ne3A_69 : i32
      %lt3A = arith.constant 0 : i32
      %lt3A_71 = arith.cmpi slt, %rem3A_68, %lt3A : i32
      %lt3A_72 = arith.constant 0 : i32
      %lt3A_73 = arith.cmpi slt, %select_n3A_67, %lt3A_72 : i32
      %ne3A_74 = arith.xori %lt3A_71, %lt3A_73 : i1
      %and3A_75 = arith.andi %ne3A_74, %ne3A_70 : i1
      %add3A_76 = arith.addi %rem3A_68, %select_n3A_67 : i32
      %select_n3A_77 = arith.select %and3A_75, %add3A_76, %rem3A_68 : i32
      %mul3A_78 = arith.constant 16 : i32
      %mul3A_79 = arith.muli %select_n3A_77, %mul3A_78 : i32
      %broadcast_in_dim3A = arith.constant 0.000000e+00 : f32
      %broadcast_in_dim3A_80 = vector.broadcast %broadcast_in_dim3A : f32 to vector<16xf32>
      %swap3A = arith.index_cast %select_n3A_62 : i32 to index
      %swap3A_81 = arith.index_cast %mul3A_79 : i32 to index
      %swap3A_82 = tpu.vector_load %arg9[%swap3A, %swap3A_81] {strides = array<i32>} : memref<128x128xf32, #tpu.memory_space<vmem>>, vector<1x16xf32>,
      %swap3A_83 = vector.shape_cast %swap3A_82 : vector<1x16xf32> to vector<16xf32>
      %swap3A_84 = vector.shape_cast %broadcast_in_dim3A_80 : vector<16xf32> to vector<1x16xf32>
      tpu.vector_store %arg9[%swap3A, %swap3A_81], %swap3A_84 {strides = array<i32>} : memref<128x128xf32, #tpu.memory_space<vmem>>, vector<1x16xf32>,
    }
    %scan3A_8 = arith.constant 1024 : i32
    %add3A = arith.constant 0 : i32
    %add3A_9 = arith.addi %mul3A_3, %add3A : i32
    "tpu.region"() ({
      %run_scoped3A = tpu.sem_alloc : memref<!tpu.dma_semaphore, #tpu.memory_space<semaphore_mem>>
      %dma_start3A = arith.constant 0 : i32
      %dma_start3A_44 = tpu.memref_slice %arg10[%add3A_9, %dma_start3A] : memref<10112x128xf32, #tpu.memory_space<vmem_shared>> -> memref<128x128xf32, #tpu.memory_space<vmem_shared>>
      %dma_start3A_45 = arith.constant 0 : i32
      %dma_start3A_46 = tpu.memref_slice %arg10[%add3A_9, %dma_start3A_45] : memref<10112x128xf32, #tpu.memory_space<vmem_shared>> -> memref<128x128xf32, #tpu.memory_space<vmem_shared>>
      tpu.enqueue_dma source(%arg9 : memref<128x128xf32, #tpu.memory_space<vmem>>) target(%dma_start3A_46 : memref<128x128xf32, #tpu.memory_space<vmem_shared>>) target_semaphore(%run_scoped3A : memref<!tpu.dma_semaphore, #tpu.memory_space<semaphore_mem>>)
      %dma_wait3A = arith.constant 0 : i32
      %dma_wait3A_47 = tpu.memref_slice %arg10[%add3A_9, %dma_wait3A] : memref<10112x128xf32, #tpu.memory_space<vmem_shared>> -> memref<128x128xf32, #tpu.memory_space<vmem_shared>>
      %dma_wait3A_48 = arith.constant 0 : i32
      %dma_wait3A_49 = tpu.memref_slice %arg10[%add3A_9, %dma_wait3A_48] : memref<10112x128xf32, #tpu.memory_space<vmem_shared>> -> memref<128x128xf32, #tpu.memory_space<vmem_shared>>
      tpu.wait_dma2 semaphore(%run_scoped3A : memref<!tpu.dma_semaphore, #tpu.memory_space<semaphore_mem>>) src(%arg9 : memref<128x128xf32, #tpu.memory_space<vmem>>) dst(%dma_wait3A_49 : memref<128x128xf32, #tpu.memory_space<vmem_shared>>)
      tpu.yield
    }) : () -> ()
    %add3A_10 = arith.constant 128 : i32
    %add3A_11 = arith.addi %mul3A_3, %add3A_10 : i32
    "tpu.region"() ({
      %run_scoped3A = tpu.sem_alloc : memref<!tpu.dma_semaphore, #tpu.memory_space<semaphore_mem>>
      %dma_start3A = arith.constant 0 : i32
      %dma_start3A_44 = tpu.memref_slice %arg10[%add3A_11, %dma_start3A] : memref<10112x128xf32, #tpu.memory_space<vmem_shared>> -> memref<128x128xf32, #tpu.memory_space<vmem_shared>>
      %dma_start3A_45 = arith.constant 0 : i32
      %dma_start3A_46 = tpu.memref_slice %arg10[%add3A_11, %dma_start3A_45] : memref<10112x128xf32, #tpu.memory_space<vmem_shared>> -> memref<128x128xf32, #tpu.memory_space<vmem_shared>>
      tpu.enqueue_dma source(%arg9 : memref<128x128xf32, #tpu.memory_space<vmem>>) target(%dma_start3A_46 : memref<128x128xf32, #tpu.memory_space<vmem_shared>>) target_semaphore(%run_scoped3A : memref<!tpu.dma_semaphore, #tpu.memory_space<semaphore_mem>>)
      %dma_wait3A = arith.constant 0 : i32
      %dma_wait3A_47 = tpu.memref_slice %arg10[%add3A_11, %dma_wait3A] : memref<10112x128xf32, #tpu.memory_space<vmem_shared>> -> memref<128x128xf32, #tpu.memory_space<vmem_shared>>
      %dma_wait3A_48 = arith.constant 0 : i32
      %dma_wait3A_49 = tpu.memref_slice %arg10[%add3A_11, %dma_wait3A_48] : memref<10112x128xf32, #tpu.memory_space<vmem_shared>> -> memref<128x128xf32, #tpu.memory_space<vmem_shared>>
      tpu.wait_dma2 semaphore(%run_scoped3A : memref<!tpu.dma_semaphore, #tpu.memory_space<semaphore_mem>>) src(%arg9 : memref<128x128xf32, #tpu.memory_space<vmem>>) dst(%dma_wait3A_49 : memref<128x128xf32, #tpu.memory_space<vmem_shared>>)
      tpu.yield
    }) : () -> ()
    %add3A_12 = arith.constant 256 : i32
    %add3A_13 = arith.addi %mul3A_3, %add3A_12 : i32
    "tpu.region"() ({
      %run_scoped3A = tpu.sem_alloc : memref<!tpu.dma_semaphore, #tpu.memory_space<semaphore_mem>>
      %dma_start3A = arith.constant 0 : i32
      %dma_start3A_44 = tpu.memref_slice %arg10[%add3A_13, %dma_start3A] : memref<10112x128xf32, #tpu.memory_space<vmem_shared>> -> memref<128x128xf32, #tpu.memory_space<vmem_shared>>
      %dma_start3A_45 = arith.constant 0 : i32
      %dma_start3A_46 = tpu.memref_slice %arg10[%add3A_13, %dma_start3A_45] : memref<10112x128xf32, #tpu.memory_space<vmem_shared>> -> memref<128x128xf32, #tpu.memory_space<vmem_shared>>
      tpu.enqueue_dma source(%arg9 : memref<128x128xf32, #tpu.memory_space<vmem>>) target(%dma_start3A_46 : memref<128x128xf32, #tpu.memory_space<vmem_shared>>) target_semaphore(%run_scoped3A : memref<!tpu.dma_semaphore, #tpu.memory_space<semaphore_mem>>)
      %dma_wait3A = arith.constant 0 : i32
      %dma_wait3A_47 = tpu.memref_slice %arg10[%add3A_13, %dma_wait3A] : memref<10112x128xf32, #tpu.memory_space<vmem_shared>> -> memref<128x128xf32, #tpu.memory_space<vmem_shared>>
      %dma_wait3A_48 = arith.constant 0 : i32
      %dma_wait3A_49 = tpu.memref_slice %arg10[%add3A_13, %dma_wait3A_48] : memref<10112x128xf32, #tpu.memory_space<vmem_shared>> -> memref<128x128xf32, #tpu.memory_space<vmem_shared>>
      tpu.wait_dma2 semaphore(%run_scoped3A : memref<!tpu.dma_semaphore, #tpu.memory_space<semaphore_mem>>) src(%arg9 : memref<128x128xf32, #tpu.memory_space<vmem>>) dst(%dma_wait3A_49 : memref<128x128xf32, #tpu.memory_space<vmem_shared>>)
      tpu.yield
    }) : () -> ()
    %add3A_14 = arith.constant 384 : i32
    %add3A_15 = arith.addi %mul3A_3, %add3A_14 : i32
    "tpu.region"() ({
      %run_scoped3A = tpu.sem_alloc : memref<!tpu.dma_semaphore, #tpu.memory_space<semaphore_mem>>
      %dma_start3A = arith.constant 0 : i32
      %dma_start3A_44 = tpu.memref_slice %arg10[%add3A_15, %dma_start3A] : memref<10112x128xf32, #tpu.memory_space<vmem_shared>> -> memref<128x128xf32, #tpu.memory_space<vmem_shared>>
      %dma_start3A_45 = arith.constant 0 : i32
      %dma_start3A_46 = tpu.memref_slice %arg10[%add3A_15, %dma_start3A_45] : memref<10112x128xf32, #tpu.memory_space<vmem_shared>> -> memref<128x128xf32, #tpu.memory_space<vmem_shared>>
      tpu.enqueue_dma source(%arg9 : memref<128x128xf32, #tpu.memory_space<vmem>>) target(%dma_start3A_46 : memref<128x128xf32, #tpu.memory_space<vmem_shared>>) target_semaphore(%run_scoped3A : memref<!tpu.dma_semaphore, #tpu.memory_space<semaphore_mem>>)
      %dma_wait3A = arith.constant 0 : i32
      %dma_wait3A_47 = tpu.memref_slice %arg10[%add3A_15, %dma_wait3A] : memref<10112x128xf32, #tpu.memory_space<vmem_shared>> -> memref<128x128xf32, #tpu.memory_space<vmem_shared>>
      %dma_wait3A_48 = arith.constant 0 : i32
      %dma_wait3A_49 = tpu.memref_slice %arg10[%add3A_15, %dma_wait3A_48] : memref<10112x128xf32, #tpu.memory_space<vmem_shared>> -> memref<128x128xf32, #tpu.memory_space<vmem_shared>>
      tpu.wait_dma2 semaphore(%run_scoped3A : memref<!tpu.dma_semaphore, #tpu.memory_space<semaphore_mem>>) src(%arg9 : memref<128x128xf32, #tpu.memory_space<vmem>>) dst(%dma_wait3A_49 : memref<128x128xf32, #tpu.memory_space<vmem_shared>>)
      tpu.yield
    }) : () -> ()
    %add3A_16 = arith.constant 512 : i32
    %add3A_17 = arith.addi %mul3A_3, %add3A_16 : i32
    "tpu.region"() ({
      %run_scoped3A = tpu.sem_alloc : memref<!tpu.dma_semaphore, #tpu.memory_space<semaphore_mem>>
      %dma_start3A = arith.constant 0 : i32
      %dma_start3A_44 = arith.constant 0 : i32
      %dma_start3A_45 = tpu.memref_slice %arg9[%dma_start3A, %dma_start3A_44] : memref<128x128xf32, #tpu.memory_space<vmem>> -> memref<120x128xf32, #tpu.memory_space<vmem>>
      %dma_start3A_46 = arith.constant 0 : i32
      %dma_start3A_47 = tpu.memref_slice %arg10[%add3A_17, %dma_start3A_46] : memref<10112x128xf32, #tpu.memory_space<vmem_shared>> -> memref<120x128xf32, #tpu.memory_space<vmem_shared>>
      %dma_start3A_48 = arith.constant 0 : i32
      %dma_start3A_49 = tpu.memref_slice %arg10[%add3A_17, %dma_start3A_48] : memref<10112x128xf32, #tpu.memory_space<vmem_shared>> -> memref<120x128xf32, #tpu.memory_space<vmem_shared>>
      %dma_start3A_50 = arith.constant 0 : i32
      %dma_start3A_51 = arith.constant 0 : i32
      %dma_start3A_52 = tpu.memref_slice %arg9[%dma_start3A_50, %dma_start3A_51] : memref<128x128xf32, #tpu.memory_space<vmem>> -> memref<120x128xf32, #tpu.memory_space<vmem>>
      tpu.enqueue_dma source(%dma_start3A_52 : memref<120x128xf32, #tpu.memory_space<vmem>>) target(%dma_start3A_49 : memref<120x128xf32, #tpu.memory_space<vmem_shared>>) target_semaphore(%run_scoped3A : memref<!tpu.dma_semaphore, #tpu.memory_space<semaphore_mem>>)
      %dma_wait3A = arith.constant 0 : i32
      %dma_wait3A_53 = arith.constant 0 : i32
      %dma_wait3A_54 = tpu.memref_slice %arg9[%dma_wait3A, %dma_wait3A_53] : memref<128x128xf32, #tpu.memory_space<vmem>> -> memref<120x128xf32, #tpu.memory_space<vmem>>
      %dma_wait3A_55 = arith.constant 0 : i32
      %dma_wait3A_56 = tpu.memref_slice %arg10[%add3A_17, %dma_wait3A_55] : memref<10112x128xf32, #tpu.memory_space<vmem_shared>> -> memref<120x128xf32, #tpu.memory_space<vmem_shared>>
      %dma_wait3A_57 = arith.constant 0 : i32
      %dma_wait3A_58 = tpu.memref_slice %arg10[%add3A_17, %dma_wait3A_57] : memref<10112x128xf32, #tpu.memory_space<vmem_shared>> -> memref<120x128xf32, #tpu.memory_space<vmem_shared>>
      %dma_wait3A_59 = arith.constant 0 : i32
      %dma_wait3A_60 = arith.constant 0 : i32
      %dma_wait3A_61 = tpu.memref_slice %arg9[%dma_wait3A_59, %dma_wait3A_60] : memref<128x128xf32, #tpu.memory_space<vmem>> -> memref<120x128xf32, #tpu.memory_space<vmem>>
      tpu.wait_dma2 semaphore(%run_scoped3A : memref<!tpu.dma_semaphore, #tpu.memory_space<semaphore_mem>>) src(%dma_wait3A_61 : memref<120x128xf32, #tpu.memory_space<vmem>>) dst(%dma_wait3A_58 : memref<120x128xf32, #tpu.memory_space<vmem_shared>>)
      tpu.yield
    }) : () -> ()
    %eq3A_18 = arith.constant 0 : i32
    %eq3A_19 = arith.cmpi eq, %arg0, %eq3A_18 : i32
    %mul3A_20 = arith.constant 72 : i32
    %mul3A_21 = arith.muli %arg1, %mul3A_20 : i32
    %mul3A_22 = arith.constant 8 : i32
    %mul3A_23 = arith.muli %arg1, %mul3A_22 : i32
    %add3A_24 = arith.constant 1152 : i32
    %add3A_25 = arith.addi %add3A_24, %mul3A_23 : i32
    %select_n3A_26 = arith.select %eq3A_19, %mul3A_21, %add3A_25 : i32
    "tpu.region"() ({
      %run_scoped3A = tpu.sem_alloc : memref<!tpu.dma_semaphore, #tpu.memory_space<semaphore_mem>>
      %dma_start3A = arith.constant 0 : i32
      %dma_start3A_44 = tpu.memref_slice %arg4[%select_n3A_26, %dma_start3A] : memref<1344x128xi32, #tpu.memory_space<hbm>> -> memref<72x128xi32, #tpu.memory_space<hbm>>
      %dma_start3A_45 = arith.constant 0 : i32
      %dma_start3A_46 = tpu.memref_slice %arg4[%select_n3A_26, %dma_start3A_45] : memref<1344x128xi32, #tpu.memory_space<hbm>> -> memref<72x128xi32, #tpu.memory_space<hbm>>
      tpu.enqueue_dma source(%dma_start3A_46 : memref<72x128xi32, #tpu.memory_space<hbm>>) target(%arg7 : memref<72x128xi32, #tpu.memory_space<vmem>>) target_semaphore(%run_scoped3A : memref<!tpu.dma_semaphore, #tpu.memory_space<semaphore_mem>>)
      %dma_wait3A = arith.constant 0 : i32
      %dma_wait3A_47 = tpu.memref_slice %arg4[%select_n3A_26, %dma_wait3A] : memref<1344x128xi32, #tpu.memory_space<hbm>> -> memref<72x128xi32, #tpu.memory_space<hbm>>
      %dma_wait3A_48 = arith.constant 0 : i32
      %dma_wait3A_49 = tpu.memref_slice %arg4[%select_n3A_26, %dma_wait3A_48] : memref<1344x128xi32, #tpu.memory_space<hbm>> -> memref<72x128xi32, #tpu.memory_space<hbm>>
      tpu.wait_dma2 semaphore(%run_scoped3A : memref<!tpu.dma_semaphore, #tpu.memory_space<semaphore_mem>>) src(%dma_wait3A_49 : memref<72x128xi32, #tpu.memory_space<hbm>>) dst(%arg7 : memref<72x128xi32, #tpu.memory_space<vmem>>)
      tpu.yield
    }) : () -> ()
    %barrier3A = arith.constant 0 : index
    tpu.barrier barrier_id(%barrier3A)
    %sub3A = arith.constant 0 : i32
    %sub3A_27 = arith.subi %select_n3A_2, %sub3A : i32
    %min3A = arith.constant 40 : i32
    %min3A_28 = arith.minsi %min3A, %sub3A_27 : i32
    %max3A = arith.constant 0 : i32
    %max3A_29 = arith.maxsi %max3A, %min3A_28 : i32
    %gt3A = arith.constant 0 : i32
    %gt3A_30 = arith.cmpi sgt, %max3A_29, %gt3A : i32
    %convert_element_type3A = arith.extui %gt3A_30 : i1 to i32
    %cond3A = arith.constant 0 : i32
    %cond3A_31 = arith.cmpi ne, %convert_element_type3A, %cond3A : i32
    scf.if %cond3A_31 {
      %add3A_44 = arith.constant 0 : i32
      %add3A_45 = arith.addi %select_n3A_26, %add3A_44 : i32
      "tpu.region"() ({
        %run_scoped3A = tpu.sem_alloc : memref<!tpu.dma_semaphore, #tpu.memory_space<semaphore_mem>>
        %dma_start3A_79 = arith.constant 0 : i32
        %dma_start3A_80 = tpu.memref_slice %arg3[%add3A_45, %dma_start3A_79] : memref<1344x128xi32, #tpu.memory_space<hbm>> -> memref<40x128xi32, #tpu.memory_space<hbm>>
        %dma_start3A_81 = arith.constant 0 : i32
        %dma_start3A_82 = tpu.memref_slice %arg3[%add3A_45, %dma_start3A_81] : memref<1344x128xi32, #tpu.memory_space<hbm>> -> memref<40x128xi32, #tpu.memory_space<hbm>>
        tpu.enqueue_dma source(%dma_start3A_82 : memref<40x128xi32, #tpu.memory_space<hbm>>) target(%arg6 : memref<40x128xi32, #tpu.memory_space<vmem>>) target_semaphore(%run_scoped3A : memref<!tpu.dma_semaphore, #tpu.memory_space<semaphore_mem>>)
        %dma_wait3A = arith.constant 0 : i32
        %dma_wait3A_83 = tpu.memref_slice %arg3[%add3A_45, %dma_wait3A] : memref<1344x128xi32, #tpu.memory_space<hbm>> -> memref<40x128xi32, #tpu.memory_space<hbm>>
        %dma_wait3A_84 = arith.constant 0 : i32
        %dma_wait3A_85 = tpu.memref_slice %arg3[%add3A_45, %dma_wait3A_84] : memref<1344x128xi32, #tpu.memory_space<hbm>> -> memref<40x128xi32, #tpu.memory_space<hbm>>
        tpu.wait_dma2 semaphore(%run_scoped3A : memref<!tpu.dma_semaphore, #tpu.memory_space<semaphore_mem>>) src(%dma_wait3A_85 : memref<40x128xi32, #tpu.memory_space<hbm>>) dst(%arg6 : memref<40x128xi32, #tpu.memory_space<vmem>>)
        tpu.yield
      }) : () -> ()
      %dma_start3A = arith.constant 0 : i32
      %dma_start3A_46 = arith.constant 0 : i32
      %dma_start3A_47 = tpu.memref_slice %arg6[%dma_start3A, %dma_start3A_46] : memref<40x128xi32, #tpu.memory_space<vmem>> -> memref<1x128xi32, #tpu.memory_space<vmem>>
      %dma_start3A_48 = tpu.memref_squeeze %dma_start3A_47 : memref<1x128xi32, #tpu.memory_space<vmem>> -> memref<128xi32, #tpu.memory_space<vmem>>
      %dma_start3A_49 = arith.constant 0 : i32
      %dma_start3A_50 = arith.constant 0 : i32
      %dma_start3A_51 = tpu.memref_slice %arg2[%dma_start3A_49, %dma_start3A_50] : memref<10112x128xf32, #tpu.memory_space<hbm>> -> memref<10112x128xf32, #tpu.memory_space<hbm>>
      tpu.enqueue_indirect_dma source(%dma_start3A_51 : memref<10112x128xf32, #tpu.memory_space<hbm>>) target(%arg8 : memref<128x128xf32, #tpu.memory_space<vmem>>) offsets(%dma_start3A_48 : memref<128xi32, #tpu.memory_space<vmem>>) semaphore(%arg11 : memref<!tpu.dma_semaphore, #tpu.memory_space<semaphore_mem>>)
      %jit3A = arith.constant 2 : i32
      %div3A = arith.divsi %max3A_29, %jit3A : i32
      %sign3A = arith.constant 0 : i32
      %sign3A_52 = arith.cmpi sgt, %max3A_29, %sign3A : i32
      %sign3A_53 = arith.extui %sign3A_52 : i1 to i32
      %sign3A_54 = arith.constant 0 : i32
      %sign3A_55 = arith.cmpi slt, %max3A_29, %sign3A_54 : i32
      %sign3A_56 = arith.extui %sign3A_55 : i1 to i32
      %sign3A_57 = arith.subi %sign3A_53, %sign3A_56 : i32
      %sign3A_58 = arith.constant 0 : i32
      %sign3A_59 = arith.cmpi sgt, %jit3A, %sign3A_58 : i32
      %sign3A_60 = arith.extui %sign3A_59 : i1 to i32
      %sign3A_61 = arith.constant 0 : i32
      %sign3A_62 = arith.cmpi slt, %jit3A, %sign3A_61 : i32
      %sign3A_63 = arith.extui %sign3A_62 : i1 to i32
      %sign3A_64 = arith.subi %sign3A_60, %sign3A_63 : i32
      %ne3A = arith.cmpi ne, %sign3A_57, %sign3A_64 : i32
      %rem3A = arith.remsi %max3A_29, %jit3A : i32
      %ne3A_65 = arith.constant 0 : i32
      %ne3A_66 = arith.cmpi ne, %rem3A, %ne3A_65 : i32
      %and3A = arith.andi %ne3A, %ne3A_66 : i1
      %sub3A_67 = arith.constant 1 : i32
      %sub3A_68 = arith.subi %div3A, %sub3A_67 : i32
      %select_n3A_69 = arith.select %and3A, %sub3A_68, %div3A : i32
      %while3A = arith.constant 0 : i32
      %while3A_70 = arith.constant 0 : i32
      %while3A_71 = arith.subi %select_n3A_69, %while3A_70 : i32
      %while3A_72 = arith.addi %while3A_70, %while3A_71 : i32
      %while3A_73 = arith.constant 1 : i32
      %while3A_74 = arith.divsi %while3A_71, %while3A_73 : i32
      %while3A_75 = arith.muli %while3A_74, %while3A_73 : i32
      %while3A_76 = arith.addi %while3A_70, %while3A_75 : i32
      %while3A_77 = arith.constant 1 : i32
      scf.for %while3A_79 = %while3A_70 to %while3A_76 step %while3A_77  : i32 {
        %mul3A_80 = arith.constant 2 : i32
        %mul3A_81 = arith.muli %mul3A_80, %while3A_79 : i32
        %add3A_82 = arith.constant 0 : i32
        %add3A_83 = arith.addi %mul3A_81, %add3A_82 : i32
        %add3A_84 = arith.constant 1 : i32
        %add3A_85 = arith.addi %add3A_83, %add3A_84 : i32
        %lt3A = arith.cmpi slt, %add3A_85, %max3A_29 : i32
        %convert_element_type3A_86 = arith.extui %lt3A : i1 to i32
        %cond3A_87 = arith.constant 0 : i32
        %cond3A_88 = arith.cmpi ne, %convert_element_type3A_86, %cond3A_87 : i32
        scf.if %cond3A_88 {
          %add3A_114 = arith.constant 1 : i32
          %add3A_115 = arith.addi %add3A_83, %add3A_114 : i32
          %dma_start3A_116 = arith.constant 0 : i32
          %dma_start3A_117 = tpu.memref_slice %arg6[%add3A_115, %dma_start3A_116] : memref<40x128xi32, #tpu.memory_space<vmem>> -> memref<1x128xi32, #tpu.memory_space<vmem>>
          %dma_start3A_118 = tpu.memref_squeeze %dma_start3A_117 : memref<1x128xi32, #tpu.memory_space<vmem>> -> memref<128xi32, #tpu.memory_space<vmem>>
          %dma_start3A_119 = arith.constant 0 : i32
          %dma_start3A_120 = arith.constant 0 : i32
          %dma_start3A_121 = tpu.memref_slice %arg2[%dma_start3A_119, %dma_start3A_120] : memref<10112x128xf32, #tpu.memory_space<hbm>> -> memref<10112x128xf32, #tpu.memory_space<hbm>>
          tpu.enqueue_indirect_dma source(%dma_start3A_121 : memref<10112x128xf32, #tpu.memory_space<hbm>>) target(%arg9 : memref<128x128xf32, #tpu.memory_space<vmem>>) offsets(%dma_start3A_118 : memref<128xi32, #tpu.memory_space<vmem>>) semaphore(%arg12 : memref<!tpu.dma_semaphore, #tpu.memory_space<semaphore_mem>>)
        } else {
        }
        %dma_wait3A = arith.constant 0 : i32
        %dma_wait3A_89 = tpu.memref_slice %arg6[%add3A_83, %dma_wait3A] : memref<40x128xi32, #tpu.memory_space<vmem>> -> memref<1x128xi32, #tpu.memory_space<vmem>>
        %dma_wait3A_90 = tpu.memref_squeeze %dma_wait3A_89 : memref<1x128xi32, #tpu.memory_space<vmem>> -> memref<128xi32, #tpu.memory_space<vmem>>
        %dma_wait3A_91 = arith.constant 0 : i32
        %dma_wait3A_92 = arith.constant 0 : i32
        %dma_wait3A_93 = tpu.memref_slice %arg2[%dma_wait3A_91, %dma_wait3A_92] : memref<10112x128xf32, #tpu.memory_space<hbm>> -> memref<10112x128xf32, #tpu.memory_space<hbm>>
        tpu.wait_indirect_dma semaphore(%arg11 : memref<!tpu.dma_semaphore, #tpu.memory_space<semaphore_mem>>) src(%dma_wait3A_93 : memref<10112x128xf32, #tpu.memory_space<hbm>>) dst(%arg8 : memref<128x128xf32, #tpu.memory_space<vmem>>)
        %add3A_94 = arith.constant 0 : i32
        %add3A_95 = arith.addi %add3A_94, %add3A_83 : i32
        "tpu.region"() ({
          %run_scoped3A = tpu.sem_alloc : memref<!tpu.dma_semaphore, #tpu.memory_space<semaphore_mem>>
          %dma_start3A_114 = arith.constant 0 : i32
          %dma_start3A_115 = tpu.memref_slice %arg7[%add3A_95, %dma_start3A_114] : memref<72x128xi32, #tpu.memory_space<vmem>> -> memref<1x128xi32, #tpu.memory_space<vmem>>
          %dma_start3A_116 = tpu.memref_squeeze %dma_start3A_115 : memref<1x128xi32, #tpu.memory_space<vmem>> -> memref<128xi32, #tpu.memory_space<vmem>>
          %dma_start3A_117 = arith.constant 0 : i32
          %dma_start3A_118 = arith.constant 0 : i32
          %dma_start3A_119 = tpu.memref_slice %arg10[%dma_start3A_117, %dma_start3A_118] : memref<10112x128xf32, #tpu.memory_space<vmem_shared>> -> memref<10112x128xf32, #tpu.memory_space<vmem_shared>>
          tpu.enqueue_indirect_dma source(%arg8 : memref<128x128xf32, #tpu.memory_space<vmem>>) target(%dma_start3A_119 : memref<10112x128xf32, #tpu.memory_space<vmem_shared>>) offsets(%dma_start3A_116 : memref<128xi32, #tpu.memory_space<vmem>>) semaphore(%run_scoped3A : memref<!tpu.dma_semaphore, #tpu.memory_space<semaphore_mem>>) {add = true}
          %dma_wait3A_120 = arith.constant 0 : i32
          %dma_wait3A_121 = tpu.memref_slice %arg7[%add3A_95, %dma_wait3A_120] : memref<72x128xi32, #tpu.memory_space<vmem>> -> memref<1x128xi32, #tpu.memory_space<vmem>>
          %dma_wait3A_122 = tpu.memref_squeeze %dma_wait3A_121 : memref<1x128xi32, #tpu.memory_space<vmem>> -> memref<128xi32, #tpu.memory_space<vmem>>
          %dma_wait3A_123 = arith.constant 0 : i32
          %dma_wait3A_124 = arith.constant 0 : i32
          %dma_wait3A_125 = tpu.memref_slice %arg10[%dma_wait3A_123, %dma_wait3A_124] : memref<10112x128xf32, #tpu.memory_space<vmem_shared>> -> memref<10112x128xf32, #tpu.memory_space<vmem_shared>>
          tpu.wait_indirect_dma semaphore(%run_scoped3A : memref<!tpu.dma_semaphore, #tpu.memory_space<semaphore_mem>>) src(%arg8 : memref<128x128xf32, #tpu.memory_space<vmem>>) dst(%dma_wait3A_125 : memref<10112x128xf32, #tpu.memory_space<vmem_shared>>)
          tpu.yield
        }) : () -> ()
        %mul3A_96 = arith.constant 2 : i32
        %mul3A_97 = arith.muli %mul3A_96, %while3A_79 : i32
        %add3A_98 = arith.constant 1 : i32
        %add3A_99 = arith.addi %mul3A_97, %add3A_98 : i32
        %add3A_100 = arith.constant 1 : i32
        %add3A_101 = arith.addi %add3A_99, %add3A_100 : i32
        %lt3A_102 = arith.cmpi slt, %add3A_101, %max3A_29 : i32
        %convert_element_type3A_103 = arith.extui %lt3A_102 : i1 to i32
        %cond3A_104 = arith.constant 0 : i32
        %cond3A_105 = arith.cmpi ne, %convert_element_type3A_103, %cond3A_104 : i32
        scf.if %cond3A_105 {
          %add3A_114 = arith.constant 1 : i32
          %add3A_115 = arith.addi %add3A_99, %add3A_114 : i32
          %dma_start3A_116 = arith.constant 0 : i32
          %dma_start3A_117 = tpu.memref_slice %arg6[%add3A_115, %dma_start3A_116] : memref<40x128xi32, #tpu.memory_space<vmem>> -> memref<1x128xi32, #tpu.memory_space<vmem>>
          %dma_start3A_118 = tpu.memref_squeeze %dma_start3A_117 : memref<1x128xi32, #tpu.memory_space<vmem>> -> memref<128xi32, #tpu.memory_space<vmem>>
          %dma_start3A_119 = arith.constant 0 : i32
          %dma_start3A_120 = arith.constant 0 : i32
          %dma_start3A_121 = tpu.memref_slice %arg2[%dma_start3A_119, %dma_start3A_120] : memref<10112x128xf32, #tpu.memory_space<hbm>> -> memref<10112x128xf32, #tpu.memory_space<hbm>>
          tpu.enqueue_indirect_dma source(%dma_start3A_121 : memref<10112x128xf32, #tpu.memory_space<hbm>>) target(%arg8 : memref<128x128xf32, #tpu.memory_space<vmem>>) offsets(%dma_start3A_118 : memref<128xi32, #tpu.memory_space<vmem>>) semaphore(%arg11 : memref<!tpu.dma_semaphore, #tpu.memory_space<semaphore_mem>>)
        } else {
        }
        %dma_wait3A_106 = arith.constant 0 : i32
        %dma_wait3A_107 = tpu.memref_slice %arg6[%add3A_99, %dma_wait3A_106] : memref<40x128xi32, #tpu.memory_space<vmem>> -> memref<1x128xi32, #tpu.memory_space<vmem>>
        %dma_wait3A_108 = tpu.memref_squeeze %dma_wait3A_107 : memref<1x128xi32, #tpu.memory_space<vmem>> -> memref<128xi32, #tpu.memory_space<vmem>>
        %dma_wait3A_109 = arith.constant 0 : i32
        %dma_wait3A_110 = arith.constant 0 : i32
        %dma_wait3A_111 = tpu.memref_slice %arg2[%dma_wait3A_109, %dma_wait3A_110] : memref<10112x128xf32, #tpu.memory_space<hbm>> -> memref<10112x128xf32, #tpu.memory_space<hbm>>
        tpu.wait_indirect_dma semaphore(%arg12 : memref<!tpu.dma_semaphore, #tpu.memory_space<semaphore_mem>>) src(%dma_wait3A_111 : memref<10112x128xf32, #tpu.memory_space<hbm>>) dst(%arg9 : memref<128x128xf32, #tpu.memory_space<vmem>>)
        %add3A_112 = arith.constant 0 : i32
        %add3A_113 = arith.addi %add3A_112, %add3A_99 : i32
        "tpu.region"() ({
          %run_scoped3A = tpu.sem_alloc : memref<!tpu.dma_semaphore, #tpu.memory_space<semaphore_mem>>
          %dma_start3A_114 = arith.constant 0 : i32
          %dma_start3A_115 = tpu.memref_slice %arg7[%add3A_113, %dma_start3A_114] : memref<72x128xi32, #tpu.memory_space<vmem>> -> memref<1x128xi32, #tpu.memory_space<vmem>>
          %dma_start3A_116 = tpu.memref_squeeze %dma_start3A_115 : memref<1x128xi32, #tpu.memory_space<vmem>> -> memref<128xi32, #tpu.memory_space<vmem>>
          %dma_start3A_117 = arith.constant 0 : i32
          %dma_start3A_118 = arith.constant 0 : i32
          %dma_start3A_119 = tpu.memref_slice %arg10[%dma_start3A_117, %dma_start3A_118] : memref<10112x128xf32, #tpu.memory_space<vmem_shared>> -> memref<10112x128xf32, #tpu.memory_space<vmem_shared>>
          tpu.enqueue_indirect_dma source(%arg9 : memref<128x128xf32, #tpu.memory_space<vmem>>) target(%dma_start3A_119 : memref<10112x128xf32, #tpu.memory_space<vmem_shared>>) offsets(%dma_start3A_116 : memref<128xi32, #tpu.memory_space<vmem>>) semaphore(%run_scoped3A : memref<!tpu.dma_semaphore, #tpu.memory_space<semaphore_mem>>) {add = true}
          %dma_wait3A_120 = arith.constant 0 : i32
          %dma_wait3A_121 = tpu.memref_slice %arg7[%add3A_113, %dma_wait3A_120] : memref<72x128xi32, #tpu.memory_space<vmem>> -> memref<1x128xi32, #tpu.memory_space<vmem>>
          %dma_wait3A_122 = tpu.memref_squeeze %dma_wait3A_121 : memref<1x128xi32, #tpu.memory_space<vmem>> -> memref<128xi32, #tpu.memory_space<vmem>>
          %dma_wait3A_123 = arith.constant 0 : i32
          %dma_wait3A_124 = arith.constant 0 : i32
          %dma_wait3A_125 = tpu.memref_slice %arg10[%dma_wait3A_123, %dma_wait3A_124] : memref<10112x128xf32, #tpu.memory_space<vmem_shared>> -> memref<10112x128xf32, #tpu.memory_space<vmem_shared>>
          tpu.wait_indirect_dma semaphore(%run_scoped3A : memref<!tpu.dma_semaphore, #tpu.memory_space<semaphore_mem>>) src(%arg9 : memref<128x128xf32, #tpu.memory_space<vmem>>) dst(%dma_wait3A_125 : memref<10112x128xf32, #tpu.memory_space<vmem_shared>>)
          tpu.yield
        }) : () -> ()
      }
      %while3A_78 = arith.constant 1 : i32
      scf.for %while3A_79 = %while3A_76 to %while3A_72 step %while3A_78  : i32 {
        %mul3A_80 = arith.constant 2 : i32
        %mul3A_81 = arith.muli %mul3A_80, %while3A_79 : i32
        %add3A_82 = arith.constant 0 : i32
        %add3A_83 = arith.addi %mul3A_81, %add3A_82 : i32
        %add3A_84 = arith.constant 1 : i32
        %add3A_85 = arith.addi %add3A_83, %add3A_84 : i32
        %lt3A = arith.cmpi slt, %add3A_85, %max3A_29 : i32
        %convert_element_type3A_86 = arith.extui %lt3A : i1 to i32
        %cond3A_87 = arith.constant 0 : i32
        %cond3A_88 = arith.cmpi ne, %convert_element_type3A_86, %cond3A_87 : i32
        scf.if %cond3A_88 {
          %add3A_114 = arith.constant 1 : i32
          %add3A_115 = arith.addi %add3A_83, %add3A_114 : i32
          %dma_start3A_116 = arith.constant 0 : i32
          %dma_start3A_117 = tpu.memref_slice %arg6[%add3A_115, %dma_start3A_116] : memref<40x128xi32, #tpu.memory_space<vmem>> -> memref<1x128xi32, #tpu.memory_space<vmem>>
          %dma_start3A_118 = tpu.memref_squeeze %dma_start3A_117 : memref<1x128xi32, #tpu.memory_space<vmem>> -> memref<128xi32, #tpu.memory_space<vmem>>
          %dma_start3A_119 = arith.constant 0 : i32
          %dma_start3A_120 = arith.constant 0 : i32
          %dma_start3A_121 = tpu.memref_slice %arg2[%dma_start3A_119, %dma_start3A_120] : memref<10112x128xf32, #tpu.memory_space<hbm>> -> memref<10112x128xf32, #tpu.memory_space<hbm>>
          tpu.enqueue_indirect_dma source(%dma_start3A_121 : memref<10112x128xf32, #tpu.memory_space<hbm>>) target(%arg9 : memref<128x128xf32, #tpu.memory_space<vmem>>) offsets(%dma_start3A_118 : memref<128xi32, #tpu.memory_space<vmem>>) semaphore(%arg12 : memref<!tpu.dma_semaphore, #tpu.memory_space<semaphore_mem>>)
        } else {
        }
        %dma_wait3A = arith.constant 0 : i32
        %dma_wait3A_89 = tpu.memref_slice %arg6[%add3A_83, %dma_wait3A] : memref<40x128xi32, #tpu.memory_space<vmem>> -> memref<1x128xi32, #tpu.memory_space<vmem>>
        %dma_wait3A_90 = tpu.memref_squeeze %dma_wait3A_89 : memref<1x128xi32, #tpu.memory_space<vmem>> -> memref<128xi32, #tpu.memory_space<vmem>>
        %dma_wait3A_91 = arith.constant 0 : i32
        %dma_wait3A_92 = arith.constant 0 : i32
        %dma_wait3A_93 = tpu.memref_slice %arg2[%dma_wait3A_91, %dma_wait3A_92] : memref<10112x128xf32, #tpu.memory_space<hbm>> -> memref<10112x128xf32, #tpu.memory_space<hbm>>
        tpu.wait_indirect_dma semaphore(%arg11 : memref<!tpu.dma_semaphore, #tpu.memory_space<semaphore_mem>>) src(%dma_wait3A_93 : memref<10112x128xf32, #tpu.memory_space<hbm>>) dst(%arg8 : memref<128x128xf32, #tpu.memory_space<vmem>>)
        %add3A_94 = arith.constant 0 : i32
        %add3A_95 = arith.addi %add3A_94, %add3A_83 : i32
        "tpu.region"() ({
          %run_scoped3A = tpu.sem_alloc : memref<!tpu.dma_semaphore, #tpu.memory_space<semaphore_mem>>
          %dma_start3A_114 = arith.constant 0 : i32
          %dma_start3A_115 = tpu.memref_slice %arg7[%add3A_95, %dma_start3A_114] : memref<72x128xi32, #tpu.memory_space<vmem>> -> memref<1x128xi32, #tpu.memory_space<vmem>>
          %dma_start3A_116 = tpu.memref_squeeze %dma_start3A_115 : memref<1x128xi32, #tpu.memory_space<vmem>> -> memref<128xi32, #tpu.memory_space<vmem>>
          %dma_start3A_117 = arith.constant 0 : i32
          %dma_start3A_118 = arith.constant 0 : i32
          %dma_start3A_119 = tpu.memref_slice %arg10[%dma_start3A_117, %dma_start3A_118] : memref<10112x128xf32, #tpu.memory_space<vmem_shared>> -> memref<10112x128xf32, #tpu.memory_space<vmem_shared>>
          tpu.enqueue_indirect_dma source(%arg8 : memref<128x128xf32, #tpu.memory_space<vmem>>) target(%dma_start3A_119 : memref<10112x128xf32, #tpu.memory_space<vmem_shared>>) offsets(%dma_start3A_116 : memref<128xi32, #tpu.memory_space<vmem>>) semaphore(%run_scoped3A : memref<!tpu.dma_semaphore, #tpu.memory_space<semaphore_mem>>) {add = true}
          %dma_wait3A_120 = arith.constant 0 : i32
          %dma_wait3A_121 = tpu.memref_slice %arg7[%add3A_95, %dma_wait3A_120] : memref<72x128xi32, #tpu.memory_space<vmem>> -> memref<1x128xi32, #tpu.memory_space<vmem>>
          %dma_wait3A_122 = tpu.memref_squeeze %dma_wait3A_121 : memref<1x128xi32, #tpu.memory_space<vmem>> -> memref<128xi32, #tpu.memory_space<vmem>>
          %dma_wait3A_123 = arith.constant 0 : i32
          %dma_wait3A_124 = arith.constant 0 : i32
          %dma_wait3A_125 = tpu.memref_slice %arg10[%dma_wait3A_123, %dma_wait3A_124] : memref<10112x128xf32, #tpu.memory_space<vmem_shared>> -> memref<10112x128xf32, #tpu.memory_space<vmem_shared>>
          tpu.wait_indirect_dma semaphore(%run_scoped3A : memref<!tpu.dma_semaphore, #tpu.memory_space<semaphore_mem>>) src(%arg8 : memref<128x128xf32, #tpu.memory_space<vmem>>) dst(%dma_wait3A_125 : memref<10112x128xf32, #tpu.memory_space<vmem_shared>>)
          tpu.yield
        }) : () -> ()
        %mul3A_96 = arith.constant 2 : i32
        %mul3A_97 = arith.muli %mul3A_96, %while3A_79 : i32
        %add3A_98 = arith.constant 1 : i32
        %add3A_99 = arith.addi %mul3A_97, %add3A_98 : i32
        %add3A_100 = arith.constant 1 : i32
        %add3A_101 = arith.addi %add3A_99, %add3A_100 : i32
        %lt3A_102 = arith.cmpi slt, %add3A_101, %max3A_29 : i32
        %convert_element_type3A_103 = arith.extui %lt3A_102 : i1 to i32
        %cond3A_104 = arith.constant 0 : i32
        %cond3A_105 = arith.cmpi ne, %convert_element_type3A_103, %cond3A_104 : i32
        scf.if %cond3A_105 {
          %add3A_114 = arith.constant 1 : i32
          %add3A_115 = arith.addi %add3A_99, %add3A_114 : i32
          %dma_start3A_116 = arith.constant 0 : i32
          %dma_start3A_117 = tpu.memref_slice %arg6[%add3A_115, %dma_start3A_116] : memref<40x128xi32, #tpu.memory_space<vmem>> -> memref<1x128xi32, #tpu.memory_space<vmem>>
          %dma_start3A_118 = tpu.memref_squeeze %dma_start3A_117 : memref<1x128xi32, #tpu.memory_space<vmem>> -> memref<128xi32, #tpu.memory_space<vmem>>
          %dma_start3A_119 = arith.constant 0 : i32
          %dma_start3A_120 = arith.constant 0 : i32
          %dma_start3A_121 = tpu.memref_slice %arg2[%dma_start3A_119, %dma_start3A_120] : memref<10112x128xf32, #tpu.memory_space<hbm>> -> memref<10112x128xf32, #tpu.memory_space<hbm>>
          tpu.enqueue_indirect_dma source(%dma_start3A_121 : memref<10112x128xf32, #tpu.memory_space<hbm>>) target(%arg8 : memref<128x128xf32, #tpu.memory_space<vmem>>) offsets(%dma_start3A_118 : memref<128xi32, #tpu.memory_space<vmem>>) semaphore(%arg11 : memref<!tpu.dma_semaphore, #tpu.memory_space<semaphore_mem>>)
        } else {
        }
        %dma_wait3A_106 = arith.constant 0 : i32
        %dma_wait3A_107 = tpu.memref_slice %arg6[%add3A_99, %dma_wait3A_106] : memref<40x128xi32, #tpu.memory_space<vmem>> -> memref<1x128xi32, #tpu.memory_space<vmem>>
        %dma_wait3A_108 = tpu.memref_squeeze %dma_wait3A_107 : memref<1x128xi32, #tpu.memory_space<vmem>> -> memref<128xi32, #tpu.memory_space<vmem>>
        %dma_wait3A_109 = arith.constant 0 : i32
        %dma_wait3A_110 = arith.constant 0 : i32
        %dma_wait3A_111 = tpu.memref_slice %arg2[%dma_wait3A_109, %dma_wait3A_110] : memref<10112x128xf32, #tpu.memory_space<hbm>> -> memref<10112x128xf32, #tpu.memory_space<hbm>>
        tpu.wait_indirect_dma semaphore(%arg12 : memref<!tpu.dma_semaphore, #tpu.memory_space<semaphore_mem>>) src(%dma_wait3A_111 : memref<10112x128xf32, #tpu.memory_space<hbm>>) dst(%arg9 : memref<128x128xf32, #tpu.memory_space<vmem>>)
        %add3A_112 = arith.constant 0 : i32
        %add3A_113 = arith.addi %add3A_112, %add3A_99 : i32
        "tpu.region"() ({
          %run_scoped3A = tpu.sem_alloc : memref<!tpu.dma_semaphore, #tpu.memory_space<semaphore_mem>>
          %dma_start3A_114 = arith.constant 0 : i32
          %dma_start3A_115 = tpu.memref_slice %arg7[%add3A_113, %dma_start3A_114] : memref<72x128xi32, #tpu.memory_space<vmem>> -> memref<1x128xi32, #tpu.memory_space<vmem>>
          %dma_start3A_116 = tpu.memref_squeeze %dma_start3A_115 : memref<1x128xi32, #tpu.memory_space<vmem>> -> memref<128xi32, #tpu.memory_space<vmem>>
          %dma_start3A_117 = arith.constant 0 : i32
          %dma_start3A_118 = arith.constant 0 : i32
          %dma_start3A_119 = tpu.memref_slice %arg10[%dma_start3A_117, %dma_start3A_118] : memref<10112x128xf32, #tpu.memory_space<vmem_shared>> -> memref<10112x128xf32, #tpu.memory_space<vmem_shared>>
          tpu.enqueue_indirect_dma source(%arg9 : memref<128x128xf32, #tpu.memory_space<vmem>>) target(%dma_start3A_119 : memref<10112x128xf32, #tpu.memory_space<vmem_shared>>) offsets(%dma_start3A_116 : memref<128xi32, #tpu.memory_space<vmem>>) semaphore(%run_scoped3A : memref<!tpu.dma_semaphore, #tpu.memory_space<semaphore_mem>>) {add = true}
          %dma_wait3A_120 = arith.constant 0 : i32
          %dma_wait3A_121 = tpu.memref_slice %arg7[%add3A_113, %dma_wait3A_120] : memref<72x128xi32, #tpu.memory_space<vmem>> -> memref<1x128xi32, #tpu.memory_space<vmem>>
          %dma_wait3A_122 = tpu.memref_squeeze %dma_wait3A_121 : memref<1x128xi32, #tpu.memory_space<vmem>> -> memref<128xi32, #tpu.memory_space<vmem>>
          %dma_wait3A_123 = arith.constant 0 : i32
          %dma_wait3A_124 = arith.constant 0 : i32
          %dma_wait3A_125 = tpu.memref_slice %arg10[%dma_wait3A_123, %dma_wait3A_124] : memref<10112x128xf32, #tpu.memory_space<vmem_shared>> -> memref<10112x128xf32, #tpu.memory_space<vmem_shared>>
          tpu.wait_indirect_dma semaphore(%run_scoped3A : memref<!tpu.dma_semaphore, #tpu.memory_space<semaphore_mem>>) src(%arg9 : memref<128x128xf32, #tpu.memory_space<vmem>>) dst(%dma_wait3A_125 : memref<10112x128xf32, #tpu.memory_space<vmem_shared>>)
          tpu.yield
        }) : () -> ()
      }
    } else {
    }
    %sub3A_32 = arith.constant 40 : i32
    %sub3A_33 = arith.subi %select_n3A_2, %sub3A_32 : i32
    %min3A_34 = arith.constant 40 : i32
    %min3A_35 = arith.minsi %min3A_34, %sub3A_33 : i32
    %max3A_36 = arith.constant 0 : i32
    %max3A_37 = arith.maxsi %max3A_36, %min3A_35 : i32
    %gt3A_38 = arith.constant 0 : i32
    %gt3A_39 = arith.cmpi sgt, %max3A_37, %gt3A_38 : i32
    %convert_element_type3A_40 = arith.extui %gt3A_39 : i1 to i32
    %cond3A_41 = arith.constant 0 : i32
    %cond3A_42 = arith.cmpi ne, %convert_element_type3A_40, %cond3A_41 : i32
    scf.if %cond3A_42 {
      %add3A_44 = arith.constant 40 : i32
      %add3A_45 = arith.addi %select_n3A_26, %add3A_44 : i32
      "tpu.region"() ({
        %run_scoped3A = tpu.sem_alloc : memref<!tpu.dma_semaphore, #tpu.memory_space<semaphore_mem>>
        %dma_start3A_79 = arith.constant 0 : i32
        %dma_start3A_80 = tpu.memref_slice %arg3[%add3A_45, %dma_start3A_79] : memref<1344x128xi32, #tpu.memory_space<hbm>> -> memref<40x128xi32, #tpu.memory_space<hbm>>
        %dma_start3A_81 = arith.constant 0 : i32
        %dma_start3A_82 = tpu.memref_slice %arg3[%add3A_45, %dma_start3A_81] : memref<1344x128xi32, #tpu.memory_space<hbm>> -> memref<40x128xi32, #tpu.memory_space<hbm>>
        tpu.enqueue_dma source(%dma_start3A_82 : memref<40x128xi32, #tpu.memory_space<hbm>>) target(%arg6 : memref<40x128xi32, #tpu.memory_space<vmem>>) target_semaphore(%run_scoped3A : memref<!tpu.dma_semaphore, #tpu.memory_space<semaphore_mem>>)
        %dma_wait3A = arith.constant 0 : i32
        %dma_wait3A_83 = tpu.memref_slice %arg3[%add3A_45, %dma_wait3A] : memref<1344x128xi32, #tpu.memory_space<hbm>> -> memref<40x128xi32, #tpu.memory_space<hbm>>
        %dma_wait3A_84 = arith.constant 0 : i32
        %dma_wait3A_85 = tpu.memref_slice %arg3[%add3A_45, %dma_wait3A_84] : memref<1344x128xi32, #tpu.memory_space<hbm>> -> memref<40x128xi32, #tpu.memory_space<hbm>>
        tpu.wait_dma2 semaphore(%run_scoped3A : memref<!tpu.dma_semaphore, #tpu.memory_space<semaphore_mem>>) src(%dma_wait3A_85 : memref<40x128xi32, #tpu.memory_space<hbm>>) dst(%arg6 : memref<40x128xi32, #tpu.memory_space<vmem>>)
        tpu.yield
      }) : () -> ()
      %dma_start3A = arith.constant 0 : i32
      %dma_start3A_46 = arith.constant 0 : i32
      %dma_start3A_47 = tpu.memref_slice %arg6[%dma_start3A, %dma_start3A_46] : memref<40x128xi32, #tpu.memory_space<vmem>> -> memref<1x128xi32, #tpu.memory_space<vmem>>
      %dma_start3A_48 = tpu.memref_squeeze %dma_start3A_47 : memref<1x128xi32, #tpu.memory_space<vmem>> -> memref<128xi32, #tpu.memory_space<vmem>>
      %dma_start3A_49 = arith.constant 0 : i32
      %dma_start3A_50 = arith.constant 0 : i32
      %dma_start3A_51 = tpu.memref_slice %arg2[%dma_start3A_49, %dma_start3A_50] : memref<10112x128xf32, #tpu.memory_space<hbm>> -> memref<10112x128xf32, #tpu.memory_space<hbm>>
      tpu.enqueue_indirect_dma source(%dma_start3A_51 : memref<10112x128xf32, #tpu.memory_space<hbm>>) target(%arg8 : memref<128x128xf32, #tpu.memory_space<vmem>>) offsets(%dma_start3A_48 : memref<128xi32, #tpu.memory_space<vmem>>) semaphore(%arg11 : memref<!tpu.dma_semaphore, #tpu.memory_space<semaphore_mem>>)
      %jit3A = arith.constant 2 : i32
      %div3A = arith.divsi %max3A_37, %jit3A : i32
      %sign3A = arith.constant 0 : i32
      %sign3A_52 = arith.cmpi sgt, %max3A_37, %sign3A : i32
      %sign3A_53 = arith.extui %sign3A_52 : i1 to i32
      %sign3A_54 = arith.constant 0 : i32
      %sign3A_55 = arith.cmpi slt, %max3A_37, %sign3A_54 : i32
      %sign3A_56 = arith.extui %sign3A_55 : i1 to i32
      %sign3A_57 = arith.subi %sign3A_53, %sign3A_56 : i32
      %sign3A_58 = arith.constant 0 : i32
      %sign3A_59 = arith.cmpi sgt, %jit3A, %sign3A_58 : i32
      %sign3A_60 = arith.extui %sign3A_59 : i1 to i32
      %sign3A_61 = arith.constant 0 : i32
      %sign3A_62 = arith.cmpi slt, %jit3A, %sign3A_61 : i32
      %sign3A_63 = arith.extui %sign3A_62 : i1 to i32
      %sign3A_64 = arith.subi %sign3A_60, %sign3A_63 : i32
      %ne3A = arith.cmpi ne, %sign3A_57, %sign3A_64 : i32
      %rem3A = arith.remsi %max3A_37, %jit3A : i32
      %ne3A_65 = arith.constant 0 : i32
      %ne3A_66 = arith.cmpi ne, %rem3A, %ne3A_65 : i32
      %and3A = arith.andi %ne3A, %ne3A_66 : i1
      %sub3A_67 = arith.constant 1 : i32
      %sub3A_68 = arith.subi %div3A, %sub3A_67 : i32
      %select_n3A_69 = arith.select %and3A, %sub3A_68, %div3A : i32
      %while3A = arith.constant 0 : i32
      %while3A_70 = arith.constant 0 : i32
      %while3A_71 = arith.subi %select_n3A_69, %while3A_70 : i32
      %while3A_72 = arith.addi %while3A_70, %while3A_71 : i32
      %while3A_73 = arith.constant 1 : i32
      %while3A_74 = arith.divsi %while3A_71, %while3A_73 : i32
      %while3A_75 = arith.muli %while3A_74, %while3A_73 : i32
      %while3A_76 = arith.addi %while3A_70, %while3A_75 : i32
      %while3A_77 = arith.constant 1 : i32
      scf.for %while3A_79 = %while3A_70 to %while3A_76 step %while3A_77  : i32 {
        %mul3A_80 = arith.constant 2 : i32
        %mul3A_81 = arith.muli %mul3A_80, %while3A_79 : i32
        %add3A_82 = arith.constant 0 : i32
        %add3A_83 = arith.addi %mul3A_81, %add3A_82 : i32
        %add3A_84 = arith.constant 1 : i32
        %add3A_85 = arith.addi %add3A_83, %add3A_84 : i32
        %lt3A = arith.cmpi slt, %add3A_85, %max3A_37 : i32
        %convert_element_type3A_86 = arith.extui %lt3A : i1 to i32
        %cond3A_87 = arith.constant 0 : i32
        %cond3A_88 = arith.cmpi ne, %convert_element_type3A_86, %cond3A_87 : i32
        scf.if %cond3A_88 {
          %add3A_114 = arith.constant 1 : i32
          %add3A_115 = arith.addi %add3A_83, %add3A_114 : i32
          %dma_start3A_116 = arith.constant 0 : i32
          %dma_start3A_117 = tpu.memref_slice %arg6[%add3A_115, %dma_start3A_116] : memref<40x128xi32, #tpu.memory_space<vmem>> -> memref<1x128xi32, #tpu.memory_space<vmem>>
          %dma_start3A_118 = tpu.memref_squeeze %dma_start3A_117 : memref<1x128xi32, #tpu.memory_space<vmem>> -> memref<128xi32, #tpu.memory_space<vmem>>
          %dma_start3A_119 = arith.constant 0 : i32
          %dma_start3A_120 = arith.constant 0 : i32
          %dma_start3A_121 = tpu.memref_slice %arg2[%dma_start3A_119, %dma_start3A_120] : memref<10112x128xf32, #tpu.memory_space<hbm>> -> memref<10112x128xf32, #tpu.memory_space<hbm>>
          tpu.enqueue_indirect_dma source(%dma_start3A_121 : memref<10112x128xf32, #tpu.memory_space<hbm>>) target(%arg9 : memref<128x128xf32, #tpu.memory_space<vmem>>) offsets(%dma_start3A_118 : memref<128xi32, #tpu.memory_space<vmem>>) semaphore(%arg12 : memref<!tpu.dma_semaphore, #tpu.memory_space<semaphore_mem>>)
        } else {
        }
        %dma_wait3A = arith.constant 0 : i32
        %dma_wait3A_89 = tpu.memref_slice %arg6[%add3A_83, %dma_wait3A] : memref<40x128xi32, #tpu.memory_space<vmem>> -> memref<1x128xi32, #tpu.memory_space<vmem>>
        %dma_wait3A_90 = tpu.memref_squeeze %dma_wait3A_89 : memref<1x128xi32, #tpu.memory_space<vmem>> -> memref<128xi32, #tpu.memory_space<vmem>>
        %dma_wait3A_91 = arith.constant 0 : i32
        %dma_wait3A_92 = arith.constant 0 : i32
        %dma_wait3A_93 = tpu.memref_slice %arg2[%dma_wait3A_91, %dma_wait3A_92] : memref<10112x128xf32, #tpu.memory_space<hbm>> -> memref<10112x128xf32, #tpu.memory_space<hbm>>
        tpu.wait_indirect_dma semaphore(%arg11 : memref<!tpu.dma_semaphore, #tpu.memory_space<semaphore_mem>>) src(%dma_wait3A_93 : memref<10112x128xf32, #tpu.memory_space<hbm>>) dst(%arg8 : memref<128x128xf32, #tpu.memory_space<vmem>>)
        %add3A_94 = arith.constant 40 : i32
        %add3A_95 = arith.addi %add3A_94, %add3A_83 : i32
        "tpu.region"() ({
          %run_scoped3A = tpu.sem_alloc : memref<!tpu.dma_semaphore, #tpu.memory_space<semaphore_mem>>
          %dma_start3A_114 = arith.constant 0 : i32
          %dma_start3A_115 = tpu.memref_slice %arg7[%add3A_95, %dma_start3A_114] : memref<72x128xi32, #tpu.memory_space<vmem>> -> memref<1x128xi32, #tpu.memory_space<vmem>>
          %dma_start3A_116 = tpu.memref_squeeze %dma_start3A_115 : memref<1x128xi32, #tpu.memory_space<vmem>> -> memref<128xi32, #tpu.memory_space<vmem>>
          %dma_start3A_117 = arith.constant 0 : i32
          %dma_start3A_118 = arith.constant 0 : i32
          %dma_start3A_119 = tpu.memref_slice %arg10[%dma_start3A_117, %dma_start3A_118] : memref<10112x128xf32, #tpu.memory_space<vmem_shared>> -> memref<10112x128xf32, #tpu.memory_space<vmem_shared>>
          tpu.enqueue_indirect_dma source(%arg8 : memref<128x128xf32, #tpu.memory_space<vmem>>) target(%dma_start3A_119 : memref<10112x128xf32, #tpu.memory_space<vmem_shared>>) offsets(%dma_start3A_116 : memref<128xi32, #tpu.memory_space<vmem>>) semaphore(%run_scoped3A : memref<!tpu.dma_semaphore, #tpu.memory_space<semaphore_mem>>) {add = true}
          %dma_wait3A_120 = arith.constant 0 : i32
          %dma_wait3A_121 = tpu.memref_slice %arg7[%add3A_95, %dma_wait3A_120] : memref<72x128xi32, #tpu.memory_space<vmem>> -> memref<1x128xi32, #tpu.memory_space<vmem>>
          %dma_wait3A_122 = tpu.memref_squeeze %dma_wait3A_121 : memref<1x128xi32, #tpu.memory_space<vmem>> -> memref<128xi32, #tpu.memory_space<vmem>>
          %dma_wait3A_123 = arith.constant 0 : i32
          %dma_wait3A_124 = arith.constant 0 : i32
          %dma_wait3A_125 = tpu.memref_slice %arg10[%dma_wait3A_123, %dma_wait3A_124] : memref<10112x128xf32, #tpu.memory_space<vmem_shared>> -> memref<10112x128xf32, #tpu.memory_space<vmem_shared>>
          tpu.wait_indirect_dma semaphore(%run_scoped3A : memref<!tpu.dma_semaphore, #tpu.memory_space<semaphore_mem>>) src(%arg8 : memref<128x128xf32, #tpu.memory_space<vmem>>) dst(%dma_wait3A_125 : memref<10112x128xf32, #tpu.memory_space<vmem_shared>>)
          tpu.yield
        }) : () -> ()
        %mul3A_96 = arith.constant 2 : i32
        %mul3A_97 = arith.muli %mul3A_96, %while3A_79 : i32
        %add3A_98 = arith.constant 1 : i32
        %add3A_99 = arith.addi %mul3A_97, %add3A_98 : i32
        %add3A_100 = arith.constant 1 : i32
        %add3A_101 = arith.addi %add3A_99, %add3A_100 : i32
        %lt3A_102 = arith.cmpi slt, %add3A_101, %max3A_37 : i32
        %convert_element_type3A_103 = arith.extui %lt3A_102 : i1 to i32
        %cond3A_104 = arith.constant 0 : i32
        %cond3A_105 = arith.cmpi ne, %convert_element_type3A_103, %cond3A_104 : i32
        scf.if %cond3A_105 {
          %add3A_114 = arith.constant 1 : i32
          %add3A_115 = arith.addi %add3A_99, %add3A_114 : i32
          %dma_start3A_116 = arith.constant 0 : i32
          %dma_start3A_117 = tpu.memref_slice %arg6[%add3A_115, %dma_start3A_116] : memref<40x128xi32, #tpu.memory_space<vmem>> -> memref<1x128xi32, #tpu.memory_space<vmem>>
          %dma_start3A_118 = tpu.memref_squeeze %dma_start3A_117 : memref<1x128xi32, #tpu.memory_space<vmem>> -> memref<128xi32, #tpu.memory_space<vmem>>
          %dma_start3A_119 = arith.constant 0 : i32
          %dma_start3A_120 = arith.constant 0 : i32
          %dma_start3A_121 = tpu.memref_slice %arg2[%dma_start3A_119, %dma_start3A_120] : memref<10112x128xf32, #tpu.memory_space<hbm>> -> memref<10112x128xf32, #tpu.memory_space<hbm>>
          tpu.enqueue_indirect_dma source(%dma_start3A_121 : memref<10112x128xf32, #tpu.memory_space<hbm>>) target(%arg8 : memref<128x128xf32, #tpu.memory_space<vmem>>) offsets(%dma_start3A_118 : memref<128xi32, #tpu.memory_space<vmem>>) semaphore(%arg11 : memref<!tpu.dma_semaphore, #tpu.memory_space<semaphore_mem>>)
        } else {
        }
        %dma_wait3A_106 = arith.constant 0 : i32
        %dma_wait3A_107 = tpu.memref_slice %arg6[%add3A_99, %dma_wait3A_106] : memref<40x128xi32, #tpu.memory_space<vmem>> -> memref<1x128xi32, #tpu.memory_space<vmem>>
        %dma_wait3A_108 = tpu.memref_squeeze %dma_wait3A_107 : memref<1x128xi32, #tpu.memory_space<vmem>> -> memref<128xi32, #tpu.memory_space<vmem>>
        %dma_wait3A_109 = arith.constant 0 : i32
        %dma_wait3A_110 = arith.constant 0 : i32
        %dma_wait3A_111 = tpu.memref_slice %arg2[%dma_wait3A_109, %dma_wait3A_110] : memref<10112x128xf32, #tpu.memory_space<hbm>> -> memref<10112x128xf32, #tpu.memory_space<hbm>>
        tpu.wait_indirect_dma semaphore(%arg12 : memref<!tpu.dma_semaphore, #tpu.memory_space<semaphore_mem>>) src(%dma_wait3A_111 : memref<10112x128xf32, #tpu.memory_space<hbm>>) dst(%arg9 : memref<128x128xf32, #tpu.memory_space<vmem>>)
        %add3A_112 = arith.constant 40 : i32
        %add3A_113 = arith.addi %add3A_112, %add3A_99 : i32
        "tpu.region"() ({
          %run_scoped3A = tpu.sem_alloc : memref<!tpu.dma_semaphore, #tpu.memory_space<semaphore_mem>>
          %dma_start3A_114 = arith.constant 0 : i32
          %dma_start3A_115 = tpu.memref_slice %arg7[%add3A_113, %dma_start3A_114] : memref<72x128xi32, #tpu.memory_space<vmem>> -> memref<1x128xi32, #tpu.memory_space<vmem>>
          %dma_start3A_116 = tpu.memref_squeeze %dma_start3A_115 : memref<1x128xi32, #tpu.memory_space<vmem>> -> memref<128xi32, #tpu.memory_space<vmem>>
          %dma_start3A_117 = arith.constant 0 : i32
          %dma_start3A_118 = arith.constant 0 : i32
          %dma_start3A_119 = tpu.memref_slice %arg10[%dma_start3A_117, %dma_start3A_118] : memref<10112x128xf32, #tpu.memory_space<vmem_shared>> -> memref<10112x128xf32, #tpu.memory_space<vmem_shared>>
          tpu.enqueue_indirect_dma source(%arg9 : memref<128x128xf32, #tpu.memory_space<vmem>>) target(%dma_start3A_119 : memref<10112x128xf32, #tpu.memory_space<vmem_shared>>) offsets(%dma_start3A_116 : memref<128xi32, #tpu.memory_space<vmem>>) semaphore(%run_scoped3A : memref<!tpu.dma_semaphore, #tpu.memory_space<semaphore_mem>>) {add = true}
          %dma_wait3A_120 = arith.constant 0 : i32
          %dma_wait3A_121 = tpu.memref_slice %arg7[%add3A_113, %dma_wait3A_120] : memref<72x128xi32, #tpu.memory_space<vmem>> -> memref<1x128xi32, #tpu.memory_space<vmem>>
          %dma_wait3A_122 = tpu.memref_squeeze %dma_wait3A_121 : memref<1x128xi32, #tpu.memory_space<vmem>> -> memref<128xi32, #tpu.memory_space<vmem>>
          %dma_wait3A_123 = arith.constant 0 : i32
          %dma_wait3A_124 = arith.constant 0 : i32
          %dma_wait3A_125 = tpu.memref_slice %arg10[%dma_wait3A_123, %dma_wait3A_124] : memref<10112x128xf32, #tpu.memory_space<vmem_shared>> -> memref<10112x128xf32, #tpu.memory_space<vmem_shared>>
          tpu.wait_indirect_dma semaphore(%run_scoped3A : memref<!tpu.dma_semaphore, #tpu.memory_space<semaphore_mem>>) src(%arg9 : memref<128x128xf32, #tpu.memory_space<vmem>>) dst(%dma_wait3A_125 : memref<10112x128xf32, #tpu.memory_space<vmem_shared>>)
          tpu.yield
        }) : () -> ()
      }
      %while3A_78 = arith.constant 1 : i32
      scf.for %while3A_79 = %while3A_76 to %while3A_72 step %while3A_78  : i32 {
        %mul3A_80 = arith.constant 2 : i32
        %mul3A_81 = arith.muli %mul3A_80, %while3A_79 : i32
        %add3A_82 = arith.constant 0 : i32
        %add3A_83 = arith.addi %mul3A_81, %add3A_82 : i32
        %add3A_84 = arith.constant 1 : i32
        %add3A_85 = arith.addi %add3A_83, %add3A_84 : i32
        %lt3A = arith.cmpi slt, %add3A_85, %max3A_37 : i32
        %convert_element_type3A_86 = arith.extui %lt3A : i1 to i32
        %cond3A_87 = arith.constant 0 : i32
        %cond3A_88 = arith.cmpi ne, %convert_element_type3A_86, %cond3A_87 : i32
        scf.if %cond3A_88 {
          %add3A_114 = arith.constant 1 : i32
          %add3A_115 = arith.addi %add3A_83, %add3A_114 : i32
          %dma_start3A_116 = arith.constant 0 : i32
          %dma_start3A_117 = tpu.memref_slice %arg6[%add3A_115, %dma_start3A_116] : memref<40x128xi32, #tpu.memory_space<vmem>> -> memref<1x128xi32, #tpu.memory_space<vmem>>
          %dma_start3A_118 = tpu.memref_squeeze %dma_start3A_117 : memref<1x128xi32, #tpu.memory_space<vmem>> -> memref<128xi32, #tpu.memory_space<vmem>>
          %dma_start3A_119 = arith.constant 0 : i32
          %dma_start3A_120 = arith.constant 0 : i32
          %dma_start3A_121 = tpu.memref_slice %arg2[%dma_start3A_119, %dma_start3A_120] : memref<10112x128xf32, #tpu.memory_space<hbm>> -> memref<10112x128xf32, #tpu.memory_space<hbm>>
          tpu.enqueue_indirect_dma source(%dma_start3A_121 : memref<10112x128xf32, #tpu.memory_space<hbm>>) target(%arg9 : memref<128x128xf32, #tpu.memory_space<vmem>>) offsets(%dma_start3A_118 : memref<128xi32, #tpu.memory_space<vmem>>) semaphore(%arg12 : memref<!tpu.dma_semaphore, #tpu.memory_space<semaphore_mem>>)
        } else {
        }
        %dma_wait3A = arith.constant 0 : i32
        %dma_wait3A_89 = tpu.memref_slice %arg6[%add3A_83, %dma_wait3A] : memref<40x128xi32, #tpu.memory_space<vmem>> -> memref<1x128xi32, #tpu.memory_space<vmem>>
        %dma_wait3A_90 = tpu.memref_squeeze %dma_wait3A_89 : memref<1x128xi32, #tpu.memory_space<vmem>> -> memref<128xi32, #tpu.memory_space<vmem>>
        %dma_wait3A_91 = arith.constant 0 : i32
        %dma_wait3A_92 = arith.constant 0 : i32
        %dma_wait3A_93 = tpu.memref_slice %arg2[%dma_wait3A_91, %dma_wait3A_92] : memref<10112x128xf32, #tpu.memory_space<hbm>> -> memref<10112x128xf32, #tpu.memory_space<hbm>>
        tpu.wait_indirect_dma semaphore(%arg11 : memref<!tpu.dma_semaphore, #tpu.memory_space<semaphore_mem>>) src(%dma_wait3A_93 : memref<10112x128xf32, #tpu.memory_space<hbm>>) dst(%arg8 : memref<128x128xf32, #tpu.memory_space<vmem>>)
        %add3A_94 = arith.constant 40 : i32
        %add3A_95 = arith.addi %add3A_94, %add3A_83 : i32
        "tpu.region"() ({
          %run_scoped3A = tpu.sem_alloc : memref<!tpu.dma_semaphore, #tpu.memory_space<semaphore_mem>>
          %dma_start3A_114 = arith.constant 0 : i32
          %dma_start3A_115 = tpu.memref_slice %arg7[%add3A_95, %dma_start3A_114] : memref<72x128xi32, #tpu.memory_space<vmem>> -> memref<1x128xi32, #tpu.memory_space<vmem>>
          %dma_start3A_116 = tpu.memref_squeeze %dma_start3A_115 : memref<1x128xi32, #tpu.memory_space<vmem>> -> memref<128xi32, #tpu.memory_space<vmem>>
          %dma_start3A_117 = arith.constant 0 : i32
          %dma_start3A_118 = arith.constant 0 : i32
          %dma_start3A_119 = tpu.memref_slice %arg10[%dma_start3A_117, %dma_start3A_118] : memref<10112x128xf32, #tpu.memory_space<vmem_shared>> -> memref<10112x128xf32, #tpu.memory_space<vmem_shared>>
          tpu.enqueue_indirect_dma source(%arg8 : memref<128x128xf32, #tpu.memory_space<vmem>>) target(%dma_start3A_119 : memref<10112x128xf32, #tpu.memory_space<vmem_shared>>) offsets(%dma_start3A_116 : memref<128xi32, #tpu.memory_space<vmem>>) semaphore(%run_scoped3A : memref<!tpu.dma_semaphore, #tpu.memory_space<semaphore_mem>>) {add = true}
          %dma_wait3A_120 = arith.constant 0 : i32
          %dma_wait3A_121 = tpu.memref_slice %arg7[%add3A_95, %dma_wait3A_120] : memref<72x128xi32, #tpu.memory_space<vmem>> -> memref<1x128xi32, #tpu.memory_space<vmem>>
          %dma_wait3A_122 = tpu.memref_squeeze %dma_wait3A_121 : memref<1x128xi32, #tpu.memory_space<vmem>> -> memref<128xi32, #tpu.memory_space<vmem>>
          %dma_wait3A_123 = arith.constant 0 : i32
          %dma_wait3A_124 = arith.constant 0 : i32
          %dma_wait3A_125 = tpu.memref_slice %arg10[%dma_wait3A_123, %dma_wait3A_124] : memref<10112x128xf32, #tpu.memory_space<vmem_shared>> -> memref<10112x128xf32, #tpu.memory_space<vmem_shared>>
          tpu.wait_indirect_dma semaphore(%run_scoped3A : memref<!tpu.dma_semaphore, #tpu.memory_space<semaphore_mem>>) src(%arg8 : memref<128x128xf32, #tpu.memory_space<vmem>>) dst(%dma_wait3A_125 : memref<10112x128xf32, #tpu.memory_space<vmem_shared>>)
          tpu.yield
        }) : () -> ()
        %mul3A_96 = arith.constant 2 : i32
        %mul3A_97 = arith.muli %mul3A_96, %while3A_79 : i32
        %add3A_98 = arith.constant 1 : i32
        %add3A_99 = arith.addi %mul3A_97, %add3A_98 : i32
        %add3A_100 = arith.constant 1 : i32
        %add3A_101 = arith.addi %add3A_99, %add3A_100 : i32
        %lt3A_102 = arith.cmpi slt, %add3A_101, %max3A_37 : i32
        %convert_element_type3A_103 = arith.extui %lt3A_102 : i1 to i32
        %cond3A_104 = arith.constant 0 : i32
        %cond3A_105 = arith.cmpi ne, %convert_element_type3A_103, %cond3A_104 : i32
        scf.if %cond3A_105 {
          %add3A_114 = arith.constant 1 : i32
          %add3A_115 = arith.addi %add3A_99, %add3A_114 : i32
          %dma_start3A_116 = arith.constant 0 : i32
          %dma_start3A_117 = tpu.memref_slice %arg6[%add3A_115, %dma_start3A_116] : memref<40x128xi32, #tpu.memory_space<vmem>> -> memref<1x128xi32, #tpu.memory_space<vmem>>
          %dma_start3A_118 = tpu.memref_squeeze %dma_start3A_117 : memref<1x128xi32, #tpu.memory_space<vmem>> -> memref<128xi32, #tpu.memory_space<vmem>>
          %dma_start3A_119 = arith.constant 0 : i32
          %dma_start3A_120 = arith.constant 0 : i32
          %dma_start3A_121 = tpu.memref_slice %arg2[%dma_start3A_119, %dma_start3A_120] : memref<10112x128xf32, #tpu.memory_space<hbm>> -> memref<10112x128xf32, #tpu.memory_space<hbm>>
          tpu.enqueue_indirect_dma source(%dma_start3A_121 : memref<10112x128xf32, #tpu.memory_space<hbm>>) target(%arg8 : memref<128x128xf32, #tpu.memory_space<vmem>>) offsets(%dma_start3A_118 : memref<128xi32, #tpu.memory_space<vmem>>) semaphore(%arg11 : memref<!tpu.dma_semaphore, #tpu.memory_space<semaphore_mem>>)
        } else {
        }
        %dma_wait3A_106 = arith.constant 0 : i32
        %dma_wait3A_107 = tpu.memref_slice %arg6[%add3A_99, %dma_wait3A_106] : memref<40x128xi32, #tpu.memory_space<vmem>> -> memref<1x128xi32, #tpu.memory_space<vmem>>
        %dma_wait3A_108 = tpu.memref_squeeze %dma_wait3A_107 : memref<1x128xi32, #tpu.memory_space<vmem>> -> memref<128xi32, #tpu.memory_space<vmem>>
        %dma_wait3A_109 = arith.constant 0 : i32
        %dma_wait3A_110 = arith.constant 0 : i32
        %dma_wait3A_111 = tpu.memref_slice %arg2[%dma_wait3A_109, %dma_wait3A_110] : memref<10112x128xf32, #tpu.memory_space<hbm>> -> memref<10112x128xf32, #tpu.memory_space<hbm>>
        tpu.wait_indirect_dma semaphore(%arg12 : memref<!tpu.dma_semaphore, #tpu.memory_space<semaphore_mem>>) src(%dma_wait3A_111 : memref<10112x128xf32, #tpu.memory_space<hbm>>) dst(%arg9 : memref<128x128xf32, #tpu.memory_space<vmem>>)
        %add3A_112 = arith.constant 40 : i32
        %add3A_113 = arith.addi %add3A_112, %add3A_99 : i32
        "tpu.region"() ({
          %run_scoped3A = tpu.sem_alloc : memref<!tpu.dma_semaphore, #tpu.memory_space<semaphore_mem>>
          %dma_start3A_114 = arith.constant 0 : i32
          %dma_start3A_115 = tpu.memref_slice %arg7[%add3A_113, %dma_start3A_114] : memref<72x128xi32, #tpu.memory_space<vmem>> -> memref<1x128xi32, #tpu.memory_space<vmem>>
          %dma_start3A_116 = tpu.memref_squeeze %dma_start3A_115 : memref<1x128xi32, #tpu.memory_space<vmem>> -> memref<128xi32, #tpu.memory_space<vmem>>
          %dma_start3A_117 = arith.constant 0 : i32
          %dma_start3A_118 = arith.constant 0 : i32
          %dma_start3A_119 = tpu.memref_slice %arg10[%dma_start3A_117, %dma_start3A_118] : memref<10112x128xf32, #tpu.memory_space<vmem_shared>> -> memref<10112x128xf32, #tpu.memory_space<vmem_shared>>
          tpu.enqueue_indirect_dma source(%arg9 : memref<128x128xf32, #tpu.memory_space<vmem>>) target(%dma_start3A_119 : memref<10112x128xf32, #tpu.memory_space<vmem_shared>>) offsets(%dma_start3A_116 : memref<128xi32, #tpu.memory_space<vmem>>) semaphore(%run_scoped3A : memref<!tpu.dma_semaphore, #tpu.memory_space<semaphore_mem>>) {add = true}
          %dma_wait3A_120 = arith.constant 0 : i32
          %dma_wait3A_121 = tpu.memref_slice %arg7[%add3A_113, %dma_wait3A_120] : memref<72x128xi32, #tpu.memory_space<vmem>> -> memref<1x128xi32, #tpu.memory_space<vmem>>
          %dma_wait3A_122 = tpu.memref_squeeze %dma_wait3A_121 : memref<1x128xi32, #tpu.memory_space<vmem>> -> memref<128xi32, #tpu.memory_space<vmem>>
          %dma_wait3A_123 = arith.constant 0 : i32
          %dma_wait3A_124 = arith.constant 0 : i32
          %dma_wait3A_125 = tpu.memref_slice %arg10[%dma_wait3A_123, %dma_wait3A_124] : memref<10112x128xf32, #tpu.memory_space<vmem_shared>> -> memref<10112x128xf32, #tpu.memory_space<vmem_shared>>
          tpu.wait_indirect_dma semaphore(%run_scoped3A : memref<!tpu.dma_semaphore, #tpu.memory_space<semaphore_mem>>) src(%arg9 : memref<128x128xf32, #tpu.memory_space<vmem>>) dst(%dma_wait3A_125 : memref<10112x128xf32, #tpu.memory_space<vmem_shared>>)
          tpu.yield
        }) : () -> ()
      }
    } else {
    }
    %barrier3A_43 = arith.constant 0 : index
    tpu.barrier barrier_id(%barrier3A_43)
    "tpu.region"() ({
      %run_scoped3A = tpu.sem_alloc : memref<!tpu.dma_semaphore, #tpu.memory_space<semaphore_mem>>
      %dma_start3A = arith.constant 0 : i32
      %dma_start3A_44 = tpu.memref_slice %arg5[%arg0, %mul3A_3, %dma_start3A] : memref<2x10112x128xf32, #tpu.memory_space<hbm>> -> memref<1x632x128xf32, #tpu.memory_space<hbm>>
      %dma_start3A_45 = tpu.memref_squeeze %dma_start3A_44 : memref<1x632x128xf32, #tpu.memory_space<hbm>> -> memref<632x128xf32, #tpu.memory_space<hbm>>
      %dma_start3A_46 = arith.constant 0 : i32
      %dma_start3A_47 = tpu.memref_slice %arg10[%mul3A_3, %dma_start3A_46] : memref<10112x128xf32, #tpu.memory_space<vmem_shared>> -> memref<632x128xf32, #tpu.memory_space<vmem_shared>>
      tpu.enqueue_dma source(%dma_start3A_47 : memref<632x128xf32, #tpu.memory_space<vmem_shared>>) target(%dma_start3A_45 : memref<632x128xf32, #tpu.memory_space<hbm>>) target_semaphore(%run_scoped3A : memref<!tpu.dma_semaphore, #tpu.memory_space<semaphore_mem>>)
      %dma_wait3A = arith.constant 0 : i32
      %dma_wait3A_48 = tpu.memref_slice %arg5[%arg0, %mul3A_3, %dma_wait3A] : memref<2x10112x128xf32, #tpu.memory_space<hbm>> -> memref<1x632x128xf32, #tpu.memory_space<hbm>>
      %dma_wait3A_49 = tpu.memref_squeeze %dma_wait3A_48 : memref<1x632x128xf32, #tpu.memory_space<hbm>> -> memref<632x128xf32, #tpu.memory_space<hbm>>
      %dma_wait3A_50 = arith.constant 0 : i32
      %dma_wait3A_51 = tpu.memref_slice %arg10[%mul3A_3, %dma_wait3A_50] : memref<10112x128xf32, #tpu.memory_space<vmem_shared>> -> memref<632x128xf32, #tpu.memory_space<vmem_shared>>
      tpu.wait_dma2 semaphore(%run_scoped3A : memref<!tpu.dma_semaphore, #tpu.memory_space<semaphore_mem>>) src(%dma_wait3A_51 : memref<632x128xf32, #tpu.memory_space<vmem_shared>>) dst(%dma_wait3A_49 : memref<632x128xf32, #tpu.memory_space<hbm>>)
      tpu.yield
    }) : () -> ()
    return
  }
}

module attributes {stable_mosaic.version = 14 : i64} {
  func.func @_t1_body(%arg0: i32, %arg1: memref<632x256xf32, #tpu.memory_space<vmem>>, %arg2: memref<256x256xf32, #tpu.memory_space<vmem>>, %arg3: memref<632x1xf32, #tpu.memory_space<vmem>>, %arg4: memref<632x1xf32, #tpu.memory_space<vmem>>, %arg5: memref<632x128xf32, #tpu.memory_space<vmem>>, %arg6: memref<632x128xf32, #tpu.memory_space<vmem>>) attributes {dimension_semantics = [#tpu.dimension_semantics<arbitrary>], iteration_bounds = array<i64: 16>, scalar_prefetch = 0 : i64, scratch_operands = 0 : i64, tpu.core_type = #tpu.core_type<tc>, window_params = [{transform_indices = @transform_0, window_bounds = array<i64: 632, 256>}, {pipeline_mode = #tpu.pipeline_mode<synchronous>, transform_indices = @transform_1, window_bounds = array<i64: 256, 256>}, {transform_indices = @transform_2, window_bounds = array<i64: 632, 1>}, {transform_indices = @transform_3, window_bounds = array<i64: 632, 1>}, {transform_indices = @transform_4, window_bounds = array<i64: 632, 128>}, {transform_indices = @transform_5, window_bounds = array<i64: 632, 128>}]} {
    %get3A = arith.constant 0 : index
    %get3A_0 = arith.constant 0 : index
    %get3A_1 = vector.load %arg3[%get3A, %get3A_0] : memref<632x1xf32, #tpu.memory_space<vmem>>, vector<632x1xf32>
    %get3A_2 = arith.constant 0 : index
    %get3A_3 = arith.constant 0 : index
    %get3A_4 = vector.load %arg4[%get3A_2, %get3A_3] : memref<632x1xf32, #tpu.memory_space<vmem>>, vector<632x1xf32>
    %add3A = arith.addf %get3A_1, %get3A_4 : vector<632x1xf32>
    %add3A_5 = arith.constant 1.000000e+00 : f32
    %add3A_6 = vector.broadcast %add3A_5 : f32 to vector<632x1xf32>
    %add3A_7 = arith.addf %add3A, %add3A_6 : vector<632x1xf32>
    %rsqrt3A = math.rsqrt %add3A_7 : vector<632x1xf32>
    %get3A_8 = arith.constant 0 : index
    %get3A_9 = arith.constant 0 : index
    %get3A_10 = vector.load %arg1[%get3A_8, %get3A_9] : memref<632x256xf32, #tpu.memory_space<vmem>>, vector<632x256xf32>
    %get3A_11 = arith.constant 0 : index
    %get3A_12 = arith.constant 0 : index
    %get3A_13 = vector.load %arg2[%get3A_11, %get3A_12] : memref<256x256xf32, #tpu.memory_space<vmem>>, vector<256x256xf32>
    %dot_general3A = arith.constant dense<0.000000e+00> : vector<632x256xf32>
    %dot_general3A_14 = tpu.matmul %get3A_10, %get3A_13, %dot_general3A {dimension_numbers = #tpu.dot_dimension_numbers<[1], [0], [0], [1], [0, 0, 1, 1], [], []>, transpose_lhs_hint = false} : vector<632x256xf32>, vector<256x256xf32>, vector<632x256xf32> -> vector<632x256xf32>
    %mul3A = vector.broadcast %rsqrt3A : vector<632x1xf32> to vector<632x256xf32>
    %mul3A_15 = arith.mulf %mul3A, %dot_general3A_14 : vector<632x256xf32>
    %slice3A = vector.extract_strided_slice %mul3A_15 {offsets = [0, 0], sizes = [632, 128], strides = [1, 1]} : vector<632x256xf32> to vector<632x128xf32>
    %swap3A = arith.constant 0 : index
    %swap3A_16 = arith.constant 0 : index
    %swap3A_17 = vector.load %arg5[%swap3A, %swap3A_16] : memref<632x128xf32, #tpu.memory_space<vmem>>, vector<632x128xf32>
    tpu.vector_store %arg5[%swap3A, %swap3A_16], %slice3A {strides = array<i32>} : memref<632x128xf32, #tpu.memory_space<vmem>>, vector<632x128xf32>,
    %slice3A_18 = vector.extract_strided_slice %mul3A_15 {offsets = [0, 128], sizes = [632, 128], strides = [1, 1]} : vector<632x256xf32> to vector<632x128xf32>
    %swap3A_19 = arith.constant 0 : index
    %swap3A_20 = arith.constant 0 : index
    %swap3A_21 = vector.load %arg6[%swap3A_19, %swap3A_20] : memref<632x128xf32, #tpu.memory_space<vmem>>, vector<632x128xf32>
    tpu.vector_store %arg6[%swap3A_19, %swap3A_20], %slice3A_18 {strides = array<i32>} : memref<632x128xf32, #tpu.memory_space<vmem>>, vector<632x128xf32>,
    return
  }
  func.func @transform_0(%arg0: i32) -> (i32, i32) {
    %c0_i32 = arith.constant 0 : i32
    %c0_i32_0 = arith.constant 0 : i32
    return %arg0, %c0_i32 : i32, i32
  }
  func.func @transform_1(%arg0: i32) -> (i32, i32) {
    %c0_i32 = arith.constant 0 : i32
    %c0_i32_0 = arith.constant 0 : i32
    %c0_i32_1 = arith.constant 0 : i32
    return %c0_i32, %c0_i32_0 : i32, i32
  }
  func.func @transform_2(%arg0: i32) -> (i32, i32) {
    %c0_i32 = arith.constant 0 : i32
    %c0_i32_0 = arith.constant 0 : i32
    return %arg0, %c0_i32 : i32, i32
  }
  func.func @transform_3(%arg0: i32) -> (i32, i32) {
    %c0_i32 = arith.constant 0 : i32
    %c0_i32_0 = arith.constant 0 : i32
    return %arg0, %c0_i32 : i32, i32
  }
  func.func @transform_4(%arg0: i32) -> (i32, i32) {
    %c0_i32 = arith.constant 0 : i32
    %c0_i32_0 = arith.constant 0 : i32
    return %arg0, %c0_i32 : i32, i32
  }
  func.func @transform_5(%arg0: i32) -> (i32, i32) {
    %c0_i32 = arith.constant 0 : i32
    %c0_i32_0 = arith.constant 0 : i32
    return %arg0, %c0_i32 : i32, i32
  }
}

module attributes {stable_mosaic.version = 14 : i64} {
  func.func @_t2_body(%arg0: i32, %arg1: memref<2x632x128xf32, #tpu.memory_space<vmem>>, %arg2: memref<2x632x128xf32, #tpu.memory_space<vmem>>, %arg3: memref<632x128xf32, #tpu.memory_space<vmem>>, %arg4: memref<632x128xf32, #tpu.memory_space<vmem>>, %arg5: memref<632x1xf32, #tpu.memory_space<vmem>>, %arg6: memref<632x1xf32, #tpu.memory_space<vmem>>, %arg7: memref<1x256xf32, #tpu.memory_space<vmem>>, %arg8: memref<256x128xf32, #tpu.memory_space<vmem>>, %arg9: memref<632x128xf32, #tpu.memory_space<vmem>>) attributes {dimension_semantics = [#tpu.dimension_semantics<arbitrary>], iteration_bounds = array<i64: 16>, scalar_prefetch = 0 : i64, scratch_operands = 0 : i64, tpu.core_type = #tpu.core_type<tc>, window_params = [{transform_indices = @transform_0, window_bounds = array<i64: 2, 632, 128>}, {transform_indices = @transform_1, window_bounds = array<i64: 2, 632, 128>}, {transform_indices = @transform_2, window_bounds = array<i64: 632, 128>}, {transform_indices = @transform_3, window_bounds = array<i64: 632, 128>}, {transform_indices = @transform_4, window_bounds = array<i64: 632, 1>}, {transform_indices = @transform_5, window_bounds = array<i64: 632, 1>}, {pipeline_mode = #tpu.pipeline_mode<synchronous>, transform_indices = @transform_6, window_bounds = array<i64: 1, 256>}, {pipeline_mode = #tpu.pipeline_mode<synchronous>, transform_indices = @transform_7, window_bounds = array<i64: 256, 128>}, {transform_indices = @transform_8, window_bounds = array<i64: 632, 128>}]} {
    %get3A = arith.constant 0 : index
    %get3A_0 = arith.constant 0 : index
    %get3A_1 = vector.load %arg5[%get3A, %get3A_0] : memref<632x1xf32, #tpu.memory_space<vmem>>, vector<632x1xf32>
    %get3A_2 = arith.constant 0 : index
    %get3A_3 = arith.constant 0 : index
    %get3A_4 = vector.load %arg6[%get3A_2, %get3A_3] : memref<632x1xf32, #tpu.memory_space<vmem>>, vector<632x1xf32>
    %add3A = arith.addf %get3A_1, %get3A_4 : vector<632x1xf32>
    %add3A_5 = arith.constant 1.000000e+00 : f32
    %add3A_6 = vector.broadcast %add3A_5 : f32 to vector<632x1xf32>
    %add3A_7 = arith.addf %add3A, %add3A_6 : vector<632x1xf32>
    %rsqrt3A = math.rsqrt %add3A_7 : vector<632x1xf32>
    %get3A_8 = arith.constant 0 : index
    %get3A_9 = arith.constant 0 : index
    %get3A_10 = vector.load %arg7[%get3A_8, %get3A_9] : memref<1x256xf32, #tpu.memory_space<vmem>>, vector<1x256xf32>
    %get3A_11 = arith.constant 0 : index
    %get3A_12 = arith.constant 0 : index
    %get3A_13 = arith.constant 0 : index
    %get3A_14 = vector.load %arg1[%get3A_11, %get3A_12, %get3A_13] : memref<2x632x128xf32, #tpu.memory_space<vmem>>, vector<1x632x128xf32>
    %get3A_15 = vector.shape_cast %get3A_14 : vector<1x632x128xf32> to vector<632x128xf32>
    %get3A_16 = arith.constant 1 : index
    %get3A_17 = arith.constant 0 : index
    %get3A_18 = arith.constant 0 : index
    %get3A_19 = vector.load %arg1[%get3A_16, %get3A_17, %get3A_18] : memref<2x632x128xf32, #tpu.memory_space<vmem>>, vector<1x632x128xf32>
    %get3A_20 = vector.shape_cast %get3A_19 : vector<1x632x128xf32> to vector<632x128xf32>
    %add3A_21 = arith.addf %get3A_15, %get3A_20 : vector<632x128xf32>
    %get3A_22 = arith.constant 0 : index
    %get3A_23 = arith.constant 0 : index
    %get3A_24 = vector.load %arg3[%get3A_22, %get3A_23] : memref<632x128xf32, #tpu.memory_space<vmem>>, vector<632x128xf32>
    %add3A_25 = arith.addf %add3A_21, %get3A_24 : vector<632x128xf32>
    %mul3A = vector.broadcast %rsqrt3A : vector<632x1xf32> to vector<632x128xf32>
    %mul3A_26 = arith.mulf %mul3A, %add3A_25 : vector<632x128xf32>
    %slice3A = vector.extract_strided_slice %get3A_10 {offsets = [0, 0], sizes = [1, 128], strides = [1, 1]} : vector<1x256xf32> to vector<1x128xf32>
    %add3A_27 = vector.broadcast %slice3A : vector<1x128xf32> to vector<632x128xf32>
    %add3A_28 = arith.addf %mul3A_26, %add3A_27 : vector<632x128xf32>
    %max3A = arith.constant 0.000000e+00 : f32
    %max3A_29 = vector.broadcast %max3A : f32 to vector<632x128xf32>
    %max3A_30 = arith.maximumf %add3A_28, %max3A_29 : vector<632x128xf32>
    %get3A_31 = arith.constant 0 : index
    %get3A_32 = arith.constant 0 : index
    %get3A_33 = arith.constant 0 : index
    %get3A_34 = vector.load %arg2[%get3A_31, %get3A_32, %get3A_33] : memref<2x632x128xf32, #tpu.memory_space<vmem>>, vector<1x632x128xf32>
    %get3A_35 = vector.shape_cast %get3A_34 : vector<1x632x128xf32> to vector<632x128xf32>
    %get3A_36 = arith.constant 1 : index
    %get3A_37 = arith.constant 0 : index
    %get3A_38 = arith.constant 0 : index
    %get3A_39 = vector.load %arg2[%get3A_36, %get3A_37, %get3A_38] : memref<2x632x128xf32, #tpu.memory_space<vmem>>, vector<1x632x128xf32>
    %get3A_40 = vector.shape_cast %get3A_39 : vector<1x632x128xf32> to vector<632x128xf32>
    %add3A_41 = arith.addf %get3A_35, %get3A_40 : vector<632x128xf32>
    %get3A_42 = arith.constant 0 : index
    %get3A_43 = arith.constant 0 : index
    %get3A_44 = vector.load %arg4[%get3A_42, %get3A_43] : memref<632x128xf32, #tpu.memory_space<vmem>>, vector<632x128xf32>
    %add3A_45 = arith.addf %add3A_41, %get3A_44 : vector<632x128xf32>
    %mul3A_46 = vector.broadcast %rsqrt3A : vector<632x1xf32> to vector<632x128xf32>
    %mul3A_47 = arith.mulf %mul3A_46, %add3A_45 : vector<632x128xf32>
    %slice3A_48 = vector.extract_strided_slice %get3A_10 {offsets = [0, 128], sizes = [1, 128], strides = [1, 1]} : vector<1x256xf32> to vector<1x128xf32>
    %add3A_49 = vector.broadcast %slice3A_48 : vector<1x128xf32> to vector<632x128xf32>
    %add3A_50 = arith.addf %mul3A_47, %add3A_49 : vector<632x128xf32>
    %max3A_51 = arith.constant 0.000000e+00 : f32
    %max3A_52 = vector.broadcast %max3A_51 : f32 to vector<632x128xf32>
    %max3A_53 = arith.maximumf %add3A_50, %max3A_52 : vector<632x128xf32>
    %concatenate3A = tpu.concatenate %max3A_30, %max3A_53 in 1 : vector<632x128xf32>, vector<632x128xf32> -> vector<632x256xf32>
    %get3A_54 = arith.constant 0 : index
    %get3A_55 = arith.constant 0 : index
    %get3A_56 = vector.load %arg8[%get3A_54, %get3A_55] : memref<256x128xf32, #tpu.memory_space<vmem>>, vector<256x128xf32>
    %dot_general3A = arith.constant dense<0.000000e+00> : vector<632x128xf32>
    %dot_general3A_57 = tpu.matmul %concatenate3A, %get3A_56, %dot_general3A {dimension_numbers = #tpu.dot_dimension_numbers<[1], [0], [0], [1], [0, 0, 1, 1], [], []>, transpose_lhs_hint = false} : vector<632x256xf32>, vector<256x128xf32>, vector<632x128xf32> -> vector<632x128xf32>
    %mul3A_58 = vector.broadcast %rsqrt3A : vector<632x1xf32> to vector<632x128xf32>
    %mul3A_59 = arith.mulf %mul3A_58, %dot_general3A_57 : vector<632x128xf32>
    %swap3A = arith.constant 0 : index
    %swap3A_60 = arith.constant 0 : index
    %swap3A_61 = vector.load %arg9[%swap3A, %swap3A_60] : memref<632x128xf32, #tpu.memory_space<vmem>>, vector<632x128xf32>
    tpu.vector_store %arg9[%swap3A, %swap3A_60], %mul3A_59 {strides = array<i32>} : memref<632x128xf32, #tpu.memory_space<vmem>>, vector<632x128xf32>,
    return
  }
  func.func @transform_0(%arg0: i32) -> (i32, i32, i32) {
    %c0_i32 = arith.constant 0 : i32
    %c0_i32_0 = arith.constant 0 : i32
    %c0_i32_1 = arith.constant 0 : i32
    return %c0_i32, %arg0, %c0_i32_0 : i32, i32, i32
  }
  func.func @transform_1(%arg0: i32) -> (i32, i32, i32) {
    %c0_i32 = arith.constant 0 : i32
    %c0_i32_0 = arith.constant 0 : i32
    %c0_i32_1 = arith.constant 0 : i32
    return %c0_i32, %arg0, %c0_i32_0 : i32, i32, i32
  }
  func.func @transform_2(%arg0: i32) -> (i32, i32) {
    %c0_i32 = arith.constant 0 : i32
    %c0_i32_0 = arith.constant 0 : i32
    return %arg0, %c0_i32 : i32, i32
  }
  func.func @transform_3(%arg0: i32) -> (i32, i32) {
    %c0_i32 = arith.constant 0 : i32
    %c0_i32_0 = arith.constant 0 : i32
    return %arg0, %c0_i32 : i32, i32
  }
  func.func @transform_4(%arg0: i32) -> (i32, i32) {
    %c0_i32 = arith.constant 0 : i32
    %c0_i32_0 = arith.constant 0 : i32
    return %arg0, %c0_i32 : i32, i32
  }
  func.func @transform_5(%arg0: i32) -> (i32, i32) {
    %c0_i32 = arith.constant 0 : i32
    %c0_i32_0 = arith.constant 0 : i32
    return %arg0, %c0_i32 : i32, i32
  }
  func.func @transform_6(%arg0: i32) -> (i32, i32) {
    %c0_i32 = arith.constant 0 : i32
    %c0_i32_0 = arith.constant 0 : i32
    %c0_i32_1 = arith.constant 0 : i32
    return %c0_i32, %c0_i32_0 : i32, i32
  }
  func.func @transform_7(%arg0: i32) -> (i32, i32) {
    %c0_i32 = arith.constant 0 : i32
    %c0_i32_0 = arith.constant 0 : i32
    %c0_i32_1 = arith.constant 0 : i32
    return %c0_i32, %c0_i32_0 : i32, i32
  }
  func.func @transform_8(%arg0: i32) -> (i32, i32) {
    %c0_i32 = arith.constant 0 : i32
    %c0_i32_0 = arith.constant 0 : i32
    return %arg0, %c0_i32 : i32, i32
  }
}

module attributes {stable_mosaic.version = 14 : i64} {
  func.func @_t4_body(%arg0: i32, %arg1: memref<2x632x128xf32, #tpu.memory_space<vmem>>, %arg2: memref<632x128xf32, #tpu.memory_space<vmem>>, %arg3: memref<632x1xf32, #tpu.memory_space<vmem>>, %arg4: memref<632x1xf32, #tpu.memory_space<vmem>>, %arg5: memref<1x64xf32, #tpu.memory_space<vmem>>, %arg6: memref<632x64xf32, #tpu.memory_space<vmem>>) attributes {dimension_semantics = [#tpu.dimension_semantics<arbitrary>], iteration_bounds = array<i64: 16>, scalar_prefetch = 0 : i64, scratch_operands = 0 : i64, tpu.core_type = #tpu.core_type<tc>, window_params = [{transform_indices = @transform_0, window_bounds = array<i64: 2, 632, 128>}, {transform_indices = @transform_1, window_bounds = array<i64: 632, 128>}, {transform_indices = @transform_2, window_bounds = array<i64: 632, 1>}, {transform_indices = @transform_3, window_bounds = array<i64: 632, 1>}, {pipeline_mode = #tpu.pipeline_mode<synchronous>, transform_indices = @transform_4, window_bounds = array<i64: 1, 64>}, {transform_indices = @transform_5, window_bounds = array<i64: 632, 64>}]} {
    %get3A = arith.constant 0 : index
    %get3A_0 = arith.constant 0 : index
    %get3A_1 = vector.load %arg3[%get3A, %get3A_0] : memref<632x1xf32, #tpu.memory_space<vmem>>, vector<632x1xf32>
    %get3A_2 = arith.constant 0 : index
    %get3A_3 = arith.constant 0 : index
    %get3A_4 = vector.load %arg4[%get3A_2, %get3A_3] : memref<632x1xf32, #tpu.memory_space<vmem>>, vector<632x1xf32>
    %add3A = arith.addf %get3A_1, %get3A_4 : vector<632x1xf32>
    %add3A_5 = arith.constant 1.000000e+00 : f32
    %add3A_6 = vector.broadcast %add3A_5 : f32 to vector<632x1xf32>
    %add3A_7 = arith.addf %add3A, %add3A_6 : vector<632x1xf32>
    %rsqrt3A = math.rsqrt %add3A_7 : vector<632x1xf32>
    %get3A_8 = arith.constant 0 : index
    %get3A_9 = arith.constant 0 : index
    %get3A_10 = arith.constant 0 : index
    %get3A_11 = vector.load %arg1[%get3A_8, %get3A_9, %get3A_10] : memref<2x632x128xf32, #tpu.memory_space<vmem>>, vector<1x632x128xf32>
    %get3A_12 = vector.shape_cast %get3A_11 : vector<1x632x128xf32> to vector<632x128xf32>
    %get3A_13 = arith.constant 1 : index
    %get3A_14 = arith.constant 0 : index
    %get3A_15 = arith.constant 0 : index
    %get3A_16 = vector.load %arg1[%get3A_13, %get3A_14, %get3A_15] : memref<2x632x128xf32, #tpu.memory_space<vmem>>, vector<1x632x128xf32>
    %get3A_17 = vector.shape_cast %get3A_16 : vector<1x632x128xf32> to vector<632x128xf32>
    %add3A_18 = arith.addf %get3A_12, %get3A_17 : vector<632x128xf32>
    %get3A_19 = arith.constant 0 : index
    %get3A_20 = arith.constant 0 : index
    %get3A_21 = vector.load %arg2[%get3A_19, %get3A_20] : memref<632x128xf32, #tpu.memory_space<vmem>>, vector<632x128xf32>
    %add3A_22 = arith.addf %add3A_18, %get3A_21 : vector<632x128xf32>
    %slice3A = vector.extract_strided_slice %add3A_22 {offsets = [0, 0], sizes = [632, 64], strides = [1, 1]} : vector<632x128xf32> to vector<632x64xf32>
    %mul3A = vector.broadcast %rsqrt3A : vector<632x1xf32> to vector<632x64xf32>
    %mul3A_23 = arith.mulf %mul3A, %slice3A : vector<632x64xf32>
    %get3A_24 = arith.constant 0 : index
    %get3A_25 = arith.constant 0 : index
    %get3A_26 = vector.load %arg5[%get3A_24, %get3A_25] : memref<1x64xf32, #tpu.memory_space<vmem>>, vector<1x64xf32>
    %add3A_27 = vector.broadcast %get3A_26 : vector<1x64xf32> to vector<632x64xf32>
    %add3A_28 = arith.addf %mul3A_23, %add3A_27 : vector<632x64xf32>
    %swap3A = arith.constant 0 : index
    %swap3A_29 = arith.constant 0 : index
    %swap3A_30 = vector.load %arg6[%swap3A, %swap3A_29] : memref<632x64xf32, #tpu.memory_space<vmem>>, vector<632x64xf32>
    tpu.vector_store %arg6[%swap3A, %swap3A_29], %add3A_28 {strides = array<i32>} : memref<632x64xf32, #tpu.memory_space<vmem>>, vector<632x64xf32>,
    return
  }
  func.func @transform_0(%arg0: i32) -> (i32, i32, i32) {
    %c0_i32 = arith.constant 0 : i32
    %c0_i32_0 = arith.constant 0 : i32
    %c0_i32_1 = arith.constant 0 : i32
    return %c0_i32, %arg0, %c0_i32_0 : i32, i32, i32
  }
  func.func @transform_1(%arg0: i32) -> (i32, i32) {
    %c0_i32 = arith.constant 0 : i32
    %c0_i32_0 = arith.constant 0 : i32
    return %arg0, %c0_i32 : i32, i32
  }
  func.func @transform_2(%arg0: i32) -> (i32, i32) {
    %c0_i32 = arith.constant 0 : i32
    %c0_i32_0 = arith.constant 0 : i32
    return %arg0, %c0_i32 : i32, i32
  }
  func.func @transform_3(%arg0: i32) -> (i32, i32) {
    %c0_i32 = arith.constant 0 : i32
    %c0_i32_0 = arith.constant 0 : i32
    return %arg0, %c0_i32 : i32, i32
  }
  func.func @transform_4(%arg0: i32) -> (i32, i32) {
    %c0_i32 = arith.constant 0 : i32
    %c0_i32_0 = arith.constant 0 : i32
    %c0_i32_1 = arith.constant 0 : i32
    return %c0_i32, %c0_i32_0 : i32, i32
  }
  func.func @transform_5(%arg0: i32) -> (i32, i32) {
    %c0_i32 = arith.constant 0 : i32
    %c0_i32_0 = arith.constant 0 : i32
    return %arg0, %c0_i32 : i32, i32
  }
}

module attributes {stable_mosaic.version = 14 : i64} {
  func.func @_t3_body(%arg0: i32, %arg1: memref<2x632x128xf32, #tpu.memory_space<vmem>>, %arg2: memref<632x128xf32, #tpu.memory_space<vmem>>, %arg3: memref<632x1xf32, #tpu.memory_space<vmem>>, %arg4: memref<632x1xf32, #tpu.memory_space<vmem>>, %arg5: memref<1x128xf32, #tpu.memory_space<vmem>>, %arg6: memref<128x128xf32, #tpu.memory_space<vmem>>, %arg7: memref<632x128xf32, #tpu.memory_space<vmem>>) attributes {dimension_semantics = [#tpu.dimension_semantics<arbitrary>], iteration_bounds = array<i64: 16>, scalar_prefetch = 0 : i64, scratch_operands = 0 : i64, tpu.core_type = #tpu.core_type<tc>, window_params = [{transform_indices = @transform_0, window_bounds = array<i64: 2, 632, 128>}, {transform_indices = @transform_1, window_bounds = array<i64: 632, 128>}, {transform_indices = @transform_2, window_bounds = array<i64: 632, 1>}, {transform_indices = @transform_3, window_bounds = array<i64: 632, 1>}, {pipeline_mode = #tpu.pipeline_mode<synchronous>, transform_indices = @transform_4, window_bounds = array<i64: 1, 128>}, {pipeline_mode = #tpu.pipeline_mode<synchronous>, transform_indices = @transform_5, window_bounds = array<i64: 128, 128>}, {transform_indices = @transform_6, window_bounds = array<i64: 632, 128>}]} {
    %get3A = arith.constant 0 : index
    %get3A_0 = arith.constant 0 : index
    %get3A_1 = vector.load %arg3[%get3A, %get3A_0] : memref<632x1xf32, #tpu.memory_space<vmem>>, vector<632x1xf32>
    %get3A_2 = arith.constant 0 : index
    %get3A_3 = arith.constant 0 : index
    %get3A_4 = vector.load %arg4[%get3A_2, %get3A_3] : memref<632x1xf32, #tpu.memory_space<vmem>>, vector<632x1xf32>
    %add3A = arith.addf %get3A_1, %get3A_4 : vector<632x1xf32>
    %add3A_5 = arith.constant 1.000000e+00 : f32
    %add3A_6 = vector.broadcast %add3A_5 : f32 to vector<632x1xf32>
    %add3A_7 = arith.addf %add3A, %add3A_6 : vector<632x1xf32>
    %rsqrt3A = math.rsqrt %add3A_7 : vector<632x1xf32>
    %get3A_8 = arith.constant 0 : index
    %get3A_9 = arith.constant 0 : index
    %get3A_10 = arith.constant 0 : index
    %get3A_11 = vector.load %arg1[%get3A_8, %get3A_9, %get3A_10] : memref<2x632x128xf32, #tpu.memory_space<vmem>>, vector<1x632x128xf32>
    %get3A_12 = vector.shape_cast %get3A_11 : vector<1x632x128xf32> to vector<632x128xf32>
    %get3A_13 = arith.constant 1 : index
    %get3A_14 = arith.constant 0 : index
    %get3A_15 = arith.constant 0 : index
    %get3A_16 = vector.load %arg1[%get3A_13, %get3A_14, %get3A_15] : memref<2x632x128xf32, #tpu.memory_space<vmem>>, vector<1x632x128xf32>
    %get3A_17 = vector.shape_cast %get3A_16 : vector<1x632x128xf32> to vector<632x128xf32>
    %add3A_18 = arith.addf %get3A_12, %get3A_17 : vector<632x128xf32>
    %get3A_19 = arith.constant 0 : index
    %get3A_20 = arith.constant 0 : index
    %get3A_21 = vector.load %arg2[%get3A_19, %get3A_20] : memref<632x128xf32, #tpu.memory_space<vmem>>, vector<632x128xf32>
    %add3A_22 = arith.addf %add3A_18, %get3A_21 : vector<632x128xf32>
    %mul3A = vector.broadcast %rsqrt3A : vector<632x1xf32> to vector<632x128xf32>
    %mul3A_23 = arith.mulf %mul3A, %add3A_22 : vector<632x128xf32>
    %get3A_24 = arith.constant 0 : index
    %get3A_25 = arith.constant 0 : index
    %get3A_26 = vector.load %arg5[%get3A_24, %get3A_25] : memref<1x128xf32, #tpu.memory_space<vmem>>, vector<1x128xf32>
    %add3A_27 = vector.broadcast %get3A_26 : vector<1x128xf32> to vector<632x128xf32>
    %add3A_28 = arith.addf %mul3A_23, %add3A_27 : vector<632x128xf32>
    %max3A = arith.constant 0.000000e+00 : f32
    %max3A_29 = vector.broadcast %max3A : f32 to vector<632x128xf32>
    %max3A_30 = arith.maximumf %add3A_28, %max3A_29 : vector<632x128xf32>
    %get3A_31 = arith.constant 0 : index
    %get3A_32 = arith.constant 0 : index
    %get3A_33 = vector.load %arg6[%get3A_31, %get3A_32] : memref<128x128xf32, #tpu.memory_space<vmem>>, vector<128x128xf32>
    %dot_general3A = arith.constant dense<0.000000e+00> : vector<632x128xf32>
    %dot_general3A_34 = tpu.matmul %max3A_30, %get3A_33, %dot_general3A {dimension_numbers = #tpu.dot_dimension_numbers<[1], [0], [0], [1], [0, 0, 1, 1], [], []>, transpose_lhs_hint = false} : vector<632x128xf32>, vector<128x128xf32>, vector<632x128xf32> -> vector<632x128xf32>
    %mul3A_35 = vector.broadcast %rsqrt3A : vector<632x1xf32> to vector<632x128xf32>
    %mul3A_36 = arith.mulf %mul3A_35, %dot_general3A_34 : vector<632x128xf32>
    %swap3A = arith.constant 0 : index
    %swap3A_37 = arith.constant 0 : index
    %swap3A_38 = vector.load %arg7[%swap3A, %swap3A_37] : memref<632x128xf32, #tpu.memory_space<vmem>>, vector<632x128xf32>
    tpu.vector_store %arg7[%swap3A, %swap3A_37], %mul3A_36 {strides = array<i32>} : memref<632x128xf32, #tpu.memory_space<vmem>>, vector<632x128xf32>,
    return
  }
  func.func @transform_0(%arg0: i32) -> (i32, i32, i32) {
    %c0_i32 = arith.constant 0 : i32
    %c0_i32_0 = arith.constant 0 : i32
    %c0_i32_1 = arith.constant 0 : i32
    return %c0_i32, %arg0, %c0_i32_0 : i32, i32, i32
  }
  func.func @transform_1(%arg0: i32) -> (i32, i32) {
    %c0_i32 = arith.constant 0 : i32
    %c0_i32_0 = arith.constant 0 : i32
    return %arg0, %c0_i32 : i32, i32
  }
  func.func @transform_2(%arg0: i32) -> (i32, i32) {
    %c0_i32 = arith.constant 0 : i32
    %c0_i32_0 = arith.constant 0 : i32
    return %arg0, %c0_i32 : i32, i32
  }
  func.func @transform_3(%arg0: i32) -> (i32, i32) {
    %c0_i32 = arith.constant 0 : i32
    %c0_i32_0 = arith.constant 0 : i32
    return %arg0, %c0_i32 : i32, i32
  }
  func.func @transform_4(%arg0: i32) -> (i32, i32) {
    %c0_i32 = arith.constant 0 : i32
    %c0_i32_0 = arith.constant 0 : i32
    %c0_i32_1 = arith.constant 0 : i32
    return %c0_i32, %c0_i32_0 : i32, i32
  }
  func.func @transform_5(%arg0: i32) -> (i32, i32) {
    %c0_i32 = arith.constant 0 : i32
    %c0_i32_0 = arith.constant 0 : i32
    %c0_i32_1 = arith.constant 0 : i32
    return %c0_i32, %c0_i32_0 : i32, i32
  }
  func.func @transform_6(%arg0: i32) -> (i32, i32) {
    %c0_i32 = arith.constant 0 : i32
    %c0_i32_0 = arith.constant 0 : i32
    return %arg0, %c0_i32 : i32, i32
  }
}

</mosaic_0001>

<sc_bundles>
// kernel: kernel.11.cloned.1.call-start
scs
__scs_entry_jumppad:
0x0: {  	(pc) =	sbr.rel $0x88, $3  }
0x1: {  	(tag) =	ssettag $0x0;
	lr =	simm.s32 $0x1  }
0x2: {  	[smem:$0x3F99] =	sst lr;
	_ =	strace $0xD0000000  }
0x3: {  	_ = 	snop  }
0x4: {  	_ = 	snop  }
0x5: {  	_ = 	snop  }
0x6: {  	_ = 	snop  }
0x7: {  	_ = 	snop  }
__scs_overlays_trampoline_lowered:
0x8: {  	[smem:$0x3FA8] =	sst s0  }
0x9: {  	[smem:$0x3FA9] =	sst s1  }
0xa: {  	[smem:$0x3FAA] =	sst s2  }
0xb: {  	[smem:$0x3FAB] =	sst s3  }
0xc: {  	[smem:$0x3FAC] =	sst s4  }
0xd: {  	[smem:$0x3FAD] =	sst s5  }
0xe: {  	[smem:$0x3FAE] =	sst s6  }
0xf: {  	[smem:$0x3FAF] =	sst s7  }
0x10: {  	[smem:$0x3FB0] =	sst s8  }
0x11: {  	[smem:$0x3FB1] =	sst s9;
	s0 =	simm.s32 @!p0 $0x0  }
0x12: {  	s1 =	sld [smem:$0x3F97];
	s0 =	simm.s32 @p0 $0x1  }
0x13: {  	[smem:$0x3FB2] =	sst s0;
	s0 =	simm.s32 @!p1 $0x0  }
0x14: {  	s2 =	sld [smem:$0x3F96];
	s0 =	simm.s32 @p1 $0x1  }
0x15: {  	[smem:$0x3FB3] =	sst s0;
	s0 =	simm.s32 @!p2 $0x0  }
0x16: {  	s3 =	sld [smem:$0x3FDB];
	s0 =	simm.s32 @p2 $0x1  }
0x17: {  	s4 =	simm.s32 $0x1BF5;
	[smem:$0x3FB5] =	sst s0  }
0x18: {  	s0 =	sld [smem:$0x3F98];
	_ =	swait.ge [sflag:s4], $0x0  }
0x19: {  	s7 =	sld [smem:$0x3F99]  }
0x1a: {  	s8 =	sadd.s32 $0xFFFFE003, lr  }
0x1b: {  	s9 =	sadd.s32 $0xFFFFFEF7, lr;
	s5 =	simm.s32 $0xFFFFFFFF;
	p2 =	slt.u32 s8, $0xFFFFF086  }
0x1c: {  	p1 =	slt.u32 s9, $0xF7A;
	s5 =	simm.s32 @!p2 $0x0  }
0x1d: {  	s5 =	simm.s32 @p1 $0x1;
	p0 =	seq.s32 s7, s2  }
0x1e: {  	s7 =	smul.u32 @!p0 $0xF7A, s2;
	p2 =	seq.s32 @!p0 s5, $0x0  }
0x1f: {  	s9 =	smul.u32 $0xF7A, s1;
	s8 =	simm.s32 @!p0 $0x1BF5;
	p2 =	por !p2, p0  }
0x20: {  	[sflag:s8] =	ssyncset.s32 @!p0 $0xFFFFF086;
	s6 =	sadd.s32 @!p0 s3, s7;
	s7 =	simm.s32 @!p0 $0x108  }
0x21: {  	s3 =	sadd.s32 s3, s9;
	s6 =	sadd.s32 @!p0 $0x88, s6;
	s7 =	simm.s32 @p2 $0x1082  }
0x22: {  	[simem:s7], [sflag:s8] =	dma.local @!p0 [hbm:s6], $0xF7A  }
0x23: {  	s9 =	sor.u32 $0xD0000000, s2;
	s6 =	simm.s32 $0x108;
	_ =	swait.ge @!p0 [sflag:s8], $0x0  }
0x24: {  	s3 =	sadd.s32 $0x88, s3;
	s6 =	simm.s32 @!p1 $0x1082;
	[sflag:s4] =	ssyncset.s32 $0xFFFFF086  }
0x25: {  	[simem:s6], [sflag:s4] =	dma.local [hbm:s3], $0xF7A  }
0x26: {  	[smem:$0x3F99] =	sst s1;
	(tag) =	ssettag s2;
	_ =	strace s9  }
0x27: {  	s1 =	sld [smem:$0x3FA9]  }
0x28: {  	s2 =	sld [smem:$0x3FAA]  }
0x29: {  	s4 =	sld [smem:$0x3FAC]  }
0x2a: {  	p0 =	seq.s32 s5, $0x0;
	s5 =	sld [smem:$0x3FAD]  }
0x2b: {  	s6 =	sld [smem:$0x3FAE]  }
0x2c: {  	s7 =	sld [smem:$0x3FAF]  }
0x2d: {  	s3 =	simm.s32 $0x108;
	s8 =	sld [smem:$0x3FB0]  }
0x2e: {  	s3 =	simm.s32 @!p0 $0x1082;
	s9 =	sld [smem:$0x3FB1]  }
0x2f: {  	lr =	sadd.s32 s0, s3;
	s0 =	sld [smem:$0x3FA8]  }
0x30: {  	s3 =	sld [smem:$0x3FAB]  }
0x31: {  	[smem:$0x3FB4] =	sst s10  }
0x32: {  	s10 =	sld [smem:$0x3FB2];
	_ =	sdelay $0x3  }
0x33: {  	p0 =	seq.s32 s10, $0x1;
	s10 =	sld [smem:$0x3FB4];
	_ =	sdelay $0x3  }
0x34: {  	[smem:$0x3FB4] =	sst s10  }
0x35: {  	s10 =	sld [smem:$0x3FB3];
	_ =	sdelay $0x3  }
0x36: {  	p1 =	seq.s32 s10, $0x1;
	s10 =	sld [smem:$0x3FB4];
	_ =	sdelay $0x3  }
0x37: {  	[smem:$0x3FB4] =	sst s10  }
0x38: {  	s10 =	sld [smem:$0x3FB5]  }
0x39: {  	_ = 	snop;
	(pc) =	sbr.ind lr, $3  }
0x3a: {  	_ = 	snop  }
0x3b: {  	_ = 	snop  }
0x3c: {  	p2 =	seq.s32 s10, $0x1;
	s10 =	sld [smem:$0x3FB4]  }
0x3d: {  	_ =	shalt  }
0x3e: {  	_ =	shalt  }
0x3f: {  	_ =	shalt  }
0x40: {  	_ =	shalt  }
0x41: {  	_ =	shalt  }
0x42: {  	_ =	shalt  }
0x43: {  	_ =	shalt  }
0x44: {  	_ =	shalt  }
0x45: {  	_ =	shalt  }
0x46: {  	_ =	shalt  }
0x47: {  	_ =	shalt  }
0x48: {  	_ =	shalt  }
0x49: {  	_ =	shalt  }
0x4a: {  	_ =	shalt  }
0x4b: {  	_ =	shalt  }
0x4c: {  	_ =	shalt  }
0x4d: {  	_ =	shalt  }
0x4e: {  	_ =	shalt  }
0x4f: {  	_ =	shalt  }
0x50: {  	_ =	shalt  }
0x51: {  	_ =	shalt  }
0x52: {  	_ =	shalt  }
0x53: {  	_ =	shalt  }
0x54: {  	_ =	shalt  }
0x55: {  	_ =	shalt  }
0x56: {  	_ =	shalt  }
0x57: {  	_ =	shalt  }
0x58: {  	_ =	shalt  }
0x59: {  	_ =	shalt  }
0x5a: {  	_ =	shalt  }
0x5b: {  	_ =	shalt  }
0x5c: {  	_ =	shalt  }
0x5d: {  	_ =	shalt  }
0x5e: {  	_ =	shalt  }
0x5f: {  	_ =	shalt  }
0x60: {  	_ =	shalt  }
0x61: {  	_ =	shalt  }
0x62: {  	_ =	shalt  }
0x63: {  	_ =	shalt  }
0x64: {  	_ =	shalt  }
0x65: {  	_ =	shalt  }
0x66: {  	_ =	shalt  }
0x67: {  	_ =	shalt  }
0x68: {  	_ =	shalt  }
0x69: {  	_ =	shalt  }
0x6a: {  	_ =	shalt  }
0x6b: {  	_ =	shalt  }
0x6c: {  	_ =	shalt  }
0x6d: {  	_ =	shalt  }
0x6e: {  	_ =	shalt  }
0x6f: {  	_ =	shalt  }
0x70: {  	_ =	shalt  }
0x71: {  	_ =	shalt  }
0x72: {  	_ =	shalt  }
0x73: {  	_ =	shalt  }
0x74: {  	_ =	shalt  }
0x75: {  	_ =	shalt  }
0x76: {  	_ =	shalt  }
0x77: {  	_ =	shalt  }
0x78: {  	_ =	shalt  }
0x79: {  	_ =	shalt  }
0x7a: {  	_ =	shalt  }
0x7b: {  	_ =	shalt  }
0x7c: {  	_ =	shalt  }
0x7d: {  	_ =	shalt  }
0x7e: {  	_ =	shalt  }
0x7f: {  	_ =	shalt  }
0x80: {  	_ =	shalt  }
0x81: {  	_ =	shalt  }
0x82: {  	_ =	shalt  }
0x83: {  	_ =	shalt  }
0x84: {  	_ =	shalt  }
0x85: {  	_ =	shalt  }
0x86: {  	_ =	shalt  }
0x87: {  	_ =	shalt  }
.Lfunc_end0:
.L_simem_size_0:
called_computation_lowered:
.L_overlay_start_0:
0x88: {  	s2 =	sld [smem:$0x3FD9]  }
0x89: {  	s3 =	sld [smem:$0x3FFE];
	_ =	sdelay $0x1  }
0x8a: {  	s1 =	srdreg.scid  }
0x8b: {  	s0 =	sand.u32 $0x1, s1  }
0x8c: {  	s17 =	sshll.u32 s0, $0xA;
	s2 =	sadd.s32 s3, s2  }
0x8d: {  	s2 =	sadd.s32 s2, s17  }
0x8e: {  	[smem:$0x3FC0] =	sst s2  }
0x8f: {  	_ = 	snop  }
0x90: {  	s2 =	sld [smem:$0x3FD0];
	(tm) =	ssettm $0x1  }
0x91: {  	s18 =	sld [smem:$0x3FFB];
	_ =	sdelay $0x3  }
0x92: {  	_ =	strace s18  }
0x93: {  	s3 =	sld [smem:$0x3FFC];
	_ =	sdelay $0x3  }
0x94: {  	_ =	strace s3  }
0x95: {  	s3 =	sld [smem:$0x3FFD];
	_ =	sdelay $0x3  }
0x96: {  	_ =	strace s3  }
0x97: {  	_ =	strace $0x8FFFFFFF  }
0x98: {  	s19 =	sld [smem:$0x3FDB];
	_ =	sdelay $0x1  }
0x99: {  	s4 =	simm.s32 $_scs_section_size  }
0x9a: {  	s5 =	simm.s32 $_size__tile_overlayer_lowered;
	s6 =	simm.s32 $_tile_overlayer_lowered  }
0x9b: {  	s22 =	simm.s32 $0x1BFF;
	s21 =	sshll.u32 s6, $0x1;
	s3 =	sadd.s32 s4, s19  }
0x9c: {  	s7 =	simm.s32 $0x0;
	s20 =	sshll.u32 s5, $0x1;
	s5 =	sadd.s32 s21, s3  }
0x9d: {  	[timem:s7], [sflag:s22] =	dma.local [hbm:s5], s20  }
0x9e: {  	_ =	swait.ge [sflag:s22], s20  }
0x9f: {  	s4 =	ssub.s32 $0x0, s20;
	[sflag:s22] =	ssyncset.done $0x0  }
0xa0: {  	[sflag:s22] =	ssyncadd.s32 s4;
	_ =	sdelay $0x1  }
0xa1: {  	s23 =	simm.s32 $0x1B8B  }
0xa2: {  	_ =	swait.ge [sflag:s23], $0x1  }
0xa3: {  	[sflag:s23] =	ssyncset.done $0x0  }
0xa4: {  	s25 =	simm.s32 $0x1B8E;
	s24 =	sld [smem:$0x3FFE];
	[sflag:s23] =	ssyncadd.s32 $0xFFFFFFFF  }
0xa5: {  	s26 =	simm.s32 $execute0_lowered;
	[smem:$0x3FD2] =	sst s25  }
0xa6: {  	s5 =	sshll.u32 s26, $0x1;
	_ =	strace $0x80000046;
	[dreg:$0x1] =	wrdreg $0xFFFFFFFF  }
0xa7: {  	s28 =	simm.s32 $_size_execute0_lowered;
	s3 =	sadd.s32 s3, s5;
	[dreg:$0x0] =	wrdreg $0x0  }
0xa8: {  	s5 =	sshll.u32 s28, $0x1;
	[dreg:$0x2] =	wrdreg s3  }
0xa9: {  	[dreg:$0x3] =	wrdreg s5  }
0xaa: {  	[dreg:$0x4] =	wrdreg $0xC0  }
0xab: {  	_ =	task [dreg:s7], $0x5FFFF  }
0xac: {  	[dreg:$0x1] =	wrdreg $0xFFFFFFFF  }
0xad: {  	[dreg:$0x0] =	wrdreg $0x60  }
0xae: {  	[dreg:$0x2] =	wrdreg s2  }
0xaf: {  	[dreg:$0x3] =	wrdreg s24  }
0xb0: {  	[dreg:$0x4] =	wrdreg $0x94000  }
0xb1: {  	[dreg:$0x5] =	wrdreg $0x9  }
0xb2: {  	_ =	task.clear_ibuf [dreg:s7], $0x6FFFF;
	_ =	strace $0x90000046  }
0xb3: {  	s29 =	simm.s32 $0x9;
	_ =	strace $0x80000048  }
0xb4: {  	_ =	swait.ge [sflag:s29], $0x1  }
0xb5: {  	[sflag:s29] =	ssyncadd.s32 $0xFFFFFFFF  }
0xb6: {  	_ =	strace $0x90000048  }
0xb7: {  	_ =	sfence  }
0xb8: {  	s30 =	sld [smem:$0x0];
	_ =	sdelay $0x2  }
0xb9: {  	s31 =	sshll.u32 s1, $0xD;
	s1 =	sshrl.u32 s1, $0x2  }
0xba: {  	s3 =	sand.u32 $0x4000, s31;
	s1 =	sadd.s32 s1, s30  }
0xbb: {  	s0 =	sor.u32 s3, s0;
	s1 =	sshll.u32 s1, $0x11  }
0xbc: {  	s0 =	sor.u32 s1, s0  }
0xbd: {  	s0 =	sadd.s32 $0x8F2B, s0  }
0xbe: {  	[sflag:s0] =	ssyncadd.remote.s32 $0x1  }
0xbf: {  	_ =	sfence.sel $0xFFFF  }
0xc0: {  	[dreg:$0x0] =	wrdreg $0xFFFFFFFF;
	(pc) =	sbr.abs _section_cstart, $3  }
0xc1: {  	[dreg:$0x1] =	wrdreg $0xFFFFFFFF  }
0xc2: {  	_ =	task.clear_ibuf [dreg:s7], $0x2FFFF;
	_ =	strace $0x9FFFFFFF  }
0xc3: {  	(tm) =	ssettm $0x7FFFFFFF  }
tec
execute0_lowered:
.L_overlay_start_1:
0x0: {  	(tag) =	ssettag $0x1  }
0x1: {  	s9 =	rddreg [dreg:$0x0]  }
0x2: {  	s4 =	rddreg [dreg:$0x1];
	s0 =	srdreg.scid  }
0x3: {  	s2 =	rddreg [dreg:$0x2];
	s1 =	stileid.u32  }
0x4: {  	s3 =	simm.s32 $0x0;
	s14 =	simm.s32 $0x80;
	s7 =	smul.u32 $0x13C00, s1  }
0x5: {  	s15 =	simm.s32 $0x1400;
	s18 =	simm.s32 $0x0;
	s29 =	smul.u32 $0x4F000, s1  }
0x6: {  	s5 =	sand.u32 $0x1, s0;
	s0 =	rddreg [dreg:$0x3];
	s10 =	smul.u32 $0x1400, s1  }
0x7: {  	[smem:$0x7FF] =	sst s3;
	s16 =	sshll.u32 s1, $0x6;
	s6 =	smul.u32 $0x13C000, s5  }
0x8: {  	_ =	strace $0x80000047;
	s8 =	ssub.s32 $0x2, s5;
	p0 =	seq.s32 s5, $0x0  }
0x9: {  	s16 =	sor.u32 $0x1C01, s16;
	s30 =	sshrl.u32 s8, $0x1;
	s12 =	sadd.s32 $0x14000, s10  }
0xa: {  	s31 =	sshrl.u32 s29, $0x2;
	s6 =	sadd.s32 s7, s6;
	s12 =	smov.u32 @p0 s10  }
0xb: {  	s13 =	ssub.s32 s8, s30;
	s6 =	sshrl.u32 s6, $0x3;
	s10 =	sshrl.u32 s12, $0x3  }
0xc: {  	s12 =	simm.s32 $0x5400;
	s11 =	sadd.s32 s6, s4;
	s4 =	sadd.s32 s31, s2  }
0xd: {  	s9 =	sadd.s32 s9, s10;
	s5 =	sadd.s32 $0x4000, s4;
	s6 =	sadd.s32 $0x8000, s4  }
0xe: {  	s7 =	sadd.s32 $0xC000, s4;
	s8 =	sadd.s32 $0x10000, s4;
	s10 =	sadd.s32 $0xA000, s11  }
0xf: {  	v0 =	vimm.f32 $0.0e+00;
	v1 =	vimm.f32 $1.000000000e+00;
	s11 =	smax.u32 s13, $0x1;
	s13 =	simm.s32 $0x1;
	s17 =	sshrl.u32 s4, $0x3  }
.LBB2_1:
0x10: {  	s19 =	sand.u32 $0xFE00, s3  }
0x11: {  	s20 =	sand.u32 $0x70, s3;
	s21 =	sshrl.u32 s19, $0x2  }
0x12: {  	s19 =	simm.s32 $0x40;
	s21 =	sor.u32 s20, s21;
	s20 =	simm.s32 $0x0  }
.LBB2_2:
0x13: {  	p0 =	sne.s32 s19, $0xFFC0  }
0x14: {  	[tilespmem:s21+$0x5400] =	vst v0;
	s20 =	sadd.s32 $0x10, s20;
	s21 =	smov.u32 s19;
	s19 =	sadd.s32 $0x40, s19  }
.Ltmp0:
0x15: {  	(pc) =	sbr.rel @p0 .LBB2_2-.Ltmp0, $4  }
0x16: {  	_ = 	snop  }
0x17: {  	s21 =	sand.u32 $0xFE00, s21  }
0x18: {  	s22 =	sand.u32 $0x70, s20;
	s21 =	sshrl.u32 s21, $0x2  }
0x19: {  	s21 =	sor.u32 s22, s21  }
0x1a: {  	[tilespmem:s21+$0x5400] =	vst v0  }
0x1b: {  	[spmem:s4] =	stream.linear.scatter [tilespmem:s12], [sflag:$0x1], $0x4000, $0x38;
	[tilespmem:$0x1D000] =	vst v63  }
0x1c: {  	_ =	swait.ge [sflag:s13], $0x4000  }
0x1d: {  	[sflag:s13] =	ssyncset.done $0x0  }
0x1e: {  	[sflag:s13] =	ssyncadd.s32 $0xFFFFC000  }
0x1f: {  	[spmem:s5] =	stream.linear.scatter [tilespmem:s12], [sflag:$0x1], $0x4000, $0x38;
	[tilespmem:$0x1D000] =	vst v63  }
0x20: {  	_ =	swait.ge [sflag:s13], $0x4000  }
0x21: {  	[sflag:s13] =	ssyncset.done $0x0  }
0x22: {  	[sflag:s13] =	ssyncadd.s32 $0xFFFFC000  }
0x23: {  	[spmem:s6] =	stream.linear.scatter [tilespmem:s12], [sflag:$0x1], $0x4000, $0x38;
	[tilespmem:$0x1D000] =	vst v63  }
0x24: {  	_ =	swait.ge [sflag:s13], $0x4000  }
0x25: {  	[sflag:s13] =	ssyncset.done $0x0  }
0x26: {  	[sflag:s13] =	ssyncadd.s32 $0xFFFFC000  }
0x27: {  	[spmem:s7] =	stream.linear.scatter [tilespmem:s12], [sflag:$0x1], $0x4000, $0x38;
	[tilespmem:$0x1D000] =	vst v63  }
0x28: {  	_ =	swait.ge [sflag:s13], $0x4000  }
0x29: {  	[sflag:s13] =	ssyncset.done $0x0  }
0x2a: {  	s19 =	simm.s32 $0x0;
	[sflag:s13] =	ssyncadd.s32 $0xFFFFC000  }
0x2b: {  	[spmem:s8] =	stream.linear.scatter [tilespmem:s12], [sflag:$0x1], $0x3C00, $0x38;
	[tilespmem:$0x1D000] =	vst v63  }
0x2c: {  	s20 =	sand.u32 $0xFE00, s19;
	_ =	swait.ge [sflag:s13], $0x3C00  }
0x2d: {  	s31 =	sand.u32 $0x70, s19;
	s22 =	sshrl.u32 s20, $0x2;
	[sflag:s13] =	ssyncset.done $0x0  }
0x2e: {  	s20 =	simm.s32 $0x40;
	s21 =	sor.u32 s31, s22;
	[sflag:s13] =	ssyncadd.s32 $0xFFFFC400  }
.LBB2_4:
0x2f: {  	p0 =	sne.s32 s20, $0xFFC0  }
0x30: {  	[tilespmem:s21+$0x1400] =	vst v1;
	s19 =	sadd.s32 $0x10, s19;
	s21 =	smov.u32 s20;
	s20 =	sadd.s32 $0x40, s20  }
.Ltmp1:
0x31: {  	(pc) =	sbr.rel @p0 .LBB2_4-.Ltmp1, $4  }
0x32: {  	_ = 	snop  }
0x33: {  	s21 =	sand.u32 $0xFE00, s21  }
0x34: {  	s22 =	sand.u32 $0x70, s19;
	s21 =	sshrl.u32 s21, $0x2  }
0x35: {  	s21 =	sor.u32 s22, s21  }
0x36: {  	[tilespmem:s21+$0x1400] =	vst v1;
	s19 =	simm.s32 $0x0  }
0x37: {  	[tilespmem:s19], [sflag:$0x1] =	stream.linear.gather [hbm4b:s9+s19], $0x1400, $0x38;
	[tilespmem:$0x1D000] =	vst v63  }
0x38: {  	_ =	swait.ge [sflag:s13], $0x1400  }
0x39: {  	[sflag:s13] =	ssyncset.done $0x0  }
0x3a: {  	[sflag:s13] =	ssyncadd.s32 $0xFFFFEC00  }
0x3b: {  	s31 =	simm.s32 $0x0;
	[bflag:$0x0] =	sbarrier.arrive $0xFFFF  }
0x3c: {  	[spmem:s2] =	stream.indirect.scatter.add.f32 [tilespmem:s15], [sflag:$0x1], $0x80, s31, s14, $0xb8;
	[tilespmem:$0x1D000] =	vst v63  }
0x3d: {  	_ =	swait.ge [sflag:s13], $0x4000  }
0x3e: {  	s19 =	simm.s32 $0x200;
	[sflag:s13] =	ssyncset.done $0x0  }
.LBB2_6:
0x3f: {  	s20 =	sshra.s32 s19, $0x2;
	[sflag:s13] =	ssyncadd.s32 $0xFFFFC000;
	p0 =	sne.s32 s19, $0x4E00  }
0x40: {  	[spmem:s2] =	stream.indirect.scatter.add.f32 [tilespmem:s15], [sflag:$0x1], $0x80, s20, s14, $0xb8;
	[tilespmem:$0x1D000] =	vst v63  }
.Ltmp2:
0x41: {  	_ = 	snop;
	(pc) =	sbr.rel @p0 .LBB2_6-.Ltmp2, $4  }
0x42: {  	_ = 	snop  }
0x43: {  	s19 =	sadd.s32 $0x200, s19  }
0x44: {  	_ =	swait.ge [sflag:s13], $0x4000  }
0x45: {  	[sflag:s13] =	ssyncset.done $0x0  }
0x46: {  	s18 =	sadd.s32 $0x1, s18  }
0x47: {  	[sflag:s13] =	ssyncadd.s32 $0xFFFFC000;
	p0 =	sne.s32 s18, s11  }
.Ltmp3:
0x48: {  	[bflag:$0x0] =	sbarrier.arrive $0xFFFF;
	(pc) =	sbr.rel @p0 .LBB2_1-.Ltmp3, $4  }
0x49: {  	[hbm:s10], [sflag:s16] =	dma.local [spmem:s17], $0x2780  }
0x4a: {  	_ =	swait.ge [sflag:s13], $0x2780  }
0x4b: {  	[sflag:s13] =	ssyncset.done $0x0  }
0x4c: {  	[sflag:s13] =	ssyncadd.s32 $0xFFFFD880  }
0x4d: {  	_ =	sfence.sel $0x180000  }
0x4e: {  	[bflag:$0x0] =	sbarrier.arrive $0xFFFF  }
0x4f: {  	p0 =	sne.s32 s1, $0x0;
	_ =	strace $0x90000047  }
0x50: {  	s0 =	sadd.s32 @!p0 $0x100000, s0;
	[bflag:$0x2] =	sbarrier.arrive $0xFFFF  }
0x51: {  	[sflag:s0] =	ssyncadd.tile.s32 @!p0 $0x1;
	_ =	shalt  }
.Lfunc_end2:
_tile_overlayer_lowered:
.L_overlay_start_2:
0x52: {  	(tag) =	ssettag $0x2  }
0x53: {  	s0 =	rddreg [dreg:$0x0];
	s2 =	stileid.u32  }
0x54: {  	s1 =	rddreg [dreg:$0x1];
	p0 =	sne.s32 s2, $0x0  }
0x55: {  	s3 =	rddreg [dreg:$0x2];
	[bflag:$0x3] =	sbarrier.arrive $0xFFFF;
	s2 =	simm.s32 @!p0 $0x1C01  }
0x56: {  	[timem:s3], [sflag:s2] =	dma.local @!p0 [hbm:s0], s1  }
0x57: {  	s0 =	simm.s32 @!p0 $0x1  }
0x58: {  	_ =	swait.ge @!p0 [sflag:s0], s1  }
0x59: {  	s1 =	ssub.s32 @!p0 $0x0, s1;
	[sflag:s0] =	ssyncset.done @!p0 $0x0  }
0x5a: {  	[sflag:s0] =	ssyncadd.s32 @!p0 s1  }
0x5b: {  	[bflag:$0x3] =	sbarrier.arrive $0xFFFF  }
0x5c: {  	_ =	shalt  }

// kernel: kernel.14.cloned.1.call-start
scs
__scs_entry_jumppad:
0x0: {  	(pc) =	sbr.rel $0x88, $3  }
0x1: {  	(tag) =	ssettag $0x0;
	lr =	simm.s32 $0x1  }
0x2: {  	[smem:$0x3F99] =	sst lr;
	_ =	strace $0xD0000000  }
0x3: {  	_ = 	snop  }
0x4: {  	_ = 	snop  }
0x5: {  	_ = 	snop  }
0x6: {  	_ = 	snop  }
0x7: {  	_ = 	snop  }
__scs_overlays_trampoline_lowered:
0x8: {  	[smem:$0x3FA8] =	sst s0  }
0x9: {  	[smem:$0x3FA9] =	sst s1  }
0xa: {  	[smem:$0x3FAA] =	sst s2  }
0xb: {  	[smem:$0x3FAB] =	sst s3  }
0xc: {  	[smem:$0x3FAC] =	sst s4  }
0xd: {  	[smem:$0x3FAD] =	sst s5  }
0xe: {  	[smem:$0x3FAE] =	sst s6  }
0xf: {  	[smem:$0x3FAF] =	sst s7  }
0x10: {  	[smem:$0x3FB0] =	sst s8  }
0x11: {  	[smem:$0x3FB1] =	sst s9;
	s0 =	simm.s32 @!p0 $0x0  }
0x12: {  	s1 =	sld [smem:$0x3F97];
	s0 =	simm.s32 @p0 $0x1  }
0x13: {  	[smem:$0x3FB2] =	sst s0;
	s0 =	simm.s32 @!p1 $0x0  }
0x14: {  	s2 =	sld [smem:$0x3F96];
	s0 =	simm.s32 @p1 $0x1  }
0x15: {  	[smem:$0x3FB3] =	sst s0;
	s0 =	simm.s32 @!p2 $0x0  }
0x16: {  	s3 =	sld [smem:$0x3FDB];
	s0 =	simm.s32 @p2 $0x1  }
0x17: {  	s4 =	simm.s32 $0x1BF5;
	[smem:$0x3FB5] =	sst s0  }
0x18: {  	s0 =	sld [smem:$0x3F98];
	_ =	swait.ge [sflag:s4], $0x0  }
0x19: {  	s7 =	sld [smem:$0x3F99]  }
0x1a: {  	s8 =	sadd.s32 $0xFFFFE003, lr  }
0x1b: {  	s9 =	sadd.s32 $0xFFFFFEF7, lr;
	s5 =	simm.s32 $0xFFFFFFFF;
	p2 =	slt.u32 s8, $0xFFFFF086  }
0x1c: {  	p1 =	slt.u32 s9, $0xF7A;
	s5 =	simm.s32 @!p2 $0x0  }
0x1d: {  	s5 =	simm.s32 @p1 $0x1;
	p0 =	seq.s32 s7, s2  }
0x1e: {  	s7 =	smul.u32 @!p0 $0xF7A, s2;
	p2 =	seq.s32 @!p0 s5, $0x0  }
0x1f: {  	s9 =	smul.u32 $0xF7A, s1;
	s8 =	simm.s32 @!p0 $0x1BF5;
	p2 =	por !p2, p0  }
0x20: {  	[sflag:s8] =	ssyncset.s32 @!p0 $0xFFFFF086;
	s6 =	sadd.s32 @!p0 s3, s7;
	s7 =	simm.s32 @!p0 $0x108  }
0x21: {  	s3 =	sadd.s32 s3, s9;
	s6 =	sadd.s32 @!p0 $0x88, s6;
	s7 =	simm.s32 @p2 $0x1082  }
0x22: {  	[simem:s7], [sflag:s8] =	dma.local @!p0 [hbm:s6], $0xF7A  }
0x23: {  	s9 =	sor.u32 $0xD0000000, s2;
	s6 =	simm.s32 $0x108;
	_ =	swait.ge @!p0 [sflag:s8], $0x0  }
0x24: {  	s3 =	sadd.s32 $0x88, s3;
	s6 =	simm.s32 @!p1 $0x1082;
	[sflag:s4] =	ssyncset.s32 $0xFFFFF086  }
0x25: {  	[simem:s6], [sflag:s4] =	dma.local [hbm:s3], $0xF7A  }
0x26: {  	[smem:$0x3F99] =	sst s1;
	(tag) =	ssettag s2;
	_ =	strace s9  }
0x27: {  	s1 =	sld [smem:$0x3FA9]  }
0x28: {  	s2 =	sld [smem:$0x3FAA]  }
0x29: {  	s4 =	sld [smem:$0x3FAC]  }
0x2a: {  	p0 =	seq.s32 s5, $0x0;
	s5 =	sld [smem:$0x3FAD]  }
0x2b: {  	s6 =	sld [smem:$0x3FAE]  }
0x2c: {  	s7 =	sld [smem:$0x3FAF]  }
0x2d: {  	s3 =	simm.s32 $0x108;
	s8 =	sld [smem:$0x3FB0]  }
0x2e: {  	s3 =	simm.s32 @!p0 $0x1082;
	s9 =	sld [smem:$0x3FB1]  }
0x2f: {  	lr =	sadd.s32 s0, s3;
	s0 =	sld [smem:$0x3FA8]  }
0x30: {  	s3 =	sld [smem:$0x3FAB]  }
0x31: {  	[smem:$0x3FB4] =	sst s10  }
0x32: {  	s10 =	sld [smem:$0x3FB2];
	_ =	sdelay $0x3  }
0x33: {  	p0 =	seq.s32 s10, $0x1;
	s10 =	sld [smem:$0x3FB4];
	_ =	sdelay $0x3  }
0x34: {  	[smem:$0x3FB4] =	sst s10  }
0x35: {  	s10 =	sld [smem:$0x3FB3];
	_ =	sdelay $0x3  }
0x36: {  	p1 =	seq.s32 s10, $0x1;
	s10 =	sld [smem:$0x3FB4];
	_ =	sdelay $0x3  }
0x37: {  	[smem:$0x3FB4] =	sst s10  }
0x38: {  	s10 =	sld [smem:$0x3FB5]  }
0x39: {  	_ = 	snop;
	(pc) =	sbr.ind lr, $3  }
0x3a: {  	_ = 	snop  }
0x3b: {  	_ = 	snop  }
0x3c: {  	p2 =	seq.s32 s10, $0x1;
	s10 =	sld [smem:$0x3FB4]  }
0x3d: {  	_ =	shalt  }
0x3e: {  	_ =	shalt  }
0x3f: {  	_ =	shalt  }
0x40: {  	_ =	shalt  }
0x41: {  	_ =	shalt  }
0x42: {  	_ =	shalt  }
0x43: {  	_ =	shalt  }
0x44: {  	_ =	shalt  }
0x45: {  	_ =	shalt  }
0x46: {  	_ =	shalt  }
0x47: {  	_ =	shalt  }
0x48: {  	_ =	shalt  }
0x49: {  	_ =	shalt  }
0x4a: {  	_ =	shalt  }
0x4b: {  	_ =	shalt  }
0x4c: {  	_ =	shalt  }
0x4d: {  	_ =	shalt  }
0x4e: {  	_ =	shalt  }
0x4f: {  	_ =	shalt  }
0x50: {  	_ =	shalt  }
0x51: {  	_ =	shalt  }
0x52: {  	_ =	shalt  }
0x53: {  	_ =	shalt  }
0x54: {  	_ =	shalt  }
0x55: {  	_ =	shalt  }
0x56: {  	_ =	shalt  }
0x57: {  	_ =	shalt  }
0x58: {  	_ =	shalt  }
0x59: {  	_ =	shalt  }
0x5a: {  	_ =	shalt  }
0x5b: {  	_ =	shalt  }
0x5c: {  	_ =	shalt  }
0x5d: {  	_ =	shalt  }
0x5e: {  	_ =	shalt  }
0x5f: {  	_ =	shalt  }
0x60: {  	_ =	shalt  }
0x61: {  	_ =	shalt  }
0x62: {  	_ =	shalt  }
0x63: {  	_ =	shalt  }
0x64: {  	_ =	shalt  }
0x65: {  	_ =	shalt  }
0x66: {  	_ =	shalt  }
0x67: {  	_ =	shalt  }
0x68: {  	_ =	shalt  }
0x69: {  	_ =	shalt  }
0x6a: {  	_ =	shalt  }
0x6b: {  	_ =	shalt  }
0x6c: {  	_ =	shalt  }
0x6d: {  	_ =	shalt  }
0x6e: {  	_ =	shalt  }
0x6f: {  	_ =	shalt  }
0x70: {  	_ =	shalt  }
0x71: {  	_ =	shalt  }
0x72: {  	_ =	shalt  }
0x73: {  	_ =	shalt  }
0x74: {  	_ =	shalt  }
0x75: {  	_ =	shalt  }
0x76: {  	_ =	shalt  }
0x77: {  	_ =	shalt  }
0x78: {  	_ =	shalt  }
0x79: {  	_ =	shalt  }
0x7a: {  	_ =	shalt  }
0x7b: {  	_ =	shalt  }
0x7c: {  	_ =	shalt  }
0x7d: {  	_ =	shalt  }
0x7e: {  	_ =	shalt  }
0x7f: {  	_ =	shalt  }
0x80: {  	_ =	shalt  }
0x81: {  	_ =	shalt  }
0x82: {  	_ =	shalt  }
0x83: {  	_ =	shalt  }
0x84: {  	_ =	shalt  }
0x85: {  	_ =	shalt  }
0x86: {  	_ =	shalt  }
0x87: {  	_ =	shalt  }
.Lfunc_end0:
.L_simem_size_0:
called_computation.1_lowered:
.L_overlay_start_0:
0x88: {  	s2 =	sld [smem:$0x3FD9]  }
0x89: {  	s3 =	sld [smem:$0x3FFE];
	_ =	sdelay $0x1  }
0x8a: {  	s1 =	srdreg.scid  }
0x8b: {  	s0 =	sand.u32 $0x1, s1  }
0x8c: {  	s17 =	sshll.u32 s0, $0xA;
	s2 =	sadd.s32 s3, s2  }
0x8d: {  	s2 =	sadd.s32 s2, s17  }
0x8e: {  	[smem:$0x3FC0] =	sst s2  }
0x8f: {  	_ = 	snop  }
0x90: {  	s18 =	sld [smem:$0x3FD0];
	(tm) =	ssettm $0x1  }
0x91: {  	s19 =	sld [smem:$0x3FFB];
	_ =	sdelay $0x3  }
0x92: {  	_ =	strace s19  }
0x93: {  	s2 =	sld [smem:$0x3FFC];
	_ =	sdelay $0x3  }
0x94: {  	_ =	strace s2  }
0x95: {  	s2 =	sld [smem:$0x3FFD];
	_ =	sdelay $0x3  }
0x96: {  	_ =	strace s2  }
0x97: {  	_ =	strace $0x8FFFFFFF  }
0x98: {  	s20 =	sld [smem:$0x3FDB];
	_ =	sdelay $0x1  }
0x99: {  	s4 =	simm.s32 $_scs_section_size  }
0x9a: {  	s5 =	simm.s32 $_size__tile_overlayer_lowered;
	s6 =	simm.s32 $_tile_overlayer_lowered  }
0x9b: {  	s7 =	simm.s32 $0x1BFF;
	s21 =	sshll.u32 s6, $0x1;
	s4 =	sadd.s32 s4, s20  }
0x9c: {  	s22 =	simm.s32 $0x0;
	s5 =	sshll.u32 s5, $0x1;
	s6 =	sadd.s32 s21, s4  }
0x9d: {  	[timem:s22], [sflag:s7] =	dma.local [hbm:s6], s5  }
0x9e: {  	_ =	swait.ge [sflag:s7], s5  }
0x9f: {  	s5 =	ssub.s32 $0x0, s5;
	[sflag:s7] =	ssyncset.done $0x0  }
0xa0: {  	[sflag:s7] =	ssyncadd.s32 s5;
	_ =	sdelay $0x1  }
0xa1: {  	s23 =	simm.s32 $0x1B8B  }
0xa2: {  	_ =	swait.ge [sflag:s23], $0x1  }
0xa3: {  	[sflag:s23] =	ssyncset.done $0x0  }
0xa4: {  	[sflag:s23] =	ssyncadd.s32 $0xFFFFFFFF  }
0xa5: {  	s5 =	sld [smem:$0x0]  }
0xa6: {  	s6 =	sand.u32 $0xFFFFFFFE, s1  }
0xa7: {  	p0 =	sne.s32 s1, s6  }
0xa8: {  	s6 =	sshll.u32 @p0 s6, $0xE  }
0xa9: {  	s6 =	sadd.s32 @p0 $0x11B8D, s6;
	s7 =	sshll.u32 @p0 s5, $0x11  }
0xaa: {  	s6 =	sor.u32 @p0 s7, s6  }
0xab: {  	[sflag:s6] =	ssyncadd.remote.s32 @p0 $0x1;
	_ =	sdelay $0x1  }
0xac: {  	s6 =	simm.s32 @p0 $0x1B8D  }
0xad: {  	_ =	swait.eq @p0 [sflag:s6], $0x1  }
0xae: {  	[sflag:s6] =	ssyncadd.s32 @p0 $0xFFFFFFFF  }
0xaf: {  	s7 =	sshll.u32 @!p0 s1, $0xE  }
0xb0: {  	s7 =	sor.u32 @!p0 $0x4000, s7;
	s6 =	simm.s32 @!p0 $0x1B8D  }
0xb1: {  	s5 =	sshll.u32 @!p0 s5, $0x11;
	s7 =	sadd.s32 @!p0 $0x11B8D, s7;
	_ =	swait.eq @!p0 [sflag:s6], $0x1  }
0xb2: {  	s5 =	sor.u32 @!p0 s5, s7;
	[sflag:s6] =	ssyncadd.s32 @!p0 $0xFFFFFFFF  }
0xb3: {  	s25 =	simm.s32 $0x1B8E;
	s24 =	sld [smem:$0x3FFE];
	[sflag:s5] =	ssyncadd.remote.s32 @!p0 $0x1  }
0xb4: {  	s26 =	simm.s32 $execute0_lowered;
	[smem:$0x3FD2] =	sst s25  }
0xb5: {  	s6 =	sshll.u32 s26, $0x1;
	_ =	strace $0x8000004C;
	[dreg:$0x1] =	wrdreg $0xFFFFFFFF  }
0xb6: {  	s28 =	simm.s32 $_size_execute0_lowered;
	s4 =	sadd.s32 s4, s6;
	[dreg:$0x0] =	wrdreg $0x0  }
0xb7: {  	s6 =	sshll.u32 s28, $0x1;
	[dreg:$0x2] =	wrdreg s4  }
0xb8: {  	[dreg:$0x3] =	wrdreg s6  }
0xb9: {  	[dreg:$0x4] =	wrdreg $0xC0  }
0xba: {  	_ =	task [dreg:s22], $0x5FFFF  }
0xbb: {  	[dreg:$0x1] =	wrdreg $0xFFFFFFFF  }
0xbc: {  	[dreg:$0x0] =	wrdreg $0x60  }
0xbd: {  	[dreg:$0x2] =	wrdreg s24  }
0xbe: {  	[dreg:$0x3] =	wrdreg s18  }
0xbf: {  	[dreg:$0x4] =	wrdreg $0xB8000  }
0xc0: {  	[dreg:$0x5] =	wrdreg $0x9  }
0xc1: {  	_ =	task.clear_ibuf [dreg:s22], $0x6FFFF;
	_ =	strace $0x9000004C  }
0xc2: {  	s29 =	simm.s32 $0x9;
	_ =	strace $0x8000004E  }
0xc3: {  	_ =	swait.ge [sflag:s29], $0x1  }
0xc4: {  	[sflag:s29] =	ssyncadd.s32 $0xFFFFFFFF  }
0xc5: {  	_ =	strace $0x9000004E  }
0xc6: {  	_ =	sfence  }
0xc7: {  	s30 =	sld [smem:$0x0];
	_ =	sdelay $0x2  }
0xc8: {  	s31 =	sshll.u32 s1, $0xD;
	s1 =	sshrl.u32 s1, $0x2  }
0xc9: {  	s4 =	sand.u32 $0x4000, s31;
	s1 =	sadd.s32 s1, s30  }
0xca: {  	s0 =	sor.u32 s4, s0;
	s1 =	sshll.u32 s1, $0x11  }
0xcb: {  	s0 =	sor.u32 s1, s0  }
0xcc: {  	s0 =	sadd.s32 $0x8F2B, s0  }
0xcd: {  	[sflag:s0] =	ssyncadd.remote.s32 $0x1  }
0xce: {  	_ =	sfence.sel $0xFFFF  }
0xcf: {  	[dreg:$0x0] =	wrdreg $0xFFFFFFFF;
	(pc) =	sbr.abs _section_cstart, $3  }
0xd0: {  	[dreg:$0x1] =	wrdreg $0xFFFFFFFF  }
0xd1: {  	_ =	task.clear_ibuf [dreg:s22], $0x2FFFF;
	_ =	strace $0x9FFFFFFF  }
0xd2: {  	(tm) =	ssettm $0x7FFFFFFF  }
0xd3: {  	_ =	shalt  }
tec
execute0_lowered:
.L_overlay_start_1:
0x0: {  	(tag) =	ssettag $0x1  }
0x1: {  	s0 =	rddreg [dreg:$0x0]  }
0x2: {  	s10 =	rddreg [dreg:$0x1]  }
0x3: {  	s1 =	rddreg [dreg:$0x2];
	s2 =	srdreg.scid;
	s3 =	simm.s32 $0x0  }
0x4: {  	s23 =	stileid.u32;
	s12 =	simm.s32 $0x8;
	s21 =	simm.s32 $0x7800  }
0x5: {  	s22 =	simm.s32 $0x3;
	s28 =	simm.s32 $0x2;
	s7 =	smul.u32 $0x13C00, s23  }
0x6: {  	s29 =	simm.s32 $0x0;
	s5 =	sand.u32 $0x1, s2;
	s9 =	smul.u32 $0x4F000, s23  }
0x7: {  	[smem:$0x7FF] =	sst s3;
	s4 =	sadd.s32 $0x58800, s0;
	s16 =	smul.u32 $0x2400, s23  }
0x8: {  	s15 =	sadd.s32 $0x4400, s0;
	s26 =	sshll.u32 s23, $0x3;
	s6 =	smul.u32 $0x13C000, s5  }
0x9: {  	_ =	strace $0x8000004D;
	s24 =	ssub.s32 $0x2, s5;
	p0 =	seq.s32 s5, $0x1  }
0xa: {  	s8 =	sshrl.u32 s24, $0x1;
	s25 =	sshrl.u32 s9, $0x2;
	s12 =	simm.s32 @!p0 $0x48  }
0xb: {  	s16 =	sshrl.u32 s16, $0x3;
	s6 =	sadd.s32 s7, s6;
	s19 =	ssub.s32 s24, s8  }
0xc: {  	s8 =	smul.u32 $0x48, s23;
	s5 =	sadd.s32 s25, s1;
	s7 =	sor.u32 $0x480, s26  }
0xd: {  	s11 =	smin.u32 s12, $0x28;
	s18 =	smax.u32 s12, $0x28;
	s24 =	simm.s32 $0x80  }
0xe: {  	s25 =	simm.s32 $0x3800;
	s26 =	simm.s32 $0x1;
	s6 =	sshrl.u32 s6, $0x3  }
0xf: {  	s9 =	sadd.s32 $0x10000, s5;
	s20 =	sshrl.u32 s11, $0x1;
	s8 =	smov.u32 @p0 s7  }
0x10: {  	s19 =	smax.u32 s19, $0x1;
	s0 =	sadd.s32 s6, s0;
	s14 =	sshll.u32 s8, $0x4  }
.Ltmp0:
0x11: {  	s6 =	sadd.s32 $0x4000, s5;
	s10 =	sadd.s32 s10, s14;
	(pc) =	sbr.rel .LBB2_1-.Ltmp0, $4  }
0x12: {  	s12 =	sadd.s32 s15, s14;
	s14 =	sadd.s32 $0xFFFFFFD8, s18;
	s15 =	sadd.s32 s15, s16  }
0x13: {  	s7 =	sadd.s32 $0x8000, s5;
	s30 =	sadd.s32 $0x280, s15;
	s18 =	sshrl.u32 s14, $0x1  }
0x14: {  	s20 =	sadd.s32 $0xFFFFFFFF, s20;
	[dreg:$0x4] =	wrdreg s30;
	s31 =	smax.u32 s18, $0x1  }
0x15: {  	v0 =	vimm.f32 $0.0e+00;
	s8 =	sadd.s32 $0xC000, s5;
	s16 =	sadd.s32 $0xCF000, s0;
	[dreg:$0x5] =	wrdreg s31  }
.LBB2_12:
0x16: {  	[sflag:s22] =	ssyncset.done @p1 $0x0  }
0x17: {  	s2 =	simm.s32 @!p3 $0x80;
	s15 =	simm.s32 @!p3 $0x7800;
	[sflag:s22] =	ssyncadd.s32 @p1 $0xFFFFC000  }
0x18: {  	[tilespmem:s15], [sflag:$0x2] =	stream.indirect.gather @!p3 [hbm4b:s4+s2], $0x80, s31, s2, $0xb8;
	[tilespmem:$0x1F400] =	vst v63  }
0x19: {  	_ =	swait.ge [sflag:s26], $0x4000  }
0x1a: {  	[sflag:s26] =	ssyncset.done $0x0  }
0x1b: {  	s23 =	sadd.s32 $0xFFFFFF80, s30;
	s0 =	sadd.s32 $0x1, s0;
	[sflag:s26] =	ssyncadd.s32 $0xFFFFC000  }
0x1c: {  	[spmem:s1] =	stream.indirect.scatter.add.f32 [tilespmem:s25], [sflag:$0x3], $0x80, s23, s24, $0xb8;
	[tilespmem:$0x1F400] =	vst v63  }
0x1d: {  	p1 =	sge.u32 s0, s14;
	_ =	swait.ge [sflag:s22], $0x4000  }
0x1e: {  	s0 =	sadd.s32 @!p1 $0x80, s31;
	[sflag:s22] =	ssyncset.done $0x0  }
0x1f: {  	s2 =	simm.s32 @!p1 $0x80;
	s15 =	simm.s32 @!p1 $0x3800;
	[sflag:s22] =	ssyncadd.s32 $0xFFFFC000  }
0x20: {  	[tilespmem:s15], [sflag:$0x1] =	stream.indirect.gather @!p1 [hbm4b:s4+s2], $0x80, s0, s2, $0xb8;
	[tilespmem:$0x1F400] =	vst v63  }
0x21: {  	_ =	swait.ge [sflag:s28], $0x4000  }
0x22: {  	[sflag:s28] =	ssyncset.done $0x0  }
0x23: {  	[sflag:s28] =	ssyncadd.s32 $0xFFFFC000  }
0x24: {  	[spmem:s1] =	stream.indirect.scatter.add.f32 [tilespmem:s21], [sflag:$0x3], $0x80, s30, s24, $0xb8;
	[tilespmem:$0x1F400] =	vst v63  }
0x25: {  	_ =	swait.ge [sflag:s22], $0x4000  }
0x26: {  	[sflag:s22] =	ssyncset.done $0x0  }
0x27: {  	[sflag:s22] =	ssyncadd.s32 $0xFFFFC000  }
.LBB2_13:
0x28: {  	s0 =	stileid.u32;
	s29 =	sadd.s32 $0x1, s29  }
0x29: {  	[bflag:$0x0] =	sbarrier.arrive $0xFFFF;
	s0 =	sshll.u32 s0, $0x6;
	p1 =	sne.s32 s29, s19  }
.Ltmp1:
0x2a: {  	s2 =	sshrl.u32 s5, $0x3;
	s0 =	sor.u32 $0x1C03, s0;
	(pc) =	sbr.rel @!p1 .LBB2_14-.Ltmp1, $4  }
0x2b: {  	[hbm:s16], [sflag:s0] =	dma.local [spmem:s2], $0x2780  }
0x2c: {  	_ =	swait.ge [sflag:s22], $0x2780  }
0x2d: {  	[sflag:s22] =	ssyncset.done $0x0  }
0x2e: {  	[sflag:s22] =	ssyncadd.s32 $0xFFFFD880  }
.LBB2_1:
0x2f: {  	s0 =	sand.u32 $0xFE00, s3  }
0x30: {  	s23 =	sand.u32 $0x70, s3;
	s30 =	sshrl.u32 s0, $0x2  }
0x31: {  	s0 =	simm.s32 $0x40;
	s30 =	sor.u32 s23, s30;
	s23 =	simm.s32 $0x0  }
.LBB2_2:
0x32: {  	p1 =	sne.s32 s0, $0xFFC0  }
0x33: {  	[tilespmem:s30+$0x7800] =	vst v0;
	s23 =	sadd.s32 $0x10, s23;
	s30 =	smov.u32 s0;
	s0 =	sadd.s32 $0x40, s0  }
.Ltmp2:
0x34: {  	(pc) =	sbr.rel @p1 .LBB2_2-.Ltmp2, $4  }
0x35: {  	_ = 	snop  }
0x36: {  	s30 =	sand.u32 $0xFE00, s30  }
0x37: {  	s31 =	sand.u32 $0x70, s23;
	s30 =	sshrl.u32 s30, $0x2  }
0x38: {  	s30 =	sor.u32 s31, s30  }
0x39: {  	[tilespmem:s30+$0x7800] =	vst v0  }
0x3a: {  	[spmem:s5] =	stream.linear.scatter [tilespmem:s21], [sflag:$0x3], $0x4000, $0x38;
	[tilespmem:$0x1F400] =	vst v63  }
0x3b: {  	_ =	swait.ge [sflag:s22], $0x4000  }
0x3c: {  	[sflag:s22] =	ssyncset.done $0x0  }
0x3d: {  	[sflag:s22] =	ssyncadd.s32 $0xFFFFC000  }
0x3e: {  	[spmem:s6] =	stream.linear.scatter [tilespmem:s21], [sflag:$0x3], $0x4000, $0x38;
	[tilespmem:$0x1F400] =	vst v63  }
0x3f: {  	_ =	swait.ge [sflag:s22], $0x4000  }
0x40: {  	[sflag:s22] =	ssyncset.done $0x0  }
0x41: {  	[sflag:s22] =	ssyncadd.s32 $0xFFFFC000  }
0x42: {  	[spmem:s7] =	stream.linear.scatter [tilespmem:s21], [sflag:$0x3], $0x4000, $0x38;
	[tilespmem:$0x1F400] =	vst v63  }
0x43: {  	_ =	swait.ge [sflag:s22], $0x4000  }
0x44: {  	[sflag:s22] =	ssyncset.done $0x0  }
0x45: {  	[sflag:s22] =	ssyncadd.s32 $0xFFFFC000  }
0x46: {  	[spmem:s8] =	stream.linear.scatter [tilespmem:s21], [sflag:$0x3], $0x4000, $0x38;
	[tilespmem:$0x1F400] =	vst v63  }
0x47: {  	_ =	swait.ge [sflag:s22], $0x4000  }
0x48: {  	[sflag:s22] =	ssyncset.done $0x0  }
0x49: {  	[sflag:s22] =	ssyncadd.s32 $0xFFFFC000  }
0x4a: {  	[spmem:s9] =	stream.linear.scatter [tilespmem:s21], [sflag:$0x3], $0x3C00, $0x38;
	[tilespmem:$0x1F400] =	vst v63  }
0x4b: {  	_ =	swait.ge [sflag:s22], $0x3C00  }
0x4c: {  	[sflag:s22] =	ssyncset.done $0x0  }
0x4d: {  	s0 =	simm.s32 $0x1400;
	[sflag:s22] =	ssyncadd.s32 $0xFFFFC400  }
0x4e: {  	[tilespmem:s0], [sflag:$0x3] =	stream.linear.gather [hbm4b:s10+s3], $0x2400, $0x38;
	[tilespmem:$0x1F400] =	vst v63  }
0x4f: {  	_ =	swait.ge [sflag:s22], $0x2400  }
0x50: {  	[sflag:s22] =	ssyncset.done $0x0  }
0x51: {  	s23 =	sadd.s32 $0xFFFFFFFF, s20;
	[sflag:s22] =	ssyncadd.s32 $0xFFFFDC00  }
0x52: {  	p3 =	sne.s32 s23, $0x0;
	[bflag:$0x0] =	sbarrier.arrive $0xFFFF  }
0x53: {  	[tilespmem:s3], [sflag:$0x3] =	stream.linear.gather [hbm4b:s12+s3], $0x1400, $0x38;
	[tilespmem:$0x1F400] =	vst v63  }
.Ltmp3:
0x54: {  	_ = 	snop;
	(pc) =	sbr.rel @!p3 .LBB2_8-.Ltmp3, $4  }
0x55: {  	s30 =	simm.s32 $0x100;
	_ =	swait.ge [sflag:s22], $0x1400  }
0x56: {  	s31 =	simm.s32 $0x2;
	p2 =	sle.u32 s11, $0x1;
	[sflag:s22] =	ssyncset.done $0x0  }
0x57: {  	p1 =	por $0x0, $0x0;
	s0 =	simm.s32 $0x1480;
	[sflag:s22] =	ssyncadd.s32 $0xFFFFEC00  }
0x58: {  	[tilespmem:s25], [sflag:$0x1] =	stream.indirect.gather [hbm4b:s4+s24], $0x80, s3, s24, $0xb8;
	[tilespmem:$0x1F400] =	vst v63  }
0x59: {  	s31 =	simm.s32 @!p2 $0x80;
	s15 =	simm.s32 @!p2 $0x80;
	s18 =	simm.s32 @!p2 $0x7800  }
0x5a: {  	[tilespmem:s18], [sflag:$0x2] =	stream.indirect.gather @!p2 [hbm4b:s4+s15], $0x80, s31, s15, $0xb8;
	[tilespmem:$0x1F400] =	vst v63  }
0x5b: {  	_ =	swait.ge [sflag:s26], $0x4000  }
0x5c: {  	[sflag:s26] =	ssyncset.done $0x0  }
0x5d: {  	s18 =	simm.s32 $0x1400;
	[sflag:s26] =	ssyncadd.s32 $0xFFFFC000  }
0x5e: {  	[spmem:s1] =	stream.indirect.scatter.add.f32 [tilespmem:s25], [sflag:$0x3], $0x80, s18, s24, $0xb8;
	[tilespmem:$0x1F400] =	vst v63  }
0x5f: {  	p1 =	sle.u32 s11, $0x2;
	_ =	swait.ge [sflag:s22], $0x4000  }
0x60: {  	s23 =	sadd.s32 $0xFFFFFFFF, s23;
	s15 =	simm.s32 @!p1 $0x80;
	[sflag:s22] =	ssyncset.done $0x0  }
0x61: {  	p3 =	sne.s32 s23, $0x0;
	s18 =	simm.s32 @!p1 $0x3800;
	[sflag:s22] =	ssyncadd.s32 $0xFFFFC000  }
0x62: {  	[tilespmem:s18], [sflag:$0x1] =	stream.indirect.gather @!p1 [hbm4b:s4+s15], $0x80, s30, s15, $0xb8;
	[tilespmem:$0x1F400] =	vst v63  }
.Ltmp4:
0x63: {  	_ =	swait.ge [sflag:s28], $0x4000;
	(pc) =	sbr.rel @!p3 .LBB2_5-.Ltmp4, $4  }
0x64: {  	s31 =	simm.s32 $0x4;
	[sflag:s28] =	ssyncset.done $0x0  }
0x65: {  	p2 =	sle.u32 s11, $0x3;
	s30 =	simm.s32 $0x200;
	[sflag:s28] =	ssyncadd.s32 $0xFFFFC000  }
0x66: {  	[spmem:s1] =	stream.indirect.scatter.add.f32 [tilespmem:s21], [sflag:$0x3], $0x80, s0, s24, $0xb8;
	[tilespmem:$0x1F400] =	vst v63  }
0x67: {  	p1 =	por $0x1, $0x1;
	s0 =	simm.s32 $0x1580;
	_ =	swait.ge [sflag:s22], $0x4000  }
.LBB2_6:
0x68: {  	s13 =	sadd.s32 @!p2 $0xFFFFFF80, s30;
	s15 =	simm.s32 @!p2 $0x80;
	[sflag:s22] =	ssyncset.done $0x0  }
0x69: {  	s23 =	sadd.s32 $0xFFFFFFFF, s23;
	s17 =	simm.s32 @!p2 $0x7800;
	[sflag:s22] =	ssyncadd.s32 $0xFFFFC000  }
0x6a: {  	[tilespmem:s17], [sflag:$0x2] =	stream.indirect.gather @!p2 [hbm4b:s4+s15], $0x80, s13, s15, $0xb8;
	[tilespmem:$0x1F400] =	vst v63  }
0x6b: {  	p3 =	sne.s32 s23, $0x0;
	s15 =	smov.u32 s0;
	_ =	swait.ge [sflag:s26], $0x4000  }
0x6c: {  	[sflag:s26] =	ssyncset.done $0x0  }
0x6d: {  	s13 =	sadd.s32 $0xFFFFFF80, s0;
	[sflag:s26] =	ssyncadd.s32 $0xFFFFC000  }
0x6e: {  	[spmem:s1] =	stream.indirect.scatter.add.f32 [tilespmem:s25], [sflag:$0x3], $0x80, s13, s24, $0xb8;
	[tilespmem:$0x1F400] =	vst v63  }
0x6f: {  	_ =	swait.ge [sflag:s22], $0x4000  }
0x70: {  	p2 =	sge.u32 s31, s11;
	[sflag:s22] =	ssyncset.done $0x0  }
0x71: {  	s17 =	simm.s32 @!p2 $0x3800;
	s13 =	simm.s32 @!p2 $0x80;
	[sflag:s22] =	ssyncadd.s32 $0xFFFFC000  }
0x72: {  	[tilespmem:s17], [sflag:$0x1] =	stream.indirect.gather @!p2 [hbm4b:s4+s13], $0x80, s30, s13, $0xb8;
	[tilespmem:$0x1F400] =	vst v63  }
.Ltmp5:
0x73: {  	s31 =	sadd.s32 $0x2, s31;
	_ =	swait.ge [sflag:s28], $0x4000;
	(pc) =	sbr.rel @p3 .LBB2_6-.Ltmp5, $4  }
0x74: {  	s17 =	sadd.s32 $0xFFFFFFFF, s31;
	s13 =	sadd.s32 $0x100, s0;
	[sflag:s28] =	ssyncset.done $0x0  }
0x75: {  	p2 =	sge.u32 s17, s11;
	s17 =	sadd.s32 $0x100, s30;
	[sflag:s28] =	ssyncadd.s32 $0xFFFFC000  }
0x76: {  	[spmem:s1] =	stream.indirect.scatter.add.f32 [tilespmem:s21], [sflag:$0x3], $0x80, s15, s24, $0xb8;
	[tilespmem:$0x1F400] =	vst v63  }
0x77: {  	s0 =	smov.u32 s13;
	s30 =	smov.u32 s17;
	_ =	swait.ge [sflag:s22], $0x4000  }
0x78: {  	s30 =	smov.u32 s17;
	s0 =	smov.u32 s13  }
.LBB2_8:
0x79: {  	s15 =	sadd.s32 @!p2 $0xFFFFFF80, s30;
	[sflag:s22] =	ssyncset.done @p1 $0x0  }
0x7a: {  	s18 =	simm.s32 @!p2 $0x80;
	s23 =	simm.s32 @!p2 $0x7800;
	[sflag:s22] =	ssyncadd.s32 @p1 $0xFFFFC000  }
0x7b: {  	[tilespmem:s23], [sflag:$0x2] =	stream.indirect.gather @!p2 [hbm4b:s4+s18], $0x80, s15, s18, $0xb8;
	[tilespmem:$0x1F400] =	vst v63  }
0x7c: {  	_ =	swait.ge [sflag:s26], $0x4000  }
0x7d: {  	[sflag:s26] =	ssyncset.done $0x0  }
0x7e: {  	s23 =	sadd.s32 $0xFFFFFF80, s0;
	[sflag:s26] =	ssyncadd.s32 $0xFFFFC000  }
0x7f: {  	[spmem:s1] =	stream.indirect.scatter.add.f32 [tilespmem:s25], [sflag:$0x3], $0x80, s23, s24, $0xb8;
	[tilespmem:$0x1F400] =	vst v63  }
0x80: {  	_ =	swait.ge [sflag:s22], $0x4000  }
0x81: {  	p1 =	sge.u32 s31, s11;
	[sflag:s22] =	ssyncset.done $0x0  }
0x82: {  	s15 =	simm.s32 @!p1 $0x80;
	s18 =	simm.s32 @!p1 $0x3800;
	[sflag:s22] =	ssyncadd.s32 $0xFFFFC000  }
0x83: {  	[tilespmem:s18], [sflag:$0x1] =	stream.indirect.gather @!p1 [hbm4b:s4+s15], $0x80, s30, s15, $0xb8;
	[tilespmem:$0x1F400] =	vst v63  }
0x84: {  	_ =	swait.ge [sflag:s28], $0x4000  }
0x85: {  	s15 =	sadd.s32 $0x2, s31;
	[sflag:s28] =	ssyncset.done $0x0  }
0x86: {  	s2 =	sadd.s32 $0xFFFFFFFF, s15;
	[sflag:s28] =	ssyncadd.s32 $0xFFFFC000  }
0x87: {  	[spmem:s1] =	stream.indirect.scatter.add.f32 [tilespmem:s21], [sflag:$0x3], $0x80, s0, s24, $0xb8;
	[tilespmem:$0x1F400] =	vst v63  }
0x88: {  	p1 =	sge.u32 s2, s11;
	_ =	swait.ge [sflag:s22], $0x4000  }
0x89: {  	s18 =	sadd.s32 @!p1 $0x80, s17;
	[sflag:s22] =	ssyncset.done $0x0  }
0x8a: {  	s23 =	simm.s32 @!p1 $0x80;
	s31 =	simm.s32 @!p1 $0x7800;
	[sflag:s22] =	ssyncadd.s32 $0xFFFFC000  }
0x8b: {  	[tilespmem:s31], [sflag:$0x2] =	stream.indirect.gather @!p1 [hbm4b:s4+s23], $0x80, s18, s23, $0xb8;
	[tilespmem:$0x1F400] =	vst v63  }
0x8c: {  	_ =	swait.ge [sflag:s26], $0x4000  }
0x8d: {  	[sflag:s26] =	ssyncset.done $0x0  }
0x8e: {  	s23 =	sadd.s32 $0x80, s13;
	[sflag:s26] =	ssyncadd.s32 $0xFFFFC000  }
0x8f: {  	[spmem:s1] =	stream.indirect.scatter.add.f32 [tilespmem:s25], [sflag:$0x3], $0x80, s23, s24, $0xb8;
	[tilespmem:$0x1F400] =	vst v63  }
0x90: {  	_ =	swait.ge [sflag:s22], $0x4000  }
0x91: {  	s18 =	sadd.s32 $0x100, s30;
	p1 =	sge.u32 s15, s11;
	[sflag:s22] =	ssyncset.done $0x0  }
0x92: {  	s15 =	simm.s32 @!p1 $0x80;
	s23 =	simm.s32 @!p1 $0x3800;
	[sflag:s22] =	ssyncadd.s32 $0xFFFFC000  }
0x93: {  	[tilespmem:s23], [sflag:$0x1] =	stream.indirect.gather @!p1 [hbm4b:s4+s15], $0x80, s18, s15, $0xb8;
	[tilespmem:$0x1F400] =	vst v63  }
0x94: {  	_ =	swait.ge [sflag:s28], $0x4000  }
0x95: {  	[sflag:s28] =	ssyncset.done $0x0  }
.Ltmp6:
0x96: {  	s31 =	sadd.s32 $0x100, s0;
	[sflag:s28] =	ssyncadd.s32 $0xFFFFC000;
	(pc) =	sbr.rel @p0 .LBB2_13-.Ltmp6, $4  }
0x97: {  	[spmem:s1] =	stream.indirect.scatter.add.f32 [tilespmem:s21], [sflag:$0x3], $0x80, s31, s24, $0xb8;
	[tilespmem:$0x1F400] =	vst v63  }
0x98: {  	_ =	swait.ge [sflag:s22], $0x4000  }
0x99: {  	[sflag:s22] =	ssyncset.done $0x0  }
0x9a: {  	[sflag:s22] =	ssyncadd.s32 $0xFFFFC000  }
0x9b: {  	s0 =	rddreg [dreg:$0x4]  }
0x9c: {  	[tilespmem:s3], [sflag:$0x3] =	stream.linear.gather [hbm4b:s0+s3], $0x1400, $0x38;
	[tilespmem:$0x1F400] =	vst v63  }
0x9d: {  	_ =	swait.ge [sflag:s22], $0x1400  }
0x9e: {  	s23 =	rddreg [dreg:$0x5]  }
0x9f: {  	s23 =	sadd.s32 $0xFFFFFFFF, s23  }
0xa0: {  	p2 =	sne.s32 s23, $0x0  }
.Ltmp7:
0xa1: {  	_ = 	snop;
	(pc) =	sbr.rel @!p2 .LBB2_12-.Ltmp7, $4  }
0xa2: {  	s31 =	simm.s32 $0x80  }
0xa3: {  	s30 =	simm.s32 $0x2880;
	p3 =	sle.u32 s14, $0x1;
	[sflag:s22] =	ssyncset.done $0x0  }
0xa4: {  	p1 =	por $0x0, $0x0;
	s0 =	simm.s32 $0x1;
	[sflag:s22] =	ssyncadd.s32 $0xFFFFEC00  }
0xa5: {  	[tilespmem:s25], [sflag:$0x1] =	stream.indirect.gather [hbm4b:s4+s31], $0x80, s3, s31, $0xb8;
	[tilespmem:$0x1F400] =	vst v63  }
0xa6: {  	s0 =	simm.s32 @!p3 $0x80;
	s15 =	simm.s32 @!p3 $0x7800  }
0xa7: {  	[tilespmem:s15], [sflag:$0x2] =	stream.indirect.gather @!p3 [hbm4b:s4+s0], $0x80, s31, s0, $0xb8;
	[tilespmem:$0x1F400] =	vst v63  }
0xa8: {  	_ =	swait.ge [sflag:s26], $0x4000  }
0xa9: {  	[sflag:s26] =	ssyncset.done $0x0  }
0xaa: {  	s18 =	simm.s32 $0x2800;
	[sflag:s26] =	ssyncadd.s32 $0xFFFFC000  }
0xab: {  	[spmem:s1] =	stream.indirect.scatter.add.f32 [tilespmem:s25], [sflag:$0x3], $0x80, s18, s24, $0xb8;
	[tilespmem:$0x1F400] =	vst v63  }
0xac: {  	p1 =	sle.u32 s14, $0x2;
	s23 =	sadd.s32 $0xFFFFFFFF, s23;
	_ =	swait.ge [sflag:s22], $0x4000  }
0xad: {  	s0 =	simm.s32 @!p1 $0x100;
	s15 =	simm.s32 @!p1 $0x80;
	[sflag:s22] =	ssyncset.done $0x0  }
0xae: {  	p2 =	sne.s32 s23, $0x0;
	s18 =	simm.s32 @!p1 $0x3800;
	[sflag:s22] =	ssyncadd.s32 $0xFFFFC000  }
0xaf: {  	[tilespmem:s18], [sflag:$0x1] =	stream.indirect.gather @!p1 [hbm4b:s4+s15], $0x80, s0, s15, $0xb8;
	[tilespmem:$0x1F400] =	vst v63  }
.Ltmp8:
0xb0: {  	_ =	swait.ge [sflag:s28], $0x4000;
	(pc) =	sbr.rel @!p2 .LBB2_12-.Ltmp8, $4  }
0xb1: {  	s31 =	simm.s32 $0x180;
	[sflag:s28] =	ssyncset.done $0x0  }
0xb2: {  	p3 =	sle.u32 s14, $0x3;
	s0 =	simm.s32 $0x3;
	[sflag:s28] =	ssyncadd.s32 $0xFFFFC000  }
0xb3: {  	[spmem:s1] =	stream.indirect.scatter.add.f32 [tilespmem:s21], [sflag:$0x3], $0x80, s30, s24, $0xb8;
	[tilespmem:$0x1F400] =	vst v63  }
0xb4: {  	p1 =	por $0x1, $0x1;
	s30 =	simm.s32 $0x2980;
	_ =	swait.ge [sflag:s22], $0x4000  }
.LBB2_11:
0xb5: {  	s15 =	simm.s32 @!p3 $0x80;
	s18 =	simm.s32 @!p3 $0x7800;
	[sflag:s22] =	ssyncset.done $0x0  }
0xb6: {  	s23 =	sadd.s32 $0xFFFFFFFF, s23;
	[sflag:s22] =	ssyncadd.s32 $0xFFFFC000  }
0xb7: {  	[tilespmem:s18], [sflag:$0x2] =	stream.indirect.gather @!p3 [hbm4b:s4+s15], $0x80, s31, s15, $0xb8;
	[tilespmem:$0x1F400] =	vst v63  }
0xb8: {  	p2 =	sne.s32 s23, $0x0;
	_ =	swait.ge [sflag:s26], $0x4000  }
0xb9: {  	s15 =	sadd.s32 $0xFFFFFF80, s30;
	[sflag:s26] =	ssyncset.done $0x0  }
0xba: {  	s18 =	sadd.s32 $0x1, s0;
	[sflag:s26] =	ssyncadd.s32 $0xFFFFC000  }
0xbb: {  	[spmem:s1] =	stream.indirect.scatter.add.f32 [tilespmem:s25], [sflag:$0x3], $0x80, s15, s24, $0xb8;
	[tilespmem:$0x1F400] =	vst v63  }
0xbc: {  	p3 =	sge.u32 s18, s14;
	_ =	swait.ge [sflag:s22], $0x4000  }
0xbd: {  	s18 =	simm.s32 @!p3 $0x80;
	s15 =	sadd.s32 @!p3 $0x80, s31;
	[sflag:s22] =	ssyncset.done $0x0  }
0xbe: {  	s2 =	simm.s32 @!p3 $0x3800;
	[sflag:s22] =	ssyncadd.s32 $0xFFFFC000  }
0xbf: {  	[tilespmem:s2], [sflag:$0x1] =	stream.indirect.gather @!p3 [hbm4b:s4+s18], $0x80, s15, s18, $0xb8;
	[tilespmem:$0x1F400] =	vst v63  }
.Ltmp9:
0xc0: {  	_ =	swait.ge [sflag:s28], $0x4000;
	(pc) =	sbr.rel @p2 .LBB2_11-.Ltmp9, $4  }
0xc1: {  	[sflag:s28] =	ssyncset.done $0x0  }
0xc2: {  	s0 =	sadd.s32 $0x2, s0;
	s31 =	sadd.s32 $0x100, s31;
	[sflag:s28] =	ssyncadd.s32 $0xFFFFC000  }
0xc3: {  	[spmem:s1] =	stream.indirect.scatter.add.f32 [tilespmem:s21], [sflag:$0x3], $0x80, s30, s24, $0xb8;
	[tilespmem:$0x1F400] =	vst v63  }
0xc4: {  	p3 =	sge.u32 s0, s14;
	s30 =	sadd.s32 $0x100, s30;
	_ =	swait.ge [sflag:s22], $0x4000  }
.Ltmp10:
0xc5: {  	_ = 	snop;
	(pc) =	sbr.rel .LBB2_12-.Ltmp10, $1  }
0xc6: {  	_ =	sdelay $0x3  }
.LBB2_5:
.Ltmp11:
0xc7: {  	(pc) =	sbr.rel .LBB2_8-.Ltmp11, $2  }
0xc8: {  	_ =	sdelay $0x2  }
0xc9: {  	s0 =	simm.s32 $0x1580  }
.LBB2_14:
0xca: {  	_ =	sfence.sel $0x180000  }
0xcb: {  	[bflag:$0x0] =	sbarrier.arrive $0xFFFF  }
0xcc: {  	_ =	strace $0x9000004D  }
0xcd: {  	s0 =	stileid.u32;
	[bflag:$0x2] =	sbarrier.arrive $0xFFFF  }
0xce: {  	p0 =	sne.s32 s0, $0x0;
	s0 =	rddreg [dreg:$0x3]  }
0xcf: {  	s0 =	sadd.s32 @!p0 $0x100000, s0  }
0xd0: {  	[sflag:s0] =	ssyncadd.tile.s32 @!p0 $0x1;
	_ =	shalt  }
.Lfunc_end2:
_tile_overlayer_lowered:
.L_overlay_start_2:
0xd1: {  	(tag) =	ssettag $0x2  }
0xd2: {  	s0 =	rddreg [dreg:$0x0];
	s2 =	stileid.u32  }
0xd3: {  	s1 =	rddreg [dreg:$0x1];
	p0 =	sne.s32 s2, $0x0  }
0xd4: {  	s3 =	rddreg [dreg:$0x2];
	[bflag:$0x3] =	sbarrier.arrive $0xFFFF;
	s2 =	simm.s32 @!p0 $0x1C03  }
0xd5: {  	[timem:s3], [sflag:s2] =	dma.local @!p0 [hbm:s0], s1  }
0xd6: {  	s0 =	simm.s32 @!p0 $0x3  }
0xd7: {  	_ =	swait.ge @!p0 [sflag:s0], s1  }
0xd8: {  	s1 =	ssub.s32 @!p0 $0x0, s1;
	[sflag:s0] =	ssyncset.done @!p0 $0x0  }
0xd9: {  	[sflag:s0] =	ssyncadd.s32 @!p0 s1  }
0xda: {  	[bflag:$0x3] =	sbarrier.arrive $0xFFFF  }
0xdb: {  	_ =	shalt  }

// kernel: kernel.17.cloned.1.call-start
scs
__scs_entry_jumppad:
0x0: {  	(pc) =	sbr.rel $0x88, $3  }
0x1: {  	(tag) =	ssettag $0x0;
	lr =	simm.s32 $0x1  }
0x2: {  	[smem:$0x3F99] =	sst lr;
	_ =	strace $0xD0000000  }
0x3: {  	_ = 	snop  }
0x4: {  	_ = 	snop  }
0x5: {  	_ = 	snop  }
0x6: {  	_ = 	snop  }
0x7: {  	_ = 	snop  }
__scs_overlays_trampoline_lowered:
0x8: {  	[smem:$0x3FA8] =	sst s0  }
0x9: {  	[smem:$0x3FA9] =	sst s1  }
0xa: {  	[smem:$0x3FAA] =	sst s2  }
0xb: {  	[smem:$0x3FAB] =	sst s3  }
0xc: {  	[smem:$0x3FAC] =	sst s4  }
0xd: {  	[smem:$0x3FAD] =	sst s5  }
0xe: {  	[smem:$0x3FAE] =	sst s6  }
0xf: {  	[smem:$0x3FAF] =	sst s7  }
0x10: {  	[smem:$0x3FB0] =	sst s8  }
0x11: {  	[smem:$0x3FB1] =	sst s9;
	s0 =	simm.s32 @!p0 $0x0  }
0x12: {  	s1 =	sld [smem:$0x3F97];
	s0 =	simm.s32 @p0 $0x1  }
0x13: {  	[smem:$0x3FB2] =	sst s0;
	s0 =	simm.s32 @!p1 $0x0  }
0x14: {  	s2 =	sld [smem:$0x3F96];
	s0 =	simm.s32 @p1 $0x1  }
0x15: {  	[smem:$0x3FB3] =	sst s0;
	s0 =	simm.s32 @!p2 $0x0  }
0x16: {  	s3 =	sld [smem:$0x3FDB];
	s0 =	simm.s32 @p2 $0x1  }
0x17: {  	s4 =	simm.s32 $0x1BF5;
	[smem:$0x3FB5] =	sst s0  }
0x18: {  	s0 =	sld [smem:$0x3F98];
	_ =	swait.ge [sflag:s4], $0x0  }
0x19: {  	s7 =	sld [smem:$0x3F99]  }
0x1a: {  	s8 =	sadd.s32 $0xFFFFE003, lr  }
0x1b: {  	s9 =	sadd.s32 $0xFFFFFEF7, lr;
	s5 =	simm.s32 $0xFFFFFFFF;
	p2 =	slt.u32 s8, $0xFFFFF086  }
0x1c: {  	p1 =	slt.u32 s9, $0xF7A;
	s5 =	simm.s32 @!p2 $0x0  }
0x1d: {  	s5 =	simm.s32 @p1 $0x1;
	p0 =	seq.s32 s7, s2  }
0x1e: {  	s7 =	smul.u32 @!p0 $0xF7A, s2;
	p2 =	seq.s32 @!p0 s5, $0x0  }
0x1f: {  	s9 =	smul.u32 $0xF7A, s1;
	s8 =	simm.s32 @!p0 $0x1BF5;
	p2 =	por !p2, p0  }
0x20: {  	[sflag:s8] =	ssyncset.s32 @!p0 $0xFFFFF086;
	s6 =	sadd.s32 @!p0 s3, s7;
	s7 =	simm.s32 @!p0 $0x108  }
0x21: {  	s3 =	sadd.s32 s3, s9;
	s6 =	sadd.s32 @!p0 $0x88, s6;
	s7 =	simm.s32 @p2 $0x1082  }
0x22: {  	[simem:s7], [sflag:s8] =	dma.local @!p0 [hbm:s6], $0xF7A  }
0x23: {  	s9 =	sor.u32 $0xD0000000, s2;
	s6 =	simm.s32 $0x108;
	_ =	swait.ge @!p0 [sflag:s8], $0x0  }
0x24: {  	s3 =	sadd.s32 $0x88, s3;
	s6 =	simm.s32 @!p1 $0x1082;
	[sflag:s4] =	ssyncset.s32 $0xFFFFF086  }
0x25: {  	[simem:s6], [sflag:s4] =	dma.local [hbm:s3], $0xF7A  }
0x26: {  	[smem:$0x3F99] =	sst s1;
	(tag) =	ssettag s2;
	_ =	strace s9  }
0x27: {  	s1 =	sld [smem:$0x3FA9]  }
0x28: {  	s2 =	sld [smem:$0x3FAA]  }
0x29: {  	s4 =	sld [smem:$0x3FAC]  }
0x2a: {  	p0 =	seq.s32 s5, $0x0;
	s5 =	sld [smem:$0x3FAD]  }
0x2b: {  	s6 =	sld [smem:$0x3FAE]  }
0x2c: {  	s7 =	sld [smem:$0x3FAF]  }
0x2d: {  	s3 =	simm.s32 $0x108;
	s8 =	sld [smem:$0x3FB0]  }
0x2e: {  	s3 =	simm.s32 @!p0 $0x1082;
	s9 =	sld [smem:$0x3FB1]  }
0x2f: {  	lr =	sadd.s32 s0, s3;
	s0 =	sld [smem:$0x3FA8]  }
0x30: {  	s3 =	sld [smem:$0x3FAB]  }
0x31: {  	[smem:$0x3FB4] =	sst s10  }
0x32: {  	s10 =	sld [smem:$0x3FB2];
	_ =	sdelay $0x3  }
0x33: {  	p0 =	seq.s32 s10, $0x1;
	s10 =	sld [smem:$0x3FB4];
	_ =	sdelay $0x3  }
0x34: {  	[smem:$0x3FB4] =	sst s10  }
0x35: {  	s10 =	sld [smem:$0x3FB3];
	_ =	sdelay $0x3  }
0x36: {  	p1 =	seq.s32 s10, $0x1;
	s10 =	sld [smem:$0x3FB4];
	_ =	sdelay $0x3  }
0x37: {  	[smem:$0x3FB4] =	sst s10  }
0x38: {  	s10 =	sld [smem:$0x3FB5]  }
0x39: {  	_ = 	snop;
	(pc) =	sbr.ind lr, $3  }
0x3a: {  	_ = 	snop  }
0x3b: {  	_ = 	snop  }
0x3c: {  	p2 =	seq.s32 s10, $0x1;
	s10 =	sld [smem:$0x3FB4]  }
0x3d: {  	_ =	shalt  }
0x3e: {  	_ =	shalt  }
0x3f: {  	_ =	shalt  }
0x40: {  	_ =	shalt  }
0x41: {  	_ =	shalt  }
0x42: {  	_ =	shalt  }
0x43: {  	_ =	shalt  }
0x44: {  	_ =	shalt  }
0x45: {  	_ =	shalt  }
0x46: {  	_ =	shalt  }
0x47: {  	_ =	shalt  }
0x48: {  	_ =	shalt  }
0x49: {  	_ =	shalt  }
0x4a: {  	_ =	shalt  }
0x4b: {  	_ =	shalt  }
0x4c: {  	_ =	shalt  }
0x4d: {  	_ =	shalt  }
0x4e: {  	_ =	shalt  }
0x4f: {  	_ =	shalt  }
0x50: {  	_ =	shalt  }
0x51: {  	_ =	shalt  }
0x52: {  	_ =	shalt  }
0x53: {  	_ =	shalt  }
0x54: {  	_ =	shalt  }
0x55: {  	_ =	shalt  }
0x56: {  	_ =	shalt  }
0x57: {  	_ =	shalt  }
0x58: {  	_ =	shalt  }
0x59: {  	_ =	shalt  }
0x5a: {  	_ =	shalt  }
0x5b: {  	_ =	shalt  }
0x5c: {  	_ =	shalt  }
0x5d: {  	_ =	shalt  }
0x5e: {  	_ =	shalt  }
0x5f: {  	_ =	shalt  }
0x60: {  	_ =	shalt  }
0x61: {  	_ =	shalt  }
0x62: {  	_ =	shalt  }
0x63: {  	_ =	shalt  }
0x64: {  	_ =	shalt  }
0x65: {  	_ =	shalt  }
0x66: {  	_ =	shalt  }
0x67: {  	_ =	shalt  }
0x68: {  	_ =	shalt  }
0x69: {  	_ =	shalt  }
0x6a: {  	_ =	shalt  }
0x6b: {  	_ =	shalt  }
0x6c: {  	_ =	shalt  }
0x6d: {  	_ =	shalt  }
0x6e: {  	_ =	shalt  }
0x6f: {  	_ =	shalt  }
0x70: {  	_ =	shalt  }
0x71: {  	_ =	shalt  }
0x72: {  	_ =	shalt  }
0x73: {  	_ =	shalt  }
0x74: {  	_ =	shalt  }
0x75: {  	_ =	shalt  }
0x76: {  	_ =	shalt  }
0x77: {  	_ =	shalt  }
0x78: {  	_ =	shalt  }
0x79: {  	_ =	shalt  }
0x7a: {  	_ =	shalt  }
0x7b: {  	_ =	shalt  }
0x7c: {  	_ =	shalt  }
0x7d: {  	_ =	shalt  }
0x7e: {  	_ =	shalt  }
0x7f: {  	_ =	shalt  }
0x80: {  	_ =	shalt  }
0x81: {  	_ =	shalt  }
0x82: {  	_ =	shalt  }
0x83: {  	_ =	shalt  }
0x84: {  	_ =	shalt  }
0x85: {  	_ =	shalt  }
0x86: {  	_ =	shalt  }
0x87: {  	_ =	shalt  }
.Lfunc_end0:
.L_simem_size_0:
called_computation.2_lowered:
.L_overlay_start_0:
0x88: {  	s2 =	sld [smem:$0x3FD9]  }
0x89: {  	s3 =	sld [smem:$0x3FFE];
	_ =	sdelay $0x1  }
0x8a: {  	s1 =	srdreg.scid  }
0x8b: {  	s0 =	sand.u32 $0x1, s1  }
0x8c: {  	s17 =	sshll.u32 s0, $0xA;
	s2 =	sadd.s32 s3, s2  }
0x8d: {  	s2 =	sadd.s32 s2, s17  }
0x8e: {  	[smem:$0x3FC0] =	sst s2  }
0x8f: {  	_ = 	snop  }
0x90: {  	s2 =	sld [smem:$0x3FD0];
	(tm) =	ssettm $0x1  }
0x91: {  	s18 =	sld [smem:$0x3FFB];
	_ =	sdelay $0x3  }
0x92: {  	_ =	strace s18  }
0x93: {  	s3 =	sld [smem:$0x3FFC];
	_ =	sdelay $0x3  }
0x94: {  	_ =	strace s3  }
0x95: {  	s3 =	sld [smem:$0x3FFD];
	_ =	sdelay $0x3  }
0x96: {  	_ =	strace s3  }
0x97: {  	_ =	strace $0x8FFFFFFF  }
0x98: {  	s19 =	sld [smem:$0x3FDB];
	_ =	sdelay $0x1  }
0x99: {  	s4 =	simm.s32 $_scs_section_size  }
0x9a: {  	s5 =	simm.s32 $_size__tile_overlayer_lowered;
	s6 =	simm.s32 $_tile_overlayer_lowered  }
0x9b: {  	s22 =	simm.s32 $0x1BFF;
	s21 =	sshll.u32 s6, $0x1;
	s3 =	sadd.s32 s4, s19  }
0x9c: {  	s7 =	simm.s32 $0x0;
	s20 =	sshll.u32 s5, $0x1;
	s5 =	sadd.s32 s21, s3  }
0x9d: {  	[timem:s7], [sflag:s22] =	dma.local [hbm:s5], s20  }
0x9e: {  	_ =	swait.ge [sflag:s22], s20  }
0x9f: {  	s4 =	ssub.s32 $0x0, s20;
	[sflag:s22] =	ssyncset.done $0x0  }
0xa0: {  	[sflag:s22] =	ssyncadd.s32 s4;
	_ =	sdelay $0x1  }
0xa1: {  	s23 =	simm.s32 $0x1B8B  }
0xa2: {  	_ =	swait.ge [sflag:s23], $0x1  }
0xa3: {  	[sflag:s23] =	ssyncset.done $0x0  }
0xa4: {  	s25 =	simm.s32 $0x1B8E;
	s24 =	sld [smem:$0x3FFE];
	[sflag:s23] =	ssyncadd.s32 $0xFFFFFFFF  }
0xa5: {  	s26 =	simm.s32 $execute0_lowered;
	[smem:$0x3FD2] =	sst s25  }
0xa6: {  	s5 =	sshll.u32 s26, $0x1;
	_ =	strace $0x80000049;
	[dreg:$0x1] =	wrdreg $0xFFFFFFFF  }
0xa7: {  	s28 =	simm.s32 $_size_execute0_lowered;
	s3 =	sadd.s32 s3, s5;
	[dreg:$0x0] =	wrdreg $0x0  }
0xa8: {  	s5 =	sshll.u32 s28, $0x1;
	[dreg:$0x2] =	wrdreg s3  }
0xa9: {  	[dreg:$0x3] =	wrdreg s5  }
0xaa: {  	[dreg:$0x4] =	wrdreg $0xC0  }
0xab: {  	_ =	task [dreg:s7], $0x5FFFF  }
0xac: {  	[dreg:$0x1] =	wrdreg $0xFFFFFFFF  }
0xad: {  	[dreg:$0x0] =	wrdreg $0x60  }
0xae: {  	[dreg:$0x2] =	wrdreg s24  }
0xaf: {  	[dreg:$0x3] =	wrdreg s2  }
0xb0: {  	[dreg:$0x4] =	wrdreg $0xB8000  }
0xb1: {  	[dreg:$0x5] =	wrdreg $0xA  }
0xb2: {  	_ =	task.clear_ibuf [dreg:s7], $0x6FFFF;
	_ =	strace $0x90000049  }
0xb3: {  	s29 =	simm.s32 $0xA;
	_ =	strace $0x8000004B  }
0xb4: {  	_ =	swait.ge [sflag:s29], $0x1  }
0xb5: {  	[sflag:s29] =	ssyncadd.s32 $0xFFFFFFFF  }
0xb6: {  	_ =	strace $0x9000004B  }
0xb7: {  	_ =	sfence  }
0xb8: {  	s30 =	sld [smem:$0x0];
	_ =	sdelay $0x2  }
0xb9: {  	s31 =	sshll.u32 s1, $0xD;
	s1 =	sshrl.u32 s1, $0x2  }
0xba: {  	s3 =	sand.u32 $0x4000, s31;
	s1 =	sadd.s32 s1, s30  }
0xbb: {  	s0 =	sor.u32 s3, s0;
	s1 =	sshll.u32 s1, $0x11  }
0xbc: {  	s0 =	sor.u32 s1, s0  }
0xbd: {  	s0 =	sadd.s32 $0x8F2B, s0  }
0xbe: {  	[sflag:s0] =	ssyncadd.remote.s32 $0x1  }
0xbf: {  	_ =	sfence.sel $0xFFFF  }
0xc0: {  	[dreg:$0x0] =	wrdreg $0xFFFFFFFF;
	(pc) =	sbr.abs _section_cstart, $3  }
0xc1: {  	[dreg:$0x1] =	wrdreg $0xFFFFFFFF  }
0xc2: {  	_ =	task.clear_ibuf [dreg:s7], $0x2FFFF;
	_ =	strace $0x9FFFFFFF  }
0xc3: {  	(tm) =	ssettm $0x7FFFFFFF  }
tec
execute0_lowered:
.L_overlay_start_1:
0x0: {  	(tag) =	ssettag $0x1  }
0x1: {  	s0 =	rddreg [dreg:$0x0]  }
0x2: {  	s10 =	rddreg [dreg:$0x1]  }
0x3: {  	s1 =	rddreg [dreg:$0x2];
	s2 =	srdreg.scid;
	s3 =	simm.s32 $0x0  }
0x4: {  	s23 =	stileid.u32;
	s12 =	simm.s32 $0x8;
	s21 =	simm.s32 $0x7800  }
0x5: {  	s22 =	simm.s32 $0x3;
	s28 =	simm.s32 $0x2;
	s7 =	smul.u32 $0x13C00, s23  }
0x6: {  	s29 =	simm.s32 $0x0;
	s5 =	sand.u32 $0x1, s2;
	s9 =	smul.u32 $0x4F000, s23  }
0x7: {  	[smem:$0x7FF] =	sst s3;
	s4 =	sadd.s32 $0x31000, s0;
	s16 =	smul.u32 $0x2400, s23  }
0x8: {  	s15 =	sadd.s32 $0x4400, s0;
	s26 =	sshll.u32 s23, $0x3;
	s6 =	smul.u32 $0x13C000, s5  }
0x9: {  	_ =	strace $0x8000004A;
	s24 =	ssub.s32 $0x2, s5;
	p0 =	seq.s32 s5, $0x1  }
0xa: {  	s8 =	sshrl.u32 s24, $0x1;
	s25 =	sshrl.u32 s9, $0x2;
	s12 =	simm.s32 @!p0 $0x48  }
0xb: {  	s16 =	sshrl.u32 s16, $0x3;
	s6 =	sadd.s32 s7, s6;
	s19 =	ssub.s32 s24, s8  }
0xc: {  	s8 =	smul.u32 $0x48, s23;
	s5 =	sadd.s32 s25, s1;
	s7 =	sor.u32 $0x480, s26  }
0xd: {  	s11 =	smin.u32 s12, $0x28;
	s18 =	smax.u32 s12, $0x28;
	s24 =	simm.s32 $0x80  }
0xe: {  	s25 =	simm.s32 $0x3800;
	s26 =	simm.s32 $0x1;
	s6 =	sshrl.u32 s6, $0x3  }
0xf: {  	s9 =	sadd.s32 $0x10000, s5;
	s20 =	sshrl.u32 s11, $0x1;
	s8 =	smov.u32 @p0 s7  }
0x10: {  	s19 =	smax.u32 s19, $0x1;
	s0 =	sadd.s32 s6, s0;
	s14 =	sshll.u32 s8, $0x4  }
.Ltmp0:
0x11: {  	s6 =	sadd.s32 $0x4000, s5;
	s10 =	sadd.s32 s10, s14;
	(pc) =	sbr.rel .LBB2_1-.Ltmp0, $4  }
0x12: {  	s12 =	sadd.s32 s15, s14;
	s14 =	sadd.s32 $0xFFFFFFD8, s18;
	s15 =	sadd.s32 s15, s16  }
0x13: {  	s7 =	sadd.s32 $0x8000, s5;
	s30 =	sadd.s32 $0x280, s15;
	s18 =	sshrl.u32 s14, $0x1  }
0x14: {  	s20 =	sadd.s32 $0xFFFFFFFF, s20;
	[dreg:$0x4] =	wrdreg s30;
	s31 =	smax.u32 s18, $0x1  }
0x15: {  	v0 =	vimm.f32 $0.0e+00;
	s8 =	sadd.s32 $0xC000, s5;
	s16 =	sadd.s32 $0x80000, s0;
	[dreg:$0x5] =	wrdreg s31  }
.LBB2_12:
0x16: {  	[sflag:s22] =	ssyncset.done @p1 $0x0  }
0x17: {  	s2 =	simm.s32 @!p3 $0x80;
	s15 =	simm.s32 @!p3 $0x7800;
	[sflag:s22] =	ssyncadd.s32 @p1 $0xFFFFC000  }
0x18: {  	[tilespmem:s15], [sflag:$0x2] =	stream.indirect.gather @!p3 [hbm4b:s4+s2], $0x80, s31, s2, $0xb8;
	[tilespmem:$0x1F400] =	vst v63  }
0x19: {  	_ =	swait.ge [sflag:s26], $0x4000  }
0x1a: {  	[sflag:s26] =	ssyncset.done $0x0  }
0x1b: {  	s23 =	sadd.s32 $0xFFFFFF80, s30;
	s0 =	sadd.s32 $0x1, s0;
	[sflag:s26] =	ssyncadd.s32 $0xFFFFC000  }
0x1c: {  	[spmem:s1] =	stream.indirect.scatter.add.f32 [tilespmem:s25], [sflag:$0x3], $0x80, s23, s24, $0xb8;
	[tilespmem:$0x1F400] =	vst v63  }
0x1d: {  	p1 =	sge.u32 s0, s14;
	_ =	swait.ge [sflag:s22], $0x4000  }
0x1e: {  	s0 =	sadd.s32 @!p1 $0x80, s31;
	[sflag:s22] =	ssyncset.done $0x0  }
0x1f: {  	s2 =	simm.s32 @!p1 $0x80;
	s15 =	simm.s32 @!p1 $0x3800;
	[sflag:s22] =	ssyncadd.s32 $0xFFFFC000  }
0x20: {  	[tilespmem:s15], [sflag:$0x1] =	stream.indirect.gather @!p1 [hbm4b:s4+s2], $0x80, s0, s2, $0xb8;
	[tilespmem:$0x1F400] =	vst v63  }
0x21: {  	_ =	swait.ge [sflag:s28], $0x4000  }
0x22: {  	[sflag:s28] =	ssyncset.done $0x0  }
0x23: {  	[sflag:s28] =	ssyncadd.s32 $0xFFFFC000  }
0x24: {  	[spmem:s1] =	stream.indirect.scatter.add.f32 [tilespmem:s21], [sflag:$0x3], $0x80, s30, s24, $0xb8;
	[tilespmem:$0x1F400] =	vst v63  }
0x25: {  	_ =	swait.ge [sflag:s22], $0x4000  }
0x26: {  	[sflag:s22] =	ssyncset.done $0x0  }
0x27: {  	[sflag:s22] =	ssyncadd.s32 $0xFFFFC000  }
.LBB2_13:
0x28: {  	s0 =	stileid.u32;
	s29 =	sadd.s32 $0x1, s29  }
0x29: {  	[bflag:$0x0] =	sbarrier.arrive $0xFFFF;
	s0 =	sshll.u32 s0, $0x6;
	p1 =	sne.s32 s29, s19  }
.Ltmp1:
0x2a: {  	s2 =	sshrl.u32 s5, $0x3;
	s0 =	sor.u32 $0x1C03, s0;
	(pc) =	sbr.rel @!p1 .LBB2_14-.Ltmp1, $4  }
0x2b: {  	[hbm:s16], [sflag:s0] =	dma.local [spmem:s2], $0x2780  }
0x2c: {  	_ =	swait.ge [sflag:s22], $0x2780  }
0x2d: {  	[sflag:s22] =	ssyncset.done $0x0  }
0x2e: {  	[sflag:s22] =	ssyncadd.s32 $0xFFFFD880  }
.LBB2_1:
0x2f: {  	s0 =	sand.u32 $0xFE00, s3  }
0x30: {  	s23 =	sand.u32 $0x70, s3;
	s30 =	sshrl.u32 s0, $0x2  }
0x31: {  	s0 =	simm.s32 $0x40;
	s30 =	sor.u32 s23, s30;
	s23 =	simm.s32 $0x0  }
.LBB2_2:
0x32: {  	p1 =	sne.s32 s0, $0xFFC0  }
0x33: {  	[tilespmem:s30+$0x7800] =	vst v0;
	s23 =	sadd.s32 $0x10, s23;
	s30 =	smov.u32 s0;
	s0 =	sadd.s32 $0x40, s0  }
.Ltmp2:
0x34: {  	(pc) =	sbr.rel @p1 .LBB2_2-.Ltmp2, $4  }
0x35: {  	_ = 	snop  }
0x36: {  	s30 =	sand.u32 $0xFE00, s30  }
0x37: {  	s31 =	sand.u32 $0x70, s23;
	s30 =	sshrl.u32 s30, $0x2  }
0x38: {  	s30 =	sor.u32 s31, s30  }
0x39: {  	[tilespmem:s30+$0x7800] =	vst v0  }
0x3a: {  	[spmem:s5] =	stream.linear.scatter [tilespmem:s21], [sflag:$0x3], $0x4000, $0x38;
	[tilespmem:$0x1F400] =	vst v63  }
0x3b: {  	_ =	swait.ge [sflag:s22], $0x4000  }
0x3c: {  	[sflag:s22] =	ssyncset.done $0x0  }
0x3d: {  	[sflag:s22] =	ssyncadd.s32 $0xFFFFC000  }
0x3e: {  	[spmem:s6] =	stream.linear.scatter [tilespmem:s21], [sflag:$0x3], $0x4000, $0x38;
	[tilespmem:$0x1F400] =	vst v63  }
0x3f: {  	_ =	swait.ge [sflag:s22], $0x4000  }
0x40: {  	[sflag:s22] =	ssyncset.done $0x0  }
0x41: {  	[sflag:s22] =	ssyncadd.s32 $0xFFFFC000  }
0x42: {  	[spmem:s7] =	stream.linear.scatter [tilespmem:s21], [sflag:$0x3], $0x4000, $0x38;
	[tilespmem:$0x1F400] =	vst v63  }
0x43: {  	_ =	swait.ge [sflag:s22], $0x4000  }
0x44: {  	[sflag:s22] =	ssyncset.done $0x0  }
0x45: {  	[sflag:s22] =	ssyncadd.s32 $0xFFFFC000  }
0x46: {  	[spmem:s8] =	stream.linear.scatter [tilespmem:s21], [sflag:$0x3], $0x4000, $0x38;
	[tilespmem:$0x1F400] =	vst v63  }
0x47: {  	_ =	swait.ge [sflag:s22], $0x4000  }
0x48: {  	[sflag:s22] =	ssyncset.done $0x0  }
0x49: {  	[sflag:s22] =	ssyncadd.s32 $0xFFFFC000  }
0x4a: {  	[spmem:s9] =	stream.linear.scatter [tilespmem:s21], [sflag:$0x3], $0x3C00, $0x38;
	[tilespmem:$0x1F400] =	vst v63  }
0x4b: {  	_ =	swait.ge [sflag:s22], $0x3C00  }
0x4c: {  	[sflag:s22] =	ssyncset.done $0x0  }
0x4d: {  	s0 =	simm.s32 $0x1400;
	[sflag:s22] =	ssyncadd.s32 $0xFFFFC400  }
0x4e: {  	[tilespmem:s0], [sflag:$0x3] =	stream.linear.gather [hbm4b:s10+s3], $0x2400, $0x38;
	[tilespmem:$0x1F400] =	vst v63  }
0x4f: {  	_ =	swait.ge [sflag:s22], $0x2400  }
0x50: {  	[sflag:s22] =	ssyncset.done $0x0  }
0x51: {  	s23 =	sadd.s32 $0xFFFFFFFF, s20;
	[sflag:s22] =	ssyncadd.s32 $0xFFFFDC00  }
0x52: {  	p3 =	sne.s32 s23, $0x0;
	[bflag:$0x0] =	sbarrier.arrive $0xFFFF  }
0x53: {  	[tilespmem:s3], [sflag:$0x3] =	stream.linear.gather [hbm4b:s12+s3], $0x1400, $0x38;
	[tilespmem:$0x1F400] =	vst v63  }
.Ltmp3:
0x54: {  	_ = 	snop;
	(pc) =	sbr.rel @!p3 .LBB2_8-.Ltmp3, $4  }
0x55: {  	s30 =	simm.s32 $0x100;
	_ =	swait.ge [sflag:s22], $0x1400  }
0x56: {  	s31 =	simm.s32 $0x2;
	p2 =	sle.u32 s11, $0x1;
	[sflag:s22] =	ssyncset.done $0x0  }
0x57: {  	p1 =	por $0x0, $0x0;
	s0 =	simm.s32 $0x1480;
	[sflag:s22] =	ssyncadd.s32 $0xFFFFEC00  }
0x58: {  	[tilespmem:s25], [sflag:$0x1] =	stream.indirect.gather [hbm4b:s4+s24], $0x80, s3, s24, $0xb8;
	[tilespmem:$0x1F400] =	vst v63  }
0x59: {  	s31 =	simm.s32 @!p2 $0x80;
	s15 =	simm.s32 @!p2 $0x80;
	s18 =	simm.s32 @!p2 $0x7800  }
0x5a: {  	[tilespmem:s18], [sflag:$0x2] =	stream.indirect.gather @!p2 [hbm4b:s4+s15], $0x80, s31, s15, $0xb8;
	[tilespmem:$0x1F400] =	vst v63  }
0x5b: {  	_ =	swait.ge [sflag:s26], $0x4000  }
0x5c: {  	[sflag:s26] =	ssyncset.done $0x0  }
0x5d: {  	s18 =	simm.s32 $0x1400;
	[sflag:s26] =	ssyncadd.s32 $0xFFFFC000  }
0x5e: {  	[spmem:s1] =	stream.indirect.scatter.add.f32 [tilespmem:s25], [sflag:$0x3], $0x80, s18, s24, $0xb8;
	[tilespmem:$0x1F400] =	vst v63  }
0x5f: {  	p1 =	sle.u32 s11, $0x2;
	_ =	swait.ge [sflag:s22], $0x4000  }
0x60: {  	s23 =	sadd.s32 $0xFFFFFFFF, s23;
	s15 =	simm.s32 @!p1 $0x80;
	[sflag:s22] =	ssyncset.done $0x0  }
0x61: {  	p3 =	sne.s32 s23, $0x0;
	s18 =	simm.s32 @!p1 $0x3800;
	[sflag:s22] =	ssyncadd.s32 $0xFFFFC000  }
0x62: {  	[tilespmem:s18], [sflag:$0x1] =	stream.indirect.gather @!p1 [hbm4b:s4+s15], $0x80, s30, s15, $0xb8;
	[tilespmem:$0x1F400] =	vst v63  }
.Ltmp4:
0x63: {  	_ =	swait.ge [sflag:s28], $0x4000;
	(pc) =	sbr.rel @!p3 .LBB2_5-.Ltmp4, $4  }
0x64: {  	s31 =	simm.s32 $0x4;
	[sflag:s28] =	ssyncset.done $0x0  }
0x65: {  	p2 =	sle.u32 s11, $0x3;
	s30 =	simm.s32 $0x200;
	[sflag:s28] =	ssyncadd.s32 $0xFFFFC000  }
0x66: {  	[spmem:s1] =	stream.indirect.scatter.add.f32 [tilespmem:s21], [sflag:$0x3], $0x80, s0, s24, $0xb8;
	[tilespmem:$0x1F400] =	vst v63  }
0x67: {  	p1 =	por $0x1, $0x1;
	s0 =	simm.s32 $0x1580;
	_ =	swait.ge [sflag:s22], $0x4000  }
.LBB2_6:
0x68: {  	s13 =	sadd.s32 @!p2 $0xFFFFFF80, s30;
	s15 =	simm.s32 @!p2 $0x80;
	[sflag:s22] =	ssyncset.done $0x0  }
0x69: {  	s23 =	sadd.s32 $0xFFFFFFFF, s23;
	s17 =	simm.s32 @!p2 $0x7800;
	[sflag:s22] =	ssyncadd.s32 $0xFFFFC000  }
0x6a: {  	[tilespmem:s17], [sflag:$0x2] =	stream.indirect.gather @!p2 [hbm4b:s4+s15], $0x80, s13, s15, $0xb8;
	[tilespmem:$0x1F400] =	vst v63  }
0x6b: {  	p3 =	sne.s32 s23, $0x0;
	s15 =	smov.u32 s0;
	_ =	swait.ge [sflag:s26], $0x4000  }
0x6c: {  	[sflag:s26] =	ssyncset.done $0x0  }
0x6d: {  	s13 =	sadd.s32 $0xFFFFFF80, s0;
	[sflag:s26] =	ssyncadd.s32 $0xFFFFC000  }
0x6e: {  	[spmem:s1] =	stream.indirect.scatter.add.f32 [tilespmem:s25], [sflag:$0x3], $0x80, s13, s24, $0xb8;
	[tilespmem:$0x1F400] =	vst v63  }
0x6f: {  	_ =	swait.ge [sflag:s22], $0x4000  }
0x70: {  	p2 =	sge.u32 s31, s11;
	[sflag:s22] =	ssyncset.done $0x0  }
0x71: {  	s17 =	simm.s32 @!p2 $0x3800;
	s13 =	simm.s32 @!p2 $0x80;
	[sflag:s22] =	ssyncadd.s32 $0xFFFFC000  }
0x72: {  	[tilespmem:s17], [sflag:$0x1] =	stream.indirect.gather @!p2 [hbm4b:s4+s13], $0x80, s30, s13, $0xb8;
	[tilespmem:$0x1F400] =	vst v63  }
.Ltmp5:
0x73: {  	s31 =	sadd.s32 $0x2, s31;
	_ =	swait.ge [sflag:s28], $0x4000;
	(pc) =	sbr.rel @p3 .LBB2_6-.Ltmp5, $4  }
0x74: {  	s17 =	sadd.s32 $0xFFFFFFFF, s31;
	s13 =	sadd.s32 $0x100, s0;
	[sflag:s28] =	ssyncset.done $0x0  }
0x75: {  	p2 =	sge.u32 s17, s11;
	s17 =	sadd.s32 $0x100, s30;
	[sflag:s28] =	ssyncadd.s32 $0xFFFFC000  }
0x76: {  	[spmem:s1] =	stream.indirect.scatter.add.f32 [tilespmem:s21], [sflag:$0x3], $0x80, s15, s24, $0xb8;
	[tilespmem:$0x1F400] =	vst v63  }
0x77: {  	s0 =	smov.u32 s13;
	s30 =	smov.u32 s17;
	_ =	swait.ge [sflag:s22], $0x4000  }
0x78: {  	s30 =	smov.u32 s17;
	s0 =	smov.u32 s13  }
.LBB2_8:
0x79: {  	s15 =	sadd.s32 @!p2 $0xFFFFFF80, s30;
	[sflag:s22] =	ssyncset.done @p1 $0x0  }
0x7a: {  	s18 =	simm.s32 @!p2 $0x80;
	s23 =	simm.s32 @!p2 $0x7800;
	[sflag:s22] =	ssyncadd.s32 @p1 $0xFFFFC000  }
0x7b: {  	[tilespmem:s23], [sflag:$0x2] =	stream.indirect.gather @!p2 [hbm4b:s4+s18], $0x80, s15, s18, $0xb8;
	[tilespmem:$0x1F400] =	vst v63  }
0x7c: {  	_ =	swait.ge [sflag:s26], $0x4000  }
0x7d: {  	[sflag:s26] =	ssyncset.done $0x0  }
0x7e: {  	s23 =	sadd.s32 $0xFFFFFF80, s0;
	[sflag:s26] =	ssyncadd.s32 $0xFFFFC000  }
0x7f: {  	[spmem:s1] =	stream.indirect.scatter.add.f32 [tilespmem:s25], [sflag:$0x3], $0x80, s23, s24, $0xb8;
	[tilespmem:$0x1F400] =	vst v63  }
0x80: {  	_ =	swait.ge [sflag:s22], $0x4000  }
0x81: {  	p1 =	sge.u32 s31, s11;
	[sflag:s22] =	ssyncset.done $0x0  }
0x82: {  	s15 =	simm.s32 @!p1 $0x80;
	s18 =	simm.s32 @!p1 $0x3800;
	[sflag:s22] =	ssyncadd.s32 $0xFFFFC000  }
0x83: {  	[tilespmem:s18], [sflag:$0x1] =	stream.indirect.gather @!p1 [hbm4b:s4+s15], $0x80, s30, s15, $0xb8;
	[tilespmem:$0x1F400] =	vst v63  }
0x84: {  	_ =	swait.ge [sflag:s28], $0x4000  }
0x85: {  	s15 =	sadd.s32 $0x2, s31;
	[sflag:s28] =	ssyncset.done $0x0  }
0x86: {  	s2 =	sadd.s32 $0xFFFFFFFF, s15;
	[sflag:s28] =	ssyncadd.s32 $0xFFFFC000  }
0x87: {  	[spmem:s1] =	stream.indirect.scatter.add.f32 [tilespmem:s21], [sflag:$0x3], $0x80, s0, s24, $0xb8;
	[tilespmem:$0x1F400] =	vst v63  }
0x88: {  	p1 =	sge.u32 s2, s11;
	_ =	swait.ge [sflag:s22], $0x4000  }
0x89: {  	s18 =	sadd.s32 @!p1 $0x80, s17;
	[sflag:s22] =	ssyncset.done $0x0  }
0x8a: {  	s23 =	simm.s32 @!p1 $0x80;
	s31 =	simm.s32 @!p1 $0x7800;
	[sflag:s22] =	ssyncadd.s32 $0xFFFFC000  }
0x8b: {  	[tilespmem:s31], [sflag:$0x2] =	stream.indirect.gather @!p1 [hbm4b:s4+s23], $0x80, s18, s23, $0xb8;
	[tilespmem:$0x1F400] =	vst v63  }
0x8c: {  	_ =	swait.ge [sflag:s26], $0x4000  }
0x8d: {  	[sflag:s26] =	ssyncset.done $0x0  }
0x8e: {  	s23 =	sadd.s32 $0x80, s13;
	[sflag:s26] =	ssyncadd.s32 $0xFFFFC000  }
0x8f: {  	[spmem:s1] =	stream.indirect.scatter.add.f32 [tilespmem:s25], [sflag:$0x3], $0x80, s23, s24, $0xb8;
	[tilespmem:$0x1F400] =	vst v63  }
0x90: {  	_ =	swait.ge [sflag:s22], $0x4000  }
0x91: {  	s18 =	sadd.s32 $0x100, s30;
	p1 =	sge.u32 s15, s11;
	[sflag:s22] =	ssyncset.done $0x0  }
0x92: {  	s15 =	simm.s32 @!p1 $0x80;
	s23 =	simm.s32 @!p1 $0x3800;
	[sflag:s22] =	ssyncadd.s32 $0xFFFFC000  }
0x93: {  	[tilespmem:s23], [sflag:$0x1] =	stream.indirect.gather @!p1 [hbm4b:s4+s15], $0x80, s18, s15, $0xb8;
	[tilespmem:$0x1F400] =	vst v63  }
0x94: {  	_ =	swait.ge [sflag:s28], $0x4000  }
0x95: {  	[sflag:s28] =	ssyncset.done $0x0  }
.Ltmp6:
0x96: {  	s31 =	sadd.s32 $0x100, s0;
	[sflag:s28] =	ssyncadd.s32 $0xFFFFC000;
	(pc) =	sbr.rel @p0 .LBB2_13-.Ltmp6, $4  }
0x97: {  	[spmem:s1] =	stream.indirect.scatter.add.f32 [tilespmem:s21], [sflag:$0x3], $0x80, s31, s24, $0xb8;
	[tilespmem:$0x1F400] =	vst v63  }
0x98: {  	_ =	swait.ge [sflag:s22], $0x4000  }
0x99: {  	[sflag:s22] =	ssyncset.done $0x0  }
0x9a: {  	[sflag:s22] =	ssyncadd.s32 $0xFFFFC000  }
0x9b: {  	s0 =	rddreg [dreg:$0x4]  }
0x9c: {  	[tilespmem:s3], [sflag:$0x3] =	stream.linear.gather [hbm4b:s0+s3], $0x1400, $0x38;
	[tilespmem:$0x1F400] =	vst v63  }
0x9d: {  	_ =	swait.ge [sflag:s22], $0x1400  }
0x9e: {  	s23 =	rddreg [dreg:$0x5]  }
0x9f: {  	s23 =	sadd.s32 $0xFFFFFFFF, s23  }
0xa0: {  	p2 =	sne.s32 s23, $0x0  }
.Ltmp7:
0xa1: {  	_ = 	snop;
	(pc) =	sbr.rel @!p2 .LBB2_12-.Ltmp7, $4  }
0xa2: {  	s31 =	simm.s32 $0x80  }
0xa3: {  	s30 =	simm.s32 $0x2880;
	p3 =	sle.u32 s14, $0x1;
	[sflag:s22] =	ssyncset.done $0x0  }
0xa4: {  	p1 =	por $0x0, $0x0;
	s0 =	simm.s32 $0x1;
	[sflag:s22] =	ssyncadd.s32 $0xFFFFEC00  }
0xa5: {  	[tilespmem:s25], [sflag:$0x1] =	stream.indirect.gather [hbm4b:s4+s31], $0x80, s3, s31, $0xb8;
	[tilespmem:$0x1F400] =	vst v63  }
0xa6: {  	s0 =	simm.s32 @!p3 $0x80;
	s15 =	simm.s32 @!p3 $0x7800  }
0xa7: {  	[tilespmem:s15], [sflag:$0x2] =	stream.indirect.gather @!p3 [hbm4b:s4+s0], $0x80, s31, s0, $0xb8;
	[tilespmem:$0x1F400] =	vst v63  }
0xa8: {  	_ =	swait.ge [sflag:s26], $0x4000  }
0xa9: {  	[sflag:s26] =	ssyncset.done $0x0  }
0xaa: {  	s18 =	simm.s32 $0x2800;
	[sflag:s26] =	ssyncadd.s32 $0xFFFFC000  }
0xab: {  	[spmem:s1] =	stream.indirect.scatter.add.f32 [tilespmem:s25], [sflag:$0x3], $0x80, s18, s24, $0xb8;
	[tilespmem:$0x1F400] =	vst v63  }
0xac: {  	p1 =	sle.u32 s14, $0x2;
	s23 =	sadd.s32 $0xFFFFFFFF, s23;
	_ =	swait.ge [sflag:s22], $0x4000  }
0xad: {  	s0 =	simm.s32 @!p1 $0x100;
	s15 =	simm.s32 @!p1 $0x80;
	[sflag:s22] =	ssyncset.done $0x0  }
0xae: {  	p2 =	sne.s32 s23, $0x0;
	s18 =	simm.s32 @!p1 $0x3800;
	[sflag:s22] =	ssyncadd.s32 $0xFFFFC000  }
0xaf: {  	[tilespmem:s18], [sflag:$0x1] =	stream.indirect.gather @!p1 [hbm4b:s4+s15], $0x80, s0, s15, $0xb8;
	[tilespmem:$0x1F400] =	vst v63  }
.Ltmp8:
0xb0: {  	_ =	swait.ge [sflag:s28], $0x4000;
	(pc) =	sbr.rel @!p2 .LBB2_12-.Ltmp8, $4  }
0xb1: {  	s31 =	simm.s32 $0x180;
	[sflag:s28] =	ssyncset.done $0x0  }
0xb2: {  	p3 =	sle.u32 s14, $0x3;
	s0 =	simm.s32 $0x3;
	[sflag:s28] =	ssyncadd.s32 $0xFFFFC000  }
0xb3: {  	[spmem:s1] =	stream.indirect.scatter.add.f32 [tilespmem:s21], [sflag:$0x3], $0x80, s30, s24, $0xb8;
	[tilespmem:$0x1F400] =	vst v63  }
0xb4: {  	p1 =	por $0x1, $0x1;
	s30 =	simm.s32 $0x2980;
	_ =	swait.ge [sflag:s22], $0x4000  }
.LBB2_11:
0xb5: {  	s15 =	simm.s32 @!p3 $0x80;
	s18 =	simm.s32 @!p3 $0x7800;
	[sflag:s22] =	ssyncset.done $0x0  }
0xb6: {  	s23 =	sadd.s32 $0xFFFFFFFF, s23;
	[sflag:s22] =	ssyncadd.s32 $0xFFFFC000  }
0xb7: {  	[tilespmem:s18], [sflag:$0x2] =	stream.indirect.gather @!p3 [hbm4b:s4+s15], $0x80, s31, s15, $0xb8;
	[tilespmem:$0x1F400] =	vst v63  }
0xb8: {  	p2 =	sne.s32 s23, $0x0;
	_ =	swait.ge [sflag:s26], $0x4000  }
0xb9: {  	s15 =	sadd.s32 $0xFFFFFF80, s30;
	[sflag:s26] =	ssyncset.done $0x0  }
0xba: {  	s18 =	sadd.s32 $0x1, s0;
	[sflag:s26] =	ssyncadd.s32 $0xFFFFC000  }
0xbb: {  	[spmem:s1] =	stream.indirect.scatter.add.f32 [tilespmem:s25], [sflag:$0x3], $0x80, s15, s24, $0xb8;
	[tilespmem:$0x1F400] =	vst v63  }
0xbc: {  	p3 =	sge.u32 s18, s14;
	_ =	swait.ge [sflag:s22], $0x4000  }
0xbd: {  	s18 =	simm.s32 @!p3 $0x80;
	s15 =	sadd.s32 @!p3 $0x80, s31;
	[sflag:s22] =	ssyncset.done $0x0  }
0xbe: {  	s2 =	simm.s32 @!p3 $0x3800;
	[sflag:s22] =	ssyncadd.s32 $0xFFFFC000  }
0xbf: {  	[tilespmem:s2], [sflag:$0x1] =	stream.indirect.gather @!p3 [hbm4b:s4+s18], $0x80, s15, s18, $0xb8;
	[tilespmem:$0x1F400] =	vst v63  }
.Ltmp9:
0xc0: {  	_ =	swait.ge [sflag:s28], $0x4000;
	(pc) =	sbr.rel @p2 .LBB2_11-.Ltmp9, $4  }
0xc1: {  	[sflag:s28] =	ssyncset.done $0x0  }
0xc2: {  	s0 =	sadd.s32 $0x2, s0;
	s31 =	sadd.s32 $0x100, s31;
	[sflag:s28] =	ssyncadd.s32 $0xFFFFC000  }
0xc3: {  	[spmem:s1] =	stream.indirect.scatter.add.f32 [tilespmem:s21], [sflag:$0x3], $0x80, s30, s24, $0xb8;
	[tilespmem:$0x1F400] =	vst v63  }
0xc4: {  	p3 =	sge.u32 s0, s14;
	s30 =	sadd.s32 $0x100, s30;
	_ =	swait.ge [sflag:s22], $0x4000  }
.Ltmp10:
0xc5: {  	_ = 	snop;
	(pc) =	sbr.rel .LBB2_12-.Ltmp10, $1  }
0xc6: {  	_ =	sdelay $0x3  }
.LBB2_5:
.Ltmp11:
0xc7: {  	(pc) =	sbr.rel .LBB2_8-.Ltmp11, $2  }
0xc8: {  	_ =	sdelay $0x2  }
0xc9: {  	s0 =	simm.s32 $0x1580  }
.LBB2_14:
0xca: {  	_ =	sfence.sel $0x180000  }
0xcb: {  	[bflag:$0x0] =	sbarrier.arrive $0xFFFF  }
0xcc: {  	_ =	strace $0x9000004A  }
0xcd: {  	s0 =	stileid.u32;
	[bflag:$0x2] =	sbarrier.arrive $0xFFFF  }
0xce: {  	p0 =	sne.s32 s0, $0x0;
	s0 =	rddreg [dreg:$0x3]  }
0xcf: {  	s0 =	sadd.s32 @!p0 $0x100000, s0  }
0xd0: {  	[sflag:s0] =	ssyncadd.tile.s32 @!p0 $0x1;
	_ =	shalt  }
.Lfunc_end2:
_tile_overlayer_lowered:
.L_overlay_start_2:
0xd1: {  	(tag) =	ssettag $0x2  }
0xd2: {  	s0 =	rddreg [dreg:$0x0];
	s2 =	stileid.u32  }
0xd3: {  	s1 =	rddreg [dreg:$0x1];
	p0 =	sne.s32 s2, $0x0  }
0xd4: {  	s3 =	rddreg [dreg:$0x2];
	[bflag:$0x3] =	sbarrier.arrive $0xFFFF;
	s2 =	simm.s32 @!p0 $0x1C03  }
0xd5: {  	[timem:s3], [sflag:s2] =	dma.local @!p0 [hbm:s0], s1  }
0xd6: {  	s0 =	simm.s32 @!p0 $0x3  }
0xd7: {  	_ =	swait.ge @!p0 [sflag:s0], s1  }
0xd8: {  	s1 =	ssub.s32 @!p0 $0x0, s1;
	[sflag:s0] =	ssyncset.done @!p0 $0x0  }
0xd9: {  	[sflag:s0] =	ssyncadd.s32 @!p0 s1  }
0xda: {  	[bflag:$0x3] =	sbarrier.arrive $0xFFFF  }
0xdb: {  	_ =	shalt  }

// kernel: kernel.20.cloned.1.call-start
scs
__scs_entry_jumppad:
0x0: {  	(pc) =	sbr.rel $0x88, $3  }
0x1: {  	(tag) =	ssettag $0x0;
	lr =	simm.s32 $0x1  }
0x2: {  	[smem:$0x3F99] =	sst lr;
	_ =	strace $0xD0000000  }
0x3: {  	_ = 	snop  }
0x4: {  	_ = 	snop  }
0x5: {  	_ = 	snop  }
0x6: {  	_ = 	snop  }
0x7: {  	_ = 	snop  }
__scs_overlays_trampoline_lowered:
0x8: {  	[smem:$0x3FA8] =	sst s0  }
0x9: {  	[smem:$0x3FA9] =	sst s1  }
0xa: {  	[smem:$0x3FAA] =	sst s2  }
0xb: {  	[smem:$0x3FAB] =	sst s3  }
0xc: {  	[smem:$0x3FAC] =	sst s4  }
0xd: {  	[smem:$0x3FAD] =	sst s5  }
0xe: {  	[smem:$0x3FAE] =	sst s6  }
0xf: {  	[smem:$0x3FAF] =	sst s7  }
0x10: {  	[smem:$0x3FB0] =	sst s8  }
0x11: {  	[smem:$0x3FB1] =	sst s9;
	s0 =	simm.s32 @!p0 $0x0  }
0x12: {  	s1 =	sld [smem:$0x3F97];
	s0 =	simm.s32 @p0 $0x1  }
0x13: {  	[smem:$0x3FB2] =	sst s0;
	s0 =	simm.s32 @!p1 $0x0  }
0x14: {  	s2 =	sld [smem:$0x3F96];
	s0 =	simm.s32 @p1 $0x1  }
0x15: {  	[smem:$0x3FB3] =	sst s0;
	s0 =	simm.s32 @!p2 $0x0  }
0x16: {  	s3 =	sld [smem:$0x3FDB];
	s0 =	simm.s32 @p2 $0x1  }
0x17: {  	s4 =	simm.s32 $0x1BF5;
	[smem:$0x3FB5] =	sst s0  }
0x18: {  	s0 =	sld [smem:$0x3F98];
	_ =	swait.ge [sflag:s4], $0x0  }
0x19: {  	s7 =	sld [smem:$0x3F99]  }
0x1a: {  	s8 =	sadd.s32 $0xFFFFE003, lr  }
0x1b: {  	s9 =	sadd.s32 $0xFFFFFEF7, lr;
	s5 =	simm.s32 $0xFFFFFFFF;
	p2 =	slt.u32 s8, $0xFFFFF086  }
0x1c: {  	p1 =	slt.u32 s9, $0xF7A;
	s5 =	simm.s32 @!p2 $0x0  }
0x1d: {  	s5 =	simm.s32 @p1 $0x1;
	p0 =	seq.s32 s7, s2  }
0x1e: {  	s7 =	smul.u32 @!p0 $0xF7A, s2;
	p2 =	seq.s32 @!p0 s5, $0x0  }
0x1f: {  	s9 =	smul.u32 $0xF7A, s1;
	s8 =	simm.s32 @!p0 $0x1BF5;
	p2 =	por !p2, p0  }
0x20: {  	[sflag:s8] =	ssyncset.s32 @!p0 $0xFFFFF086;
	s6 =	sadd.s32 @!p0 s3, s7;
	s7 =	simm.s32 @!p0 $0x108  }
0x21: {  	s3 =	sadd.s32 s3, s9;
	s6 =	sadd.s32 @!p0 $0x88, s6;
	s7 =	simm.s32 @p2 $0x1082  }
0x22: {  	[simem:s7], [sflag:s8] =	dma.local @!p0 [hbm:s6], $0xF7A  }
0x23: {  	s9 =	sor.u32 $0xD0000000, s2;
	s6 =	simm.s32 $0x108;
	_ =	swait.ge @!p0 [sflag:s8], $0x0  }
0x24: {  	s3 =	sadd.s32 $0x88, s3;
	s6 =	simm.s32 @!p1 $0x1082;
	[sflag:s4] =	ssyncset.s32 $0xFFFFF086  }
0x25: {  	[simem:s6], [sflag:s4] =	dma.local [hbm:s3], $0xF7A  }
0x26: {  	[smem:$0x3F99] =	sst s1;
	(tag) =	ssettag s2;
	_ =	strace s9  }
0x27: {  	s1 =	sld [smem:$0x3FA9]  }
0x28: {  	s2 =	sld [smem:$0x3FAA]  }
0x29: {  	s4 =	sld [smem:$0x3FAC]  }
0x2a: {  	p0 =	seq.s32 s5, $0x0;
	s5 =	sld [smem:$0x3FAD]  }
0x2b: {  	s6 =	sld [smem:$0x3FAE]  }
0x2c: {  	s7 =	sld [smem:$0x3FAF]  }
0x2d: {  	s3 =	simm.s32 $0x108;
	s8 =	sld [smem:$0x3FB0]  }
0x2e: {  	s3 =	simm.s32 @!p0 $0x1082;
	s9 =	sld [smem:$0x3FB1]  }
0x2f: {  	lr =	sadd.s32 s0, s3;
	s0 =	sld [smem:$0x3FA8]  }
0x30: {  	s3 =	sld [smem:$0x3FAB]  }
0x31: {  	[smem:$0x3FB4] =	sst s10  }
0x32: {  	s10 =	sld [smem:$0x3FB2];
	_ =	sdelay $0x3  }
0x33: {  	p0 =	seq.s32 s10, $0x1;
	s10 =	sld [smem:$0x3FB4];
	_ =	sdelay $0x3  }
0x34: {  	[smem:$0x3FB4] =	sst s10  }
0x35: {  	s10 =	sld [smem:$0x3FB3];
	_ =	sdelay $0x3  }
0x36: {  	p1 =	seq.s32 s10, $0x1;
	s10 =	sld [smem:$0x3FB4];
	_ =	sdelay $0x3  }
0x37: {  	[smem:$0x3FB4] =	sst s10  }
0x38: {  	s10 =	sld [smem:$0x3FB5]  }
0x39: {  	_ = 	snop;
	(pc) =	sbr.ind lr, $3  }
0x3a: {  	_ = 	snop  }
0x3b: {  	_ = 	snop  }
0x3c: {  	p2 =	seq.s32 s10, $0x1;
	s10 =	sld [smem:$0x3FB4]  }
0x3d: {  	_ =	shalt  }
0x3e: {  	_ =	shalt  }
0x3f: {  	_ =	shalt  }
0x40: {  	_ =	shalt  }
0x41: {  	_ =	shalt  }
0x42: {  	_ =	shalt  }
0x43: {  	_ =	shalt  }
0x44: {  	_ =	shalt  }
0x45: {  	_ =	shalt  }
0x46: {  	_ =	shalt  }
0x47: {  	_ =	shalt  }
0x48: {  	_ =	shalt  }
0x49: {  	_ =	shalt  }
0x4a: {  	_ =	shalt  }
0x4b: {  	_ =	shalt  }
0x4c: {  	_ =	shalt  }
0x4d: {  	_ =	shalt  }
0x4e: {  	_ =	shalt  }
0x4f: {  	_ =	shalt  }
0x50: {  	_ =	shalt  }
0x51: {  	_ =	shalt  }
0x52: {  	_ =	shalt  }
0x53: {  	_ =	shalt  }
0x54: {  	_ =	shalt  }
0x55: {  	_ =	shalt  }
0x56: {  	_ =	shalt  }
0x57: {  	_ =	shalt  }
0x58: {  	_ =	shalt  }
0x59: {  	_ =	shalt  }
0x5a: {  	_ =	shalt  }
0x5b: {  	_ =	shalt  }
0x5c: {  	_ =	shalt  }
0x5d: {  	_ =	shalt  }
0x5e: {  	_ =	shalt  }
0x5f: {  	_ =	shalt  }
0x60: {  	_ =	shalt  }
0x61: {  	_ =	shalt  }
0x62: {  	_ =	shalt  }
0x63: {  	_ =	shalt  }
0x64: {  	_ =	shalt  }
0x65: {  	_ =	shalt  }
0x66: {  	_ =	shalt  }
0x67: {  	_ =	shalt  }
0x68: {  	_ =	shalt  }
0x69: {  	_ =	shalt  }
0x6a: {  	_ =	shalt  }
0x6b: {  	_ =	shalt  }
0x6c: {  	_ =	shalt  }
0x6d: {  	_ =	shalt  }
0x6e: {  	_ =	shalt  }
0x6f: {  	_ =	shalt  }
0x70: {  	_ =	shalt  }
0x71: {  	_ =	shalt  }
0x72: {  	_ =	shalt  }
0x73: {  	_ =	shalt  }
0x74: {  	_ =	shalt  }
0x75: {  	_ =	shalt  }
0x76: {  	_ =	shalt  }
0x77: {  	_ =	shalt  }
0x78: {  	_ =	shalt  }
0x79: {  	_ =	shalt  }
0x7a: {  	_ =	shalt  }
0x7b: {  	_ =	shalt  }
0x7c: {  	_ =	shalt  }
0x7d: {  	_ =	shalt  }
0x7e: {  	_ =	shalt  }
0x7f: {  	_ =	shalt  }
0x80: {  	_ =	shalt  }
0x81: {  	_ =	shalt  }
0x82: {  	_ =	shalt  }
0x83: {  	_ =	shalt  }
0x84: {  	_ =	shalt  }
0x85: {  	_ =	shalt  }
0x86: {  	_ =	shalt  }
0x87: {  	_ =	shalt  }
.Lfunc_end0:
.L_simem_size_0:
called_computation.3_lowered:
.L_overlay_start_0:
0x88: {  	s2 =	sld [smem:$0x3FD9]  }
0x89: {  	s3 =	sld [smem:$0x3FFE];
	_ =	sdelay $0x1  }
0x8a: {  	s1 =	srdreg.scid  }
0x8b: {  	s0 =	sand.u32 $0x1, s1  }
0x8c: {  	s17 =	sshll.u32 s0, $0xA;
	s2 =	sadd.s32 s3, s2  }
0x8d: {  	s2 =	sadd.s32 s2, s17  }
0x8e: {  	[smem:$0x3FC0] =	sst s2  }
0x8f: {  	_ = 	snop  }
0x90: {  	s2 =	sld [smem:$0x3FD0];
	(tm) =	ssettm $0x1  }
0x91: {  	s18 =	sld [smem:$0x3FFB];
	_ =	sdelay $0x3  }
0x92: {  	_ =	strace s18  }
0x93: {  	s3 =	sld [smem:$0x3FFC];
	_ =	sdelay $0x3  }
0x94: {  	_ =	strace s3  }
0x95: {  	s3 =	sld [smem:$0x3FFD];
	_ =	sdelay $0x3  }
0x96: {  	_ =	strace s3  }
0x97: {  	_ =	strace $0x8FFFFFFF  }
0x98: {  	s19 =	sld [smem:$0x3FDB];
	_ =	sdelay $0x1  }
0x99: {  	s4 =	simm.s32 $_scs_section_size  }
0x9a: {  	s5 =	simm.s32 $_size__tile_overlayer_lowered;
	s6 =	simm.s32 $_tile_overlayer_lowered  }
0x9b: {  	s22 =	simm.s32 $0x1BFF;
	s21 =	sshll.u32 s6, $0x1;
	s3 =	sadd.s32 s4, s19  }
0x9c: {  	s7 =	simm.s32 $0x0;
	s20 =	sshll.u32 s5, $0x1;
	s5 =	sadd.s32 s21, s3  }
0x9d: {  	[timem:s7], [sflag:s22] =	dma.local [hbm:s5], s20  }
0x9e: {  	_ =	swait.ge [sflag:s22], s20  }
0x9f: {  	s4 =	ssub.s32 $0x0, s20;
	[sflag:s22] =	ssyncset.done $0x0  }
0xa0: {  	[sflag:s22] =	ssyncadd.s32 s4;
	_ =	sdelay $0x1  }
0xa1: {  	s23 =	simm.s32 $0x1B8B  }
0xa2: {  	_ =	swait.ge [sflag:s23], $0x1  }
0xa3: {  	[sflag:s23] =	ssyncset.done $0x0  }
0xa4: {  	s25 =	simm.s32 $0x1B8E;
	s24 =	sld [smem:$0x3FFE];
	[sflag:s23] =	ssyncadd.s32 $0xFFFFFFFF  }
0xa5: {  	s26 =	simm.s32 $execute0_lowered;
	[smem:$0x3FD2] =	sst s25  }
0xa6: {  	s5 =	sshll.u32 s26, $0x1;
	_ =	strace $0x8000004F;
	[dreg:$0x1] =	wrdreg $0xFFFFFFFF  }
0xa7: {  	s28 =	simm.s32 $_size_execute0_lowered;
	s3 =	sadd.s32 s3, s5;
	[dreg:$0x0] =	wrdreg $0x0  }
0xa8: {  	s5 =	sshll.u32 s28, $0x1;
	[dreg:$0x2] =	wrdreg s3  }
0xa9: {  	[dreg:$0x3] =	wrdreg s5  }
0xaa: {  	[dreg:$0x4] =	wrdreg $0xC0  }
0xab: {  	_ =	task [dreg:s7], $0x5FFFF  }
0xac: {  	[dreg:$0x1] =	wrdreg $0xFFFFFFFF  }
0xad: {  	[dreg:$0x0] =	wrdreg $0x60  }
0xae: {  	[dreg:$0x2] =	wrdreg s24  }
0xaf: {  	[dreg:$0x3] =	wrdreg s2  }
0xb0: {  	[dreg:$0x4] =	wrdreg $0xB8000  }
0xb1: {  	[dreg:$0x5] =	wrdreg $0x9  }
0xb2: {  	_ =	task.clear_ibuf [dreg:s7], $0x6FFFF;
	_ =	strace $0x9000004F  }
0xb3: {  	s29 =	simm.s32 $0x9;
	_ =	strace $0x80000051  }
0xb4: {  	_ =	swait.ge [sflag:s29], $0x1  }
0xb5: {  	[sflag:s29] =	ssyncadd.s32 $0xFFFFFFFF  }
0xb6: {  	_ =	strace $0x90000051  }
0xb7: {  	_ =	sfence  }
0xb8: {  	s30 =	sld [smem:$0x0];
	_ =	sdelay $0x2  }
0xb9: {  	s31 =	sshll.u32 s1, $0xD;
	s1 =	sshrl.u32 s1, $0x2  }
0xba: {  	s3 =	sand.u32 $0x4000, s31;
	s1 =	sadd.s32 s1, s30  }
0xbb: {  	s0 =	sor.u32 s3, s0;
	s1 =	sshll.u32 s1, $0x11  }
0xbc: {  	s0 =	sor.u32 s1, s0  }
0xbd: {  	s0 =	sadd.s32 $0x8F2B, s0  }
0xbe: {  	[sflag:s0] =	ssyncadd.remote.s32 $0x1  }
0xbf: {  	_ =	sfence.sel $0xFFFF  }
0xc0: {  	[dreg:$0x0] =	wrdreg $0xFFFFFFFF;
	(pc) =	sbr.abs _section_cstart, $3  }
0xc1: {  	[dreg:$0x1] =	wrdreg $0xFFFFFFFF  }
0xc2: {  	_ =	task.clear_ibuf [dreg:s7], $0x2FFFF;
	_ =	strace $0x9FFFFFFF  }
0xc3: {  	(tm) =	ssettm $0x7FFFFFFF  }
tec
execute0_lowered:
.L_overlay_start_1:
0x0: {  	(tag) =	ssettag $0x1  }
0x1: {  	s0 =	rddreg [dreg:$0x0]  }
0x2: {  	s10 =	rddreg [dreg:$0x1]  }
0x3: {  	s1 =	rddreg [dreg:$0x2];
	s2 =	srdreg.scid;
	s3 =	simm.s32 $0x0  }
0x4: {  	s23 =	stileid.u32;
	s12 =	simm.s32 $0x8;
	s21 =	simm.s32 $0x7800  }
0x5: {  	s22 =	simm.s32 $0x3;
	s28 =	simm.s32 $0x2;
	s7 =	smul.u32 $0x13C00, s23  }
0x6: {  	s29 =	simm.s32 $0x0;
	s5 =	sand.u32 $0x1, s2;
	s9 =	smul.u32 $0x4F000, s23  }
0x7: {  	[smem:$0x7FF] =	sst s3;
	s4 =	sadd.s32 $0x31000, s0;
	s16 =	smul.u32 $0x2400, s23  }
0x8: {  	s15 =	sadd.s32 $0x4400, s0;
	s26 =	sshll.u32 s23, $0x3;
	s6 =	smul.u32 $0x13C000, s5  }
0x9: {  	_ =	strace $0x80000050;
	s24 =	ssub.s32 $0x2, s5;
	p0 =	seq.s32 s5, $0x1  }
0xa: {  	s8 =	sshrl.u32 s24, $0x1;
	s25 =	sshrl.u32 s9, $0x2;
	s12 =	simm.s32 @!p0 $0x48  }
0xb: {  	s16 =	sshrl.u32 s16, $0x3;
	s6 =	sadd.s32 s7, s6;
	s19 =	ssub.s32 s24, s8  }
0xc: {  	s8 =	smul.u32 $0x48, s23;
	s5 =	sadd.s32 s25, s1;
	s7 =	sor.u32 $0x480, s26  }
0xd: {  	s11 =	smin.u32 s12, $0x28;
	s18 =	smax.u32 s12, $0x28;
	s24 =	simm.s32 $0x80  }
0xe: {  	s25 =	simm.s32 $0x3800;
	s26 =	simm.s32 $0x1;
	s6 =	sshrl.u32 s6, $0x3  }
0xf: {  	s9 =	sadd.s32 $0x10000, s5;
	s20 =	sshrl.u32 s11, $0x1;
	s8 =	smov.u32 @p0 s7  }
0x10: {  	s19 =	smax.u32 s19, $0x1;
	s0 =	sadd.s32 s6, s0;
	s14 =	sshll.u32 s8, $0x4  }
.Ltmp0:
0x11: {  	s6 =	sadd.s32 $0x4000, s5;
	s10 =	sadd.s32 s10, s14;
	(pc) =	sbr.rel .LBB2_1-.Ltmp0, $4  }
0x12: {  	s12 =	sadd.s32 s15, s14;
	s14 =	sadd.s32 $0xFFFFFFD8, s18;
	s15 =	sadd.s32 s15, s16  }
0x13: {  	s7 =	sadd.s32 $0x8000, s5;
	s30 =	sadd.s32 $0x280, s15;
	s18 =	sshrl.u32 s14, $0x1  }
0x14: {  	s20 =	sadd.s32 $0xFFFFFFFF, s20;
	[dreg:$0x4] =	wrdreg s30;
	s31 =	smax.u32 s18, $0x1  }
0x15: {  	v0 =	vimm.f32 $0.0e+00;
	s8 =	sadd.s32 $0xC000, s5;
	s16 =	sadd.s32 $0x58800, s0;
	[dreg:$0x5] =	wrdreg s31  }
.LBB2_12:
0x16: {  	[sflag:s22] =	ssyncset.done @p1 $0x0  }
0x17: {  	s2 =	simm.s32 @!p3 $0x80;
	s15 =	simm.s32 @!p3 $0x7800;
	[sflag:s22] =	ssyncadd.s32 @p1 $0xFFFFC000  }
0x18: {  	[tilespmem:s15], [sflag:$0x2] =	stream.indirect.gather @!p3 [hbm4b:s4+s2], $0x80, s31, s2, $0xb8;
	[tilespmem:$0x1F400] =	vst v63  }
0x19: {  	_ =	swait.ge [sflag:s26], $0x4000  }
0x1a: {  	[sflag:s26] =	ssyncset.done $0x0  }
0x1b: {  	s23 =	sadd.s32 $0xFFFFFF80, s30;
	s0 =	sadd.s32 $0x1, s0;
	[sflag:s26] =	ssyncadd.s32 $0xFFFFC000  }
0x1c: {  	[spmem:s1] =	stream.indirect.scatter.add.f32 [tilespmem:s25], [sflag:$0x3], $0x80, s23, s24, $0xb8;
	[tilespmem:$0x1F400] =	vst v63  }
0x1d: {  	p1 =	sge.u32 s0, s14;
	_ =	swait.ge [sflag:s22], $0x4000  }
0x1e: {  	s0 =	sadd.s32 @!p1 $0x80, s31;
	[sflag:s22] =	ssyncset.done $0x0  }
0x1f: {  	s2 =	simm.s32 @!p1 $0x80;
	s15 =	simm.s32 @!p1 $0x3800;
	[sflag:s22] =	ssyncadd.s32 $0xFFFFC000  }
0x20: {  	[tilespmem:s15], [sflag:$0x1] =	stream.indirect.gather @!p1 [hbm4b:s4+s2], $0x80, s0, s2, $0xb8;
	[tilespmem:$0x1F400] =	vst v63  }
0x21: {  	_ =	swait.ge [sflag:s28], $0x4000  }
0x22: {  	[sflag:s28] =	ssyncset.done $0x0  }
0x23: {  	[sflag:s28] =	ssyncadd.s32 $0xFFFFC000  }
0x24: {  	[spmem:s1] =	stream.indirect.scatter.add.f32 [tilespmem:s21], [sflag:$0x3], $0x80, s30, s24, $0xb8;
	[tilespmem:$0x1F400] =	vst v63  }
0x25: {  	_ =	swait.ge [sflag:s22], $0x4000  }
0x26: {  	[sflag:s22] =	ssyncset.done $0x0  }
0x27: {  	[sflag:s22] =	ssyncadd.s32 $0xFFFFC000  }
.LBB2_13:
0x28: {  	s0 =	stileid.u32;
	s29 =	sadd.s32 $0x1, s29  }
0x29: {  	[bflag:$0x0] =	sbarrier.arrive $0xFFFF;
	s0 =	sshll.u32 s0, $0x6;
	p1 =	sne.s32 s29, s19  }
.Ltmp1:
0x2a: {  	s2 =	sshrl.u32 s5, $0x3;
	s0 =	sor.u32 $0x1C03, s0;
	(pc) =	sbr.rel @!p1 .LBB2_14-.Ltmp1, $4  }
0x2b: {  	[hbm:s16], [sflag:s0] =	dma.local [spmem:s2], $0x2780  }
0x2c: {  	_ =	swait.ge [sflag:s22], $0x2780  }
0x2d: {  	[sflag:s22] =	ssyncset.done $0x0  }
0x2e: {  	[sflag:s22] =	ssyncadd.s32 $0xFFFFD880  }
.LBB2_1:
0x2f: {  	s0 =	sand.u32 $0xFE00, s3  }
0x30: {  	s23 =	sand.u32 $0x70, s3;
	s30 =	sshrl.u32 s0, $0x2  }
0x31: {  	s0 =	simm.s32 $0x40;
	s30 =	sor.u32 s23, s30;
	s23 =	simm.s32 $0x0  }
.LBB2_2:
0x32: {  	p1 =	sne.s32 s0, $0xFFC0  }
0x33: {  	[tilespmem:s30+$0x7800] =	vst v0;
	s23 =	sadd.s32 $0x10, s23;
	s30 =	smov.u32 s0;
	s0 =	sadd.s32 $0x40, s0  }
.Ltmp2:
0x34: {  	(pc) =	sbr.rel @p1 .LBB2_2-.Ltmp2, $4  }
0x35: {  	_ = 	snop  }
0x36: {  	s30 =	sand.u32 $0xFE00, s30  }
0x37: {  	s31 =	sand.u32 $0x70, s23;
	s30 =	sshrl.u32 s30, $0x2  }
0x38: {  	s30 =	sor.u32 s31, s30  }
0x39: {  	[tilespmem:s30+$0x7800] =	vst v0  }
0x3a: {  	[spmem:s5] =	stream.linear.scatter [tilespmem:s21], [sflag:$0x3], $0x4000, $0x38;
	[tilespmem:$0x1F400] =	vst v63  }
0x3b: {  	_ =	swait.ge [sflag:s22], $0x4000  }
0x3c: {  	[sflag:s22] =	ssyncset.done $0x0  }
0x3d: {  	[sflag:s22] =	ssyncadd.s32 $0xFFFFC000  }
0x3e: {  	[spmem:s6] =	stream.linear.scatter [tilespmem:s21], [sflag:$0x3], $0x4000, $0x38;
	[tilespmem:$0x1F400] =	vst v63  }
0x3f: {  	_ =	swait.ge [sflag:s22], $0x4000  }
0x40: {  	[sflag:s22] =	ssyncset.done $0x0  }
0x41: {  	[sflag:s22] =	ssyncadd.s32 $0xFFFFC000  }
0x42: {  	[spmem:s7] =	stream.linear.scatter [tilespmem:s21], [sflag:$0x3], $0x4000, $0x38;
	[tilespmem:$0x1F400] =	vst v63  }
0x43: {  	_ =	swait.ge [sflag:s22], $0x4000  }
0x44: {  	[sflag:s22] =	ssyncset.done $0x0  }
0x45: {  	[sflag:s22] =	ssyncadd.s32 $0xFFFFC000  }
0x46: {  	[spmem:s8] =	stream.linear.scatter [tilespmem:s21], [sflag:$0x3], $0x4000, $0x38;
	[tilespmem:$0x1F400] =	vst v63  }
0x47: {  	_ =	swait.ge [sflag:s22], $0x4000  }
0x48: {  	[sflag:s22] =	ssyncset.done $0x0  }
0x49: {  	[sflag:s22] =	ssyncadd.s32 $0xFFFFC000  }
0x4a: {  	[spmem:s9] =	stream.linear.scatter [tilespmem:s21], [sflag:$0x3], $0x3C00, $0x38;
	[tilespmem:$0x1F400] =	vst v63  }
0x4b: {  	_ =	swait.ge [sflag:s22], $0x3C00  }
0x4c: {  	[sflag:s22] =	ssyncset.done $0x0  }
0x4d: {  	s0 =	simm.s32 $0x1400;
	[sflag:s22] =	ssyncadd.s32 $0xFFFFC400  }
0x4e: {  	[tilespmem:s0], [sflag:$0x3] =	stream.linear.gather [hbm4b:s10+s3], $0x2400, $0x38;
	[tilespmem:$0x1F400] =	vst v63  }
0x4f: {  	_ =	swait.ge [sflag:s22], $0x2400  }
0x50: {  	[sflag:s22] =	ssyncset.done $0x0  }
0x51: {  	s23 =	sadd.s32 $0xFFFFFFFF, s20;
	[sflag:s22] =	ssyncadd.s32 $0xFFFFDC00  }
0x52: {  	p3 =	sne.s32 s23, $0x0;
	[bflag:$0x0] =	sbarrier.arrive $0xFFFF  }
0x53: {  	[tilespmem:s3], [sflag:$0x3] =	stream.linear.gather [hbm4b:s12+s3], $0x1400, $0x38;
	[tilespmem:$0x1F400] =	vst v63  }
.Ltmp3:
0x54: {  	_ = 	snop;
	(pc) =	sbr.rel @!p3 .LBB2_8-.Ltmp3, $4  }
0x55: {  	s30 =	simm.s32 $0x100;
	_ =	swait.ge [sflag:s22], $0x1400  }
0x56: {  	s31 =	simm.s32 $0x2;
	p2 =	sle.u32 s11, $0x1;
	[sflag:s22] =	ssyncset.done $0x0  }
0x57: {  	p1 =	por $0x0, $0x0;
	s0 =	simm.s32 $0x1480;
	[sflag:s22] =	ssyncadd.s32 $0xFFFFEC00  }
0x58: {  	[tilespmem:s25], [sflag:$0x1] =	stream.indirect.gather [hbm4b:s4+s24], $0x80, s3, s24, $0xb8;
	[tilespmem:$0x1F400] =	vst v63  }
0x59: {  	s31 =	simm.s32 @!p2 $0x80;
	s15 =	simm.s32 @!p2 $0x80;
	s18 =	simm.s32 @!p2 $0x7800  }
0x5a: {  	[tilespmem:s18], [sflag:$0x2] =	stream.indirect.gather @!p2 [hbm4b:s4+s15], $0x80, s31, s15, $0xb8;
	[tilespmem:$0x1F400] =	vst v63  }
0x5b: {  	_ =	swait.ge [sflag:s26], $0x4000  }
0x5c: {  	[sflag:s26] =	ssyncset.done $0x0  }
0x5d: {  	s18 =	simm.s32 $0x1400;
	[sflag:s26] =	ssyncadd.s32 $0xFFFFC000  }
0x5e: {  	[spmem:s1] =	stream.indirect.scatter.add.f32 [tilespmem:s25], [sflag:$0x3], $0x80, s18, s24, $0xb8;
	[tilespmem:$0x1F400] =	vst v63  }
0x5f: {  	p1 =	sle.u32 s11, $0x2;
	_ =	swait.ge [sflag:s22], $0x4000  }
0x60: {  	s23 =	sadd.s32 $0xFFFFFFFF, s23;
	s15 =	simm.s32 @!p1 $0x80;
	[sflag:s22] =	ssyncset.done $0x0  }
0x61: {  	p3 =	sne.s32 s23, $0x0;
	s18 =	simm.s32 @!p1 $0x3800;
	[sflag:s22] =	ssyncadd.s32 $0xFFFFC000  }
0x62: {  	[tilespmem:s18], [sflag:$0x1] =	stream.indirect.gather @!p1 [hbm4b:s4+s15], $0x80, s30, s15, $0xb8;
	[tilespmem:$0x1F400] =	vst v63  }
.Ltmp4:
0x63: {  	_ =	swait.ge [sflag:s28], $0x4000;
	(pc) =	sbr.rel @!p3 .LBB2_5-.Ltmp4, $4  }
0x64: {  	s31 =	simm.s32 $0x4;
	[sflag:s28] =	ssyncset.done $0x0  }
0x65: {  	p2 =	sle.u32 s11, $0x3;
	s30 =	simm.s32 $0x200;
	[sflag:s28] =	ssyncadd.s32 $0xFFFFC000  }
0x66: {  	[spmem:s1] =	stream.indirect.scatter.add.f32 [tilespmem:s21], [sflag:$0x3], $0x80, s0, s24, $0xb8;
	[tilespmem:$0x1F400] =	vst v63  }
0x67: {  	p1 =	por $0x1, $0x1;
	s0 =	simm.s32 $0x1580;
	_ =	swait.ge [sflag:s22], $0x4000  }
.LBB2_6:
0x68: {  	s13 =	sadd.s32 @!p2 $0xFFFFFF80, s30;
	s15 =	simm.s32 @!p2 $0x80;
	[sflag:s22] =	ssyncset.done $0x0  }
0x69: {  	s23 =	sadd.s32 $0xFFFFFFFF, s23;
	s17 =	simm.s32 @!p2 $0x7800;
	[sflag:s22] =	ssyncadd.s32 $0xFFFFC000  }
0x6a: {  	[tilespmem:s17], [sflag:$0x2] =	stream.indirect.gather @!p2 [hbm4b:s4+s15], $0x80, s13, s15, $0xb8;
	[tilespmem:$0x1F400] =	vst v63  }
0x6b: {  	p3 =	sne.s32 s23, $0x0;
	s15 =	smov.u32 s0;
	_ =	swait.ge [sflag:s26], $0x4000  }
0x6c: {  	[sflag:s26] =	ssyncset.done $0x0  }
0x6d: {  	s13 =	sadd.s32 $0xFFFFFF80, s0;
	[sflag:s26] =	ssyncadd.s32 $0xFFFFC000  }
0x6e: {  	[spmem:s1] =	stream.indirect.scatter.add.f32 [tilespmem:s25], [sflag:$0x3], $0x80, s13, s24, $0xb8;
	[tilespmem:$0x1F400] =	vst v63  }
0x6f: {  	_ =	swait.ge [sflag:s22], $0x4000  }
0x70: {  	p2 =	sge.u32 s31, s11;
	[sflag:s22] =	ssyncset.done $0x0  }
0x71: {  	s17 =	simm.s32 @!p2 $0x3800;
	s13 =	simm.s32 @!p2 $0x80;
	[sflag:s22] =	ssyncadd.s32 $0xFFFFC000  }
0x72: {  	[tilespmem:s17], [sflag:$0x1] =	stream.indirect.gather @!p2 [hbm4b:s4+s13], $0x80, s30, s13, $0xb8;
	[tilespmem:$0x1F400] =	vst v63  }
.Ltmp5:
0x73: {  	s31 =	sadd.s32 $0x2, s31;
	_ =	swait.ge [sflag:s28], $0x4000;
	(pc) =	sbr.rel @p3 .LBB2_6-.Ltmp5, $4  }
0x74: {  	s17 =	sadd.s32 $0xFFFFFFFF, s31;
	s13 =	sadd.s32 $0x100, s0;
	[sflag:s28] =	ssyncset.done $0x0  }
0x75: {  	p2 =	sge.u32 s17, s11;
	s17 =	sadd.s32 $0x100, s30;
	[sflag:s28] =	ssyncadd.s32 $0xFFFFC000  }
0x76: {  	[spmem:s1] =	stream.indirect.scatter.add.f32 [tilespmem:s21], [sflag:$0x3], $0x80, s15, s24, $0xb8;
	[tilespmem:$0x1F400] =	vst v63  }
0x77: {  	s0 =	smov.u32 s13;
	s30 =	smov.u32 s17;
	_ =	swait.ge [sflag:s22], $0x4000  }
0x78: {  	s30 =	smov.u32 s17;
	s0 =	smov.u32 s13  }
.LBB2_8:
0x79: {  	s15 =	sadd.s32 @!p2 $0xFFFFFF80, s30;
	[sflag:s22] =	ssyncset.done @p1 $0x0  }
0x7a: {  	s18 =	simm.s32 @!p2 $0x80;
	s23 =	simm.s32 @!p2 $0x7800;
	[sflag:s22] =	ssyncadd.s32 @p1 $0xFFFFC000  }
0x7b: {  	[tilespmem:s23], [sflag:$0x2] =	stream.indirect.gather @!p2 [hbm4b:s4+s18], $0x80, s15, s18, $0xb8;
	[tilespmem:$0x1F400] =	vst v63  }
0x7c: {  	_ =	swait.ge [sflag:s26], $0x4000  }
0x7d: {  	[sflag:s26] =	ssyncset.done $0x0  }
0x7e: {  	s23 =	sadd.s32 $0xFFFFFF80, s0;
	[sflag:s26] =	ssyncadd.s32 $0xFFFFC000  }
0x7f: {  	[spmem:s1] =	stream.indirect.scatter.add.f32 [tilespmem:s25], [sflag:$0x3], $0x80, s23, s24, $0xb8;
	[tilespmem:$0x1F400] =	vst v63  }
0x80: {  	_ =	swait.ge [sflag:s22], $0x4000  }
0x81: {  	p1 =	sge.u32 s31, s11;
	[sflag:s22] =	ssyncset.done $0x0  }
0x82: {  	s15 =	simm.s32 @!p1 $0x80;
	s18 =	simm.s32 @!p1 $0x3800;
	[sflag:s22] =	ssyncadd.s32 $0xFFFFC000  }
0x83: {  	[tilespmem:s18], [sflag:$0x1] =	stream.indirect.gather @!p1 [hbm4b:s4+s15], $0x80, s30, s15, $0xb8;
	[tilespmem:$0x1F400] =	vst v63  }
0x84: {  	_ =	swait.ge [sflag:s28], $0x4000  }
0x85: {  	s15 =	sadd.s32 $0x2, s31;
	[sflag:s28] =	ssyncset.done $0x0  }
0x86: {  	s2 =	sadd.s32 $0xFFFFFFFF, s15;
	[sflag:s28] =	ssyncadd.s32 $0xFFFFC000  }
0x87: {  	[spmem:s1] =	stream.indirect.scatter.add.f32 [tilespmem:s21], [sflag:$0x3], $0x80, s0, s24, $0xb8;
	[tilespmem:$0x1F400] =	vst v63  }
0x88: {  	p1 =	sge.u32 s2, s11;
	_ =	swait.ge [sflag:s22], $0x4000  }
0x89: {  	s18 =	sadd.s32 @!p1 $0x80, s17;
	[sflag:s22] =	ssyncset.done $0x0  }
0x8a: {  	s23 =	simm.s32 @!p1 $0x80;
	s31 =	simm.s32 @!p1 $0x7800;
	[sflag:s22] =	ssyncadd.s32 $0xFFFFC000  }
0x8b: {  	[tilespmem:s31], [sflag:$0x2] =	stream.indirect.gather @!p1 [hbm4b:s4+s23], $0x80, s18, s23, $0xb8;
	[tilespmem:$0x1F400] =	vst v63  }
0x8c: {  	_ =	swait.ge [sflag:s26], $0x4000  }
0x8d: {  	[sflag:s26] =	ssyncset.done $0x0  }
0x8e: {  	s23 =	sadd.s32 $0x80, s13;
	[sflag:s26] =	ssyncadd.s32 $0xFFFFC000  }
0x8f: {  	[spmem:s1] =	stream.indirect.scatter.add.f32 [tilespmem:s25], [sflag:$0x3], $0x80, s23, s24, $0xb8;
	[tilespmem:$0x1F400] =	vst v63  }
0x90: {  	_ =	swait.ge [sflag:s22], $0x4000  }
0x91: {  	s18 =	sadd.s32 $0x100, s30;
	p1 =	sge.u32 s15, s11;
	[sflag:s22] =	ssyncset.done $0x0  }
0x92: {  	s15 =	simm.s32 @!p1 $0x80;
	s23 =	simm.s32 @!p1 $0x3800;
	[sflag:s22] =	ssyncadd.s32 $0xFFFFC000  }
0x93: {  	[tilespmem:s23], [sflag:$0x1] =	stream.indirect.gather @!p1 [hbm4b:s4+s15], $0x80, s18, s15, $0xb8;
	[tilespmem:$0x1F400] =	vst v63  }
0x94: {  	_ =	swait.ge [sflag:s28], $0x4000  }
0x95: {  	[sflag:s28] =	ssyncset.done $0x0  }
.Ltmp6:
0x96: {  	s31 =	sadd.s32 $0x100, s0;
	[sflag:s28] =	ssyncadd.s32 $0xFFFFC000;
	(pc) =	sbr.rel @p0 .LBB2_13-.Ltmp6, $4  }
0x97: {  	[spmem:s1] =	stream.indirect.scatter.add.f32 [tilespmem:s21], [sflag:$0x3], $0x80, s31, s24, $0xb8;
	[tilespmem:$0x1F400] =	vst v63  }
0x98: {  	_ =	swait.ge [sflag:s22], $0x4000  }
0x99: {  	[sflag:s22] =	ssyncset.done $0x0  }
0x9a: {  	[sflag:s22] =	ssyncadd.s32 $0xFFFFC000  }
0x9b: {  	s0 =	rddreg [dreg:$0x4]  }
0x9c: {  	[tilespmem:s3], [sflag:$0x3] =	stream.linear.gather [hbm4b:s0+s3], $0x1400, $0x38;
	[tilespmem:$0x1F400] =	vst v63  }
0x9d: {  	_ =	swait.ge [sflag:s22], $0x1400  }
0x9e: {  	s23 =	rddreg [dreg:$0x5]  }
0x9f: {  	s23 =	sadd.s32 $0xFFFFFFFF, s23  }
0xa0: {  	p2 =	sne.s32 s23, $0x0  }
.Ltmp7:
0xa1: {  	_ = 	snop;
	(pc) =	sbr.rel @!p2 .LBB2_12-.Ltmp7, $4  }
0xa2: {  	s31 =	simm.s32 $0x80  }
0xa3: {  	s30 =	simm.s32 $0x2880;
	p3 =	sle.u32 s14, $0x1;
	[sflag:s22] =	ssyncset.done $0x0  }
0xa4: {  	p1 =	por $0x0, $0x0;
	s0 =	simm.s32 $0x1;
	[sflag:s22] =	ssyncadd.s32 $0xFFFFEC00  }
0xa5: {  	[tilespmem:s25], [sflag:$0x1] =	stream.indirect.gather [hbm4b:s4+s31], $0x80, s3, s31, $0xb8;
	[tilespmem:$0x1F400] =	vst v63  }
0xa6: {  	s0 =	simm.s32 @!p3 $0x80;
	s15 =	simm.s32 @!p3 $0x7800  }
0xa7: {  	[tilespmem:s15], [sflag:$0x2] =	stream.indirect.gather @!p3 [hbm4b:s4+s0], $0x80, s31, s0, $0xb8;
	[tilespmem:$0x1F400] =	vst v63  }
0xa8: {  	_ =	swait.ge [sflag:s26], $0x4000  }
0xa9: {  	[sflag:s26] =	ssyncset.done $0x0  }
0xaa: {  	s18 =	simm.s32 $0x2800;
	[sflag:s26] =	ssyncadd.s32 $0xFFFFC000  }
0xab: {  	[spmem:s1] =	stream.indirect.scatter.add.f32 [tilespmem:s25], [sflag:$0x3], $0x80, s18, s24, $0xb8;
	[tilespmem:$0x1F400] =	vst v63  }
0xac: {  	p1 =	sle.u32 s14, $0x2;
	s23 =	sadd.s32 $0xFFFFFFFF, s23;
	_ =	swait.ge [sflag:s22], $0x4000  }
0xad: {  	s0 =	simm.s32 @!p1 $0x100;
	s15 =	simm.s32 @!p1 $0x80;
	[sflag:s22] =	ssyncset.done $0x0  }
0xae: {  	p2 =	sne.s32 s23, $0x0;
	s18 =	simm.s32 @!p1 $0x3800;
	[sflag:s22] =	ssyncadd.s32 $0xFFFFC000  }
0xaf: {  	[tilespmem:s18], [sflag:$0x1] =	stream.indirect.gather @!p1 [hbm4b:s4+s15], $0x80, s0, s15, $0xb8;
	[tilespmem:$0x1F400] =	vst v63  }
.Ltmp8:
0xb0: {  	_ =	swait.ge [sflag:s28], $0x4000;
	(pc) =	sbr.rel @!p2 .LBB2_12-.Ltmp8, $4  }
0xb1: {  	s31 =	simm.s32 $0x180;
	[sflag:s28] =	ssyncset.done $0x0  }
0xb2: {  	p3 =	sle.u32 s14, $0x3;
	s0 =	simm.s32 $0x3;
	[sflag:s28] =	ssyncadd.s32 $0xFFFFC000  }
0xb3: {  	[spmem:s1] =	stream.indirect.scatter.add.f32 [tilespmem:s21], [sflag:$0x3], $0x80, s30, s24, $0xb8;
	[tilespmem:$0x1F400] =	vst v63  }
0xb4: {  	p1 =	por $0x1, $0x1;
	s30 =	simm.s32 $0x2980;
	_ =	swait.ge [sflag:s22], $0x4000  }
.LBB2_11:
0xb5: {  	s15 =	simm.s32 @!p3 $0x80;
	s18 =	simm.s32 @!p3 $0x7800;
	[sflag:s22] =	ssyncset.done $0x0  }
0xb6: {  	s23 =	sadd.s32 $0xFFFFFFFF, s23;
	[sflag:s22] =	ssyncadd.s32 $0xFFFFC000  }
0xb7: {  	[tilespmem:s18], [sflag:$0x2] =	stream.indirect.gather @!p3 [hbm4b:s4+s15], $0x80, s31, s15, $0xb8;
	[tilespmem:$0x1F400] =	vst v63  }
0xb8: {  	p2 =	sne.s32 s23, $0x0;
	_ =	swait.ge [sflag:s26], $0x4000  }
0xb9: {  	s15 =	sadd.s32 $0xFFFFFF80, s30;
	[sflag:s26] =	ssyncset.done $0x0  }
0xba: {  	s18 =	sadd.s32 $0x1, s0;
	[sflag:s26] =	ssyncadd.s32 $0xFFFFC000  }
0xbb: {  	[spmem:s1] =	stream.indirect.scatter.add.f32 [tilespmem:s25], [sflag:$0x3], $0x80, s15, s24, $0xb8;
	[tilespmem:$0x1F400] =	vst v63  }
0xbc: {  	p3 =	sge.u32 s18, s14;
	_ =	swait.ge [sflag:s22], $0x4000  }
0xbd: {  	s18 =	simm.s32 @!p3 $0x80;
	s15 =	sadd.s32 @!p3 $0x80, s31;
	[sflag:s22] =	ssyncset.done $0x0  }
0xbe: {  	s2 =	simm.s32 @!p3 $0x3800;
	[sflag:s22] =	ssyncadd.s32 $0xFFFFC000  }
0xbf: {  	[tilespmem:s2], [sflag:$0x1] =	stream.indirect.gather @!p3 [hbm4b:s4+s18], $0x80, s15, s18, $0xb8;
	[tilespmem:$0x1F400] =	vst v63  }
.Ltmp9:
0xc0: {  	_ =	swait.ge [sflag:s28], $0x4000;
	(pc) =	sbr.rel @p2 .LBB2_11-.Ltmp9, $4  }
0xc1: {  	[sflag:s28] =	ssyncset.done $0x0  }
0xc2: {  	s0 =	sadd.s32 $0x2, s0;
	s31 =	sadd.s32 $0x100, s31;
	[sflag:s28] =	ssyncadd.s32 $0xFFFFC000  }
0xc3: {  	[spmem:s1] =	stream.indirect.scatter.add.f32 [tilespmem:s21], [sflag:$0x3], $0x80, s30, s24, $0xb8;
	[tilespmem:$0x1F400] =	vst v63  }
0xc4: {  	p3 =	sge.u32 s0, s14;
	s30 =	sadd.s32 $0x100, s30;
	_ =	swait.ge [sflag:s22], $0x4000  }
.Ltmp10:
0xc5: {  	_ = 	snop;
	(pc) =	sbr.rel .LBB2_12-.Ltmp10, $1  }
0xc6: {  	_ =	sdelay $0x3  }
.LBB2_5:
.Ltmp11:
0xc7: {  	(pc) =	sbr.rel .LBB2_8-.Ltmp11, $2  }
0xc8: {  	_ =	sdelay $0x2  }
0xc9: {  	s0 =	simm.s32 $0x1580  }
.LBB2_14:
0xca: {  	_ =	sfence.sel $0x180000  }
0xcb: {  	[bflag:$0x0] =	sbarrier.arrive $0xFFFF  }
0xcc: {  	_ =	strace $0x90000050  }
0xcd: {  	s0 =	stileid.u32;
	[bflag:$0x2] =	sbarrier.arrive $0xFFFF  }
0xce: {  	p0 =	sne.s32 s0, $0x0;
	s0 =	rddreg [dreg:$0x3]  }
0xcf: {  	s0 =	sadd.s32 @!p0 $0x100000, s0  }
0xd0: {  	[sflag:s0] =	ssyncadd.tile.s32 @!p0 $0x1;
	_ =	shalt  }
.Lfunc_end2:
_tile_overlayer_lowered:
.L_overlay_start_2:
0xd1: {  	(tag) =	ssettag $0x2  }
0xd2: {  	s0 =	rddreg [dreg:$0x0];
	s2 =	stileid.u32  }
0xd3: {  	s1 =	rddreg [dreg:$0x1];
	p0 =	sne.s32 s2, $0x0  }
0xd4: {  	s3 =	rddreg [dreg:$0x2];
	[bflag:$0x3] =	sbarrier.arrive $0xFFFF;
	s2 =	simm.s32 @!p0 $0x1C03  }
0xd5: {  	[timem:s3], [sflag:s2] =	dma.local @!p0 [hbm:s0], s1  }
0xd6: {  	s0 =	simm.s32 @!p0 $0x3  }
0xd7: {  	_ =	swait.ge @!p0 [sflag:s0], s1  }
0xd8: {  	s1 =	ssub.s32 @!p0 $0x0, s1;
	[sflag:s0] =	ssyncset.done @!p0 $0x0  }
0xd9: {  	[sflag:s0] =	ssyncadd.s32 @!p0 s1  }
0xda: {  	[bflag:$0x3] =	sbarrier.arrive $0xFFFF  }
0xdb: {  	_ =	shalt  }

// kernel: kernel.23.cloned.1.call-start
scs
__scs_entry_jumppad:
0x0: {  	(pc) =	sbr.rel $0x88, $3  }
0x1: {  	(tag) =	ssettag $0x0;
	lr =	simm.s32 $0x1  }
0x2: {  	[smem:$0x3F99] =	sst lr;
	_ =	strace $0xD0000000  }
0x3: {  	_ = 	snop  }
0x4: {  	_ = 	snop  }
0x5: {  	_ = 	snop  }
0x6: {  	_ = 	snop  }
0x7: {  	_ = 	snop  }
__scs_overlays_trampoline_lowered:
0x8: {  	[smem:$0x3FA8] =	sst s0  }
0x9: {  	[smem:$0x3FA9] =	sst s1  }
0xa: {  	[smem:$0x3FAA] =	sst s2  }
0xb: {  	[smem:$0x3FAB] =	sst s3  }
0xc: {  	[smem:$0x3FAC] =	sst s4  }
0xd: {  	[smem:$0x3FAD] =	sst s5  }
0xe: {  	[smem:$0x3FAE] =	sst s6  }
0xf: {  	[smem:$0x3FAF] =	sst s7  }
0x10: {  	[smem:$0x3FB0] =	sst s8  }
0x11: {  	[smem:$0x3FB1] =	sst s9;
	s0 =	simm.s32 @!p0 $0x0  }
0x12: {  	s1 =	sld [smem:$0x3F97];
	s0 =	simm.s32 @p0 $0x1  }
0x13: {  	[smem:$0x3FB2] =	sst s0;
	s0 =	simm.s32 @!p1 $0x0  }
0x14: {  	s2 =	sld [smem:$0x3F96];
	s0 =	simm.s32 @p1 $0x1  }
0x15: {  	[smem:$0x3FB3] =	sst s0;
	s0 =	simm.s32 @!p2 $0x0  }
0x16: {  	s3 =	sld [smem:$0x3FDB];
	s0 =	simm.s32 @p2 $0x1  }
0x17: {  	s4 =	simm.s32 $0x1BF5;
	[smem:$0x3FB5] =	sst s0  }
0x18: {  	s0 =	sld [smem:$0x3F98];
	_ =	swait.ge [sflag:s4], $0x0  }
0x19: {  	s7 =	sld [smem:$0x3F99]  }
0x1a: {  	s8 =	sadd.s32 $0xFFFFE003, lr  }
0x1b: {  	s9 =	sadd.s32 $0xFFFFFEF7, lr;
	s5 =	simm.s32 $0xFFFFFFFF;
	p2 =	slt.u32 s8, $0xFFFFF086  }
0x1c: {  	p1 =	slt.u32 s9, $0xF7A;
	s5 =	simm.s32 @!p2 $0x0  }
0x1d: {  	s5 =	simm.s32 @p1 $0x1;
	p0 =	seq.s32 s7, s2  }
0x1e: {  	s7 =	smul.u32 @!p0 $0xF7A, s2;
	p2 =	seq.s32 @!p0 s5, $0x0  }
0x1f: {  	s9 =	smul.u32 $0xF7A, s1;
	s8 =	simm.s32 @!p0 $0x1BF5;
	p2 =	por !p2, p0  }
0x20: {  	[sflag:s8] =	ssyncset.s32 @!p0 $0xFFFFF086;
	s6 =	sadd.s32 @!p0 s3, s7;
	s7 =	simm.s32 @!p0 $0x108  }
0x21: {  	s3 =	sadd.s32 s3, s9;
	s6 =	sadd.s32 @!p0 $0x88, s6;
	s7 =	simm.s32 @p2 $0x1082  }
0x22: {  	[simem:s7], [sflag:s8] =	dma.local @!p0 [hbm:s6], $0xF7A  }
0x23: {  	s9 =	sor.u32 $0xD0000000, s2;
	s6 =	simm.s32 $0x108;
	_ =	swait.ge @!p0 [sflag:s8], $0x0  }
0x24: {  	s3 =	sadd.s32 $0x88, s3;
	s6 =	simm.s32 @!p1 $0x1082;
	[sflag:s4] =	ssyncset.s32 $0xFFFFF086  }
0x25: {  	[simem:s6], [sflag:s4] =	dma.local [hbm:s3], $0xF7A  }
0x26: {  	[smem:$0x3F99] =	sst s1;
	(tag) =	ssettag s2;
	_ =	strace s9  }
0x27: {  	s1 =	sld [smem:$0x3FA9]  }
0x28: {  	s2 =	sld [smem:$0x3FAA]  }
0x29: {  	s4 =	sld [smem:$0x3FAC]  }
0x2a: {  	p0 =	seq.s32 s5, $0x0;
	s5 =	sld [smem:$0x3FAD]  }
0x2b: {  	s6 =	sld [smem:$0x3FAE]  }
0x2c: {  	s7 =	sld [smem:$0x3FAF]  }
0x2d: {  	s3 =	simm.s32 $0x108;
	s8 =	sld [smem:$0x3FB0]  }
0x2e: {  	s3 =	simm.s32 @!p0 $0x1082;
	s9 =	sld [smem:$0x3FB1]  }
0x2f: {  	lr =	sadd.s32 s0, s3;
	s0 =	sld [smem:$0x3FA8]  }
0x30: {  	s3 =	sld [smem:$0x3FAB]  }
0x31: {  	[smem:$0x3FB4] =	sst s10  }
0x32: {  	s10 =	sld [smem:$0x3FB2];
	_ =	sdelay $0x3  }
0x33: {  	p0 =	seq.s32 s10, $0x1;
	s10 =	sld [smem:$0x3FB4];
	_ =	sdelay $0x3  }
0x34: {  	[smem:$0x3FB4] =	sst s10  }
0x35: {  	s10 =	sld [smem:$0x3FB3];
	_ =	sdelay $0x3  }
0x36: {  	p1 =	seq.s32 s10, $0x1;
	s10 =	sld [smem:$0x3FB4];
	_ =	sdelay $0x3  }
0x37: {  	[smem:$0x3FB4] =	sst s10  }
0x38: {  	s10 =	sld [smem:$0x3FB5]  }
0x39: {  	_ = 	snop;
	(pc) =	sbr.ind lr, $3  }
0x3a: {  	_ = 	snop  }
0x3b: {  	_ = 	snop  }
0x3c: {  	p2 =	seq.s32 s10, $0x1;
	s10 =	sld [smem:$0x3FB4]  }
0x3d: {  	_ =	shalt  }
0x3e: {  	_ =	shalt  }
0x3f: {  	_ =	shalt  }
0x40: {  	_ =	shalt  }
0x41: {  	_ =	shalt  }
0x42: {  	_ =	shalt  }
0x43: {  	_ =	shalt  }
0x44: {  	_ =	shalt  }
0x45: {  	_ =	shalt  }
0x46: {  	_ =	shalt  }
0x47: {  	_ =	shalt  }
0x48: {  	_ =	shalt  }
0x49: {  	_ =	shalt  }
0x4a: {  	_ =	shalt  }
0x4b: {  	_ =	shalt  }
0x4c: {  	_ =	shalt  }
0x4d: {  	_ =	shalt  }
0x4e: {  	_ =	shalt  }
0x4f: {  	_ =	shalt  }
0x50: {  	_ =	shalt  }
0x51: {  	_ =	shalt  }
0x52: {  	_ =	shalt  }
0x53: {  	_ =	shalt  }
0x54: {  	_ =	shalt  }
0x55: {  	_ =	shalt  }
0x56: {  	_ =	shalt  }
0x57: {  	_ =	shalt  }
0x58: {  	_ =	shalt  }
0x59: {  	_ =	shalt  }
0x5a: {  	_ =	shalt  }
0x5b: {  	_ =	shalt  }
0x5c: {  	_ =	shalt  }
0x5d: {  	_ =	shalt  }
0x5e: {  	_ =	shalt  }
0x5f: {  	_ =	shalt  }
0x60: {  	_ =	shalt  }
0x61: {  	_ =	shalt  }
0x62: {  	_ =	shalt  }
0x63: {  	_ =	shalt  }
0x64: {  	_ =	shalt  }
0x65: {  	_ =	shalt  }
0x66: {  	_ =	shalt  }
0x67: {  	_ =	shalt  }
0x68: {  	_ =	shalt  }
0x69: {  	_ =	shalt  }
0x6a: {  	_ =	shalt  }
0x6b: {  	_ =	shalt  }
0x6c: {  	_ =	shalt  }
0x6d: {  	_ =	shalt  }
0x6e: {  	_ =	shalt  }
0x6f: {  	_ =	shalt  }
0x70: {  	_ =	shalt  }
0x71: {  	_ =	shalt  }
0x72: {  	_ =	shalt  }
0x73: {  	_ =	shalt  }
0x74: {  	_ =	shalt  }
0x75: {  	_ =	shalt  }
0x76: {  	_ =	shalt  }
0x77: {  	_ =	shalt  }
0x78: {  	_ =	shalt  }
0x79: {  	_ =	shalt  }
0x7a: {  	_ =	shalt  }
0x7b: {  	_ =	shalt  }
0x7c: {  	_ =	shalt  }
0x7d: {  	_ =	shalt  }
0x7e: {  	_ =	shalt  }
0x7f: {  	_ =	shalt  }
0x80: {  	_ =	shalt  }
0x81: {  	_ =	shalt  }
0x82: {  	_ =	shalt  }
0x83: {  	_ =	shalt  }
0x84: {  	_ =	shalt  }
0x85: {  	_ =	shalt  }
0x86: {  	_ =	shalt  }
0x87: {  	_ =	shalt  }
.Lfunc_end0:
.L_simem_size_0:
called_computation.4_lowered:
.L_overlay_start_0:
0x88: {  	s2 =	sld [smem:$0x3FD9]  }
0x89: {  	s3 =	sld [smem:$0x3FFE];
	_ =	sdelay $0x1  }
0x8a: {  	s1 =	srdreg.scid  }
0x8b: {  	s0 =	sand.u32 $0x1, s1  }
0x8c: {  	s17 =	sshll.u32 s0, $0xA;
	s2 =	sadd.s32 s3, s2  }
0x8d: {  	s2 =	sadd.s32 s2, s17  }
0x8e: {  	[smem:$0x3FC0] =	sst s2  }
0x8f: {  	_ = 	snop  }
0x90: {  	s2 =	sld [smem:$0x3FD0];
	(tm) =	ssettm $0x1  }
0x91: {  	s18 =	sld [smem:$0x3FFB];
	_ =	sdelay $0x3  }
0x92: {  	_ =	strace s18  }
0x93: {  	s3 =	sld [smem:$0x3FFC];
	_ =	sdelay $0x3  }
0x94: {  	_ =	strace s3  }
0x95: {  	s3 =	sld [smem:$0x3FFD];
	_ =	sdelay $0x3  }
0x96: {  	_ =	strace s3  }
0x97: {  	_ =	strace $0x8FFFFFFF  }
0x98: {  	s19 =	sld [smem:$0x3FDB];
	_ =	sdelay $0x1  }
0x99: {  	s4 =	simm.s32 $_scs_section_size  }
0x9a: {  	s5 =	simm.s32 $_size__tile_overlayer_lowered;
	s6 =	simm.s32 $_tile_overlayer_lowered  }
0x9b: {  	s22 =	simm.s32 $0x1BFF;
	s21 =	sshll.u32 s6, $0x1;
	s3 =	sadd.s32 s4, s19  }
0x9c: {  	s7 =	simm.s32 $0x0;
	s20 =	sshll.u32 s5, $0x1;
	s5 =	sadd.s32 s21, s3  }
0x9d: {  	[timem:s7], [sflag:s22] =	dma.local [hbm:s5], s20  }
0x9e: {  	_ =	swait.ge [sflag:s22], s20  }
0x9f: {  	s4 =	ssub.s32 $0x0, s20;
	[sflag:s22] =	ssyncset.done $0x0  }
0xa0: {  	[sflag:s22] =	ssyncadd.s32 s4;
	_ =	sdelay $0x1  }
0xa1: {  	s23 =	simm.s32 $0x1B8B  }
0xa2: {  	_ =	swait.ge [sflag:s23], $0x1  }
0xa3: {  	[sflag:s23] =	ssyncset.done $0x0  }
0xa4: {  	s25 =	simm.s32 $0x1B8E;
	s24 =	sld [smem:$0x3FFE];
	[sflag:s23] =	ssyncadd.s32 $0xFFFFFFFF  }
0xa5: {  	s26 =	simm.s32 $execute0_lowered;
	[smem:$0x3FD2] =	sst s25  }
0xa6: {  	s5 =	sshll.u32 s26, $0x1;
	_ =	strace $0x80000052;
	[dreg:$0x1] =	wrdreg $0xFFFFFFFF  }
0xa7: {  	s28 =	simm.s32 $_size_execute0_lowered;
	s3 =	sadd.s32 s3, s5;
	[dreg:$0x0] =	wrdreg $0x0  }
0xa8: {  	s5 =	sshll.u32 s28, $0x1;
	[dreg:$0x2] =	wrdreg s3  }
0xa9: {  	[dreg:$0x3] =	wrdreg s5  }
0xaa: {  	[dreg:$0x4] =	wrdreg $0xC0  }
0xab: {  	_ =	task [dreg:s7], $0x5FFFF  }
0xac: {  	[dreg:$0x1] =	wrdreg $0xFFFFFFFF  }
0xad: {  	[dreg:$0x0] =	wrdreg $0x60  }
0xae: {  	[dreg:$0x2] =	wrdreg s24  }
0xaf: {  	[dreg:$0x3] =	wrdreg s2  }
0xb0: {  	[dreg:$0x4] =	wrdreg $0xB8000  }
0xb1: {  	[dreg:$0x5] =	wrdreg $0x9  }
0xb2: {  	_ =	task.clear_ibuf [dreg:s7], $0x6FFFF;
	_ =	strace $0x90000052  }
0xb3: {  	s29 =	simm.s32 $0x9;
	_ =	strace $0x80000054  }
0xb4: {  	_ =	swait.ge [sflag:s29], $0x1  }
0xb5: {  	[sflag:s29] =	ssyncadd.s32 $0xFFFFFFFF  }
0xb6: {  	_ =	strace $0x90000054  }
0xb7: {  	_ =	sfence  }
0xb8: {  	s30 =	sld [smem:$0x0];
	_ =	sdelay $0x2  }
0xb9: {  	s31 =	sshll.u32 s1, $0xD;
	s1 =	sshrl.u32 s1, $0x2  }
0xba: {  	s3 =	sand.u32 $0x4000, s31;
	s1 =	sadd.s32 s1, s30  }
0xbb: {  	s0 =	sor.u32 s3, s0;
	s1 =	sshll.u32 s1, $0x11  }
0xbc: {  	s0 =	sor.u32 s1, s0  }
0xbd: {  	s0 =	sadd.s32 $0x8F2B, s0  }
0xbe: {  	[sflag:s0] =	ssyncadd.remote.s32 $0x1  }
0xbf: {  	_ =	sfence.sel $0xFFFF  }
0xc0: {  	[dreg:$0x0] =	wrdreg $0xFFFFFFFF;
	(pc) =	sbr.abs _section_cstart, $3  }
0xc1: {  	[dreg:$0x1] =	wrdreg $0xFFFFFFFF  }
0xc2: {  	_ =	task.clear_ibuf [dreg:s7], $0x2FFFF;
	_ =	strace $0x9FFFFFFF  }
0xc3: {  	(tm) =	ssettm $0x7FFFFFFF  }
tec
execute0_lowered:
.L_overlay_start_1:
0x0: {  	(tag) =	ssettag $0x1  }
0x1: {  	s0 =	rddreg [dreg:$0x0]  }
0x2: {  	s10 =	rddreg [dreg:$0x1]  }
0x3: {  	s1 =	rddreg [dreg:$0x2];
	s2 =	srdreg.scid;
	s3 =	simm.s32 $0x0  }
0x4: {  	s23 =	stileid.u32;
	s12 =	simm.s32 $0x8;
	s21 =	simm.s32 $0x7800  }
0x5: {  	s22 =	simm.s32 $0x3;
	s28 =	simm.s32 $0x2;
	s7 =	smul.u32 $0x13C00, s23  }
0x6: {  	s29 =	simm.s32 $0x0;
	s5 =	sand.u32 $0x1, s2;
	s9 =	smul.u32 $0x4F000, s23  }
0x7: {  	[smem:$0x7FF] =	sst s3;
	s4 =	sadd.s32 $0x9800, s0;
	s16 =	smul.u32 $0x2400, s23  }
0x8: {  	s15 =	sadd.s32 $0x4400, s0;
	s26 =	sshll.u32 s23, $0x3;
	s6 =	smul.u32 $0x13C000, s5  }
0x9: {  	_ =	strace $0x80000053;
	s24 =	ssub.s32 $0x2, s5;
	p0 =	seq.s32 s5, $0x1  }
0xa: {  	s8 =	sshrl.u32 s24, $0x1;
	s25 =	sshrl.u32 s9, $0x2;
	s12 =	simm.s32 @!p0 $0x48  }
0xb: {  	s16 =	sshrl.u32 s16, $0x3;
	s6 =	sadd.s32 s7, s6;
	s19 =	ssub.s32 s24, s8  }
0xc: {  	s8 =	smul.u32 $0x48, s23;
	s5 =	sadd.s32 s25, s1;
	s7 =	sor.u32 $0x480, s26  }
0xd: {  	s11 =	smin.u32 s12, $0x28;
	s18 =	smax.u32 s12, $0x28;
	s24 =	simm.s32 $0x80  }
0xe: {  	s25 =	simm.s32 $0x3800;
	s26 =	simm.s32 $0x1;
	s6 =	sshrl.u32 s6, $0x3  }
0xf: {  	s9 =	sadd.s32 $0x10000, s5;
	s20 =	sshrl.u32 s11, $0x1;
	s8 =	smov.u32 @p0 s7  }
0x10: {  	s19 =	smax.u32 s19, $0x1;
	s0 =	sadd.s32 s6, s0;
	s14 =	sshll.u32 s8, $0x4  }
.Ltmp0:
0x11: {  	s6 =	sadd.s32 $0x4000, s5;
	s10 =	sadd.s32 s10, s14;
	(pc) =	sbr.rel .LBB2_1-.Ltmp0, $4  }
0x12: {  	s12 =	sadd.s32 s15, s14;
	s14 =	sadd.s32 $0xFFFFFFD8, s18;
	s15 =	sadd.s32 s15, s16  }
0x13: {  	s7 =	sadd.s32 $0x8000, s5;
	s30 =	sadd.s32 $0x280, s15;
	s18 =	sshrl.u32 s14, $0x1  }
0x14: {  	s20 =	sadd.s32 $0xFFFFFFFF, s20;
	[dreg:$0x4] =	wrdreg s30;
	s31 =	smax.u32 s18, $0x1  }
0x15: {  	v0 =	vimm.f32 $0.0e+00;
	s8 =	sadd.s32 $0xC000, s5;
	s16 =	sadd.s32 $0x31000, s0;
	[dreg:$0x5] =	wrdreg s31  }
.LBB2_12:
0x16: {  	[sflag:s22] =	ssyncset.done @p1 $0x0  }
0x17: {  	s2 =	simm.s32 @!p3 $0x80;
	s15 =	simm.s32 @!p3 $0x7800;
	[sflag:s22] =	ssyncadd.s32 @p1 $0xFFFFC000  }
0x18: {  	[tilespmem:s15], [sflag:$0x2] =	stream.indirect.gather @!p3 [hbm4b:s4+s2], $0x80, s31, s2, $0xb8;
	[tilespmem:$0x1F400] =	vst v63  }
0x19: {  	_ =	swait.ge [sflag:s26], $0x4000  }
0x1a: {  	[sflag:s26] =	ssyncset.done $0x0  }
0x1b: {  	s23 =	sadd.s32 $0xFFFFFF80, s30;
	s0 =	sadd.s32 $0x1, s0;
	[sflag:s26] =	ssyncadd.s32 $0xFFFFC000  }
0x1c: {  	[spmem:s1] =	stream.indirect.scatter.add.f32 [tilespmem:s25], [sflag:$0x3], $0x80, s23, s24, $0xb8;
	[tilespmem:$0x1F400] =	vst v63  }
0x1d: {  	p1 =	sge.u32 s0, s14;
	_ =	swait.ge [sflag:s22], $0x4000  }
0x1e: {  	s0 =	sadd.s32 @!p1 $0x80, s31;
	[sflag:s22] =	ssyncset.done $0x0  }
0x1f: {  	s2 =	simm.s32 @!p1 $0x80;
	s15 =	simm.s32 @!p1 $0x3800;
	[sflag:s22] =	ssyncadd.s32 $0xFFFFC000  }
0x20: {  	[tilespmem:s15], [sflag:$0x1] =	stream.indirect.gather @!p1 [hbm4b:s4+s2], $0x80, s0, s2, $0xb8;
	[tilespmem:$0x1F400] =	vst v63  }
0x21: {  	_ =	swait.ge [sflag:s28], $0x4000  }
0x22: {  	[sflag:s28] =	ssyncset.done $0x0  }
0x23: {  	[sflag:s28] =	ssyncadd.s32 $0xFFFFC000  }
0x24: {  	[spmem:s1] =	stream.indirect.scatter.add.f32 [tilespmem:s21], [sflag:$0x3], $0x80, s30, s24, $0xb8;
	[tilespmem:$0x1F400] =	vst v63  }
0x25: {  	_ =	swait.ge [sflag:s22], $0x4000  }
0x26: {  	[sflag:s22] =	ssyncset.done $0x0  }
0x27: {  	[sflag:s22] =	ssyncadd.s32 $0xFFFFC000  }
.LBB2_13:
0x28: {  	s0 =	stileid.u32;
	s29 =	sadd.s32 $0x1, s29  }
0x29: {  	[bflag:$0x0] =	sbarrier.arrive $0xFFFF;
	s0 =	sshll.u32 s0, $0x6;
	p1 =	sne.s32 s29, s19  }
.Ltmp1:
0x2a: {  	s2 =	sshrl.u32 s5, $0x3;
	s0 =	sor.u32 $0x1C03, s0;
	(pc) =	sbr.rel @!p1 .LBB2_14-.Ltmp1, $4  }
0x2b: {  	[hbm:s16], [sflag:s0] =	dma.local [spmem:s2], $0x2780  }
0x2c: {  	_ =	swait.ge [sflag:s22], $0x2780  }
0x2d: {  	[sflag:s22] =	ssyncset.done $0x0  }
0x2e: {  	[sflag:s22] =	ssyncadd.s32 $0xFFFFD880  }
.LBB2_1:
0x2f: {  	s0 =	sand.u32 $0xFE00, s3  }
0x30: {  	s23 =	sand.u32 $0x70, s3;
	s30 =	sshrl.u32 s0, $0x2  }
0x31: {  	s0 =	simm.s32 $0x40;
	s30 =	sor.u32 s23, s30;
	s23 =	simm.s32 $0x0  }
.LBB2_2:
0x32: {  	p1 =	sne.s32 s0, $0xFFC0  }
0x33: {  	[tilespmem:s30+$0x7800] =	vst v0;
	s23 =	sadd.s32 $0x10, s23;
	s30 =	smov.u32 s0;
	s0 =	sadd.s32 $0x40, s0  }
.Ltmp2:
0x34: {  	(pc) =	sbr.rel @p1 .LBB2_2-.Ltmp2, $4  }
0x35: {  	_ = 	snop  }
0x36: {  	s30 =	sand.u32 $0xFE00, s30  }
0x37: {  	s31 =	sand.u32 $0x70, s23;
	s30 =	sshrl.u32 s30, $0x2  }
0x38: {  	s30 =	sor.u32 s31, s30  }
0x39: {  	[tilespmem:s30+$0x7800] =	vst v0  }
0x3a: {  	[spmem:s5] =	stream.linear.scatter [tilespmem:s21], [sflag:$0x3], $0x4000, $0x38;
	[tilespmem:$0x1F400] =	vst v63  }
0x3b: {  	_ =	swait.ge [sflag:s22], $0x4000  }
0x3c: {  	[sflag:s22] =	ssyncset.done $0x0  }
0x3d: {  	[sflag:s22] =	ssyncadd.s32 $0xFFFFC000  }
0x3e: {  	[spmem:s6] =	stream.linear.scatter [tilespmem:s21], [sflag:$0x3], $0x4000, $0x38;
	[tilespmem:$0x1F400] =	vst v63  }
0x3f: {  	_ =	swait.ge [sflag:s22], $0x4000  }
0x40: {  	[sflag:s22] =	ssyncset.done $0x0  }
0x41: {  	[sflag:s22] =	ssyncadd.s32 $0xFFFFC000  }
0x42: {  	[spmem:s7] =	stream.linear.scatter [tilespmem:s21], [sflag:$0x3], $0x4000, $0x38;
	[tilespmem:$0x1F400] =	vst v63  }
0x43: {  	_ =	swait.ge [sflag:s22], $0x4000  }
0x44: {  	[sflag:s22] =	ssyncset.done $0x0  }
0x45: {  	[sflag:s22] =	ssyncadd.s32 $0xFFFFC000  }
0x46: {  	[spmem:s8] =	stream.linear.scatter [tilespmem:s21], [sflag:$0x3], $0x4000, $0x38;
	[tilespmem:$0x1F400] =	vst v63  }
0x47: {  	_ =	swait.ge [sflag:s22], $0x4000  }
0x48: {  	[sflag:s22] =	ssyncset.done $0x0  }
0x49: {  	[sflag:s22] =	ssyncadd.s32 $0xFFFFC000  }
0x4a: {  	[spmem:s9] =	stream.linear.scatter [tilespmem:s21], [sflag:$0x3], $0x3C00, $0x38;
	[tilespmem:$0x1F400] =	vst v63  }
0x4b: {  	_ =	swait.ge [sflag:s22], $0x3C00  }
0x4c: {  	[sflag:s22] =	ssyncset.done $0x0  }
0x4d: {  	s0 =	simm.s32 $0x1400;
	[sflag:s22] =	ssyncadd.s32 $0xFFFFC400  }
0x4e: {  	[tilespmem:s0], [sflag:$0x3] =	stream.linear.gather [hbm4b:s10+s3], $0x2400, $0x38;
	[tilespmem:$0x1F400] =	vst v63  }
0x4f: {  	_ =	swait.ge [sflag:s22], $0x2400  }
0x50: {  	[sflag:s22] =	ssyncset.done $0x0  }
0x51: {  	s23 =	sadd.s32 $0xFFFFFFFF, s20;
	[sflag:s22] =	ssyncadd.s32 $0xFFFFDC00  }
0x52: {  	p3 =	sne.s32 s23, $0x0;
	[bflag:$0x0] =	sbarrier.arrive $0xFFFF  }
0x53: {  	[tilespmem:s3], [sflag:$0x3] =	stream.linear.gather [hbm4b:s12+s3], $0x1400, $0x38;
	[tilespmem:$0x1F400] =	vst v63  }
.Ltmp3:
0x54: {  	_ = 	snop;
	(pc) =	sbr.rel @!p3 .LBB2_8-.Ltmp3, $4  }
0x55: {  	s30 =	simm.s32 $0x100;
	_ =	swait.ge [sflag:s22], $0x1400  }
0x56: {  	s31 =	simm.s32 $0x2;
	p2 =	sle.u32 s11, $0x1;
	[sflag:s22] =	ssyncset.done $0x0  }
0x57: {  	p1 =	por $0x0, $0x0;
	s0 =	simm.s32 $0x1480;
	[sflag:s22] =	ssyncadd.s32 $0xFFFFEC00  }
0x58: {  	[tilespmem:s25], [sflag:$0x1] =	stream.indirect.gather [hbm4b:s4+s24], $0x80, s3, s24, $0xb8;
	[tilespmem:$0x1F400] =	vst v63  }
0x59: {  	s31 =	simm.s32 @!p2 $0x80;
	s15 =	simm.s32 @!p2 $0x80;
	s18 =	simm.s32 @!p2 $0x7800  }
0x5a: {  	[tilespmem:s18], [sflag:$0x2] =	stream.indirect.gather @!p2 [hbm4b:s4+s15], $0x80, s31, s15, $0xb8;
	[tilespmem:$0x1F400] =	vst v63  }
0x5b: {  	_ =	swait.ge [sflag:s26], $0x4000  }
0x5c: {  	[sflag:s26] =	ssyncset.done $0x0  }
0x5d: {  	s18 =	simm.s32 $0x1400;
	[sflag:s26] =	ssyncadd.s32 $0xFFFFC000  }
0x5e: {  	[spmem:s1] =	stream.indirect.scatter.add.f32 [tilespmem:s25], [sflag:$0x3], $0x80, s18, s24, $0xb8;
	[tilespmem:$0x1F400] =	vst v63  }
0x5f: {  	p1 =	sle.u32 s11, $0x2;
	_ =	swait.ge [sflag:s22], $0x4000  }
0x60: {  	s23 =	sadd.s32 $0xFFFFFFFF, s23;
	s15 =	simm.s32 @!p1 $0x80;
	[sflag:s22] =	ssyncset.done $0x0  }
0x61: {  	p3 =	sne.s32 s23, $0x0;
	s18 =	simm.s32 @!p1 $0x3800;
	[sflag:s22] =	ssyncadd.s32 $0xFFFFC000  }
0x62: {  	[tilespmem:s18], [sflag:$0x1] =	stream.indirect.gather @!p1 [hbm4b:s4+s15], $0x80, s30, s15, $0xb8;
	[tilespmem:$0x1F400] =	vst v63  }
.Ltmp4:
0x63: {  	_ =	swait.ge [sflag:s28], $0x4000;
	(pc) =	sbr.rel @!p3 .LBB2_5-.Ltmp4, $4  }
0x64: {  	s31 =	simm.s32 $0x4;
	[sflag:s28] =	ssyncset.done $0x0  }
0x65: {  	p2 =	sle.u32 s11, $0x3;
	s30 =	simm.s32 $0x200;
	[sflag:s28] =	ssyncadd.s32 $0xFFFFC000  }
0x66: {  	[spmem:s1] =	stream.indirect.scatter.add.f32 [tilespmem:s21], [sflag:$0x3], $0x80, s0, s24, $0xb8;
	[tilespmem:$0x1F400] =	vst v63  }
0x67: {  	p1 =	por $0x1, $0x1;
	s0 =	simm.s32 $0x1580;
	_ =	swait.ge [sflag:s22], $0x4000  }
.LBB2_6:
0x68: {  	s13 =	sadd.s32 @!p2 $0xFFFFFF80, s30;
	s15 =	simm.s32 @!p2 $0x80;
	[sflag:s22] =	ssyncset.done $0x0  }
0x69: {  	s23 =	sadd.s32 $0xFFFFFFFF, s23;
	s17 =	simm.s32 @!p2 $0x7800;
	[sflag:s22] =	ssyncadd.s32 $0xFFFFC000  }
0x6a: {  	[tilespmem:s17], [sflag:$0x2] =	stream.indirect.gather @!p2 [hbm4b:s4+s15], $0x80, s13, s15, $0xb8;
	[tilespmem:$0x1F400] =	vst v63  }
0x6b: {  	p3 =	sne.s32 s23, $0x0;
	s15 =	smov.u32 s0;
	_ =	swait.ge [sflag:s26], $0x4000  }
0x6c: {  	[sflag:s26] =	ssyncset.done $0x0  }
0x6d: {  	s13 =	sadd.s32 $0xFFFFFF80, s0;
	[sflag:s26] =	ssyncadd.s32 $0xFFFFC000  }
0x6e: {  	[spmem:s1] =	stream.indirect.scatter.add.f32 [tilespmem:s25], [sflag:$0x3], $0x80, s13, s24, $0xb8;
	[tilespmem:$0x1F400] =	vst v63  }
0x6f: {  	_ =	swait.ge [sflag:s22], $0x4000  }
0x70: {  	p2 =	sge.u32 s31, s11;
	[sflag:s22] =	ssyncset.done $0x0  }
0x71: {  	s17 =	simm.s32 @!p2 $0x3800;
	s13 =	simm.s32 @!p2 $0x80;
	[sflag:s22] =	ssyncadd.s32 $0xFFFFC000  }
0x72: {  	[tilespmem:s17], [sflag:$0x1] =	stream.indirect.gather @!p2 [hbm4b:s4+s13], $0x80, s30, s13, $0xb8;
	[tilespmem:$0x1F400] =	vst v63  }
.Ltmp5:
0x73: {  	s31 =	sadd.s32 $0x2, s31;
	_ =	swait.ge [sflag:s28], $0x4000;
	(pc) =	sbr.rel @p3 .LBB2_6-.Ltmp5, $4  }
0x74: {  	s17 =	sadd.s32 $0xFFFFFFFF, s31;
	s13 =	sadd.s32 $0x100, s0;
	[sflag:s28] =	ssyncset.done $0x0  }
0x75: {  	p2 =	sge.u32 s17, s11;
	s17 =	sadd.s32 $0x100, s30;
	[sflag:s28] =	ssyncadd.s32 $0xFFFFC000  }
0x76: {  	[spmem:s1] =	stream.indirect.scatter.add.f32 [tilespmem:s21], [sflag:$0x3], $0x80, s15, s24, $0xb8;
	[tilespmem:$0x1F400] =	vst v63  }
0x77: {  	s0 =	smov.u32 s13;
	s30 =	smov.u32 s17;
	_ =	swait.ge [sflag:s22], $0x4000  }
0x78: {  	s30 =	smov.u32 s17;
	s0 =	smov.u32 s13  }
.LBB2_8:
0x79: {  	s15 =	sadd.s32 @!p2 $0xFFFFFF80, s30;
	[sflag:s22] =	ssyncset.done @p1 $0x0  }
0x7a: {  	s18 =	simm.s32 @!p2 $0x80;
	s23 =	simm.s32 @!p2 $0x7800;
	[sflag:s22] =	ssyncadd.s32 @p1 $0xFFFFC000  }
0x7b: {  	[tilespmem:s23], [sflag:$0x2] =	stream.indirect.gather @!p2 [hbm4b:s4+s18], $0x80, s15, s18, $0xb8;
	[tilespmem:$0x1F400] =	vst v63  }
0x7c: {  	_ =	swait.ge [sflag:s26], $0x4000  }
0x7d: {  	[sflag:s26] =	ssyncset.done $0x0  }
0x7e: {  	s23 =	sadd.s32 $0xFFFFFF80, s0;
	[sflag:s26] =	ssyncadd.s32 $0xFFFFC000  }
0x7f: {  	[spmem:s1] =	stream.indirect.scatter.add.f32 [tilespmem:s25], [sflag:$0x3], $0x80, s23, s24, $0xb8;
	[tilespmem:$0x1F400] =	vst v63  }
0x80: {  	_ =	swait.ge [sflag:s22], $0x4000  }
0x81: {  	p1 =	sge.u32 s31, s11;
	[sflag:s22] =	ssyncset.done $0x0  }
0x82: {  	s15 =	simm.s32 @!p1 $0x80;
	s18 =	simm.s32 @!p1 $0x3800;
	[sflag:s22] =	ssyncadd.s32 $0xFFFFC000  }
0x83: {  	[tilespmem:s18], [sflag:$0x1] =	stream.indirect.gather @!p1 [hbm4b:s4+s15], $0x80, s30, s15, $0xb8;
	[tilespmem:$0x1F400] =	vst v63  }
0x84: {  	_ =	swait.ge [sflag:s28], $0x4000  }
0x85: {  	s15 =	sadd.s32 $0x2, s31;
	[sflag:s28] =	ssyncset.done $0x0  }
0x86: {  	s2 =	sadd.s32 $0xFFFFFFFF, s15;
	[sflag:s28] =	ssyncadd.s32 $0xFFFFC000  }
0x87: {  	[spmem:s1] =	stream.indirect.scatter.add.f32 [tilespmem:s21], [sflag:$0x3], $0x80, s0, s24, $0xb8;
	[tilespmem:$0x1F400] =	vst v63  }
0x88: {  	p1 =	sge.u32 s2, s11;
	_ =	swait.ge [sflag:s22], $0x4000  }
0x89: {  	s18 =	sadd.s32 @!p1 $0x80, s17;
	[sflag:s22] =	ssyncset.done $0x0  }
0x8a: {  	s23 =	simm.s32 @!p1 $0x80;
	s31 =	simm.s32 @!p1 $0x7800;
	[sflag:s22] =	ssyncadd.s32 $0xFFFFC000  }
0x8b: {  	[tilespmem:s31], [sflag:$0x2] =	stream.indirect.gather @!p1 [hbm4b:s4+s23], $0x80, s18, s23, $0xb8;
	[tilespmem:$0x1F400] =	vst v63  }
0x8c: {  	_ =	swait.ge [sflag:s26], $0x4000  }
0x8d: {  	[sflag:s26] =	ssyncset.done $0x0  }
0x8e: {  	s23 =	sadd.s32 $0x80, s13;
	[sflag:s26] =	ssyncadd.s32 $0xFFFFC000  }
0x8f: {  	[spmem:s1] =	stream.indirect.scatter.add.f32 [tilespmem:s25], [sflag:$0x3], $0x80, s23, s24, $0xb8;
	[tilespmem:$0x1F400] =	vst v63  }
0x90: {  	_ =	swait.ge [sflag:s22], $0x4000  }
0x91: {  	s18 =	sadd.s32 $0x100, s30;
	p1 =	sge.u32 s15, s11;
	[sflag:s22] =	ssyncset.done $0x0  }
0x92: {  	s15 =	simm.s32 @!p1 $0x80;
	s23 =	simm.s32 @!p1 $0x3800;
	[sflag:s22] =	ssyncadd.s32 $0xFFFFC000  }
0x93: {  	[tilespmem:s23], [sflag:$0x1] =	stream.indirect.gather @!p1 [hbm4b:s4+s15], $0x80, s18, s15, $0xb8;
	[tilespmem:$0x1F400] =	vst v63  }
0x94: {  	_ =	swait.ge [sflag:s28], $0x4000  }
0x95: {  	[sflag:s28] =	ssyncset.done $0x0  }
.Ltmp6:
0x96: {  	s31 =	sadd.s32 $0x100, s0;
	[sflag:s28] =	ssyncadd.s32 $0xFFFFC000;
	(pc) =	sbr.rel @p0 .LBB2_13-.Ltmp6, $4  }
0x97: {  	[spmem:s1] =	stream.indirect.scatter.add.f32 [tilespmem:s21], [sflag:$0x3], $0x80, s31, s24, $0xb8;
	[tilespmem:$0x1F400] =	vst v63  }
0x98: {  	_ =	swait.ge [sflag:s22], $0x4000  }
0x99: {  	[sflag:s22] =	ssyncset.done $0x0  }
0x9a: {  	[sflag:s22] =	ssyncadd.s32 $0xFFFFC000  }
0x9b: {  	s0 =	rddreg [dreg:$0x4]  }
0x9c: {  	[tilespmem:s3], [sflag:$0x3] =	stream.linear.gather [hbm4b:s0+s3], $0x1400, $0x38;
	[tilespmem:$0x1F400] =	vst v63  }
0x9d: {  	_ =	swait.ge [sflag:s22], $0x1400  }
0x9e: {  	s23 =	rddreg [dreg:$0x5]  }
0x9f: {  	s23 =	sadd.s32 $0xFFFFFFFF, s23  }
0xa0: {  	p2 =	sne.s32 s23, $0x0  }
.Ltmp7:
0xa1: {  	_ = 	snop;
	(pc) =	sbr.rel @!p2 .LBB2_12-.Ltmp7, $4  }
0xa2: {  	s31 =	simm.s32 $0x80  }
0xa3: {  	s30 =	simm.s32 $0x2880;
	p3 =	sle.u32 s14, $0x1;
	[sflag:s22] =	ssyncset.done $0x0  }
0xa4: {  	p1 =	por $0x0, $0x0;
	s0 =	simm.s32 $0x1;
	[sflag:s22] =	ssyncadd.s32 $0xFFFFEC00  }
0xa5: {  	[tilespmem:s25], [sflag:$0x1] =	stream.indirect.gather [hbm4b:s4+s31], $0x80, s3, s31, $0xb8;
	[tilespmem:$0x1F400] =	vst v63  }
0xa6: {  	s0 =	simm.s32 @!p3 $0x80;
	s15 =	simm.s32 @!p3 $0x7800  }
0xa7: {  	[tilespmem:s15], [sflag:$0x2] =	stream.indirect.gather @!p3 [hbm4b:s4+s0], $0x80, s31, s0, $0xb8;
	[tilespmem:$0x1F400] =	vst v63  }
0xa8: {  	_ =	swait.ge [sflag:s26], $0x4000  }
0xa9: {  	[sflag:s26] =	ssyncset.done $0x0  }
0xaa: {  	s18 =	simm.s32 $0x2800;
	[sflag:s26] =	ssyncadd.s32 $0xFFFFC000  }
0xab: {  	[spmem:s1] =	stream.indirect.scatter.add.f32 [tilespmem:s25], [sflag:$0x3], $0x80, s18, s24, $0xb8;
	[tilespmem:$0x1F400] =	vst v63  }
0xac: {  	p1 =	sle.u32 s14, $0x2;
	s23 =	sadd.s32 $0xFFFFFFFF, s23;
	_ =	swait.ge [sflag:s22], $0x4000  }
0xad: {  	s0 =	simm.s32 @!p1 $0x100;
	s15 =	simm.s32 @!p1 $0x80;
	[sflag:s22] =	ssyncset.done $0x0  }
0xae: {  	p2 =	sne.s32 s23, $0x0;
	s18 =	simm.s32 @!p1 $0x3800;
	[sflag:s22] =	ssyncadd.s32 $0xFFFFC000  }
0xaf: {  	[tilespmem:s18], [sflag:$0x1] =	stream.indirect.gather @!p1 [hbm4b:s4+s15], $0x80, s0, s15, $0xb8;
	[tilespmem:$0x1F400] =	vst v63  }
.Ltmp8:
0xb0: {  	_ =	swait.ge [sflag:s28], $0x4000;
	(pc) =	sbr.rel @!p2 .LBB2_12-.Ltmp8, $4  }
0xb1: {  	s31 =	simm.s32 $0x180;
	[sflag:s28] =	ssyncset.done $0x0  }
0xb2: {  	p3 =	sle.u32 s14, $0x3;
	s0 =	simm.s32 $0x3;
	[sflag:s28] =	ssyncadd.s32 $0xFFFFC000  }
0xb3: {  	[spmem:s1] =	stream.indirect.scatter.add.f32 [tilespmem:s21], [sflag:$0x3], $0x80, s30, s24, $0xb8;
	[tilespmem:$0x1F400] =	vst v63  }
0xb4: {  	p1 =	por $0x1, $0x1;
	s30 =	simm.s32 $0x2980;
	_ =	swait.ge [sflag:s22], $0x4000  }
.LBB2_11:
0xb5: {  	s15 =	simm.s32 @!p3 $0x80;
	s18 =	simm.s32 @!p3 $0x7800;
	[sflag:s22] =	ssyncset.done $0x0  }
0xb6: {  	s23 =	sadd.s32 $0xFFFFFFFF, s23;
	[sflag:s22] =	ssyncadd.s32 $0xFFFFC000  }
0xb7: {  	[tilespmem:s18], [sflag:$0x2] =	stream.indirect.gather @!p3 [hbm4b:s4+s15], $0x80, s31, s15, $0xb8;
	[tilespmem:$0x1F400] =	vst v63  }
0xb8: {  	p2 =	sne.s32 s23, $0x0;
	_ =	swait.ge [sflag:s26], $0x4000  }
0xb9: {  	s15 =	sadd.s32 $0xFFFFFF80, s30;
	[sflag:s26] =	ssyncset.done $0x0  }
0xba: {  	s18 =	sadd.s32 $0x1, s0;
	[sflag:s26] =	ssyncadd.s32 $0xFFFFC000  }
0xbb: {  	[spmem:s1] =	stream.indirect.scatter.add.f32 [tilespmem:s25], [sflag:$0x3], $0x80, s15, s24, $0xb8;
	[tilespmem:$0x1F400] =	vst v63  }
0xbc: {  	p3 =	sge.u32 s18, s14;
	_ =	swait.ge [sflag:s22], $0x4000  }
0xbd: {  	s18 =	simm.s32 @!p3 $0x80;
	s15 =	sadd.s32 @!p3 $0x80, s31;
	[sflag:s22] =	ssyncset.done $0x0  }
0xbe: {  	s2 =	simm.s32 @!p3 $0x3800;
	[sflag:s22] =	ssyncadd.s32 $0xFFFFC000  }
0xbf: {  	[tilespmem:s2], [sflag:$0x1] =	stream.indirect.gather @!p3 [hbm4b:s4+s18], $0x80, s15, s18, $0xb8;
	[tilespmem:$0x1F400] =	vst v63  }
.Ltmp9:
0xc0: {  	_ =	swait.ge [sflag:s28], $0x4000;
	(pc) =	sbr.rel @p2 .LBB2_11-.Ltmp9, $4  }
0xc1: {  	[sflag:s28] =	ssyncset.done $0x0  }
0xc2: {  	s0 =	sadd.s32 $0x2, s0;
	s31 =	sadd.s32 $0x100, s31;
	[sflag:s28] =	ssyncadd.s32 $0xFFFFC000  }
0xc3: {  	[spmem:s1] =	stream.indirect.scatter.add.f32 [tilespmem:s21], [sflag:$0x3], $0x80, s30, s24, $0xb8;
	[tilespmem:$0x1F400] =	vst v63  }
0xc4: {  	p3 =	sge.u32 s0, s14;
	s30 =	sadd.s32 $0x100, s30;
	_ =	swait.ge [sflag:s22], $0x4000  }
.Ltmp10:
0xc5: {  	_ = 	snop;
	(pc) =	sbr.rel .LBB2_12-.Ltmp10, $1  }
0xc6: {  	_ =	sdelay $0x3  }
.LBB2_5:
.Ltmp11:
0xc7: {  	(pc) =	sbr.rel .LBB2_8-.Ltmp11, $2  }
0xc8: {  	_ =	sdelay $0x2  }
0xc9: {  	s0 =	simm.s32 $0x1580  }
.LBB2_14:
0xca: {  	_ =	sfence.sel $0x180000  }
0xcb: {  	[bflag:$0x0] =	sbarrier.arrive $0xFFFF  }
0xcc: {  	_ =	strace $0x90000053  }
0xcd: {  	s0 =	stileid.u32;
	[bflag:$0x2] =	sbarrier.arrive $0xFFFF  }
0xce: {  	p0 =	sne.s32 s0, $0x0;
	s0 =	rddreg [dreg:$0x3]  }
0xcf: {  	s0 =	sadd.s32 @!p0 $0x100000, s0  }
0xd0: {  	[sflag:s0] =	ssyncadd.tile.s32 @!p0 $0x1;
	_ =	shalt  }
.Lfunc_end2:
_tile_overlayer_lowered:
.L_overlay_start_2:
0xd1: {  	(tag) =	ssettag $0x2  }
0xd2: {  	s0 =	rddreg [dreg:$0x0];
	s2 =	stileid.u32  }
0xd3: {  	s1 =	rddreg [dreg:$0x1];
	p0 =	sne.s32 s2, $0x0  }
0xd4: {  	s3 =	rddreg [dreg:$0x2];
	[bflag:$0x3] =	sbarrier.arrive $0xFFFF;
	s2 =	simm.s32 @!p0 $0x1C03  }
0xd5: {  	[timem:s3], [sflag:s2] =	dma.local @!p0 [hbm:s0], s1  }
0xd6: {  	s0 =	simm.s32 @!p0 $0x3  }
0xd7: {  	_ =	swait.ge @!p0 [sflag:s0], s1  }
0xd8: {  	s1 =	ssub.s32 @!p0 $0x0, s1;
	[sflag:s0] =	ssyncset.done @!p0 $0x0  }
0xd9: {  	[sflag:s0] =	ssyncadd.s32 @!p0 s1  }
0xda: {  	[bflag:$0x3] =	sbarrier.arrive $0xFFFF  }
0xdb: {  	_ =	shalt  }

</sc_bundles>
